<compile_context>
chip_gen: v7x
topology: tpu7x:2x2x1
jax: 0.10.2.dev20260603
libtpu: 0.0.44.dev20260713+nightly
codegen_flags: <defaults>
</compile_context>

<pallas_src>
import functools
import math

import jax
import jax.numpy as jnp
import numpy as np
from jax import lax
from jax.experimental import pallas as pl
from jax.experimental.pallas import tpu as pltpu
from jax.experimental.pallas import tpu_sc as plsc

N = 10000
E = 320000
D = 128
NB = 16
H = 64
INV_SQRT_DEG = 1.0 / math.sqrt(32.0)
LOG2 = math.log(2.0)

NC = 2
NS = 16
NW = NC * NS
NSPLIT = 2
ESPLIT = E // NSPLIT
CHUNK = 64
NCH = 78
EDGES_PER_W = NCH * CHUNK
XTRA_REL = NW * EDGES_PER_W
XTRA = (ESPLIT - XTRA_REL) // CHUNK
ROWS_PER_TILE = 624
ROWS_TAIL = N - NS * ROWS_PER_TILE


def _ssp(v):
    return jax.nn.softplus(v) - LOG2



def _lin1_body(x_ref, w_ref, o_ref):
    o_ref[...] = jnp.dot(x_ref[...], w_ref[...], preferred_element_type=jnp.float32)


def _rn_bf16_bits(u):
    return (u + 0x7FFF + ((u >> 16) & 1))


def _radial_body(eet_ref, w1_ref, w2_ref, o_ref):
    mid = _ssp(lax.dot_general(eet_ref[...], w1_ref[...],
                               (((0,), (0,)), ((), ())),
                               preferred_element_type=jnp.float32))
    r = jnp.dot(mid, w2_ref[...], preferred_element_type=jnp.float32)
    u = lax.bitcast_convert_type(r, jnp.int32)
    uA = u[:, :D // 2]
    uB = u[:, D // 2:]
    vA = (_rn_bf16_bits(uA) >> 16) & jnp.int32(0xFFFF)
    vB = _rn_bf16_bits(uB) & jnp.int32(-65536)
    o_ref[...] = vA | vB


def _final_body(parts0_ref, parts1_ref, x_ref, w_ref, o_ref):
    p0 = parts0_ref[...]
    p1 = parts1_ref[...]
    agg = (p0[0] + p0[1] + p1[0] + p1[1]) * INV_SQRT_DEG
    o_ref[...] = _ssp(jnp.dot(agg, w_ref[...], preferred_element_type=jnp.float32)) + x_ref[...]


def _lin1(x, w):
    blk = 1000
    return pl.pallas_call(
        _lin1_body,
        grid=(N // blk,),
        in_specs=[pl.BlockSpec((blk, D), lambda i: (i, 0)),
                  pl.BlockSpec((D, D), lambda i: (0, 0))],
        out_specs=pl.BlockSpec((blk, D), lambda i: (i, 0)),
        out_shape=jax.ShapeDtypeStruct((N, D), jnp.float32),
    )(x, w)


def _radial(eet, w1, w2, koff):
    blk = 3200
    return pl.pallas_call(
        _radial_body,
        grid=(ESPLIT // blk,),
        in_specs=[pl.BlockSpec((NB, blk), lambda i, koff=koff: (0, i + koff)),
                  pl.BlockSpec((NB, H), lambda i: (0, 0)),
                  pl.BlockSpec((H, D), lambda i: (0, 0))],
        out_specs=pl.BlockSpec((blk, D // 2), lambda i: (i, 0)),
        out_shape=jax.ShapeDtypeStruct((ESPLIT, D // 2), jnp.int32),
    )(eet, w1, w2)


def _final(parts0, parts1, x, w):
    blk = 1000
    return pl.pallas_call(
        _final_body,
        grid=(N // blk,),
        in_specs=[pl.BlockSpec((NC, blk, D), lambda i: (0, i, 0)),
                  pl.BlockSpec((NC, blk, D), lambda i: (0, i, 0)),
                  pl.BlockSpec((blk, D), lambda i: (i, 0)),
                  pl.BlockSpec((D, D), lambda i: (0, 0))],
        out_specs=pl.BlockSpec((blk, D), lambda i: (i, 0)),
        out_shape=jax.ShapeDtypeStruct((N, D), jnp.float32),
    )(parts0, parts1, x, w)



def _when(pred, fn):
    if isinstance(pred, bool):
        if pred:
            fn()
    else:
        pl.when(pred)(fn)


def _sc_body(lo,
             h_hbm, src_hbm, dst_hbm, radial_hbm, out_hbm,
             src0, src1, src2, dst0, dst1, dst2, dsc0, dsc1, dsc2,
             rows0, rows1, rows2, rad0, rad1, rad2, acc_sh,
             f0, f1, f2, g0, g1, g2, s0, s1, s2):
    cid = lax.axis_index("c")
    sid = lax.axis_index("s")
    wid = sid * NC + cid
    rbase = wid * EDGES_PER_W
    ebase = lo + rbase
    bufs = ((src0, dst0, dsc0, rows0, rad0, f0, g0, s0),
            (src1, dst1, dsc1, rows1, rad1, f1, g1, s1),
            (src2, dst2, dsc2, rows2, rad2, f2, g2, s2))

    def zero_body(c, carry):
        for dd in range(D // 16):
            rows0[c, pl.ds(dd * 16, 16)] = jnp.zeros((16,), jnp.float32)
        return carry
    lax.fori_loop(0, CHUNK, zero_body, 0)

    row0 = sid * ROWS_PER_TILE
    done = 0
    while done < ROWS_PER_TILE:
        n = min(CHUNK, ROWS_PER_TILE - done)
        pltpu.sync_copy(rows0.at[pl.ds(0, n)], acc_sh.at[pl.ds(row0 + done, n)])
        done += n

    @pl.when(sid == NS - 1)
    def _():
        pltpu.sync_copy(rows0.at[pl.ds(0, ROWS_TAIL)],
                        acc_sh.at[pl.ds(NS * ROWS_PER_TILE, ROWS_TAIL)])
    plsc.subcore_barrier()

    def fetch(B, j):
        srcv, dstv, _, _, rad, fsem, _, _ = bufs[B]
        pltpu.async_copy(src_hbm.at[pl.ds(ebase + j * CHUNK, CHUNK)], srcv, fsem)
        pltpu.async_copy(dst_hbm.at[pl.ds(ebase + j * CHUNK, CHUNK)], dstv, fsem)
        pltpu.async_copy(radial_hbm.at[pl.ds(rbase + j * CHUNK, CHUNK)], rad, fsem)

    def wait_fetch(B):
        srcv, dstv, _, _, rad, fsem, _, _ = bufs[B]
        pltpu.make_async_copy(src_hbm.at[pl.ds(0, CHUNK)], srcv, fsem).wait()
        pltpu.make_async_copy(dst_hbm.at[pl.ds(0, CHUNK)], dstv, fsem).wait()
        pltpu.make_async_copy(radial_hbm.at[pl.ds(0, CHUNK)], rad, fsem).wait()

    def gather(B):
        srcv, _, _, rows, _, _, gsem, _ = bufs[B]
        pltpu.async_copy(h_hbm.at[srcv], rows, gsem)

    def wait_gather(B):
        srcv, _, _, rows, _, _, gsem, _ = bufs[B]
        pltpu.make_async_copy(h_hbm.at[srcv], rows, gsem).wait()

    def mult(B):
        _, _, _, rows, rad, _, _, _ = bufs[B]
        mask = jnp.int32(-65536)

        def mul_body(c, carry2):
            for g in range(D // 32):
                w = rad[c, pl.ds(g * 16, 16)]
                lo = lax.bitcast_convert_type(w << 16, jnp.float32)
                hi = lax.bitcast_convert_type(w & mask, jnp.float32)
                sl_lo = pl.ds(g * 32, 16)
                sl_hi = pl.ds(g * 32 + 16, 16)
                rows[c, sl_lo] = rows[c, sl_lo] * lo
                rows[c, sl_hi] = rows[c, sl_hi] * hi
            return carry2
        lax.fori_loop(0, CHUNK, mul_body, 0)

    def vcopy_dst(B):
        _, dstv, dsc, _, _, _, _, _ = bufs[B]
        for k in range(CHUNK // 16):
            sl = pl.ds(k * 16, 16)
            dsc[sl] = dstv[sl]

    def scat(B):
        _, _, dsc, rows, _, _, _, ssem = bufs[B]
        pltpu.async_copy(rows, acc_sh.at[dsc], ssem, add=True)

    def wait_scat(B):
        _, _, dsc, rows, _, _, _, ssem = bufs[B]
        pltpu.make_async_copy(rows, acc_sh.at[dsc], ssem).wait()

    fetch(0, 0)
    fetch(1, 1)
    wait_fetch(0)
    gather(0)

    def phase(j, B):
        nB = (B + 1) % 3
        pB = (B + 2) % 3
        _when(j >= 2, lambda: wait_scat(nB))
        _when(j + 2 < NCH, lambda: fetch(pB, j + 2))

        def _adv():
            wait_fetch(nB)
            gather(nB)
        _when(j + 1 < NCH, _adv)
        wait_gather(B)
        mult(B)
        vcopy_dst(B)
        scat(B)

    def triple_body(it, carry):
        j0 = 3 * it
        phase(j0, 0)
        phase(j0 + 1, 1)
        phase(j0 + 2, 2)
        return carry
    lax.fori_loop(0, NCH // 3, triple_body, 0)

    @pl.when(wid < XTRA)
    def _():
        srcv, dstv, _, rows, rad, fsem, _, _ = bufs[0]
        pltpu.async_copy(src_hbm.at[pl.ds(lo + XTRA_REL + wid * CHUNK, CHUNK)],
                         srcv, fsem)
        pltpu.async_copy(dst_hbm.at[pl.ds(lo + XTRA_REL + wid * CHUNK, CHUNK)],
                         dstv, fsem)
        pltpu.async_copy(radial_hbm.at[pl.ds(XTRA_REL + wid * CHUNK, CHUNK)],
                         rad, fsem)
        wait_fetch(0)
        gather(0)
        wait_gather(0)
        mult(0)
        vcopy_dst(0)
        scat(0)
        wait_scat(0)

    wait_scat(1)
    wait_scat(2)

    plsc.subcore_barrier()

    pltpu.sync_copy(acc_sh.at[pl.ds(row0, ROWS_PER_TILE)],
                    out_hbm.at[cid, pl.ds(row0, ROWS_PER_TILE)])

    @pl.when(sid == NS - 1)
    def _():
        pltpu.sync_copy(acc_sh.at[pl.ds(NS * ROWS_PER_TILE, ROWS_TAIL)],
                        out_hbm.at[cid, pl.ds(NS * ROWS_PER_TILE, ROWS_TAIL)])


def _sc_scatter(h, src, dst, radial_k, lo):
    mesh = plsc.VectorSubcoreMesh(core_axis_name="c", subcore_axis_name="s")
    f = pl.kernel(
        functools.partial(_sc_body, lo), mesh=mesh,
        out_type=jax.ShapeDtypeStruct((NC, N, D), jnp.float32),
        scratch_types=(
            [pltpu.VMEM((CHUNK,), jnp.int32) for _ in range(9)]
            + [pltpu.VMEM((CHUNK, D), jnp.float32) for _ in range(3)]
            + [pltpu.VMEM((CHUNK, D // 2), jnp.int32) for _ in range(3)]
            + [pltpu.VMEM_SHARED((N, D), jnp.float32)]
            + [pltpu.SemaphoreType.DMA for _ in range(9)]
        ),
    )
    return f(h, src, dst, radial_k)


_COLS_A = np.array([32 * (k // 16) + (k % 16) for k in range(D // 2)])
_PERM = np.concatenate([_COLS_A, _COLS_A + 16])


def kernel(x, edge_index, edge_embed, W_lin1, W_radial1, W_radial2, W_lin2):
    src = edge_index[0]
    dst = edge_index[1]
    eet = edge_embed.T
    perm = jnp.asarray(_PERM)
    w2p = W_radial2[:, perm]
    h = _lin1(x, W_lin1)
    radial0 = _radial(eet, W_radial1, w2p, 0)
    parts0 = _sc_scatter(h, src, dst, radial0, 0)
    radial1 = _radial(eet, W_radial1, w2p, ESPLIT // 3200)
    h1, src1, dst1, radial1b, _ = jax.lax.optimization_barrier(
        (h, src, dst, radial1, parts0))
    parts1 = _sc_scatter(h1, src1, dst1, radial1b, ESPLIT)
    return _final(parts0, parts1, x, W_lin2)

# --- scband reference (transcript-rebuilt; emitter-appended) ---
"""Pipeline reference for scband-interaction-layer-24558622998657 (READ-ONLY COPY).

The authoritative reference and input builder live on the scoring server;
editing this copy changes nothing except your own understanding.
"""

import jax, jax.numpy as jnp
import numpy as np

N = 10000
E = 320000
D = 128
NB = 16
H = 64
AVG_DEG = 32.0


def ssp(x):
    # ShiftedSoftPlus: softplus(x) - log(2)
    return jax.nn.softplus(x) - jnp.log(2.0)


def setup_inputs(seed: int = 0) -> dict:
    key = jax.random.key(seed)
    ks = jax.random.split(key, 8)
    x = jax.random.normal(ks[0], (N, D), dtype=jnp.float32)
    edge_index = jax.random.randint(ks[1], (2, E), 0, N, dtype=jnp.int32)
    edge_embed = jax.random.uniform(ks[2], (E, NB), dtype=jnp.float32)
    # learned parameters (node linear, radial MLP, output linear)
    W_lin1 = (jax.random.normal(ks[3], (D, D), dtype=jnp.float32) / np.sqrt(D)).astype(jnp.float32)
    W_radial1 = (jax.random.normal(ks[4], (NB, H), dtype=jnp.float32) / np.sqrt(NB)).astype(jnp.float32)
    W_radial2 = (jax.random.normal(ks[5], (H, D), dtype=jnp.float32) / np.sqrt(H)).astype(jnp.float32)
    W_lin2 = (jax.random.normal(ks[6], (D, D), dtype=jnp.float32) / np.sqrt(D)).astype(jnp.float32)
    return {"x": x, "edge_index": edge_index, "edge_embed": edge_embed,
            "W_lin1": W_lin1, "W_radial1": W_radial1, "W_radial2": W_radial2,
            "W_lin2": W_lin2}


def reference(x, edge_index, edge_embed, W_lin1, W_radial1, W_radial2, W_lin2):
    # InteractionLayer with scalar (0e) irreps:
    #   conv: linear -> per-edge tensor product weighted by radial MLP -> scatter-add -> linear
    #   equivariant_nonlin (Gate on scalars) reduces to ShiftedSoftPlus
    #   resnet: add old node features (irreps match)
    src = edge_index[0]
    dst = edge_index[1]
    old_node_feat = x
    # node-wise linear (first linear of ConvNetLayer)
    h = x @ W_lin1
    # radial network: edge basis -> per-edge, per-channel tensor-product weights
    radial = ssp(edge_embed @ W_radial1) @ W_radial2  # [E, D]
    # message = gather source features, weight by radial TP weights (0e x 0e -> 0e)
    msg = jnp.take(h, src, axis=0) * radial  # [E, D]
    # scatter-add aggregation over destination nodes, normalized by avg degree
    agg = jnp.zeros((N, D), dtype=x.dtype).at[dst].add(msg) / jnp.sqrt(AVG_DEG)
    # second node-wise linear
    out = agg @ W_lin2
    # gate nonlinearity (scalars only -> ssp)
    out = ssp(out)
    # resnet
    out = out + old_node_feat
    return out

if __name__ == "__main__":
    import jax
    _d = setup_inputs()
    print(jax.jit(kernel)(*tuple(_d.values())))

</pallas_src>

<mosaic_0001>
#map = affine_map<(d0, d1) -> (0, 0)>
#map1 = affine_map<(d0, d1) -> (0)>
#map2 = affine_map<(d0, d1) -> (0, 0, 0)>
module attributes {stable_mosaic.version = 14 : i64} {
  func.func @_sc_body(%arg0: i32, %arg1: i32, %arg2: memref<10000x128xf32, #tpu.memory_space<hbm>>, %arg3: memref<320000xi32, #tpu.memory_space<hbm>>, %arg4: memref<320000xi32, #tpu.memory_space<hbm>>, %arg5: memref<160000x64xi32, #tpu.memory_space<hbm>>, %arg6: memref<2x10000x128xf32, #tpu.memory_space<hbm>>, %arg7: memref<64xi32, #tpu.memory_space<vmem>>, %arg8: memref<64xi32, #tpu.memory_space<vmem>>, %arg9: memref<64xi32, #tpu.memory_space<vmem>>, %arg10: memref<64xi32, #tpu.memory_space<vmem>>, %arg11: memref<64xi32, #tpu.memory_space<vmem>>, %arg12: memref<64xi32, #tpu.memory_space<vmem>>, %arg13: memref<64xi32, #tpu.memory_space<vmem>>, %arg14: memref<64xi32, #tpu.memory_space<vmem>>, %arg15: memref<64xi32, #tpu.memory_space<vmem>>, %arg16: memref<64x128xf32, #tpu.memory_space<vmem>>, %arg17: memref<64x128xf32, #tpu.memory_space<vmem>>, %arg18: memref<64x128xf32, #tpu.memory_space<vmem>>, %arg19: memref<64x64xi32, #tpu.memory_space<vmem>>, %arg20: memref<64x64xi32, #tpu.memory_space<vmem>>, %arg21: memref<64x64xi32, #tpu.memory_space<vmem>>, %arg22: memref<10000x128xf32, #tpu.memory_space<vmem_shared>>, %arg23: memref<!tpu.dma_semaphore, #tpu.memory_space<semaphore_mem>>, %arg24: memref<!tpu.dma_semaphore, #tpu.memory_space<semaphore_mem>>, %arg25: memref<!tpu.dma_semaphore, #tpu.memory_space<semaphore_mem>>, %arg26: memref<!tpu.dma_semaphore, #tpu.memory_space<semaphore_mem>>, %arg27: memref<!tpu.dma_semaphore, #tpu.memory_space<semaphore_mem>>, %arg28: memref<!tpu.dma_semaphore, #tpu.memory_space<semaphore_mem>>, %arg29: memref<!tpu.dma_semaphore, #tpu.memory_space<semaphore_mem>>, %arg30: memref<!tpu.dma_semaphore, #tpu.memory_space<semaphore_mem>>, %arg31: memref<!tpu.dma_semaphore, #tpu.memory_space<semaphore_mem>>) attributes {dimension_semantics = [#tpu.dimension_semantics<core_parallel>, #tpu.dimension_semantics<subcore_parallel>], iteration_bounds = array<i64: 2, 16>, scalar_prefetch = 0 : i64, scratch_operands = 25 : i64, tpu.core_type = #tpu.core_type<sc_vector_subcore>, window_params = [{transform_indices = #map}, {transform_indices = #map1}, {transform_indices = #map1}, {transform_indices = #map}, {transform_indices = #map2}]} {
    %mul3A = arith.constant 2 : i32
    %mul3A_0 = arith.muli %arg1, %mul3A : i32
    %add3A = arith.addi %mul3A_0, %arg0 : i32
    %mul3A_1 = arith.constant 4992 : i32
    %mul3A_2 = arith.muli %add3A, %mul3A_1 : i32
    %add3A_3 = arith.constant 0 : i32
    %add3A_4 = arith.addi %add3A_3, %mul3A_2 : i32
    %scan3A = arith.constant 0 : i32
    %scan3A_5 = arith.constant 0 : i32
    %scan3A_6 = arith.constant 64 : i32
    %scan3A_7 = arith.addi %scan3A_5, %scan3A_6 : i32
    %scan3A_8 = arith.constant 1 : i32
    scf.for %scan3A_99 = %scan3A_5 to %scan3A_7 step %scan3A_8  : i32 {
      %broadcast_in_dim3A = arith.constant 0.000000e+00 : f32
      %broadcast_in_dim3A_100 = vector.broadcast %broadcast_in_dim3A : f32 to vector<16xf32>
      %swap3A = arith.index_cast %scan3A_99 : i32 to index
      %swap3A_101 = arith.constant 0 : index
      %swap3A_102 = tpu.vector_load %arg16[%swap3A, %swap3A_101] {strides = array<i32>} : memref<64x128xf32, #tpu.memory_space<vmem>>, vector<1x16xf32>,
      %swap3A_103 = vector.shape_cast %swap3A_102 : vector<1x16xf32> to vector<16xf32>
      %swap3A_104 = vector.shape_cast %broadcast_in_dim3A_100 : vector<16xf32> to vector<1x16xf32>
      tpu.vector_store %arg16[%swap3A, %swap3A_101], %swap3A_104 {strides = array<i32>} : memref<64x128xf32, #tpu.memory_space<vmem>>, vector<1x16xf32>,
      %broadcast_in_dim3A_105 = arith.constant 0.000000e+00 : f32
      %broadcast_in_dim3A_106 = vector.broadcast %broadcast_in_dim3A_105 : f32 to vector<16xf32>
      %swap3A_107 = arith.index_cast %scan3A_99 : i32 to index
      %swap3A_108 = arith.constant 16 : index
      %swap3A_109 = tpu.vector_load %arg16[%swap3A_107, %swap3A_108] {strides = array<i32>} : memref<64x128xf32, #tpu.memory_space<vmem>>, vector<1x16xf32>,
      %swap3A_110 = vector.shape_cast %swap3A_109 : vector<1x16xf32> to vector<16xf32>
      %swap3A_111 = vector.shape_cast %broadcast_in_dim3A_106 : vector<16xf32> to vector<1x16xf32>
      tpu.vector_store %arg16[%swap3A_107, %swap3A_108], %swap3A_111 {strides = array<i32>} : memref<64x128xf32, #tpu.memory_space<vmem>>, vector<1x16xf32>,
      %broadcast_in_dim3A_112 = arith.constant 0.000000e+00 : f32
      %broadcast_in_dim3A_113 = vector.broadcast %broadcast_in_dim3A_112 : f32 to vector<16xf32>
      %swap3A_114 = arith.index_cast %scan3A_99 : i32 to index
      %swap3A_115 = arith.constant 32 : index
      %swap3A_116 = tpu.vector_load %arg16[%swap3A_114, %swap3A_115] {strides = array<i32>} : memref<64x128xf32, #tpu.memory_space<vmem>>, vector<1x16xf32>,
      %swap3A_117 = vector.shape_cast %swap3A_116 : vector<1x16xf32> to vector<16xf32>
      %swap3A_118 = vector.shape_cast %broadcast_in_dim3A_113 : vector<16xf32> to vector<1x16xf32>
      tpu.vector_store %arg16[%swap3A_114, %swap3A_115], %swap3A_118 {strides = array<i32>} : memref<64x128xf32, #tpu.memory_space<vmem>>, vector<1x16xf32>,
      %broadcast_in_dim3A_119 = arith.constant 0.000000e+00 : f32
      %broadcast_in_dim3A_120 = vector.broadcast %broadcast_in_dim3A_119 : f32 to vector<16xf32>
      %swap3A_121 = arith.index_cast %scan3A_99 : i32 to index
      %swap3A_122 = arith.constant 48 : index
      %swap3A_123 = tpu.vector_load %arg16[%swap3A_121, %swap3A_122] {strides = array<i32>} : memref<64x128xf32, #tpu.memory_space<vmem>>, vector<1x16xf32>,
      %swap3A_124 = vector.shape_cast %swap3A_123 : vector<1x16xf32> to vector<16xf32>
      %swap3A_125 = vector.shape_cast %broadcast_in_dim3A_120 : vector<16xf32> to vector<1x16xf32>
      tpu.vector_store %arg16[%swap3A_121, %swap3A_122], %swap3A_125 {strides = array<i32>} : memref<64x128xf32, #tpu.memory_space<vmem>>, vector<1x16xf32>,
      %broadcast_in_dim3A_126 = arith.constant 0.000000e+00 : f32
      %broadcast_in_dim3A_127 = vector.broadcast %broadcast_in_dim3A_126 : f32 to vector<16xf32>
      %swap3A_128 = arith.index_cast %scan3A_99 : i32 to index
      %swap3A_129 = arith.constant 64 : index
      %swap3A_130 = tpu.vector_load %arg16[%swap3A_128, %swap3A_129] {strides = array<i32>} : memref<64x128xf32, #tpu.memory_space<vmem>>, vector<1x16xf32>,
      %swap3A_131 = vector.shape_cast %swap3A_130 : vector<1x16xf32> to vector<16xf32>
      %swap3A_132 = vector.shape_cast %broadcast_in_dim3A_127 : vector<16xf32> to vector<1x16xf32>
      tpu.vector_store %arg16[%swap3A_128, %swap3A_129], %swap3A_132 {strides = array<i32>} : memref<64x128xf32, #tpu.memory_space<vmem>>, vector<1x16xf32>,
      %broadcast_in_dim3A_133 = arith.constant 0.000000e+00 : f32
      %broadcast_in_dim3A_134 = vector.broadcast %broadcast_in_dim3A_133 : f32 to vector<16xf32>
      %swap3A_135 = arith.index_cast %scan3A_99 : i32 to index
      %swap3A_136 = arith.constant 80 : index
      %swap3A_137 = tpu.vector_load %arg16[%swap3A_135, %swap3A_136] {strides = array<i32>} : memref<64x128xf32, #tpu.memory_space<vmem>>, vector<1x16xf32>,
      %swap3A_138 = vector.shape_cast %swap3A_137 : vector<1x16xf32> to vector<16xf32>
      %swap3A_139 = vector.shape_cast %broadcast_in_dim3A_134 : vector<16xf32> to vector<1x16xf32>
      tpu.vector_store %arg16[%swap3A_135, %swap3A_136], %swap3A_139 {strides = array<i32>} : memref<64x128xf32, #tpu.memory_space<vmem>>, vector<1x16xf32>,
      %broadcast_in_dim3A_140 = arith.constant 0.000000e+00 : f32
      %broadcast_in_dim3A_141 = vector.broadcast %broadcast_in_dim3A_140 : f32 to vector<16xf32>
      %swap3A_142 = arith.index_cast %scan3A_99 : i32 to index
      %swap3A_143 = arith.constant 96 : index
      %swap3A_144 = tpu.vector_load %arg16[%swap3A_142, %swap3A_143] {strides = array<i32>} : memref<64x128xf32, #tpu.memory_space<vmem>>, vector<1x16xf32>,
      %swap3A_145 = vector.shape_cast %swap3A_144 : vector<1x16xf32> to vector<16xf32>
      %swap3A_146 = vector.shape_cast %broadcast_in_dim3A_141 : vector<16xf32> to vector<1x16xf32>
      tpu.vector_store %arg16[%swap3A_142, %swap3A_143], %swap3A_146 {strides = array<i32>} : memref<64x128xf32, #tpu.memory_space<vmem>>, vector<1x16xf32>,
      %broadcast_in_dim3A_147 = arith.constant 0.000000e+00 : f32
      %broadcast_in_dim3A_148 = vector.broadcast %broadcast_in_dim3A_147 : f32 to vector<16xf32>
      %swap3A_149 = arith.index_cast %scan3A_99 : i32 to index
      %swap3A_150 = arith.constant 112 : index
      %swap3A_151 = tpu.vector_load %arg16[%swap3A_149, %swap3A_150] {strides = array<i32>} : memref<64x128xf32, #tpu.memory_space<vmem>>, vector<1x16xf32>,
      %swap3A_152 = vector.shape_cast %swap3A_151 : vector<1x16xf32> to vector<16xf32>
      %swap3A_153 = vector.shape_cast %broadcast_in_dim3A_148 : vector<16xf32> to vector<1x16xf32>
      tpu.vector_store %arg16[%swap3A_149, %swap3A_150], %swap3A_153 {strides = array<i32>} : memref<64x128xf32, #tpu.memory_space<vmem>>, vector<1x16xf32>,
    }
    %scan3A_9 = arith.constant 64 : i32
    %mul3A_10 = arith.constant 624 : i32
    %mul3A_11 = arith.muli %arg1, %mul3A_10 : i32
    %add3A_12 = arith.constant 0 : i32
    %add3A_13 = arith.addi %mul3A_11, %add3A_12 : i32
    "tpu.region"() ({
      %run_scoped3A = tpu.sem_alloc : memref<!tpu.dma_semaphore, #tpu.memory_space<semaphore_mem>>
      %dma_start3A_99 = arith.constant 0 : i32
      %dma_start3A_100 = arith.constant 0 : i32
      %dma_start3A_101 = tpu.memref_slice %arg16[%dma_start3A_99, %dma_start3A_100] : memref<64x128xf32, #tpu.memory_space<vmem>> -> memref<64x128xf32, #tpu.memory_space<vmem>>
      %dma_start3A_102 = arith.constant 0 : i32
      %dma_start3A_103 = tpu.memref_slice %arg22[%add3A_13, %dma_start3A_102] : memref<10000x128xf32, #tpu.memory_space<vmem_shared>> -> memref<64x128xf32, #tpu.memory_space<vmem_shared>>
      %dma_start3A_104 = arith.constant 0 : i32
      %dma_start3A_105 = tpu.memref_slice %arg22[%add3A_13, %dma_start3A_104] : memref<10000x128xf32, #tpu.memory_space<vmem_shared>> -> memref<64x128xf32, #tpu.memory_space<vmem_shared>>
      %dma_start3A_106 = arith.constant 0 : i32
      %dma_start3A_107 = arith.constant 0 : i32
      %dma_start3A_108 = tpu.memref_slice %arg16[%dma_start3A_106, %dma_start3A_107] : memref<64x128xf32, #tpu.memory_space<vmem>> -> memref<64x128xf32, #tpu.memory_space<vmem>>
      tpu.enqueue_dma source(%dma_start3A_108 : memref<64x128xf32, #tpu.memory_space<vmem>>) target(%dma_start3A_105 : memref<64x128xf32, #tpu.memory_space<vmem_shared>>) target_semaphore(%run_scoped3A : memref<!tpu.dma_semaphore, #tpu.memory_space<semaphore_mem>>)
      %dma_wait3A_109 = arith.constant 0 : i32
      %dma_wait3A_110 = arith.constant 0 : i32
      %dma_wait3A_111 = tpu.memref_slice %arg16[%dma_wait3A_109, %dma_wait3A_110] : memref<64x128xf32, #tpu.memory_space<vmem>> -> memref<64x128xf32, #tpu.memory_space<vmem>>
      %dma_wait3A_112 = arith.constant 0 : i32
      %dma_wait3A_113 = tpu.memref_slice %arg22[%add3A_13, %dma_wait3A_112] : memref<10000x128xf32, #tpu.memory_space<vmem_shared>> -> memref<64x128xf32, #tpu.memory_space<vmem_shared>>
      %dma_wait3A_114 = arith.constant 0 : i32
      %dma_wait3A_115 = tpu.memref_slice %arg22[%add3A_13, %dma_wait3A_114] : memref<10000x128xf32, #tpu.memory_space<vmem_shared>> -> memref<64x128xf32, #tpu.memory_space<vmem_shared>>
      %dma_wait3A_116 = arith.constant 0 : i32
      %dma_wait3A_117 = arith.constant 0 : i32
      %dma_wait3A_118 = tpu.memref_slice %arg16[%dma_wait3A_116, %dma_wait3A_117] : memref<64x128xf32, #tpu.memory_space<vmem>> -> memref<64x128xf32, #tpu.memory_space<vmem>>
      tpu.wait_dma2 semaphore(%run_scoped3A : memref<!tpu.dma_semaphore, #tpu.memory_space<semaphore_mem>>) src(%dma_wait3A_118 : memref<64x128xf32, #tpu.memory_space<vmem>>) dst(%dma_wait3A_115 : memref<64x128xf32, #tpu.memory_space<vmem_shared>>)
      tpu.yield
    }) : () -> ()
    %add3A_14 = arith.constant 64 : i32
    %add3A_15 = arith.addi %mul3A_11, %add3A_14 : i32
    "tpu.region"() ({
      %run_scoped3A = tpu.sem_alloc : memref<!tpu.dma_semaphore, #tpu.memory_space<semaphore_mem>>
      %dma_start3A_99 = arith.constant 0 : i32
      %dma_start3A_100 = arith.constant 0 : i32
      %dma_start3A_101 = tpu.memref_slice %arg16[%dma_start3A_99, %dma_start3A_100] : memref<64x128xf32, #tpu.memory_space<vmem>> -> memref<64x128xf32, #tpu.memory_space<vmem>>
      %dma_start3A_102 = arith.constant 0 : i32
      %dma_start3A_103 = tpu.memref_slice %arg22[%add3A_15, %dma_start3A_102] : memref<10000x128xf32, #tpu.memory_space<vmem_shared>> -> memref<64x128xf32, #tpu.memory_space<vmem_shared>>
      %dma_start3A_104 = arith.constant 0 : i32
      %dma_start3A_105 = tpu.memref_slice %arg22[%add3A_15, %dma_start3A_104] : memref<10000x128xf32, #tpu.memory_space<vmem_shared>> -> memref<64x128xf32, #tpu.memory_space<vmem_shared>>
      %dma_start3A_106 = arith.constant 0 : i32
      %dma_start3A_107 = arith.constant 0 : i32
      %dma_start3A_108 = tpu.memref_slice %arg16[%dma_start3A_106, %dma_start3A_107] : memref<64x128xf32, #tpu.memory_space<vmem>> -> memref<64x128xf32, #tpu.memory_space<vmem>>
      tpu.enqueue_dma source(%dma_start3A_108 : memref<64x128xf32, #tpu.memory_space<vmem>>) target(%dma_start3A_105 : memref<64x128xf32, #tpu.memory_space<vmem_shared>>) target_semaphore(%run_scoped3A : memref<!tpu.dma_semaphore, #tpu.memory_space<semaphore_mem>>)
      %dma_wait3A_109 = arith.constant 0 : i32
      %dma_wait3A_110 = arith.constant 0 : i32
      %dma_wait3A_111 = tpu.memref_slice %arg16[%dma_wait3A_109, %dma_wait3A_110] : memref<64x128xf32, #tpu.memory_space<vmem>> -> memref<64x128xf32, #tpu.memory_space<vmem>>
      %dma_wait3A_112 = arith.constant 0 : i32
      %dma_wait3A_113 = tpu.memref_slice %arg22[%add3A_15, %dma_wait3A_112] : memref<10000x128xf32, #tpu.memory_space<vmem_shared>> -> memref<64x128xf32, #tpu.memory_space<vmem_shared>>
      %dma_wait3A_114 = arith.constant 0 : i32
      %dma_wait3A_115 = tpu.memref_slice %arg22[%add3A_15, %dma_wait3A_114] : memref<10000x128xf32, #tpu.memory_space<vmem_shared>> -> memref<64x128xf32, #tpu.memory_space<vmem_shared>>
      %dma_wait3A_116 = arith.constant 0 : i32
      %dma_wait3A_117 = arith.constant 0 : i32
      %dma_wait3A_118 = tpu.memref_slice %arg16[%dma_wait3A_116, %dma_wait3A_117] : memref<64x128xf32, #tpu.memory_space<vmem>> -> memref<64x128xf32, #tpu.memory_space<vmem>>
      tpu.wait_dma2 semaphore(%run_scoped3A : memref<!tpu.dma_semaphore, #tpu.memory_space<semaphore_mem>>) src(%dma_wait3A_118 : memref<64x128xf32, #tpu.memory_space<vmem>>) dst(%dma_wait3A_115 : memref<64x128xf32, #tpu.memory_space<vmem_shared>>)
      tpu.yield
    }) : () -> ()
    %add3A_16 = arith.constant 128 : i32
    %add3A_17 = arith.addi %mul3A_11, %add3A_16 : i32
    "tpu.region"() ({
      %run_scoped3A = tpu.sem_alloc : memref<!tpu.dma_semaphore, #tpu.memory_space<semaphore_mem>>
      %dma_start3A_99 = arith.constant 0 : i32
      %dma_start3A_100 = arith.constant 0 : i32
      %dma_start3A_101 = tpu.memref_slice %arg16[%dma_start3A_99, %dma_start3A_100] : memref<64x128xf32, #tpu.memory_space<vmem>> -> memref<64x128xf32, #tpu.memory_space<vmem>>
      %dma_start3A_102 = arith.constant 0 : i32
      %dma_start3A_103 = tpu.memref_slice %arg22[%add3A_17, %dma_start3A_102] : memref<10000x128xf32, #tpu.memory_space<vmem_shared>> -> memref<64x128xf32, #tpu.memory_space<vmem_shared>>
      %dma_start3A_104 = arith.constant 0 : i32
      %dma_start3A_105 = tpu.memref_slice %arg22[%add3A_17, %dma_start3A_104] : memref<10000x128xf32, #tpu.memory_space<vmem_shared>> -> memref<64x128xf32, #tpu.memory_space<vmem_shared>>
      %dma_start3A_106 = arith.constant 0 : i32
      %dma_start3A_107 = arith.constant 0 : i32
      %dma_start3A_108 = tpu.memref_slice %arg16[%dma_start3A_106, %dma_start3A_107] : memref<64x128xf32, #tpu.memory_space<vmem>> -> memref<64x128xf32, #tpu.memory_space<vmem>>
      tpu.enqueue_dma source(%dma_start3A_108 : memref<64x128xf32, #tpu.memory_space<vmem>>) target(%dma_start3A_105 : memref<64x128xf32, #tpu.memory_space<vmem_shared>>) target_semaphore(%run_scoped3A : memref<!tpu.dma_semaphore, #tpu.memory_space<semaphore_mem>>)
      %dma_wait3A_109 = arith.constant 0 : i32
      %dma_wait3A_110 = arith.constant 0 : i32
      %dma_wait3A_111 = tpu.memref_slice %arg16[%dma_wait3A_109, %dma_wait3A_110] : memref<64x128xf32, #tpu.memory_space<vmem>> -> memref<64x128xf32, #tpu.memory_space<vmem>>
      %dma_wait3A_112 = arith.constant 0 : i32
      %dma_wait3A_113 = tpu.memref_slice %arg22[%add3A_17, %dma_wait3A_112] : memref<10000x128xf32, #tpu.memory_space<vmem_shared>> -> memref<64x128xf32, #tpu.memory_space<vmem_shared>>
      %dma_wait3A_114 = arith.constant 0 : i32
      %dma_wait3A_115 = tpu.memref_slice %arg22[%add3A_17, %dma_wait3A_114] : memref<10000x128xf32, #tpu.memory_space<vmem_shared>> -> memref<64x128xf32, #tpu.memory_space<vmem_shared>>
      %dma_wait3A_116 = arith.constant 0 : i32
      %dma_wait3A_117 = arith.constant 0 : i32
      %dma_wait3A_118 = tpu.memref_slice %arg16[%dma_wait3A_116, %dma_wait3A_117] : memref<64x128xf32, #tpu.memory_space<vmem>> -> memref<64x128xf32, #tpu.memory_space<vmem>>
      tpu.wait_dma2 semaphore(%run_scoped3A : memref<!tpu.dma_semaphore, #tpu.memory_space<semaphore_mem>>) src(%dma_wait3A_118 : memref<64x128xf32, #tpu.memory_space<vmem>>) dst(%dma_wait3A_115 : memref<64x128xf32, #tpu.memory_space<vmem_shared>>)
      tpu.yield
    }) : () -> ()
    %add3A_18 = arith.constant 192 : i32
    %add3A_19 = arith.addi %mul3A_11, %add3A_18 : i32
    "tpu.region"() ({
      %run_scoped3A = tpu.sem_alloc : memref<!tpu.dma_semaphore, #tpu.memory_space<semaphore_mem>>
      %dma_start3A_99 = arith.constant 0 : i32
      %dma_start3A_100 = arith.constant 0 : i32
      %dma_start3A_101 = tpu.memref_slice %arg16[%dma_start3A_99, %dma_start3A_100] : memref<64x128xf32, #tpu.memory_space<vmem>> -> memref<64x128xf32, #tpu.memory_space<vmem>>
      %dma_start3A_102 = arith.constant 0 : i32
      %dma_start3A_103 = tpu.memref_slice %arg22[%add3A_19, %dma_start3A_102] : memref<10000x128xf32, #tpu.memory_space<vmem_shared>> -> memref<64x128xf32, #tpu.memory_space<vmem_shared>>
      %dma_start3A_104 = arith.constant 0 : i32
      %dma_start3A_105 = tpu.memref_slice %arg22[%add3A_19, %dma_start3A_104] : memref<10000x128xf32, #tpu.memory_space<vmem_shared>> -> memref<64x128xf32, #tpu.memory_space<vmem_shared>>
      %dma_start3A_106 = arith.constant 0 : i32
      %dma_start3A_107 = arith.constant 0 : i32
      %dma_start3A_108 = tpu.memref_slice %arg16[%dma_start3A_106, %dma_start3A_107] : memref<64x128xf32, #tpu.memory_space<vmem>> -> memref<64x128xf32, #tpu.memory_space<vmem>>
      tpu.enqueue_dma source(%dma_start3A_108 : memref<64x128xf32, #tpu.memory_space<vmem>>) target(%dma_start3A_105 : memref<64x128xf32, #tpu.memory_space<vmem_shared>>) target_semaphore(%run_scoped3A : memref<!tpu.dma_semaphore, #tpu.memory_space<semaphore_mem>>)
      %dma_wait3A_109 = arith.constant 0 : i32
      %dma_wait3A_110 = arith.constant 0 : i32
      %dma_wait3A_111 = tpu.memref_slice %arg16[%dma_wait3A_109, %dma_wait3A_110] : memref<64x128xf32, #tpu.memory_space<vmem>> -> memref<64x128xf32, #tpu.memory_space<vmem>>
      %dma_wait3A_112 = arith.constant 0 : i32
      %dma_wait3A_113 = tpu.memref_slice %arg22[%add3A_19, %dma_wait3A_112] : memref<10000x128xf32, #tpu.memory_space<vmem_shared>> -> memref<64x128xf32, #tpu.memory_space<vmem_shared>>
      %dma_wait3A_114 = arith.constant 0 : i32
      %dma_wait3A_115 = tpu.memref_slice %arg22[%add3A_19, %dma_wait3A_114] : memref<10000x128xf32, #tpu.memory_space<vmem_shared>> -> memref<64x128xf32, #tpu.memory_space<vmem_shared>>
      %dma_wait3A_116 = arith.constant 0 : i32
      %dma_wait3A_117 = arith.constant 0 : i32
      %dma_wait3A_118 = tpu.memref_slice %arg16[%dma_wait3A_116, %dma_wait3A_117] : memref<64x128xf32, #tpu.memory_space<vmem>> -> memref<64x128xf32, #tpu.memory_space<vmem>>
      tpu.wait_dma2 semaphore(%run_scoped3A : memref<!tpu.dma_semaphore, #tpu.memory_space<semaphore_mem>>) src(%dma_wait3A_118 : memref<64x128xf32, #tpu.memory_space<vmem>>) dst(%dma_wait3A_115 : memref<64x128xf32, #tpu.memory_space<vmem_shared>>)
      tpu.yield
    }) : () -> ()
    %add3A_20 = arith.constant 256 : i32
    %add3A_21 = arith.addi %mul3A_11, %add3A_20 : i32
    "tpu.region"() ({
      %run_scoped3A = tpu.sem_alloc : memref<!tpu.dma_semaphore, #tpu.memory_space<semaphore_mem>>
      %dma_start3A_99 = arith.constant 0 : i32
      %dma_start3A_100 = arith.constant 0 : i32
      %dma_start3A_101 = tpu.memref_slice %arg16[%dma_start3A_99, %dma_start3A_100] : memref<64x128xf32, #tpu.memory_space<vmem>> -> memref<64x128xf32, #tpu.memory_space<vmem>>
      %dma_start3A_102 = arith.constant 0 : i32
      %dma_start3A_103 = tpu.memref_slice %arg22[%add3A_21, %dma_start3A_102] : memref<10000x128xf32, #tpu.memory_space<vmem_shared>> -> memref<64x128xf32, #tpu.memory_space<vmem_shared>>
      %dma_start3A_104 = arith.constant 0 : i32
      %dma_start3A_105 = tpu.memref_slice %arg22[%add3A_21, %dma_start3A_104] : memref<10000x128xf32, #tpu.memory_space<vmem_shared>> -> memref<64x128xf32, #tpu.memory_space<vmem_shared>>
      %dma_start3A_106 = arith.constant 0 : i32
      %dma_start3A_107 = arith.constant 0 : i32
      %dma_start3A_108 = tpu.memref_slice %arg16[%dma_start3A_106, %dma_start3A_107] : memref<64x128xf32, #tpu.memory_space<vmem>> -> memref<64x128xf32, #tpu.memory_space<vmem>>
      tpu.enqueue_dma source(%dma_start3A_108 : memref<64x128xf32, #tpu.memory_space<vmem>>) target(%dma_start3A_105 : memref<64x128xf32, #tpu.memory_space<vmem_shared>>) target_semaphore(%run_scoped3A : memref<!tpu.dma_semaphore, #tpu.memory_space<semaphore_mem>>)
      %dma_wait3A_109 = arith.constant 0 : i32
      %dma_wait3A_110 = arith.constant 0 : i32
      %dma_wait3A_111 = tpu.memref_slice %arg16[%dma_wait3A_109, %dma_wait3A_110] : memref<64x128xf32, #tpu.memory_space<vmem>> -> memref<64x128xf32, #tpu.memory_space<vmem>>
      %dma_wait3A_112 = arith.constant 0 : i32
      %dma_wait3A_113 = tpu.memref_slice %arg22[%add3A_21, %dma_wait3A_112] : memref<10000x128xf32, #tpu.memory_space<vmem_shared>> -> memref<64x128xf32, #tpu.memory_space<vmem_shared>>
      %dma_wait3A_114 = arith.constant 0 : i32
      %dma_wait3A_115 = tpu.memref_slice %arg22[%add3A_21, %dma_wait3A_114] : memref<10000x128xf32, #tpu.memory_space<vmem_shared>> -> memref<64x128xf32, #tpu.memory_space<vmem_shared>>
      %dma_wait3A_116 = arith.constant 0 : i32
      %dma_wait3A_117 = arith.constant 0 : i32
      %dma_wait3A_118 = tpu.memref_slice %arg16[%dma_wait3A_116, %dma_wait3A_117] : memref<64x128xf32, #tpu.memory_space<vmem>> -> memref<64x128xf32, #tpu.memory_space<vmem>>
      tpu.wait_dma2 semaphore(%run_scoped3A : memref<!tpu.dma_semaphore, #tpu.memory_space<semaphore_mem>>) src(%dma_wait3A_118 : memref<64x128xf32, #tpu.memory_space<vmem>>) dst(%dma_wait3A_115 : memref<64x128xf32, #tpu.memory_space<vmem_shared>>)
      tpu.yield
    }) : () -> ()
    %add3A_22 = arith.constant 320 : i32
    %add3A_23 = arith.addi %mul3A_11, %add3A_22 : i32
    "tpu.region"() ({
      %run_scoped3A = tpu.sem_alloc : memref<!tpu.dma_semaphore, #tpu.memory_space<semaphore_mem>>
      %dma_start3A_99 = arith.constant 0 : i32
      %dma_start3A_100 = arith.constant 0 : i32
      %dma_start3A_101 = tpu.memref_slice %arg16[%dma_start3A_99, %dma_start3A_100] : memref<64x128xf32, #tpu.memory_space<vmem>> -> memref<64x128xf32, #tpu.memory_space<vmem>>
      %dma_start3A_102 = arith.constant 0 : i32
      %dma_start3A_103 = tpu.memref_slice %arg22[%add3A_23, %dma_start3A_102] : memref<10000x128xf32, #tpu.memory_space<vmem_shared>> -> memref<64x128xf32, #tpu.memory_space<vmem_shared>>
      %dma_start3A_104 = arith.constant 0 : i32
      %dma_start3A_105 = tpu.memref_slice %arg22[%add3A_23, %dma_start3A_104] : memref<10000x128xf32, #tpu.memory_space<vmem_shared>> -> memref<64x128xf32, #tpu.memory_space<vmem_shared>>
      %dma_start3A_106 = arith.constant 0 : i32
      %dma_start3A_107 = arith.constant 0 : i32
      %dma_start3A_108 = tpu.memref_slice %arg16[%dma_start3A_106, %dma_start3A_107] : memref<64x128xf32, #tpu.memory_space<vmem>> -> memref<64x128xf32, #tpu.memory_space<vmem>>
      tpu.enqueue_dma source(%dma_start3A_108 : memref<64x128xf32, #tpu.memory_space<vmem>>) target(%dma_start3A_105 : memref<64x128xf32, #tpu.memory_space<vmem_shared>>) target_semaphore(%run_scoped3A : memref<!tpu.dma_semaphore, #tpu.memory_space<semaphore_mem>>)
      %dma_wait3A_109 = arith.constant 0 : i32
      %dma_wait3A_110 = arith.constant 0 : i32
      %dma_wait3A_111 = tpu.memref_slice %arg16[%dma_wait3A_109, %dma_wait3A_110] : memref<64x128xf32, #tpu.memory_space<vmem>> -> memref<64x128xf32, #tpu.memory_space<vmem>>
      %dma_wait3A_112 = arith.constant 0 : i32
      %dma_wait3A_113 = tpu.memref_slice %arg22[%add3A_23, %dma_wait3A_112] : memref<10000x128xf32, #tpu.memory_space<vmem_shared>> -> memref<64x128xf32, #tpu.memory_space<vmem_shared>>
      %dma_wait3A_114 = arith.constant 0 : i32
      %dma_wait3A_115 = tpu.memref_slice %arg22[%add3A_23, %dma_wait3A_114] : memref<10000x128xf32, #tpu.memory_space<vmem_shared>> -> memref<64x128xf32, #tpu.memory_space<vmem_shared>>
      %dma_wait3A_116 = arith.constant 0 : i32
      %dma_wait3A_117 = arith.constant 0 : i32
      %dma_wait3A_118 = tpu.memref_slice %arg16[%dma_wait3A_116, %dma_wait3A_117] : memref<64x128xf32, #tpu.memory_space<vmem>> -> memref<64x128xf32, #tpu.memory_space<vmem>>
      tpu.wait_dma2 semaphore(%run_scoped3A : memref<!tpu.dma_semaphore, #tpu.memory_space<semaphore_mem>>) src(%dma_wait3A_118 : memref<64x128xf32, #tpu.memory_space<vmem>>) dst(%dma_wait3A_115 : memref<64x128xf32, #tpu.memory_space<vmem_shared>>)
      tpu.yield
    }) : () -> ()
    %add3A_24 = arith.constant 384 : i32
    %add3A_25 = arith.addi %mul3A_11, %add3A_24 : i32
    "tpu.region"() ({
      %run_scoped3A = tpu.sem_alloc : memref<!tpu.dma_semaphore, #tpu.memory_space<semaphore_mem>>
      %dma_start3A_99 = arith.constant 0 : i32
      %dma_start3A_100 = arith.constant 0 : i32
      %dma_start3A_101 = tpu.memref_slice %arg16[%dma_start3A_99, %dma_start3A_100] : memref<64x128xf32, #tpu.memory_space<vmem>> -> memref<64x128xf32, #tpu.memory_space<vmem>>
      %dma_start3A_102 = arith.constant 0 : i32
      %dma_start3A_103 = tpu.memref_slice %arg22[%add3A_25, %dma_start3A_102] : memref<10000x128xf32, #tpu.memory_space<vmem_shared>> -> memref<64x128xf32, #tpu.memory_space<vmem_shared>>
      %dma_start3A_104 = arith.constant 0 : i32
      %dma_start3A_105 = tpu.memref_slice %arg22[%add3A_25, %dma_start3A_104] : memref<10000x128xf32, #tpu.memory_space<vmem_shared>> -> memref<64x128xf32, #tpu.memory_space<vmem_shared>>
      %dma_start3A_106 = arith.constant 0 : i32
      %dma_start3A_107 = arith.constant 0 : i32
      %dma_start3A_108 = tpu.memref_slice %arg16[%dma_start3A_106, %dma_start3A_107] : memref<64x128xf32, #tpu.memory_space<vmem>> -> memref<64x128xf32, #tpu.memory_space<vmem>>
      tpu.enqueue_dma source(%dma_start3A_108 : memref<64x128xf32, #tpu.memory_space<vmem>>) target(%dma_start3A_105 : memref<64x128xf32, #tpu.memory_space<vmem_shared>>) target_semaphore(%run_scoped3A : memref<!tpu.dma_semaphore, #tpu.memory_space<semaphore_mem>>)
      %dma_wait3A_109 = arith.constant 0 : i32
      %dma_wait3A_110 = arith.constant 0 : i32
      %dma_wait3A_111 = tpu.memref_slice %arg16[%dma_wait3A_109, %dma_wait3A_110] : memref<64x128xf32, #tpu.memory_space<vmem>> -> memref<64x128xf32, #tpu.memory_space<vmem>>
      %dma_wait3A_112 = arith.constant 0 : i32
      %dma_wait3A_113 = tpu.memref_slice %arg22[%add3A_25, %dma_wait3A_112] : memref<10000x128xf32, #tpu.memory_space<vmem_shared>> -> memref<64x128xf32, #tpu.memory_space<vmem_shared>>
      %dma_wait3A_114 = arith.constant 0 : i32
      %dma_wait3A_115 = tpu.memref_slice %arg22[%add3A_25, %dma_wait3A_114] : memref<10000x128xf32, #tpu.memory_space<vmem_shared>> -> memref<64x128xf32, #tpu.memory_space<vmem_shared>>
      %dma_wait3A_116 = arith.constant 0 : i32
      %dma_wait3A_117 = arith.constant 0 : i32
      %dma_wait3A_118 = tpu.memref_slice %arg16[%dma_wait3A_116, %dma_wait3A_117] : memref<64x128xf32, #tpu.memory_space<vmem>> -> memref<64x128xf32, #tpu.memory_space<vmem>>
      tpu.wait_dma2 semaphore(%run_scoped3A : memref<!tpu.dma_semaphore, #tpu.memory_space<semaphore_mem>>) src(%dma_wait3A_118 : memref<64x128xf32, #tpu.memory_space<vmem>>) dst(%dma_wait3A_115 : memref<64x128xf32, #tpu.memory_space<vmem_shared>>)
      tpu.yield
    }) : () -> ()
    %add3A_26 = arith.constant 448 : i32
    %add3A_27 = arith.addi %mul3A_11, %add3A_26 : i32
    "tpu.region"() ({
      %run_scoped3A = tpu.sem_alloc : memref<!tpu.dma_semaphore, #tpu.memory_space<semaphore_mem>>
      %dma_start3A_99 = arith.constant 0 : i32
      %dma_start3A_100 = arith.constant 0 : i32
      %dma_start3A_101 = tpu.memref_slice %arg16[%dma_start3A_99, %dma_start3A_100] : memref<64x128xf32, #tpu.memory_space<vmem>> -> memref<64x128xf32, #tpu.memory_space<vmem>>
      %dma_start3A_102 = arith.constant 0 : i32
      %dma_start3A_103 = tpu.memref_slice %arg22[%add3A_27, %dma_start3A_102] : memref<10000x128xf32, #tpu.memory_space<vmem_shared>> -> memref<64x128xf32, #tpu.memory_space<vmem_shared>>
      %dma_start3A_104 = arith.constant 0 : i32
      %dma_start3A_105 = tpu.memref_slice %arg22[%add3A_27, %dma_start3A_104] : memref<10000x128xf32, #tpu.memory_space<vmem_shared>> -> memref<64x128xf32, #tpu.memory_space<vmem_shared>>
      %dma_start3A_106 = arith.constant 0 : i32
      %dma_start3A_107 = arith.constant 0 : i32
      %dma_start3A_108 = tpu.memref_slice %arg16[%dma_start3A_106, %dma_start3A_107] : memref<64x128xf32, #tpu.memory_space<vmem>> -> memref<64x128xf32, #tpu.memory_space<vmem>>
      tpu.enqueue_dma source(%dma_start3A_108 : memref<64x128xf32, #tpu.memory_space<vmem>>) target(%dma_start3A_105 : memref<64x128xf32, #tpu.memory_space<vmem_shared>>) target_semaphore(%run_scoped3A : memref<!tpu.dma_semaphore, #tpu.memory_space<semaphore_mem>>)
      %dma_wait3A_109 = arith.constant 0 : i32
      %dma_wait3A_110 = arith.constant 0 : i32
      %dma_wait3A_111 = tpu.memref_slice %arg16[%dma_wait3A_109, %dma_wait3A_110] : memref<64x128xf32, #tpu.memory_space<vmem>> -> memref<64x128xf32, #tpu.memory_space<vmem>>
      %dma_wait3A_112 = arith.constant 0 : i32
      %dma_wait3A_113 = tpu.memref_slice %arg22[%add3A_27, %dma_wait3A_112] : memref<10000x128xf32, #tpu.memory_space<vmem_shared>> -> memref<64x128xf32, #tpu.memory_space<vmem_shared>>
      %dma_wait3A_114 = arith.constant 0 : i32
      %dma_wait3A_115 = tpu.memref_slice %arg22[%add3A_27, %dma_wait3A_114] : memref<10000x128xf32, #tpu.memory_space<vmem_shared>> -> memref<64x128xf32, #tpu.memory_space<vmem_shared>>
      %dma_wait3A_116 = arith.constant 0 : i32
      %dma_wait3A_117 = arith.constant 0 : i32
      %dma_wait3A_118 = tpu.memref_slice %arg16[%dma_wait3A_116, %dma_wait3A_117] : memref<64x128xf32, #tpu.memory_space<vmem>> -> memref<64x128xf32, #tpu.memory_space<vmem>>
      tpu.wait_dma2 semaphore(%run_scoped3A : memref<!tpu.dma_semaphore, #tpu.memory_space<semaphore_mem>>) src(%dma_wait3A_118 : memref<64x128xf32, #tpu.memory_space<vmem>>) dst(%dma_wait3A_115 : memref<64x128xf32, #tpu.memory_space<vmem_shared>>)
      tpu.yield
    }) : () -> ()
    %add3A_28 = arith.constant 512 : i32
    %add3A_29 = arith.addi %mul3A_11, %add3A_28 : i32
    "tpu.region"() ({
      %run_scoped3A = tpu.sem_alloc : memref<!tpu.dma_semaphore, #tpu.memory_space<semaphore_mem>>
      %dma_start3A_99 = arith.constant 0 : i32
      %dma_start3A_100 = arith.constant 0 : i32
      %dma_start3A_101 = tpu.memref_slice %arg16[%dma_start3A_99, %dma_start3A_100] : memref<64x128xf32, #tpu.memory_space<vmem>> -> memref<64x128xf32, #tpu.memory_space<vmem>>
      %dma_start3A_102 = arith.constant 0 : i32
      %dma_start3A_103 = tpu.memref_slice %arg22[%add3A_29, %dma_start3A_102] : memref<10000x128xf32, #tpu.memory_space<vmem_shared>> -> memref<64x128xf32, #tpu.memory_space<vmem_shared>>
      %dma_start3A_104 = arith.constant 0 : i32
      %dma_start3A_105 = tpu.memref_slice %arg22[%add3A_29, %dma_start3A_104] : memref<10000x128xf32, #tpu.memory_space<vmem_shared>> -> memref<64x128xf32, #tpu.memory_space<vmem_shared>>
      %dma_start3A_106 = arith.constant 0 : i32
      %dma_start3A_107 = arith.constant 0 : i32
      %dma_start3A_108 = tpu.memref_slice %arg16[%dma_start3A_106, %dma_start3A_107] : memref<64x128xf32, #tpu.memory_space<vmem>> -> memref<64x128xf32, #tpu.memory_space<vmem>>
      tpu.enqueue_dma source(%dma_start3A_108 : memref<64x128xf32, #tpu.memory_space<vmem>>) target(%dma_start3A_105 : memref<64x128xf32, #tpu.memory_space<vmem_shared>>) target_semaphore(%run_scoped3A : memref<!tpu.dma_semaphore, #tpu.memory_space<semaphore_mem>>)
      %dma_wait3A_109 = arith.constant 0 : i32
      %dma_wait3A_110 = arith.constant 0 : i32
      %dma_wait3A_111 = tpu.memref_slice %arg16[%dma_wait3A_109, %dma_wait3A_110] : memref<64x128xf32, #tpu.memory_space<vmem>> -> memref<64x128xf32, #tpu.memory_space<vmem>>
      %dma_wait3A_112 = arith.constant 0 : i32
      %dma_wait3A_113 = tpu.memref_slice %arg22[%add3A_29, %dma_wait3A_112] : memref<10000x128xf32, #tpu.memory_space<vmem_shared>> -> memref<64x128xf32, #tpu.memory_space<vmem_shared>>
      %dma_wait3A_114 = arith.constant 0 : i32
      %dma_wait3A_115 = tpu.memref_slice %arg22[%add3A_29, %dma_wait3A_114] : memref<10000x128xf32, #tpu.memory_space<vmem_shared>> -> memref<64x128xf32, #tpu.memory_space<vmem_shared>>
      %dma_wait3A_116 = arith.constant 0 : i32
      %dma_wait3A_117 = arith.constant 0 : i32
      %dma_wait3A_118 = tpu.memref_slice %arg16[%dma_wait3A_116, %dma_wait3A_117] : memref<64x128xf32, #tpu.memory_space<vmem>> -> memref<64x128xf32, #tpu.memory_space<vmem>>
      tpu.wait_dma2 semaphore(%run_scoped3A : memref<!tpu.dma_semaphore, #tpu.memory_space<semaphore_mem>>) src(%dma_wait3A_118 : memref<64x128xf32, #tpu.memory_space<vmem>>) dst(%dma_wait3A_115 : memref<64x128xf32, #tpu.memory_space<vmem_shared>>)
      tpu.yield
    }) : () -> ()
    %add3A_30 = arith.constant 576 : i32
    %add3A_31 = arith.addi %mul3A_11, %add3A_30 : i32
    "tpu.region"() ({
      %run_scoped3A = tpu.sem_alloc : memref<!tpu.dma_semaphore, #tpu.memory_space<semaphore_mem>>
      %dma_start3A_99 = arith.constant 0 : i32
      %dma_start3A_100 = arith.constant 0 : i32
      %dma_start3A_101 = tpu.memref_slice %arg16[%dma_start3A_99, %dma_start3A_100] : memref<64x128xf32, #tpu.memory_space<vmem>> -> memref<48x128xf32, #tpu.memory_space<vmem>>
      %dma_start3A_102 = arith.constant 0 : i32
      %dma_start3A_103 = tpu.memref_slice %arg22[%add3A_31, %dma_start3A_102] : memref<10000x128xf32, #tpu.memory_space<vmem_shared>> -> memref<48x128xf32, #tpu.memory_space<vmem_shared>>
      %dma_start3A_104 = arith.constant 0 : i32
      %dma_start3A_105 = tpu.memref_slice %arg22[%add3A_31, %dma_start3A_104] : memref<10000x128xf32, #tpu.memory_space<vmem_shared>> -> memref<48x128xf32, #tpu.memory_space<vmem_shared>>
      %dma_start3A_106 = arith.constant 0 : i32
      %dma_start3A_107 = arith.constant 0 : i32
      %dma_start3A_108 = tpu.memref_slice %arg16[%dma_start3A_106, %dma_start3A_107] : memref<64x128xf32, #tpu.memory_space<vmem>> -> memref<48x128xf32, #tpu.memory_space<vmem>>
      tpu.enqueue_dma source(%dma_start3A_108 : memref<48x128xf32, #tpu.memory_space<vmem>>) target(%dma_start3A_105 : memref<48x128xf32, #tpu.memory_space<vmem_shared>>) target_semaphore(%run_scoped3A : memref<!tpu.dma_semaphore, #tpu.memory_space<semaphore_mem>>)
      %dma_wait3A_109 = arith.constant 0 : i32
      %dma_wait3A_110 = arith.constant 0 : i32
      %dma_wait3A_111 = tpu.memref_slice %arg16[%dma_wait3A_109, %dma_wait3A_110] : memref<64x128xf32, #tpu.memory_space<vmem>> -> memref<48x128xf32, #tpu.memory_space<vmem>>
      %dma_wait3A_112 = arith.constant 0 : i32
      %dma_wait3A_113 = tpu.memref_slice %arg22[%add3A_31, %dma_wait3A_112] : memref<10000x128xf32, #tpu.memory_space<vmem_shared>> -> memref<48x128xf32, #tpu.memory_space<vmem_shared>>
      %dma_wait3A_114 = arith.constant 0 : i32
      %dma_wait3A_115 = tpu.memref_slice %arg22[%add3A_31, %dma_wait3A_114] : memref<10000x128xf32, #tpu.memory_space<vmem_shared>> -> memref<48x128xf32, #tpu.memory_space<vmem_shared>>
      %dma_wait3A_116 = arith.constant 0 : i32
      %dma_wait3A_117 = arith.constant 0 : i32
      %dma_wait3A_118 = tpu.memref_slice %arg16[%dma_wait3A_116, %dma_wait3A_117] : memref<64x128xf32, #tpu.memory_space<vmem>> -> memref<48x128xf32, #tpu.memory_space<vmem>>
      tpu.wait_dma2 semaphore(%run_scoped3A : memref<!tpu.dma_semaphore, #tpu.memory_space<semaphore_mem>>) src(%dma_wait3A_118 : memref<48x128xf32, #tpu.memory_space<vmem>>) dst(%dma_wait3A_115 : memref<48x128xf32, #tpu.memory_space<vmem_shared>>)
      tpu.yield
    }) : () -> ()
    %eq3A = arith.constant 15 : i32
    %eq3A_32 = arith.cmpi eq, %arg1, %eq3A : i32
    %convert_element_type3A = arith.extui %eq3A_32 : i1 to i32
    %cond3A = arith.constant 0 : i32
    %cond3A_33 = arith.cmpi ne, %convert_element_type3A, %cond3A : i32
    scf.if %cond3A_33 {
      "tpu.region"() ({
        %run_scoped3A = tpu.sem_alloc : memref<!tpu.dma_semaphore, #tpu.memory_space<semaphore_mem>>
        %dma_start3A_99 = arith.constant 0 : i32
        %dma_start3A_100 = arith.constant 0 : i32
        %dma_start3A_101 = tpu.memref_slice %arg16[%dma_start3A_99, %dma_start3A_100] : memref<64x128xf32, #tpu.memory_space<vmem>> -> memref<16x128xf32, #tpu.memory_space<vmem>>
        %dma_start3A_102 = arith.constant 9984 : i32
        %dma_start3A_103 = arith.constant 0 : i32
        %dma_start3A_104 = tpu.memref_slice %arg22[%dma_start3A_102, %dma_start3A_103] : memref<10000x128xf32, #tpu.memory_space<vmem_shared>> -> memref<16x128xf32, #tpu.memory_space<vmem_shared>>
        %dma_start3A_105 = arith.constant 9984 : i32
        %dma_start3A_106 = arith.constant 0 : i32
        %dma_start3A_107 = tpu.memref_slice %arg22[%dma_start3A_105, %dma_start3A_106] : memref<10000x128xf32, #tpu.memory_space<vmem_shared>> -> memref<16x128xf32, #tpu.memory_space<vmem_shared>>
        %dma_start3A_108 = arith.constant 0 : i32
        %dma_start3A_109 = arith.constant 0 : i32
        %dma_start3A_110 = tpu.memref_slice %arg16[%dma_start3A_108, %dma_start3A_109] : memref<64x128xf32, #tpu.memory_space<vmem>> -> memref<16x128xf32, #tpu.memory_space<vmem>>
        tpu.enqueue_dma source(%dma_start3A_110 : memref<16x128xf32, #tpu.memory_space<vmem>>) target(%dma_start3A_107 : memref<16x128xf32, #tpu.memory_space<vmem_shared>>) target_semaphore(%run_scoped3A : memref<!tpu.dma_semaphore, #tpu.memory_space<semaphore_mem>>)
        %dma_wait3A_111 = arith.constant 0 : i32
        %dma_wait3A_112 = arith.constant 0 : i32
        %dma_wait3A_113 = tpu.memref_slice %arg16[%dma_wait3A_111, %dma_wait3A_112] : memref<64x128xf32, #tpu.memory_space<vmem>> -> memref<16x128xf32, #tpu.memory_space<vmem>>
        %dma_wait3A_114 = arith.constant 9984 : i32
        %dma_wait3A_115 = arith.constant 0 : i32
        %dma_wait3A_116 = tpu.memref_slice %arg22[%dma_wait3A_114, %dma_wait3A_115] : memref<10000x128xf32, #tpu.memory_space<vmem_shared>> -> memref<16x128xf32, #tpu.memory_space<vmem_shared>>
        %dma_wait3A_117 = arith.constant 9984 : i32
        %dma_wait3A_118 = arith.constant 0 : i32
        %dma_wait3A_119 = tpu.memref_slice %arg22[%dma_wait3A_117, %dma_wait3A_118] : memref<10000x128xf32, #tpu.memory_space<vmem_shared>> -> memref<16x128xf32, #tpu.memory_space<vmem_shared>>
        %dma_wait3A_120 = arith.constant 0 : i32
        %dma_wait3A_121 = arith.constant 0 : i32
        %dma_wait3A_122 = tpu.memref_slice %arg16[%dma_wait3A_120, %dma_wait3A_121] : memref<64x128xf32, #tpu.memory_space<vmem>> -> memref<16x128xf32, #tpu.memory_space<vmem>>
        tpu.wait_dma2 semaphore(%run_scoped3A : memref<!tpu.dma_semaphore, #tpu.memory_space<semaphore_mem>>) src(%dma_wait3A_122 : memref<16x128xf32, #tpu.memory_space<vmem>>) dst(%dma_wait3A_119 : memref<16x128xf32, #tpu.memory_space<vmem_shared>>)
        tpu.yield
      }) : () -> ()
    } else {
    }
    %barrier3A = arith.constant 0 : index
    tpu.barrier barrier_id(%barrier3A)
    %add3A_34 = arith.constant 0 : i32
    %add3A_35 = arith.addi %add3A_4, %add3A_34 : i32
    %dma_start3A = tpu.memref_slice %arg3[%add3A_35] : memref<320000xi32, #tpu.memory_space<hbm>> -> memref<64xi32, #tpu.memory_space<hbm>>
    %dma_start3A_36 = tpu.memref_slice %arg3[%add3A_35] : memref<320000xi32, #tpu.memory_space<hbm>> -> memref<64xi32, #tpu.memory_space<hbm>>
    tpu.enqueue_dma source(%dma_start3A_36 : memref<64xi32, #tpu.memory_space<hbm>>) target(%arg7 : memref<64xi32, #tpu.memory_space<vmem>>) target_semaphore(%arg23 : memref<!tpu.dma_semaphore, #tpu.memory_space<semaphore_mem>>)
    %add3A_37 = arith.constant 0 : i32
    %add3A_38 = arith.addi %add3A_4, %add3A_37 : i32
    %dma_start3A_39 = tpu.memref_slice %arg4[%add3A_38] : memref<320000xi32, #tpu.memory_space<hbm>> -> memref<64xi32, #tpu.memory_space<hbm>>
    %dma_start3A_40 = tpu.memref_slice %arg4[%add3A_38] : memref<320000xi32, #tpu.memory_space<hbm>> -> memref<64xi32, #tpu.memory_space<hbm>>
    tpu.enqueue_dma source(%dma_start3A_40 : memref<64xi32, #tpu.memory_space<hbm>>) target(%arg10 : memref<64xi32, #tpu.memory_space<vmem>>) target_semaphore(%arg23 : memref<!tpu.dma_semaphore, #tpu.memory_space<semaphore_mem>>)
    %add3A_41 = arith.constant 0 : i32
    %add3A_42 = arith.addi %mul3A_2, %add3A_41 : i32
    %dma_start3A_43 = arith.constant 0 : i32
    %dma_start3A_44 = tpu.memref_slice %arg5[%add3A_42, %dma_start3A_43] : memref<160000x64xi32, #tpu.memory_space<hbm>> -> memref<64x64xi32, #tpu.memory_space<hbm>>
    %dma_start3A_45 = arith.constant 0 : i32
    %dma_start3A_46 = tpu.memref_slice %arg5[%add3A_42, %dma_start3A_45] : memref<160000x64xi32, #tpu.memory_space<hbm>> -> memref<64x64xi32, #tpu.memory_space<hbm>>
    tpu.enqueue_dma source(%dma_start3A_46 : memref<64x64xi32, #tpu.memory_space<hbm>>) target(%arg19 : memref<64x64xi32, #tpu.memory_space<vmem>>) target_semaphore(%arg23 : memref<!tpu.dma_semaphore, #tpu.memory_space<semaphore_mem>>)
    %add3A_47 = arith.constant 64 : i32
    %add3A_48 = arith.addi %add3A_4, %add3A_47 : i32
    %dma_start3A_49 = tpu.memref_slice %arg3[%add3A_48] : memref<320000xi32, #tpu.memory_space<hbm>> -> memref<64xi32, #tpu.memory_space<hbm>>
    %dma_start3A_50 = tpu.memref_slice %arg3[%add3A_48] : memref<320000xi32, #tpu.memory_space<hbm>> -> memref<64xi32, #tpu.memory_space<hbm>>
    tpu.enqueue_dma source(%dma_start3A_50 : memref<64xi32, #tpu.memory_space<hbm>>) target(%arg8 : memref<64xi32, #tpu.memory_space<vmem>>) target_semaphore(%arg24 : memref<!tpu.dma_semaphore, #tpu.memory_space<semaphore_mem>>)
    %add3A_51 = arith.constant 64 : i32
    %add3A_52 = arith.addi %add3A_4, %add3A_51 : i32
    %dma_start3A_53 = tpu.memref_slice %arg4[%add3A_52] : memref<320000xi32, #tpu.memory_space<hbm>> -> memref<64xi32, #tpu.memory_space<hbm>>
    %dma_start3A_54 = tpu.memref_slice %arg4[%add3A_52] : memref<320000xi32, #tpu.memory_space<hbm>> -> memref<64xi32, #tpu.memory_space<hbm>>
    tpu.enqueue_dma source(%dma_start3A_54 : memref<64xi32, #tpu.memory_space<hbm>>) target(%arg11 : memref<64xi32, #tpu.memory_space<vmem>>) target_semaphore(%arg24 : memref<!tpu.dma_semaphore, #tpu.memory_space<semaphore_mem>>)
    %add3A_55 = arith.constant 64 : i32
    %add3A_56 = arith.addi %mul3A_2, %add3A_55 : i32
    %dma_start3A_57 = arith.constant 0 : i32
    %dma_start3A_58 = tpu.memref_slice %arg5[%add3A_56, %dma_start3A_57] : memref<160000x64xi32, #tpu.memory_space<hbm>> -> memref<64x64xi32, #tpu.memory_space<hbm>>
    %dma_start3A_59 = arith.constant 0 : i32
    %dma_start3A_60 = tpu.memref_slice %arg5[%add3A_56, %dma_start3A_59] : memref<160000x64xi32, #tpu.memory_space<hbm>> -> memref<64x64xi32, #tpu.memory_space<hbm>>
    tpu.enqueue_dma source(%dma_start3A_60 : memref<64x64xi32, #tpu.memory_space<hbm>>) target(%arg20 : memref<64x64xi32, #tpu.memory_space<vmem>>) target_semaphore(%arg24 : memref<!tpu.dma_semaphore, #tpu.memory_space<semaphore_mem>>)
    %dma_wait3A = arith.constant 0 : i32
    %dma_wait3A_61 = tpu.memref_slice %arg3[%dma_wait3A] : memref<320000xi32, #tpu.memory_space<hbm>> -> memref<64xi32, #tpu.memory_space<hbm>>
    %dma_wait3A_62 = arith.constant 0 : i32
    %dma_wait3A_63 = tpu.memref_slice %arg3[%dma_wait3A_62] : memref<320000xi32, #tpu.memory_space<hbm>> -> memref<64xi32, #tpu.memory_space<hbm>>
    tpu.wait_dma2 semaphore(%arg23 : memref<!tpu.dma_semaphore, #tpu.memory_space<semaphore_mem>>) src(%dma_wait3A_63 : memref<64xi32, #tpu.memory_space<hbm>>) dst(%arg7 : memref<64xi32, #tpu.memory_space<vmem>>)
    %dma_wait3A_64 = arith.constant 0 : i32
    %dma_wait3A_65 = tpu.memref_slice %arg4[%dma_wait3A_64] : memref<320000xi32, #tpu.memory_space<hbm>> -> memref<64xi32, #tpu.memory_space<hbm>>
    %dma_wait3A_66 = arith.constant 0 : i32
    %dma_wait3A_67 = tpu.memref_slice %arg4[%dma_wait3A_66] : memref<320000xi32, #tpu.memory_space<hbm>> -> memref<64xi32, #tpu.memory_space<hbm>>
    tpu.wait_dma2 semaphore(%arg23 : memref<!tpu.dma_semaphore, #tpu.memory_space<semaphore_mem>>) src(%dma_wait3A_67 : memref<64xi32, #tpu.memory_space<hbm>>) dst(%arg10 : memref<64xi32, #tpu.memory_space<vmem>>)
    %dma_wait3A_68 = arith.constant 0 : i32
    %dma_wait3A_69 = arith.constant 0 : i32
    %dma_wait3A_70 = tpu.memref_slice %arg5[%dma_wait3A_68, %dma_wait3A_69] : memref<160000x64xi32, #tpu.memory_space<hbm>> -> memref<64x64xi32, #tpu.memory_space<hbm>>
    %dma_wait3A_71 = arith.constant 0 : i32
    %dma_wait3A_72 = arith.constant 0 : i32
    %dma_wait3A_73 = tpu.memref_slice %arg5[%dma_wait3A_71, %dma_wait3A_72] : memref<160000x64xi32, #tpu.memory_space<hbm>> -> memref<64x64xi32, #tpu.memory_space<hbm>>
    tpu.wait_dma2 semaphore(%arg23 : memref<!tpu.dma_semaphore, #tpu.memory_space<semaphore_mem>>) src(%dma_wait3A_73 : memref<64x64xi32, #tpu.memory_space<hbm>>) dst(%arg19 : memref<64x64xi32, #tpu.memory_space<vmem>>)
    %dma_start3A_74 = arith.constant 0 : i32
    %dma_start3A_75 = arith.constant 0 : i32
    %dma_start3A_76 = tpu.memref_slice %arg2[%dma_start3A_74, %dma_start3A_75] : memref<10000x128xf32, #tpu.memory_space<hbm>> -> memref<10000x128xf32, #tpu.memory_space<hbm>>
    tpu.enqueue_indirect_dma source(%dma_start3A_76 : memref<10000x128xf32, #tpu.memory_space<hbm>>) target(%arg16 : memref<64x128xf32, #tpu.memory_space<vmem>>) offsets(%arg7 : memref<64xi32, #tpu.memory_space<vmem>>) semaphore(%arg26 : memref<!tpu.dma_semaphore, #tpu.memory_space<semaphore_mem>>)
    %scan3A_77 = arith.constant 0 : i32
    %scan3A_78 = arith.constant 0 : i32
    %scan3A_79 = arith.constant 26 : i32
    %scan3A_80 = arith.addi %scan3A_78, %scan3A_79 : i32
    %scan3A_81 = arith.constant 1 : i32
    scf.for %scan3A_99 = %scan3A_78 to %scan3A_80 step %scan3A_81  : i32 {
      %mul3A_100 = arith.constant 3 : i32
      %mul3A_101 = arith.muli %mul3A_100, %scan3A_99 : i32
      %ge3A = arith.constant 2 : i32
      %ge3A_102 = arith.cmpi sge, %mul3A_101, %ge3A : i32
      %convert_element_type3A_103 = arith.extui %ge3A_102 : i1 to i32
      %cond3A_104 = arith.constant 0 : i32
      %cond3A_105 = arith.cmpi ne, %convert_element_type3A_103, %cond3A_104 : i32
      scf.if %cond3A_105 {
        %dma_wait3A_283 = arith.constant 0 : i32
        %dma_wait3A_284 = arith.constant 0 : i32
        %dma_wait3A_285 = tpu.memref_slice %arg22[%dma_wait3A_283, %dma_wait3A_284] : memref<10000x128xf32, #tpu.memory_space<vmem_shared>> -> memref<10000x128xf32, #tpu.memory_space<vmem_shared>>
        tpu.wait_indirect_dma semaphore(%arg30 : memref<!tpu.dma_semaphore, #tpu.memory_space<semaphore_mem>>) src(%arg17 : memref<64x128xf32, #tpu.memory_space<vmem>>) dst(%dma_wait3A_285 : memref<10000x128xf32, #tpu.memory_space<vmem_shared>>)
      } else {
      }
      %add3A_106 = arith.constant 2 : i32
      %add3A_107 = arith.addi %mul3A_101, %add3A_106 : i32
      %lt3A_108 = arith.constant 78 : i32
      %lt3A_109 = arith.cmpi slt, %add3A_107, %lt3A_108 : i32
      %convert_element_type3A_110 = arith.extui %lt3A_109 : i1 to i32
      %cond3A_111 = arith.constant 0 : i32
      %cond3A_112 = arith.cmpi ne, %convert_element_type3A_110, %cond3A_111 : i32
      scf.if %cond3A_112 {
        %add3A_283 = arith.constant 2 : i32
        %add3A_284 = arith.addi %mul3A_101, %add3A_283 : i32
        %mul3A_285 = arith.constant 64 : i32
        %mul3A_286 = arith.muli %add3A_284, %mul3A_285 : i32
        %add3A_287 = arith.addi %add3A_4, %mul3A_286 : i32
        %dma_start3A_288 = tpu.memref_slice %arg3[%add3A_287] : memref<320000xi32, #tpu.memory_space<hbm>> -> memref<64xi32, #tpu.memory_space<hbm>>
        %dma_start3A_289 = tpu.memref_slice %arg3[%add3A_287] : memref<320000xi32, #tpu.memory_space<hbm>> -> memref<64xi32, #tpu.memory_space<hbm>>
        tpu.enqueue_dma source(%dma_start3A_289 : memref<64xi32, #tpu.memory_space<hbm>>) target(%arg9 : memref<64xi32, #tpu.memory_space<vmem>>) target_semaphore(%arg25 : memref<!tpu.dma_semaphore, #tpu.memory_space<semaphore_mem>>)
        %mul3A_290 = arith.constant 64 : i32
        %mul3A_291 = arith.muli %add3A_284, %mul3A_290 : i32
        %add3A_292 = arith.addi %add3A_4, %mul3A_291 : i32
        %dma_start3A_293 = tpu.memref_slice %arg4[%add3A_292] : memref<320000xi32, #tpu.memory_space<hbm>> -> memref<64xi32, #tpu.memory_space<hbm>>
        %dma_start3A_294 = tpu.memref_slice %arg4[%add3A_292] : memref<320000xi32, #tpu.memory_space<hbm>> -> memref<64xi32, #tpu.memory_space<hbm>>
        tpu.enqueue_dma source(%dma_start3A_294 : memref<64xi32, #tpu.memory_space<hbm>>) target(%arg12 : memref<64xi32, #tpu.memory_space<vmem>>) target_semaphore(%arg25 : memref<!tpu.dma_semaphore, #tpu.memory_space<semaphore_mem>>)
        %mul3A_295 = arith.constant 64 : i32
        %mul3A_296 = arith.muli %add3A_284, %mul3A_295 : i32
        %add3A_297 = arith.addi %mul3A_2, %mul3A_296 : i32
        %dma_start3A_298 = arith.constant 0 : i32
        %dma_start3A_299 = tpu.memref_slice %arg5[%add3A_297, %dma_start3A_298] : memref<160000x64xi32, #tpu.memory_space<hbm>> -> memref<64x64xi32, #tpu.memory_space<hbm>>
        %dma_start3A_300 = arith.constant 0 : i32
        %dma_start3A_301 = tpu.memref_slice %arg5[%add3A_297, %dma_start3A_300] : memref<160000x64xi32, #tpu.memory_space<hbm>> -> memref<64x64xi32, #tpu.memory_space<hbm>>
        tpu.enqueue_dma source(%dma_start3A_301 : memref<64x64xi32, #tpu.memory_space<hbm>>) target(%arg21 : memref<64x64xi32, #tpu.memory_space<vmem>>) target_semaphore(%arg25 : memref<!tpu.dma_semaphore, #tpu.memory_space<semaphore_mem>>)
      } else {
      }
      %add3A_113 = arith.constant 1 : i32
      %add3A_114 = arith.addi %mul3A_101, %add3A_113 : i32
      %lt3A_115 = arith.constant 78 : i32
      %lt3A_116 = arith.cmpi slt, %add3A_114, %lt3A_115 : i32
      %convert_element_type3A_117 = arith.extui %lt3A_116 : i1 to i32
      %cond3A_118 = arith.constant 0 : i32
      %cond3A_119 = arith.cmpi ne, %convert_element_type3A_117, %cond3A_118 : i32
      scf.if %cond3A_119 {
        %dma_wait3A_283 = arith.constant 0 : i32
        %dma_wait3A_284 = tpu.memref_slice %arg3[%dma_wait3A_283] : memref<320000xi32, #tpu.memory_space<hbm>> -> memref<64xi32, #tpu.memory_space<hbm>>
        %dma_wait3A_285 = arith.constant 0 : i32
        %dma_wait3A_286 = tpu.memref_slice %arg3[%dma_wait3A_285] : memref<320000xi32, #tpu.memory_space<hbm>> -> memref<64xi32, #tpu.memory_space<hbm>>
        tpu.wait_dma2 semaphore(%arg24 : memref<!tpu.dma_semaphore, #tpu.memory_space<semaphore_mem>>) src(%dma_wait3A_286 : memref<64xi32, #tpu.memory_space<hbm>>) dst(%arg8 : memref<64xi32, #tpu.memory_space<vmem>>)
        %dma_wait3A_287 = arith.constant 0 : i32
        %dma_wait3A_288 = tpu.memref_slice %arg4[%dma_wait3A_287] : memref<320000xi32, #tpu.memory_space<hbm>> -> memref<64xi32, #tpu.memory_space<hbm>>
        %dma_wait3A_289 = arith.constant 0 : i32
        %dma_wait3A_290 = tpu.memref_slice %arg4[%dma_wait3A_289] : memref<320000xi32, #tpu.memory_space<hbm>> -> memref<64xi32, #tpu.memory_space<hbm>>
        tpu.wait_dma2 semaphore(%arg24 : memref<!tpu.dma_semaphore, #tpu.memory_space<semaphore_mem>>) src(%dma_wait3A_290 : memref<64xi32, #tpu.memory_space<hbm>>) dst(%arg11 : memref<64xi32, #tpu.memory_space<vmem>>)
        %dma_wait3A_291 = arith.constant 0 : i32
        %dma_wait3A_292 = arith.constant 0 : i32
        %dma_wait3A_293 = tpu.memref_slice %arg5[%dma_wait3A_291, %dma_wait3A_292] : memref<160000x64xi32, #tpu.memory_space<hbm>> -> memref<64x64xi32, #tpu.memory_space<hbm>>
        %dma_wait3A_294 = arith.constant 0 : i32
        %dma_wait3A_295 = arith.constant 0 : i32
        %dma_wait3A_296 = tpu.memref_slice %arg5[%dma_wait3A_294, %dma_wait3A_295] : memref<160000x64xi32, #tpu.memory_space<hbm>> -> memref<64x64xi32, #tpu.memory_space<hbm>>
        tpu.wait_dma2 semaphore(%arg24 : memref<!tpu.dma_semaphore, #tpu.memory_space<semaphore_mem>>) src(%dma_wait3A_296 : memref<64x64xi32, #tpu.memory_space<hbm>>) dst(%arg20 : memref<64x64xi32, #tpu.memory_space<vmem>>)
        %dma_start3A_297 = arith.constant 0 : i32
        %dma_start3A_298 = arith.constant 0 : i32
        %dma_start3A_299 = tpu.memref_slice %arg2[%dma_start3A_297, %dma_start3A_298] : memref<10000x128xf32, #tpu.memory_space<hbm>> -> memref<10000x128xf32, #tpu.memory_space<hbm>>
        tpu.enqueue_indirect_dma source(%dma_start3A_299 : memref<10000x128xf32, #tpu.memory_space<hbm>>) target(%arg17 : memref<64x128xf32, #tpu.memory_space<vmem>>) offsets(%arg8 : memref<64xi32, #tpu.memory_space<vmem>>) semaphore(%arg27 : memref<!tpu.dma_semaphore, #tpu.memory_space<semaphore_mem>>)
      } else {
      }
      %dma_wait3A_120 = arith.constant 0 : i32
      %dma_wait3A_121 = arith.constant 0 : i32
      %dma_wait3A_122 = tpu.memref_slice %arg2[%dma_wait3A_120, %dma_wait3A_121] : memref<10000x128xf32, #tpu.memory_space<hbm>> -> memref<10000x128xf32, #tpu.memory_space<hbm>>
      tpu.wait_indirect_dma semaphore(%arg26 : memref<!tpu.dma_semaphore, #tpu.memory_space<semaphore_mem>>) src(%dma_wait3A_122 : memref<10000x128xf32, #tpu.memory_space<hbm>>) dst(%arg16 : memref<64x128xf32, #tpu.memory_space<vmem>>)
      %scan3A_123 = arith.constant 0 : i32
      %scan3A_124 = arith.constant -65536 : i32
      %scan3A_125 = arith.constant 0 : i32
      %scan3A_126 = arith.constant 64 : i32
      %scan3A_127 = arith.addi %scan3A_125, %scan3A_126 : i32
      %scan3A_128 = arith.constant 1 : i32
      scf.for %scan3A_283 = %scan3A_125 to %scan3A_127 step %scan3A_128  : i32 {
        %get3A_284 = arith.index_cast %scan3A_283 : i32 to index
        %get3A_285 = arith.constant 0 : index
        %get3A_286 = tpu.vector_load %arg19[%get3A_284, %get3A_285] {strides = array<i32>} : memref<64x64xi32, #tpu.memory_space<vmem>>, vector<1x16xi32>,
        %get3A_287 = vector.shape_cast %get3A_286 : vector<1x16xi32> to vector<16xi32>
        %shift_left3A = arith.constant 16 : i32
        %shift_left3A_288 = vector.broadcast %shift_left3A : i32 to vector<16xi32>
        %shift_left3A_289 = arith.shli %get3A_287, %shift_left3A_288 : vector<16xi32>
        %bitcast_convert_type3A = tpu.bitcast %shift_left3A_289 : vector<16xi32> -> vector<16xf32>
        %and3A = vector.broadcast %scan3A_124 : i32 to vector<16xi32>
        %and3A_290 = arith.andi %get3A_287, %and3A : vector<16xi32>
        %bitcast_convert_type3A_291 = tpu.bitcast %and3A_290 : vector<16xi32> -> vector<16xf32>
        %get3A_292 = arith.index_cast %scan3A_283 : i32 to index
        %get3A_293 = arith.constant 0 : index
        %get3A_294 = tpu.vector_load %arg16[%get3A_292, %get3A_293] {strides = array<i32>} : memref<64x128xf32, #tpu.memory_space<vmem>>, vector<1x16xf32>,
        %get3A_295 = vector.shape_cast %get3A_294 : vector<1x16xf32> to vector<16xf32>
        %mul3A_296 = arith.mulf %get3A_295, %bitcast_convert_type3A : vector<16xf32>
        %swap3A_297 = arith.index_cast %scan3A_283 : i32 to index
        %swap3A_298 = arith.constant 0 : index
        %swap3A_299 = tpu.vector_load %arg16[%swap3A_297, %swap3A_298] {strides = array<i32>} : memref<64x128xf32, #tpu.memory_space<vmem>>, vector<1x16xf32>,
        %swap3A_300 = vector.shape_cast %swap3A_299 : vector<1x16xf32> to vector<16xf32>
        %swap3A_301 = vector.shape_cast %mul3A_296 : vector<16xf32> to vector<1x16xf32>
        tpu.vector_store %arg16[%swap3A_297, %swap3A_298], %swap3A_301 {strides = array<i32>} : memref<64x128xf32, #tpu.memory_space<vmem>>, vector<1x16xf32>,
        %get3A_302 = arith.index_cast %scan3A_283 : i32 to index
        %get3A_303 = arith.constant 16 : index
        %get3A_304 = tpu.vector_load %arg16[%get3A_302, %get3A_303] {strides = array<i32>} : memref<64x128xf32, #tpu.memory_space<vmem>>, vector<1x16xf32>,
        %get3A_305 = vector.shape_cast %get3A_304 : vector<1x16xf32> to vector<16xf32>
        %mul3A_306 = arith.mulf %get3A_305, %bitcast_convert_type3A_291 : vector<16xf32>
        %swap3A_307 = arith.index_cast %scan3A_283 : i32 to index
        %swap3A_308 = arith.constant 16 : index
        %swap3A_309 = tpu.vector_load %arg16[%swap3A_307, %swap3A_308] {strides = array<i32>} : memref<64x128xf32, #tpu.memory_space<vmem>>, vector<1x16xf32>,
        %swap3A_310 = vector.shape_cast %swap3A_309 : vector<1x16xf32> to vector<16xf32>
        %swap3A_311 = vector.shape_cast %mul3A_306 : vector<16xf32> to vector<1x16xf32>
        tpu.vector_store %arg16[%swap3A_307, %swap3A_308], %swap3A_311 {strides = array<i32>} : memref<64x128xf32, #tpu.memory_space<vmem>>, vector<1x16xf32>,
        %get3A_312 = arith.index_cast %scan3A_283 : i32 to index
        %get3A_313 = arith.constant 16 : index
        %get3A_314 = tpu.vector_load %arg19[%get3A_312, %get3A_313] {strides = array<i32>} : memref<64x64xi32, #tpu.memory_space<vmem>>, vector<1x16xi32>,
        %get3A_315 = vector.shape_cast %get3A_314 : vector<1x16xi32> to vector<16xi32>
        %shift_left3A_316 = arith.constant 16 : i32
        %shift_left3A_317 = vector.broadcast %shift_left3A_316 : i32 to vector<16xi32>
        %shift_left3A_318 = arith.shli %get3A_315, %shift_left3A_317 : vector<16xi32>
        %bitcast_convert_type3A_319 = tpu.bitcast %shift_left3A_318 : vector<16xi32> -> vector<16xf32>
        %and3A_320 = vector.broadcast %scan3A_124 : i32 to vector<16xi32>
        %and3A_321 = arith.andi %get3A_315, %and3A_320 : vector<16xi32>
        %bitcast_convert_type3A_322 = tpu.bitcast %and3A_321 : vector<16xi32> -> vector<16xf32>
        %get3A_323 = arith.index_cast %scan3A_283 : i32 to index
        %get3A_324 = arith.constant 32 : index
        %get3A_325 = tpu.vector_load %arg16[%get3A_323, %get3A_324] {strides = array<i32>} : memref<64x128xf32, #tpu.memory_space<vmem>>, vector<1x16xf32>,
        %get3A_326 = vector.shape_cast %get3A_325 : vector<1x16xf32> to vector<16xf32>
        %mul3A_327 = arith.mulf %get3A_326, %bitcast_convert_type3A_319 : vector<16xf32>
        %swap3A_328 = arith.index_cast %scan3A_283 : i32 to index
        %swap3A_329 = arith.constant 32 : index
        %swap3A_330 = tpu.vector_load %arg16[%swap3A_328, %swap3A_329] {strides = array<i32>} : memref<64x128xf32, #tpu.memory_space<vmem>>, vector<1x16xf32>,
        %swap3A_331 = vector.shape_cast %swap3A_330 : vector<1x16xf32> to vector<16xf32>
        %swap3A_332 = vector.shape_cast %mul3A_327 : vector<16xf32> to vector<1x16xf32>
        tpu.vector_store %arg16[%swap3A_328, %swap3A_329], %swap3A_332 {strides = array<i32>} : memref<64x128xf32, #tpu.memory_space<vmem>>, vector<1x16xf32>,
        %get3A_333 = arith.index_cast %scan3A_283 : i32 to index
        %get3A_334 = arith.constant 48 : index
        %get3A_335 = tpu.vector_load %arg16[%get3A_333, %get3A_334] {strides = array<i32>} : memref<64x128xf32, #tpu.memory_space<vmem>>, vector<1x16xf32>,
        %get3A_336 = vector.shape_cast %get3A_335 : vector<1x16xf32> to vector<16xf32>
        %mul3A_337 = arith.mulf %get3A_336, %bitcast_convert_type3A_322 : vector<16xf32>
        %swap3A_338 = arith.index_cast %scan3A_283 : i32 to index
        %swap3A_339 = arith.constant 48 : index
        %swap3A_340 = tpu.vector_load %arg16[%swap3A_338, %swap3A_339] {strides = array<i32>} : memref<64x128xf32, #tpu.memory_space<vmem>>, vector<1x16xf32>,
        %swap3A_341 = vector.shape_cast %swap3A_340 : vector<1x16xf32> to vector<16xf32>
        %swap3A_342 = vector.shape_cast %mul3A_337 : vector<16xf32> to vector<1x16xf32>
        tpu.vector_store %arg16[%swap3A_338, %swap3A_339], %swap3A_342 {strides = array<i32>} : memref<64x128xf32, #tpu.memory_space<vmem>>, vector<1x16xf32>,
        %get3A_343 = arith.index_cast %scan3A_283 : i32 to index
        %get3A_344 = arith.constant 32 : index
        %get3A_345 = tpu.vector_load %arg19[%get3A_343, %get3A_344] {strides = array<i32>} : memref<64x64xi32, #tpu.memory_space<vmem>>, vector<1x16xi32>,
        %get3A_346 = vector.shape_cast %get3A_345 : vector<1x16xi32> to vector<16xi32>
        %shift_left3A_347 = arith.constant 16 : i32
        %shift_left3A_348 = vector.broadcast %shift_left3A_347 : i32 to vector<16xi32>
        %shift_left3A_349 = arith.shli %get3A_346, %shift_left3A_348 : vector<16xi32>
        %bitcast_convert_type3A_350 = tpu.bitcast %shift_left3A_349 : vector<16xi32> -> vector<16xf32>
        %and3A_351 = vector.broadcast %scan3A_124 : i32 to vector<16xi32>
        %and3A_352 = arith.andi %get3A_346, %and3A_351 : vector<16xi32>
        %bitcast_convert_type3A_353 = tpu.bitcast %and3A_352 : vector<16xi32> -> vector<16xf32>
        %get3A_354 = arith.index_cast %scan3A_283 : i32 to index
        %get3A_355 = arith.constant 64 : index
        %get3A_356 = tpu.vector_load %arg16[%get3A_354, %get3A_355] {strides = array<i32>} : memref<64x128xf32, #tpu.memory_space<vmem>>, vector<1x16xf32>,
        %get3A_357 = vector.shape_cast %get3A_356 : vector<1x16xf32> to vector<16xf32>
        %mul3A_358 = arith.mulf %get3A_357, %bitcast_convert_type3A_350 : vector<16xf32>
        %swap3A_359 = arith.index_cast %scan3A_283 : i32 to index
        %swap3A_360 = arith.constant 64 : index
        %swap3A_361 = tpu.vector_load %arg16[%swap3A_359, %swap3A_360] {strides = array<i32>} : memref<64x128xf32, #tpu.memory_space<vmem>>, vector<1x16xf32>,
        %swap3A_362 = vector.shape_cast %swap3A_361 : vector<1x16xf32> to vector<16xf32>
        %swap3A_363 = vector.shape_cast %mul3A_358 : vector<16xf32> to vector<1x16xf32>
        tpu.vector_store %arg16[%swap3A_359, %swap3A_360], %swap3A_363 {strides = array<i32>} : memref<64x128xf32, #tpu.memory_space<vmem>>, vector<1x16xf32>,
        %get3A_364 = arith.index_cast %scan3A_283 : i32 to index
        %get3A_365 = arith.constant 80 : index
        %get3A_366 = tpu.vector_load %arg16[%get3A_364, %get3A_365] {strides = array<i32>} : memref<64x128xf32, #tpu.memory_space<vmem>>, vector<1x16xf32>,
        %get3A_367 = vector.shape_cast %get3A_366 : vector<1x16xf32> to vector<16xf32>
        %mul3A_368 = arith.mulf %get3A_367, %bitcast_convert_type3A_353 : vector<16xf32>
        %swap3A_369 = arith.index_cast %scan3A_283 : i32 to index
        %swap3A_370 = arith.constant 80 : index
        %swap3A_371 = tpu.vector_load %arg16[%swap3A_369, %swap3A_370] {strides = array<i32>} : memref<64x128xf32, #tpu.memory_space<vmem>>, vector<1x16xf32>,
        %swap3A_372 = vector.shape_cast %swap3A_371 : vector<1x16xf32> to vector<16xf32>
        %swap3A_373 = vector.shape_cast %mul3A_368 : vector<16xf32> to vector<1x16xf32>
        tpu.vector_store %arg16[%swap3A_369, %swap3A_370], %swap3A_373 {strides = array<i32>} : memref<64x128xf32, #tpu.memory_space<vmem>>, vector<1x16xf32>,
        %get3A_374 = arith.index_cast %scan3A_283 : i32 to index
        %get3A_375 = arith.constant 48 : index
        %get3A_376 = tpu.vector_load %arg19[%get3A_374, %get3A_375] {strides = array<i32>} : memref<64x64xi32, #tpu.memory_space<vmem>>, vector<1x16xi32>,
        %get3A_377 = vector.shape_cast %get3A_376 : vector<1x16xi32> to vector<16xi32>
        %shift_left3A_378 = arith.constant 16 : i32
        %shift_left3A_379 = vector.broadcast %shift_left3A_378 : i32 to vector<16xi32>
        %shift_left3A_380 = arith.shli %get3A_377, %shift_left3A_379 : vector<16xi32>
        %bitcast_convert_type3A_381 = tpu.bitcast %shift_left3A_380 : vector<16xi32> -> vector<16xf32>
        %and3A_382 = vector.broadcast %scan3A_124 : i32 to vector<16xi32>
        %and3A_383 = arith.andi %get3A_377, %and3A_382 : vector<16xi32>
        %bitcast_convert_type3A_384 = tpu.bitcast %and3A_383 : vector<16xi32> -> vector<16xf32>
        %get3A_385 = arith.index_cast %scan3A_283 : i32 to index
        %get3A_386 = arith.constant 96 : index
        %get3A_387 = tpu.vector_load %arg16[%get3A_385, %get3A_386] {strides = array<i32>} : memref<64x128xf32, #tpu.memory_space<vmem>>, vector<1x16xf32>,
        %get3A_388 = vector.shape_cast %get3A_387 : vector<1x16xf32> to vector<16xf32>
        %mul3A_389 = arith.mulf %get3A_388, %bitcast_convert_type3A_381 : vector<16xf32>
        %swap3A_390 = arith.index_cast %scan3A_283 : i32 to index
        %swap3A_391 = arith.constant 96 : index
        %swap3A_392 = tpu.vector_load %arg16[%swap3A_390, %swap3A_391] {strides = array<i32>} : memref<64x128xf32, #tpu.memory_space<vmem>>, vector<1x16xf32>,
        %swap3A_393 = vector.shape_cast %swap3A_392 : vector<1x16xf32> to vector<16xf32>
        %swap3A_394 = vector.shape_cast %mul3A_389 : vector<16xf32> to vector<1x16xf32>
        tpu.vector_store %arg16[%swap3A_390, %swap3A_391], %swap3A_394 {strides = array<i32>} : memref<64x128xf32, #tpu.memory_space<vmem>>, vector<1x16xf32>,
        %get3A_395 = arith.index_cast %scan3A_283 : i32 to index
        %get3A_396 = arith.constant 112 : index
        %get3A_397 = tpu.vector_load %arg16[%get3A_395, %get3A_396] {strides = array<i32>} : memref<64x128xf32, #tpu.memory_space<vmem>>, vector<1x16xf32>,
        %get3A_398 = vector.shape_cast %get3A_397 : vector<1x16xf32> to vector<16xf32>
        %mul3A_399 = arith.mulf %get3A_398, %bitcast_convert_type3A_384 : vector<16xf32>
        %swap3A_400 = arith.index_cast %scan3A_283 : i32 to index
        %swap3A_401 = arith.constant 112 : index
        %swap3A_402 = tpu.vector_load %arg16[%swap3A_400, %swap3A_401] {strides = array<i32>} : memref<64x128xf32, #tpu.memory_space<vmem>>, vector<1x16xf32>,
        %swap3A_403 = vector.shape_cast %swap3A_402 : vector<1x16xf32> to vector<16xf32>
        %swap3A_404 = vector.shape_cast %mul3A_399 : vector<16xf32> to vector<1x16xf32>
        tpu.vector_store %arg16[%swap3A_400, %swap3A_401], %swap3A_404 {strides = array<i32>} : memref<64x128xf32, #tpu.memory_space<vmem>>, vector<1x16xf32>,
      }
      %scan3A_129 = arith.constant 64 : i32
      %get3A = arith.constant 0 : index
      %get3A_130 = tpu.vector_load %arg10[%get3A] {strides = array<i32>} : memref<64xi32, #tpu.memory_space<vmem>>, vector<16xi32>,
      %get3A_131 = vector.shape_cast %get3A_130 : vector<16xi32> to vector<16xi32>
      %swap3A = arith.constant 0 : index
      %swap3A_132 = tpu.vector_load %arg13[%swap3A] {strides = array<i32>} : memref<64xi32, #tpu.memory_space<vmem>>, vector<16xi32>,
      %swap3A_133 = vector.shape_cast %swap3A_132 : vector<16xi32> to vector<16xi32>
      %swap3A_134 = vector.shape_cast %get3A_131 : vector<16xi32> to vector<16xi32>
      tpu.vector_store %arg13[%swap3A], %swap3A_134 {strides = array<i32>} : memref<64xi32, #tpu.memory_space<vmem>>, vector<16xi32>,
      %get3A_135 = arith.constant 16 : index
      %get3A_136 = tpu.vector_load %arg10[%get3A_135] {strides = array<i32>} : memref<64xi32, #tpu.memory_space<vmem>>, vector<16xi32>,
      %get3A_137 = vector.shape_cast %get3A_136 : vector<16xi32> to vector<16xi32>
      %swap3A_138 = arith.constant 16 : index
      %swap3A_139 = tpu.vector_load %arg13[%swap3A_138] {strides = array<i32>} : memref<64xi32, #tpu.memory_space<vmem>>, vector<16xi32>,
      %swap3A_140 = vector.shape_cast %swap3A_139 : vector<16xi32> to vector<16xi32>
      %swap3A_141 = vector.shape_cast %get3A_137 : vector<16xi32> to vector<16xi32>
      tpu.vector_store %arg13[%swap3A_138], %swap3A_141 {strides = array<i32>} : memref<64xi32, #tpu.memory_space<vmem>>, vector<16xi32>,
      %get3A_142 = arith.constant 32 : index
      %get3A_143 = tpu.vector_load %arg10[%get3A_142] {strides = array<i32>} : memref<64xi32, #tpu.memory_space<vmem>>, vector<16xi32>,
      %get3A_144 = vector.shape_cast %get3A_143 : vector<16xi32> to vector<16xi32>
      %swap3A_145 = arith.constant 32 : index
      %swap3A_146 = tpu.vector_load %arg13[%swap3A_145] {strides = array<i32>} : memref<64xi32, #tpu.memory_space<vmem>>, vector<16xi32>,
      %swap3A_147 = vector.shape_cast %swap3A_146 : vector<16xi32> to vector<16xi32>
      %swap3A_148 = vector.shape_cast %get3A_144 : vector<16xi32> to vector<16xi32>
      tpu.vector_store %arg13[%swap3A_145], %swap3A_148 {strides = array<i32>} : memref<64xi32, #tpu.memory_space<vmem>>, vector<16xi32>,
      %get3A_149 = arith.constant 48 : index
      %get3A_150 = tpu.vector_load %arg10[%get3A_149] {strides = array<i32>} : memref<64xi32, #tpu.memory_space<vmem>>, vector<16xi32>,
      %get3A_151 = vector.shape_cast %get3A_150 : vector<16xi32> to vector<16xi32>
      %swap3A_152 = arith.constant 48 : index
      %swap3A_153 = tpu.vector_load %arg13[%swap3A_152] {strides = array<i32>} : memref<64xi32, #tpu.memory_space<vmem>>, vector<16xi32>,
      %swap3A_154 = vector.shape_cast %swap3A_153 : vector<16xi32> to vector<16xi32>
      %swap3A_155 = vector.shape_cast %get3A_151 : vector<16xi32> to vector<16xi32>
      tpu.vector_store %arg13[%swap3A_152], %swap3A_155 {strides = array<i32>} : memref<64xi32, #tpu.memory_space<vmem>>, vector<16xi32>,
      %dma_start3A_156 = arith.constant 0 : i32
      %dma_start3A_157 = arith.constant 0 : i32
      %dma_start3A_158 = tpu.memref_slice %arg22[%dma_start3A_156, %dma_start3A_157] : memref<10000x128xf32, #tpu.memory_space<vmem_shared>> -> memref<10000x128xf32, #tpu.memory_space<vmem_shared>>
      tpu.enqueue_indirect_dma source(%arg16 : memref<64x128xf32, #tpu.memory_space<vmem>>) target(%dma_start3A_158 : memref<10000x128xf32, #tpu.memory_space<vmem_shared>>) offsets(%arg13 : memref<64xi32, #tpu.memory_space<vmem>>) semaphore(%arg29 : memref<!tpu.dma_semaphore, #tpu.memory_space<semaphore_mem>>) {add = true}
      %add3A_159 = arith.constant 1 : i32
      %add3A_160 = arith.addi %mul3A_101, %add3A_159 : i32
      %ge3A_161 = arith.constant 2 : i32
      %ge3A_162 = arith.cmpi sge, %add3A_160, %ge3A_161 : i32
      %convert_element_type3A_163 = arith.extui %ge3A_162 : i1 to i32
      %cond3A_164 = arith.constant 0 : i32
      %cond3A_165 = arith.cmpi ne, %convert_element_type3A_163, %cond3A_164 : i32
      scf.if %cond3A_165 {
        %dma_wait3A_283 = arith.constant 0 : i32
        %dma_wait3A_284 = arith.constant 0 : i32
        %dma_wait3A_285 = tpu.memref_slice %arg22[%dma_wait3A_283, %dma_wait3A_284] : memref<10000x128xf32, #tpu.memory_space<vmem_shared>> -> memref<10000x128xf32, #tpu.memory_space<vmem_shared>>
        tpu.wait_indirect_dma semaphore(%arg31 : memref<!tpu.dma_semaphore, #tpu.memory_space<semaphore_mem>>) src(%arg18 : memref<64x128xf32, #tpu.memory_space<vmem>>) dst(%dma_wait3A_285 : memref<10000x128xf32, #tpu.memory_space<vmem_shared>>)
      } else {
      }
      %add3A_166 = arith.constant 2 : i32
      %add3A_167 = arith.addi %add3A_160, %add3A_166 : i32
      %lt3A_168 = arith.constant 78 : i32
      %lt3A_169 = arith.cmpi slt, %add3A_167, %lt3A_168 : i32
      %convert_element_type3A_170 = arith.extui %lt3A_169 : i1 to i32
      %cond3A_171 = arith.constant 0 : i32
      %cond3A_172 = arith.cmpi ne, %convert_element_type3A_170, %cond3A_171 : i32
      scf.if %cond3A_172 {
        %add3A_283 = arith.constant 2 : i32
        %add3A_284 = arith.addi %add3A_160, %add3A_283 : i32
        %mul3A_285 = arith.constant 64 : i32
        %mul3A_286 = arith.muli %add3A_284, %mul3A_285 : i32
        %add3A_287 = arith.addi %add3A_4, %mul3A_286 : i32
        %dma_start3A_288 = tpu.memref_slice %arg3[%add3A_287] : memref<320000xi32, #tpu.memory_space<hbm>> -> memref<64xi32, #tpu.memory_space<hbm>>
        %dma_start3A_289 = tpu.memref_slice %arg3[%add3A_287] : memref<320000xi32, #tpu.memory_space<hbm>> -> memref<64xi32, #tpu.memory_space<hbm>>
        tpu.enqueue_dma source(%dma_start3A_289 : memref<64xi32, #tpu.memory_space<hbm>>) target(%arg7 : memref<64xi32, #tpu.memory_space<vmem>>) target_semaphore(%arg23 : memref<!tpu.dma_semaphore, #tpu.memory_space<semaphore_mem>>)
        %mul3A_290 = arith.constant 64 : i32
        %mul3A_291 = arith.muli %add3A_284, %mul3A_290 : i32
        %add3A_292 = arith.addi %add3A_4, %mul3A_291 : i32
        %dma_start3A_293 = tpu.memref_slice %arg4[%add3A_292] : memref<320000xi32, #tpu.memory_space<hbm>> -> memref<64xi32, #tpu.memory_space<hbm>>
        %dma_start3A_294 = tpu.memref_slice %arg4[%add3A_292] : memref<320000xi32, #tpu.memory_space<hbm>> -> memref<64xi32, #tpu.memory_space<hbm>>
        tpu.enqueue_dma source(%dma_start3A_294 : memref<64xi32, #tpu.memory_space<hbm>>) target(%arg10 : memref<64xi32, #tpu.memory_space<vmem>>) target_semaphore(%arg23 : memref<!tpu.dma_semaphore, #tpu.memory_space<semaphore_mem>>)
        %mul3A_295 = arith.constant 64 : i32
        %mul3A_296 = arith.muli %add3A_284, %mul3A_295 : i32
        %add3A_297 = arith.addi %mul3A_2, %mul3A_296 : i32
        %dma_start3A_298 = arith.constant 0 : i32
        %dma_start3A_299 = tpu.memref_slice %arg5[%add3A_297, %dma_start3A_298] : memref<160000x64xi32, #tpu.memory_space<hbm>> -> memref<64x64xi32, #tpu.memory_space<hbm>>
        %dma_start3A_300 = arith.constant 0 : i32
        %dma_start3A_301 = tpu.memref_slice %arg5[%add3A_297, %dma_start3A_300] : memref<160000x64xi32, #tpu.memory_space<hbm>> -> memref<64x64xi32, #tpu.memory_space<hbm>>
        tpu.enqueue_dma source(%dma_start3A_301 : memref<64x64xi32, #tpu.memory_space<hbm>>) target(%arg19 : memref<64x64xi32, #tpu.memory_space<vmem>>) target_semaphore(%arg23 : memref<!tpu.dma_semaphore, #tpu.memory_space<semaphore_mem>>)
      } else {
      }
      %add3A_173 = arith.constant 1 : i32
      %add3A_174 = arith.addi %add3A_160, %add3A_173 : i32
      %lt3A_175 = arith.constant 78 : i32
      %lt3A_176 = arith.cmpi slt, %add3A_174, %lt3A_175 : i32
      %convert_element_type3A_177 = arith.extui %lt3A_176 : i1 to i32
      %cond3A_178 = arith.constant 0 : i32
      %cond3A_179 = arith.cmpi ne, %convert_element_type3A_177, %cond3A_178 : i32
      scf.if %cond3A_179 {
        %dma_wait3A_283 = arith.constant 0 : i32
        %dma_wait3A_284 = tpu.memref_slice %arg3[%dma_wait3A_283] : memref<320000xi32, #tpu.memory_space<hbm>> -> memref<64xi32, #tpu.memory_space<hbm>>
        %dma_wait3A_285 = arith.constant 0 : i32
        %dma_wait3A_286 = tpu.memref_slice %arg3[%dma_wait3A_285] : memref<320000xi32, #tpu.memory_space<hbm>> -> memref<64xi32, #tpu.memory_space<hbm>>
        tpu.wait_dma2 semaphore(%arg25 : memref<!tpu.dma_semaphore, #tpu.memory_space<semaphore_mem>>) src(%dma_wait3A_286 : memref<64xi32, #tpu.memory_space<hbm>>) dst(%arg9 : memref<64xi32, #tpu.memory_space<vmem>>)
        %dma_wait3A_287 = arith.constant 0 : i32
        %dma_wait3A_288 = tpu.memref_slice %arg4[%dma_wait3A_287] : memref<320000xi32, #tpu.memory_space<hbm>> -> memref<64xi32, #tpu.memory_space<hbm>>
        %dma_wait3A_289 = arith.constant 0 : i32
        %dma_wait3A_290 = tpu.memref_slice %arg4[%dma_wait3A_289] : memref<320000xi32, #tpu.memory_space<hbm>> -> memref<64xi32, #tpu.memory_space<hbm>>
        tpu.wait_dma2 semaphore(%arg25 : memref<!tpu.dma_semaphore, #tpu.memory_space<semaphore_mem>>) src(%dma_wait3A_290 : memref<64xi32, #tpu.memory_space<hbm>>) dst(%arg12 : memref<64xi32, #tpu.memory_space<vmem>>)
        %dma_wait3A_291 = arith.constant 0 : i32
        %dma_wait3A_292 = arith.constant 0 : i32
        %dma_wait3A_293 = tpu.memref_slice %arg5[%dma_wait3A_291, %dma_wait3A_292] : memref<160000x64xi32, #tpu.memory_space<hbm>> -> memref<64x64xi32, #tpu.memory_space<hbm>>
        %dma_wait3A_294 = arith.constant 0 : i32
        %dma_wait3A_295 = arith.constant 0 : i32
        %dma_wait3A_296 = tpu.memref_slice %arg5[%dma_wait3A_294, %dma_wait3A_295] : memref<160000x64xi32, #tpu.memory_space<hbm>> -> memref<64x64xi32, #tpu.memory_space<hbm>>
        tpu.wait_dma2 semaphore(%arg25 : memref<!tpu.dma_semaphore, #tpu.memory_space<semaphore_mem>>) src(%dma_wait3A_296 : memref<64x64xi32, #tpu.memory_space<hbm>>) dst(%arg21 : memref<64x64xi32, #tpu.memory_space<vmem>>)
        %dma_start3A_297 = arith.constant 0 : i32
        %dma_start3A_298 = arith.constant 0 : i32
        %dma_start3A_299 = tpu.memref_slice %arg2[%dma_start3A_297, %dma_start3A_298] : memref<10000x128xf32, #tpu.memory_space<hbm>> -> memref<10000x128xf32, #tpu.memory_space<hbm>>
        tpu.enqueue_indirect_dma source(%dma_start3A_299 : memref<10000x128xf32, #tpu.memory_space<hbm>>) target(%arg18 : memref<64x128xf32, #tpu.memory_space<vmem>>) offsets(%arg9 : memref<64xi32, #tpu.memory_space<vmem>>) semaphore(%arg28 : memref<!tpu.dma_semaphore, #tpu.memory_space<semaphore_mem>>)
      } else {
      }
      %dma_wait3A_180 = arith.constant 0 : i32
      %dma_wait3A_181 = arith.constant 0 : i32
      %dma_wait3A_182 = tpu.memref_slice %arg2[%dma_wait3A_180, %dma_wait3A_181] : memref<10000x128xf32, #tpu.memory_space<hbm>> -> memref<10000x128xf32, #tpu.memory_space<hbm>>
      tpu.wait_indirect_dma semaphore(%arg27 : memref<!tpu.dma_semaphore, #tpu.memory_space<semaphore_mem>>) src(%dma_wait3A_182 : memref<10000x128xf32, #tpu.memory_space<hbm>>) dst(%arg17 : memref<64x128xf32, #tpu.memory_space<vmem>>)
      %scan3A_183 = arith.constant 0 : i32
      %scan3A_184 = arith.constant -65536 : i32
      %scan3A_185 = arith.constant 0 : i32
      %scan3A_186 = arith.constant 64 : i32
      %scan3A_187 = arith.addi %scan3A_185, %scan3A_186 : i32
      %scan3A_188 = arith.constant 1 : i32
      scf.for %scan3A_283 = %scan3A_185 to %scan3A_187 step %scan3A_188  : i32 {
        %get3A_284 = arith.index_cast %scan3A_283 : i32 to index
        %get3A_285 = arith.constant 0 : index
        %get3A_286 = tpu.vector_load %arg20[%get3A_284, %get3A_285] {strides = array<i32>} : memref<64x64xi32, #tpu.memory_space<vmem>>, vector<1x16xi32>,
        %get3A_287 = vector.shape_cast %get3A_286 : vector<1x16xi32> to vector<16xi32>
        %shift_left3A = arith.constant 16 : i32
        %shift_left3A_288 = vector.broadcast %shift_left3A : i32 to vector<16xi32>
        %shift_left3A_289 = arith.shli %get3A_287, %shift_left3A_288 : vector<16xi32>
        %bitcast_convert_type3A = tpu.bitcast %shift_left3A_289 : vector<16xi32> -> vector<16xf32>
        %and3A = vector.broadcast %scan3A_184 : i32 to vector<16xi32>
        %and3A_290 = arith.andi %get3A_287, %and3A : vector<16xi32>
        %bitcast_convert_type3A_291 = tpu.bitcast %and3A_290 : vector<16xi32> -> vector<16xf32>
        %get3A_292 = arith.index_cast %scan3A_283 : i32 to index
        %get3A_293 = arith.constant 0 : index
        %get3A_294 = tpu.vector_load %arg17[%get3A_292, %get3A_293] {strides = array<i32>} : memref<64x128xf32, #tpu.memory_space<vmem>>, vector<1x16xf32>,
        %get3A_295 = vector.shape_cast %get3A_294 : vector<1x16xf32> to vector<16xf32>
        %mul3A_296 = arith.mulf %get3A_295, %bitcast_convert_type3A : vector<16xf32>
        %swap3A_297 = arith.index_cast %scan3A_283 : i32 to index
        %swap3A_298 = arith.constant 0 : index
        %swap3A_299 = tpu.vector_load %arg17[%swap3A_297, %swap3A_298] {strides = array<i32>} : memref<64x128xf32, #tpu.memory_space<vmem>>, vector<1x16xf32>,
        %swap3A_300 = vector.shape_cast %swap3A_299 : vector<1x16xf32> to vector<16xf32>
        %swap3A_301 = vector.shape_cast %mul3A_296 : vector<16xf32> to vector<1x16xf32>
        tpu.vector_store %arg17[%swap3A_297, %swap3A_298], %swap3A_301 {strides = array<i32>} : memref<64x128xf32, #tpu.memory_space<vmem>>, vector<1x16xf32>,
        %get3A_302 = arith.index_cast %scan3A_283 : i32 to index
        %get3A_303 = arith.constant 16 : index
        %get3A_304 = tpu.vector_load %arg17[%get3A_302, %get3A_303] {strides = array<i32>} : memref<64x128xf32, #tpu.memory_space<vmem>>, vector<1x16xf32>,
        %get3A_305 = vector.shape_cast %get3A_304 : vector<1x16xf32> to vector<16xf32>
        %mul3A_306 = arith.mulf %get3A_305, %bitcast_convert_type3A_291 : vector<16xf32>
        %swap3A_307 = arith.index_cast %scan3A_283 : i32 to index
        %swap3A_308 = arith.constant 16 : index
        %swap3A_309 = tpu.vector_load %arg17[%swap3A_307, %swap3A_308] {strides = array<i32>} : memref<64x128xf32, #tpu.memory_space<vmem>>, vector<1x16xf32>,
        %swap3A_310 = vector.shape_cast %swap3A_309 : vector<1x16xf32> to vector<16xf32>
        %swap3A_311 = vector.shape_cast %mul3A_306 : vector<16xf32> to vector<1x16xf32>
        tpu.vector_store %arg17[%swap3A_307, %swap3A_308], %swap3A_311 {strides = array<i32>} : memref<64x128xf32, #tpu.memory_space<vmem>>, vector<1x16xf32>,
        %get3A_312 = arith.index_cast %scan3A_283 : i32 to index
        %get3A_313 = arith.constant 16 : index
        %get3A_314 = tpu.vector_load %arg20[%get3A_312, %get3A_313] {strides = array<i32>} : memref<64x64xi32, #tpu.memory_space<vmem>>, vector<1x16xi32>,
        %get3A_315 = vector.shape_cast %get3A_314 : vector<1x16xi32> to vector<16xi32>
        %shift_left3A_316 = arith.constant 16 : i32
        %shift_left3A_317 = vector.broadcast %shift_left3A_316 : i32 to vector<16xi32>
        %shift_left3A_318 = arith.shli %get3A_315, %shift_left3A_317 : vector<16xi32>
        %bitcast_convert_type3A_319 = tpu.bitcast %shift_left3A_318 : vector<16xi32> -> vector<16xf32>
        %and3A_320 = vector.broadcast %scan3A_184 : i32 to vector<16xi32>
        %and3A_321 = arith.andi %get3A_315, %and3A_320 : vector<16xi32>
        %bitcast_convert_type3A_322 = tpu.bitcast %and3A_321 : vector<16xi32> -> vector<16xf32>
        %get3A_323 = arith.index_cast %scan3A_283 : i32 to index
        %get3A_324 = arith.constant 32 : index
        %get3A_325 = tpu.vector_load %arg17[%get3A_323, %get3A_324] {strides = array<i32>} : memref<64x128xf32, #tpu.memory_space<vmem>>, vector<1x16xf32>,
        %get3A_326 = vector.shape_cast %get3A_325 : vector<1x16xf32> to vector<16xf32>
        %mul3A_327 = arith.mulf %get3A_326, %bitcast_convert_type3A_319 : vector<16xf32>
        %swap3A_328 = arith.index_cast %scan3A_283 : i32 to index
        %swap3A_329 = arith.constant 32 : index
        %swap3A_330 = tpu.vector_load %arg17[%swap3A_328, %swap3A_329] {strides = array<i32>} : memref<64x128xf32, #tpu.memory_space<vmem>>, vector<1x16xf32>,
        %swap3A_331 = vector.shape_cast %swap3A_330 : vector<1x16xf32> to vector<16xf32>
        %swap3A_332 = vector.shape_cast %mul3A_327 : vector<16xf32> to vector<1x16xf32>
        tpu.vector_store %arg17[%swap3A_328, %swap3A_329], %swap3A_332 {strides = array<i32>} : memref<64x128xf32, #tpu.memory_space<vmem>>, vector<1x16xf32>,
        %get3A_333 = arith.index_cast %scan3A_283 : i32 to index
        %get3A_334 = arith.constant 48 : index
        %get3A_335 = tpu.vector_load %arg17[%get3A_333, %get3A_334] {strides = array<i32>} : memref<64x128xf32, #tpu.memory_space<vmem>>, vector<1x16xf32>,
        %get3A_336 = vector.shape_cast %get3A_335 : vector<1x16xf32> to vector<16xf32>
        %mul3A_337 = arith.mulf %get3A_336, %bitcast_convert_type3A_322 : vector<16xf32>
        %swap3A_338 = arith.index_cast %scan3A_283 : i32 to index
        %swap3A_339 = arith.constant 48 : index
        %swap3A_340 = tpu.vector_load %arg17[%swap3A_338, %swap3A_339] {strides = array<i32>} : memref<64x128xf32, #tpu.memory_space<vmem>>, vector<1x16xf32>,
        %swap3A_341 = vector.shape_cast %swap3A_340 : vector<1x16xf32> to vector<16xf32>
        %swap3A_342 = vector.shape_cast %mul3A_337 : vector<16xf32> to vector<1x16xf32>
        tpu.vector_store %arg17[%swap3A_338, %swap3A_339], %swap3A_342 {strides = array<i32>} : memref<64x128xf32, #tpu.memory_space<vmem>>, vector<1x16xf32>,
        %get3A_343 = arith.index_cast %scan3A_283 : i32 to index
        %get3A_344 = arith.constant 32 : index
        %get3A_345 = tpu.vector_load %arg20[%get3A_343, %get3A_344] {strides = array<i32>} : memref<64x64xi32, #tpu.memory_space<vmem>>, vector<1x16xi32>,
        %get3A_346 = vector.shape_cast %get3A_345 : vector<1x16xi32> to vector<16xi32>
        %shift_left3A_347 = arith.constant 16 : i32
        %shift_left3A_348 = vector.broadcast %shift_left3A_347 : i32 to vector<16xi32>
        %shift_left3A_349 = arith.shli %get3A_346, %shift_left3A_348 : vector<16xi32>
        %bitcast_convert_type3A_350 = tpu.bitcast %shift_left3A_349 : vector<16xi32> -> vector<16xf32>
        %and3A_351 = vector.broadcast %scan3A_184 : i32 to vector<16xi32>
        %and3A_352 = arith.andi %get3A_346, %and3A_351 : vector<16xi32>
        %bitcast_convert_type3A_353 = tpu.bitcast %and3A_352 : vector<16xi32> -> vector<16xf32>
        %get3A_354 = arith.index_cast %scan3A_283 : i32 to index
        %get3A_355 = arith.constant 64 : index
        %get3A_356 = tpu.vector_load %arg17[%get3A_354, %get3A_355] {strides = array<i32>} : memref<64x128xf32, #tpu.memory_space<vmem>>, vector<1x16xf32>,
        %get3A_357 = vector.shape_cast %get3A_356 : vector<1x16xf32> to vector<16xf32>
        %mul3A_358 = arith.mulf %get3A_357, %bitcast_convert_type3A_350 : vector<16xf32>
        %swap3A_359 = arith.index_cast %scan3A_283 : i32 to index
        %swap3A_360 = arith.constant 64 : index
        %swap3A_361 = tpu.vector_load %arg17[%swap3A_359, %swap3A_360] {strides = array<i32>} : memref<64x128xf32, #tpu.memory_space<vmem>>, vector<1x16xf32>,
        %swap3A_362 = vector.shape_cast %swap3A_361 : vector<1x16xf32> to vector<16xf32>
        %swap3A_363 = vector.shape_cast %mul3A_358 : vector<16xf32> to vector<1x16xf32>
        tpu.vector_store %arg17[%swap3A_359, %swap3A_360], %swap3A_363 {strides = array<i32>} : memref<64x128xf32, #tpu.memory_space<vmem>>, vector<1x16xf32>,
        %get3A_364 = arith.index_cast %scan3A_283 : i32 to index
        %get3A_365 = arith.constant 80 : index
        %get3A_366 = tpu.vector_load %arg17[%get3A_364, %get3A_365] {strides = array<i32>} : memref<64x128xf32, #tpu.memory_space<vmem>>, vector<1x16xf32>,
        %get3A_367 = vector.shape_cast %get3A_366 : vector<1x16xf32> to vector<16xf32>
        %mul3A_368 = arith.mulf %get3A_367, %bitcast_convert_type3A_353 : vector<16xf32>
        %swap3A_369 = arith.index_cast %scan3A_283 : i32 to index
        %swap3A_370 = arith.constant 80 : index
        %swap3A_371 = tpu.vector_load %arg17[%swap3A_369, %swap3A_370] {strides = array<i32>} : memref<64x128xf32, #tpu.memory_space<vmem>>, vector<1x16xf32>,
        %swap3A_372 = vector.shape_cast %swap3A_371 : vector<1x16xf32> to vector<16xf32>
        %swap3A_373 = vector.shape_cast %mul3A_368 : vector<16xf32> to vector<1x16xf32>
        tpu.vector_store %arg17[%swap3A_369, %swap3A_370], %swap3A_373 {strides = array<i32>} : memref<64x128xf32, #tpu.memory_space<vmem>>, vector<1x16xf32>,
        %get3A_374 = arith.index_cast %scan3A_283 : i32 to index
        %get3A_375 = arith.constant 48 : index
        %get3A_376 = tpu.vector_load %arg20[%get3A_374, %get3A_375] {strides = array<i32>} : memref<64x64xi32, #tpu.memory_space<vmem>>, vector<1x16xi32>,
        %get3A_377 = vector.shape_cast %get3A_376 : vector<1x16xi32> to vector<16xi32>
        %shift_left3A_378 = arith.constant 16 : i32
        %shift_left3A_379 = vector.broadcast %shift_left3A_378 : i32 to vector<16xi32>
        %shift_left3A_380 = arith.shli %get3A_377, %shift_left3A_379 : vector<16xi32>
        %bitcast_convert_type3A_381 = tpu.bitcast %shift_left3A_380 : vector<16xi32> -> vector<16xf32>
        %and3A_382 = vector.broadcast %scan3A_184 : i32 to vector<16xi32>
        %and3A_383 = arith.andi %get3A_377, %and3A_382 : vector<16xi32>
        %bitcast_convert_type3A_384 = tpu.bitcast %and3A_383 : vector<16xi32> -> vector<16xf32>
        %get3A_385 = arith.index_cast %scan3A_283 : i32 to index
        %get3A_386 = arith.constant 96 : index
        %get3A_387 = tpu.vector_load %arg17[%get3A_385, %get3A_386] {strides = array<i32>} : memref<64x128xf32, #tpu.memory_space<vmem>>, vector<1x16xf32>,
        %get3A_388 = vector.shape_cast %get3A_387 : vector<1x16xf32> to vector<16xf32>
        %mul3A_389 = arith.mulf %get3A_388, %bitcast_convert_type3A_381 : vector<16xf32>
        %swap3A_390 = arith.index_cast %scan3A_283 : i32 to index
        %swap3A_391 = arith.constant 96 : index
        %swap3A_392 = tpu.vector_load %arg17[%swap3A_390, %swap3A_391] {strides = array<i32>} : memref<64x128xf32, #tpu.memory_space<vmem>>, vector<1x16xf32>,
        %swap3A_393 = vector.shape_cast %swap3A_392 : vector<1x16xf32> to vector<16xf32>
        %swap3A_394 = vector.shape_cast %mul3A_389 : vector<16xf32> to vector<1x16xf32>
        tpu.vector_store %arg17[%swap3A_390, %swap3A_391], %swap3A_394 {strides = array<i32>} : memref<64x128xf32, #tpu.memory_space<vmem>>, vector<1x16xf32>,
        %get3A_395 = arith.index_cast %scan3A_283 : i32 to index
        %get3A_396 = arith.constant 112 : index
        %get3A_397 = tpu.vector_load %arg17[%get3A_395, %get3A_396] {strides = array<i32>} : memref<64x128xf32, #tpu.memory_space<vmem>>, vector<1x16xf32>,
        %get3A_398 = vector.shape_cast %get3A_397 : vector<1x16xf32> to vector<16xf32>
        %mul3A_399 = arith.mulf %get3A_398, %bitcast_convert_type3A_384 : vector<16xf32>
        %swap3A_400 = arith.index_cast %scan3A_283 : i32 to index
        %swap3A_401 = arith.constant 112 : index
        %swap3A_402 = tpu.vector_load %arg17[%swap3A_400, %swap3A_401] {strides = array<i32>} : memref<64x128xf32, #tpu.memory_space<vmem>>, vector<1x16xf32>,
        %swap3A_403 = vector.shape_cast %swap3A_402 : vector<1x16xf32> to vector<16xf32>
        %swap3A_404 = vector.shape_cast %mul3A_399 : vector<16xf32> to vector<1x16xf32>
        tpu.vector_store %arg17[%swap3A_400, %swap3A_401], %swap3A_404 {strides = array<i32>} : memref<64x128xf32, #tpu.memory_space<vmem>>, vector<1x16xf32>,
      }
      %scan3A_189 = arith.constant 64 : i32
      %get3A_190 = arith.constant 0 : index
      %get3A_191 = tpu.vector_load %arg11[%get3A_190] {strides = array<i32>} : memref<64xi32, #tpu.memory_space<vmem>>, vector<16xi32>,
      %get3A_192 = vector.shape_cast %get3A_191 : vector<16xi32> to vector<16xi32>
      %swap3A_193 = arith.constant 0 : index
      %swap3A_194 = tpu.vector_load %arg14[%swap3A_193] {strides = array<i32>} : memref<64xi32, #tpu.memory_space<vmem>>, vector<16xi32>,
      %swap3A_195 = vector.shape_cast %swap3A_194 : vector<16xi32> to vector<16xi32>
      %swap3A_196 = vector.shape_cast %get3A_192 : vector<16xi32> to vector<16xi32>
      tpu.vector_store %arg14[%swap3A_193], %swap3A_196 {strides = array<i32>} : memref<64xi32, #tpu.memory_space<vmem>>, vector<16xi32>,
      %get3A_197 = arith.constant 16 : index
      %get3A_198 = tpu.vector_load %arg11[%get3A_197] {strides = array<i32>} : memref<64xi32, #tpu.memory_space<vmem>>, vector<16xi32>,
      %get3A_199 = vector.shape_cast %get3A_198 : vector<16xi32> to vector<16xi32>
      %swap3A_200 = arith.constant 16 : index
      %swap3A_201 = tpu.vector_load %arg14[%swap3A_200] {strides = array<i32>} : memref<64xi32, #tpu.memory_space<vmem>>, vector<16xi32>,
      %swap3A_202 = vector.shape_cast %swap3A_201 : vector<16xi32> to vector<16xi32>
      %swap3A_203 = vector.shape_cast %get3A_199 : vector<16xi32> to vector<16xi32>
      tpu.vector_store %arg14[%swap3A_200], %swap3A_203 {strides = array<i32>} : memref<64xi32, #tpu.memory_space<vmem>>, vector<16xi32>,
      %get3A_204 = arith.constant 32 : index
      %get3A_205 = tpu.vector_load %arg11[%get3A_204] {strides = array<i32>} : memref<64xi32, #tpu.memory_space<vmem>>, vector<16xi32>,
      %get3A_206 = vector.shape_cast %get3A_205 : vector<16xi32> to vector<16xi32>
      %swap3A_207 = arith.constant 32 : index
      %swap3A_208 = tpu.vector_load %arg14[%swap3A_207] {strides = array<i32>} : memref<64xi32, #tpu.memory_space<vmem>>, vector<16xi32>,
      %swap3A_209 = vector.shape_cast %swap3A_208 : vector<16xi32> to vector<16xi32>
      %swap3A_210 = vector.shape_cast %get3A_206 : vector<16xi32> to vector<16xi32>
      tpu.vector_store %arg14[%swap3A_207], %swap3A_210 {strides = array<i32>} : memref<64xi32, #tpu.memory_space<vmem>>, vector<16xi32>,
      %get3A_211 = arith.constant 48 : index
      %get3A_212 = tpu.vector_load %arg11[%get3A_211] {strides = array<i32>} : memref<64xi32, #tpu.memory_space<vmem>>, vector<16xi32>,
      %get3A_213 = vector.shape_cast %get3A_212 : vector<16xi32> to vector<16xi32>
      %swap3A_214 = arith.constant 48 : index
      %swap3A_215 = tpu.vector_load %arg14[%swap3A_214] {strides = array<i32>} : memref<64xi32, #tpu.memory_space<vmem>>, vector<16xi32>,
      %swap3A_216 = vector.shape_cast %swap3A_215 : vector<16xi32> to vector<16xi32>
      %swap3A_217 = vector.shape_cast %get3A_213 : vector<16xi32> to vector<16xi32>
      tpu.vector_store %arg14[%swap3A_214], %swap3A_217 {strides = array<i32>} : memref<64xi32, #tpu.memory_space<vmem>>, vector<16xi32>,
      %dma_start3A_218 = arith.constant 0 : i32
      %dma_start3A_219 = arith.constant 0 : i32
      %dma_start3A_220 = tpu.memref_slice %arg22[%dma_start3A_218, %dma_start3A_219] : memref<10000x128xf32, #tpu.memory_space<vmem_shared>> -> memref<10000x128xf32, #tpu.memory_space<vmem_shared>>
      tpu.enqueue_indirect_dma source(%arg17 : memref<64x128xf32, #tpu.memory_space<vmem>>) target(%dma_start3A_220 : memref<10000x128xf32, #tpu.memory_space<vmem_shared>>) offsets(%arg14 : memref<64xi32, #tpu.memory_space<vmem>>) semaphore(%arg30 : memref<!tpu.dma_semaphore, #tpu.memory_space<semaphore_mem>>) {add = true}
      %add3A_221 = arith.constant 2 : i32
      %add3A_222 = arith.addi %mul3A_101, %add3A_221 : i32
      %ge3A_223 = arith.constant 2 : i32
      %ge3A_224 = arith.cmpi sge, %add3A_222, %ge3A_223 : i32
      %convert_element_type3A_225 = arith.extui %ge3A_224 : i1 to i32
      %cond3A_226 = arith.constant 0 : i32
      %cond3A_227 = arith.cmpi ne, %convert_element_type3A_225, %cond3A_226 : i32
      scf.if %cond3A_227 {
        %dma_wait3A_283 = arith.constant 0 : i32
        %dma_wait3A_284 = arith.constant 0 : i32
        %dma_wait3A_285 = tpu.memref_slice %arg22[%dma_wait3A_283, %dma_wait3A_284] : memref<10000x128xf32, #tpu.memory_space<vmem_shared>> -> memref<10000x128xf32, #tpu.memory_space<vmem_shared>>
        tpu.wait_indirect_dma semaphore(%arg29 : memref<!tpu.dma_semaphore, #tpu.memory_space<semaphore_mem>>) src(%arg16 : memref<64x128xf32, #tpu.memory_space<vmem>>) dst(%dma_wait3A_285 : memref<10000x128xf32, #tpu.memory_space<vmem_shared>>)
      } else {
      }
      %add3A_228 = arith.constant 2 : i32
      %add3A_229 = arith.addi %add3A_222, %add3A_228 : i32
      %lt3A_230 = arith.constant 78 : i32
      %lt3A_231 = arith.cmpi slt, %add3A_229, %lt3A_230 : i32
      %convert_element_type3A_232 = arith.extui %lt3A_231 : i1 to i32
      %cond3A_233 = arith.constant 0 : i32
      %cond3A_234 = arith.cmpi ne, %convert_element_type3A_232, %cond3A_233 : i32
      scf.if %cond3A_234 {
        %add3A_283 = arith.constant 2 : i32
        %add3A_284 = arith.addi %add3A_222, %add3A_283 : i32
        %mul3A_285 = arith.constant 64 : i32
        %mul3A_286 = arith.muli %add3A_284, %mul3A_285 : i32
        %add3A_287 = arith.addi %add3A_4, %mul3A_286 : i32
        %dma_start3A_288 = tpu.memref_slice %arg3[%add3A_287] : memref<320000xi32, #tpu.memory_space<hbm>> -> memref<64xi32, #tpu.memory_space<hbm>>
        %dma_start3A_289 = tpu.memref_slice %arg3[%add3A_287] : memref<320000xi32, #tpu.memory_space<hbm>> -> memref<64xi32, #tpu.memory_space<hbm>>
        tpu.enqueue_dma source(%dma_start3A_289 : memref<64xi32, #tpu.memory_space<hbm>>) target(%arg8 : memref<64xi32, #tpu.memory_space<vmem>>) target_semaphore(%arg24 : memref<!tpu.dma_semaphore, #tpu.memory_space<semaphore_mem>>)
        %mul3A_290 = arith.constant 64 : i32
        %mul3A_291 = arith.muli %add3A_284, %mul3A_290 : i32
        %add3A_292 = arith.addi %add3A_4, %mul3A_291 : i32
        %dma_start3A_293 = tpu.memref_slice %arg4[%add3A_292] : memref<320000xi32, #tpu.memory_space<hbm>> -> memref<64xi32, #tpu.memory_space<hbm>>
        %dma_start3A_294 = tpu.memref_slice %arg4[%add3A_292] : memref<320000xi32, #tpu.memory_space<hbm>> -> memref<64xi32, #tpu.memory_space<hbm>>
        tpu.enqueue_dma source(%dma_start3A_294 : memref<64xi32, #tpu.memory_space<hbm>>) target(%arg11 : memref<64xi32, #tpu.memory_space<vmem>>) target_semaphore(%arg24 : memref<!tpu.dma_semaphore, #tpu.memory_space<semaphore_mem>>)
        %mul3A_295 = arith.constant 64 : i32
        %mul3A_296 = arith.muli %add3A_284, %mul3A_295 : i32
        %add3A_297 = arith.addi %mul3A_2, %mul3A_296 : i32
        %dma_start3A_298 = arith.constant 0 : i32
        %dma_start3A_299 = tpu.memref_slice %arg5[%add3A_297, %dma_start3A_298] : memref<160000x64xi32, #tpu.memory_space<hbm>> -> memref<64x64xi32, #tpu.memory_space<hbm>>
        %dma_start3A_300 = arith.constant 0 : i32
        %dma_start3A_301 = tpu.memref_slice %arg5[%add3A_297, %dma_start3A_300] : memref<160000x64xi32, #tpu.memory_space<hbm>> -> memref<64x64xi32, #tpu.memory_space<hbm>>
        tpu.enqueue_dma source(%dma_start3A_301 : memref<64x64xi32, #tpu.memory_space<hbm>>) target(%arg20 : memref<64x64xi32, #tpu.memory_space<vmem>>) target_semaphore(%arg24 : memref<!tpu.dma_semaphore, #tpu.memory_space<semaphore_mem>>)
      } else {
      }
      %add3A_235 = arith.constant 1 : i32
      %add3A_236 = arith.addi %add3A_222, %add3A_235 : i32
      %lt3A_237 = arith.constant 78 : i32
      %lt3A_238 = arith.cmpi slt, %add3A_236, %lt3A_237 : i32
      %convert_element_type3A_239 = arith.extui %lt3A_238 : i1 to i32
      %cond3A_240 = arith.constant 0 : i32
      %cond3A_241 = arith.cmpi ne, %convert_element_type3A_239, %cond3A_240 : i32
      scf.if %cond3A_241 {
        %dma_wait3A_283 = arith.constant 0 : i32
        %dma_wait3A_284 = tpu.memref_slice %arg3[%dma_wait3A_283] : memref<320000xi32, #tpu.memory_space<hbm>> -> memref<64xi32, #tpu.memory_space<hbm>>
        %dma_wait3A_285 = arith.constant 0 : i32
        %dma_wait3A_286 = tpu.memref_slice %arg3[%dma_wait3A_285] : memref<320000xi32, #tpu.memory_space<hbm>> -> memref<64xi32, #tpu.memory_space<hbm>>
        tpu.wait_dma2 semaphore(%arg23 : memref<!tpu.dma_semaphore, #tpu.memory_space<semaphore_mem>>) src(%dma_wait3A_286 : memref<64xi32, #tpu.memory_space<hbm>>) dst(%arg7 : memref<64xi32, #tpu.memory_space<vmem>>)
        %dma_wait3A_287 = arith.constant 0 : i32
        %dma_wait3A_288 = tpu.memref_slice %arg4[%dma_wait3A_287] : memref<320000xi32, #tpu.memory_space<hbm>> -> memref<64xi32, #tpu.memory_space<hbm>>
        %dma_wait3A_289 = arith.constant 0 : i32
        %dma_wait3A_290 = tpu.memref_slice %arg4[%dma_wait3A_289] : memref<320000xi32, #tpu.memory_space<hbm>> -> memref<64xi32, #tpu.memory_space<hbm>>
        tpu.wait_dma2 semaphore(%arg23 : memref<!tpu.dma_semaphore, #tpu.memory_space<semaphore_mem>>) src(%dma_wait3A_290 : memref<64xi32, #tpu.memory_space<hbm>>) dst(%arg10 : memref<64xi32, #tpu.memory_space<vmem>>)
        %dma_wait3A_291 = arith.constant 0 : i32
        %dma_wait3A_292 = arith.constant 0 : i32
        %dma_wait3A_293 = tpu.memref_slice %arg5[%dma_wait3A_291, %dma_wait3A_292] : memref<160000x64xi32, #tpu.memory_space<hbm>> -> memref<64x64xi32, #tpu.memory_space<hbm>>
        %dma_wait3A_294 = arith.constant 0 : i32
        %dma_wait3A_295 = arith.constant 0 : i32
        %dma_wait3A_296 = tpu.memref_slice %arg5[%dma_wait3A_294, %dma_wait3A_295] : memref<160000x64xi32, #tpu.memory_space<hbm>> -> memref<64x64xi32, #tpu.memory_space<hbm>>
        tpu.wait_dma2 semaphore(%arg23 : memref<!tpu.dma_semaphore, #tpu.memory_space<semaphore_mem>>) src(%dma_wait3A_296 : memref<64x64xi32, #tpu.memory_space<hbm>>) dst(%arg19 : memref<64x64xi32, #tpu.memory_space<vmem>>)
        %dma_start3A_297 = arith.constant 0 : i32
        %dma_start3A_298 = arith.constant 0 : i32
        %dma_start3A_299 = tpu.memref_slice %arg2[%dma_start3A_297, %dma_start3A_298] : memref<10000x128xf32, #tpu.memory_space<hbm>> -> memref<10000x128xf32, #tpu.memory_space<hbm>>
        tpu.enqueue_indirect_dma source(%dma_start3A_299 : memref<10000x128xf32, #tpu.memory_space<hbm>>) target(%arg16 : memref<64x128xf32, #tpu.memory_space<vmem>>) offsets(%arg7 : memref<64xi32, #tpu.memory_space<vmem>>) semaphore(%arg26 : memref<!tpu.dma_semaphore, #tpu.memory_space<semaphore_mem>>)
      } else {
      }
      %dma_wait3A_242 = arith.constant 0 : i32
      %dma_wait3A_243 = arith.constant 0 : i32
      %dma_wait3A_244 = tpu.memref_slice %arg2[%dma_wait3A_242, %dma_wait3A_243] : memref<10000x128xf32, #tpu.memory_space<hbm>> -> memref<10000x128xf32, #tpu.memory_space<hbm>>
      tpu.wait_indirect_dma semaphore(%arg28 : memref<!tpu.dma_semaphore, #tpu.memory_space<semaphore_mem>>) src(%dma_wait3A_244 : memref<10000x128xf32, #tpu.memory_space<hbm>>) dst(%arg18 : memref<64x128xf32, #tpu.memory_space<vmem>>)
      %scan3A_245 = arith.constant 0 : i32
      %scan3A_246 = arith.constant -65536 : i32
      %scan3A_247 = arith.constant 0 : i32
      %scan3A_248 = arith.constant 64 : i32
      %scan3A_249 = arith.addi %scan3A_247, %scan3A_248 : i32
      %scan3A_250 = arith.constant 1 : i32
      scf.for %scan3A_283 = %scan3A_247 to %scan3A_249 step %scan3A_250  : i32 {
        %get3A_284 = arith.index_cast %scan3A_283 : i32 to index
        %get3A_285 = arith.constant 0 : index
        %get3A_286 = tpu.vector_load %arg21[%get3A_284, %get3A_285] {strides = array<i32>} : memref<64x64xi32, #tpu.memory_space<vmem>>, vector<1x16xi32>,
        %get3A_287 = vector.shape_cast %get3A_286 : vector<1x16xi32> to vector<16xi32>
        %shift_left3A = arith.constant 16 : i32
        %shift_left3A_288 = vector.broadcast %shift_left3A : i32 to vector<16xi32>
        %shift_left3A_289 = arith.shli %get3A_287, %shift_left3A_288 : vector<16xi32>
        %bitcast_convert_type3A = tpu.bitcast %shift_left3A_289 : vector<16xi32> -> vector<16xf32>
        %and3A = vector.broadcast %scan3A_246 : i32 to vector<16xi32>
        %and3A_290 = arith.andi %get3A_287, %and3A : vector<16xi32>
        %bitcast_convert_type3A_291 = tpu.bitcast %and3A_290 : vector<16xi32> -> vector<16xf32>
        %get3A_292 = arith.index_cast %scan3A_283 : i32 to index
        %get3A_293 = arith.constant 0 : index
        %get3A_294 = tpu.vector_load %arg18[%get3A_292, %get3A_293] {strides = array<i32>} : memref<64x128xf32, #tpu.memory_space<vmem>>, vector<1x16xf32>,
        %get3A_295 = vector.shape_cast %get3A_294 : vector<1x16xf32> to vector<16xf32>
        %mul3A_296 = arith.mulf %get3A_295, %bitcast_convert_type3A : vector<16xf32>
        %swap3A_297 = arith.index_cast %scan3A_283 : i32 to index
        %swap3A_298 = arith.constant 0 : index
        %swap3A_299 = tpu.vector_load %arg18[%swap3A_297, %swap3A_298] {strides = array<i32>} : memref<64x128xf32, #tpu.memory_space<vmem>>, vector<1x16xf32>,
        %swap3A_300 = vector.shape_cast %swap3A_299 : vector<1x16xf32> to vector<16xf32>
        %swap3A_301 = vector.shape_cast %mul3A_296 : vector<16xf32> to vector<1x16xf32>
        tpu.vector_store %arg18[%swap3A_297, %swap3A_298], %swap3A_301 {strides = array<i32>} : memref<64x128xf32, #tpu.memory_space<vmem>>, vector<1x16xf32>,
        %get3A_302 = arith.index_cast %scan3A_283 : i32 to index
        %get3A_303 = arith.constant 16 : index
        %get3A_304 = tpu.vector_load %arg18[%get3A_302, %get3A_303] {strides = array<i32>} : memref<64x128xf32, #tpu.memory_space<vmem>>, vector<1x16xf32>,
        %get3A_305 = vector.shape_cast %get3A_304 : vector<1x16xf32> to vector<16xf32>
        %mul3A_306 = arith.mulf %get3A_305, %bitcast_convert_type3A_291 : vector<16xf32>
        %swap3A_307 = arith.index_cast %scan3A_283 : i32 to index
        %swap3A_308 = arith.constant 16 : index
        %swap3A_309 = tpu.vector_load %arg18[%swap3A_307, %swap3A_308] {strides = array<i32>} : memref<64x128xf32, #tpu.memory_space<vmem>>, vector<1x16xf32>,
        %swap3A_310 = vector.shape_cast %swap3A_309 : vector<1x16xf32> to vector<16xf32>
        %swap3A_311 = vector.shape_cast %mul3A_306 : vector<16xf32> to vector<1x16xf32>
        tpu.vector_store %arg18[%swap3A_307, %swap3A_308], %swap3A_311 {strides = array<i32>} : memref<64x128xf32, #tpu.memory_space<vmem>>, vector<1x16xf32>,
        %get3A_312 = arith.index_cast %scan3A_283 : i32 to index
        %get3A_313 = arith.constant 16 : index
        %get3A_314 = tpu.vector_load %arg21[%get3A_312, %get3A_313] {strides = array<i32>} : memref<64x64xi32, #tpu.memory_space<vmem>>, vector<1x16xi32>,
        %get3A_315 = vector.shape_cast %get3A_314 : vector<1x16xi32> to vector<16xi32>
        %shift_left3A_316 = arith.constant 16 : i32
        %shift_left3A_317 = vector.broadcast %shift_left3A_316 : i32 to vector<16xi32>
        %shift_left3A_318 = arith.shli %get3A_315, %shift_left3A_317 : vector<16xi32>
        %bitcast_convert_type3A_319 = tpu.bitcast %shift_left3A_318 : vector<16xi32> -> vector<16xf32>
        %and3A_320 = vector.broadcast %scan3A_246 : i32 to vector<16xi32>
        %and3A_321 = arith.andi %get3A_315, %and3A_320 : vector<16xi32>
        %bitcast_convert_type3A_322 = tpu.bitcast %and3A_321 : vector<16xi32> -> vector<16xf32>
        %get3A_323 = arith.index_cast %scan3A_283 : i32 to index
        %get3A_324 = arith.constant 32 : index
        %get3A_325 = tpu.vector_load %arg18[%get3A_323, %get3A_324] {strides = array<i32>} : memref<64x128xf32, #tpu.memory_space<vmem>>, vector<1x16xf32>,
        %get3A_326 = vector.shape_cast %get3A_325 : vector<1x16xf32> to vector<16xf32>
        %mul3A_327 = arith.mulf %get3A_326, %bitcast_convert_type3A_319 : vector<16xf32>
        %swap3A_328 = arith.index_cast %scan3A_283 : i32 to index
        %swap3A_329 = arith.constant 32 : index
        %swap3A_330 = tpu.vector_load %arg18[%swap3A_328, %swap3A_329] {strides = array<i32>} : memref<64x128xf32, #tpu.memory_space<vmem>>, vector<1x16xf32>,
        %swap3A_331 = vector.shape_cast %swap3A_330 : vector<1x16xf32> to vector<16xf32>
        %swap3A_332 = vector.shape_cast %mul3A_327 : vector<16xf32> to vector<1x16xf32>
        tpu.vector_store %arg18[%swap3A_328, %swap3A_329], %swap3A_332 {strides = array<i32>} : memref<64x128xf32, #tpu.memory_space<vmem>>, vector<1x16xf32>,
        %get3A_333 = arith.index_cast %scan3A_283 : i32 to index
        %get3A_334 = arith.constant 48 : index
        %get3A_335 = tpu.vector_load %arg18[%get3A_333, %get3A_334] {strides = array<i32>} : memref<64x128xf32, #tpu.memory_space<vmem>>, vector<1x16xf32>,
        %get3A_336 = vector.shape_cast %get3A_335 : vector<1x16xf32> to vector<16xf32>
        %mul3A_337 = arith.mulf %get3A_336, %bitcast_convert_type3A_322 : vector<16xf32>
        %swap3A_338 = arith.index_cast %scan3A_283 : i32 to index
        %swap3A_339 = arith.constant 48 : index
        %swap3A_340 = tpu.vector_load %arg18[%swap3A_338, %swap3A_339] {strides = array<i32>} : memref<64x128xf32, #tpu.memory_space<vmem>>, vector<1x16xf32>,
        %swap3A_341 = vector.shape_cast %swap3A_340 : vector<1x16xf32> to vector<16xf32>
        %swap3A_342 = vector.shape_cast %mul3A_337 : vector<16xf32> to vector<1x16xf32>
        tpu.vector_store %arg18[%swap3A_338, %swap3A_339], %swap3A_342 {strides = array<i32>} : memref<64x128xf32, #tpu.memory_space<vmem>>, vector<1x16xf32>,
        %get3A_343 = arith.index_cast %scan3A_283 : i32 to index
        %get3A_344 = arith.constant 32 : index
        %get3A_345 = tpu.vector_load %arg21[%get3A_343, %get3A_344] {strides = array<i32>} : memref<64x64xi32, #tpu.memory_space<vmem>>, vector<1x16xi32>,
        %get3A_346 = vector.shape_cast %get3A_345 : vector<1x16xi32> to vector<16xi32>
        %shift_left3A_347 = arith.constant 16 : i32
        %shift_left3A_348 = vector.broadcast %shift_left3A_347 : i32 to vector<16xi32>
        %shift_left3A_349 = arith.shli %get3A_346, %shift_left3A_348 : vector<16xi32>
        %bitcast_convert_type3A_350 = tpu.bitcast %shift_left3A_349 : vector<16xi32> -> vector<16xf32>
        %and3A_351 = vector.broadcast %scan3A_246 : i32 to vector<16xi32>
        %and3A_352 = arith.andi %get3A_346, %and3A_351 : vector<16xi32>
        %bitcast_convert_type3A_353 = tpu.bitcast %and3A_352 : vector<16xi32> -> vector<16xf32>
        %get3A_354 = arith.index_cast %scan3A_283 : i32 to index
        %get3A_355 = arith.constant 64 : index
        %get3A_356 = tpu.vector_load %arg18[%get3A_354, %get3A_355] {strides = array<i32>} : memref<64x128xf32, #tpu.memory_space<vmem>>, vector<1x16xf32>,
        %get3A_357 = vector.shape_cast %get3A_356 : vector<1x16xf32> to vector<16xf32>
        %mul3A_358 = arith.mulf %get3A_357, %bitcast_convert_type3A_350 : vector<16xf32>
        %swap3A_359 = arith.index_cast %scan3A_283 : i32 to index
        %swap3A_360 = arith.constant 64 : index
        %swap3A_361 = tpu.vector_load %arg18[%swap3A_359, %swap3A_360] {strides = array<i32>} : memref<64x128xf32, #tpu.memory_space<vmem>>, vector<1x16xf32>,
        %swap3A_362 = vector.shape_cast %swap3A_361 : vector<1x16xf32> to vector<16xf32>
        %swap3A_363 = vector.shape_cast %mul3A_358 : vector<16xf32> to vector<1x16xf32>
        tpu.vector_store %arg18[%swap3A_359, %swap3A_360], %swap3A_363 {strides = array<i32>} : memref<64x128xf32, #tpu.memory_space<vmem>>, vector<1x16xf32>,
        %get3A_364 = arith.index_cast %scan3A_283 : i32 to index
        %get3A_365 = arith.constant 80 : index
        %get3A_366 = tpu.vector_load %arg18[%get3A_364, %get3A_365] {strides = array<i32>} : memref<64x128xf32, #tpu.memory_space<vmem>>, vector<1x16xf32>,
        %get3A_367 = vector.shape_cast %get3A_366 : vector<1x16xf32> to vector<16xf32>
        %mul3A_368 = arith.mulf %get3A_367, %bitcast_convert_type3A_353 : vector<16xf32>
        %swap3A_369 = arith.index_cast %scan3A_283 : i32 to index
        %swap3A_370 = arith.constant 80 : index
        %swap3A_371 = tpu.vector_load %arg18[%swap3A_369, %swap3A_370] {strides = array<i32>} : memref<64x128xf32, #tpu.memory_space<vmem>>, vector<1x16xf32>,
        %swap3A_372 = vector.shape_cast %swap3A_371 : vector<1x16xf32> to vector<16xf32>
        %swap3A_373 = vector.shape_cast %mul3A_368 : vector<16xf32> to vector<1x16xf32>
        tpu.vector_store %arg18[%swap3A_369, %swap3A_370], %swap3A_373 {strides = array<i32>} : memref<64x128xf32, #tpu.memory_space<vmem>>, vector<1x16xf32>,
        %get3A_374 = arith.index_cast %scan3A_283 : i32 to index
        %get3A_375 = arith.constant 48 : index
        %get3A_376 = tpu.vector_load %arg21[%get3A_374, %get3A_375] {strides = array<i32>} : memref<64x64xi32, #tpu.memory_space<vmem>>, vector<1x16xi32>,
        %get3A_377 = vector.shape_cast %get3A_376 : vector<1x16xi32> to vector<16xi32>
        %shift_left3A_378 = arith.constant 16 : i32
        %shift_left3A_379 = vector.broadcast %shift_left3A_378 : i32 to vector<16xi32>
        %shift_left3A_380 = arith.shli %get3A_377, %shift_left3A_379 : vector<16xi32>
        %bitcast_convert_type3A_381 = tpu.bitcast %shift_left3A_380 : vector<16xi32> -> vector<16xf32>
        %and3A_382 = vector.broadcast %scan3A_246 : i32 to vector<16xi32>
        %and3A_383 = arith.andi %get3A_377, %and3A_382 : vector<16xi32>
        %bitcast_convert_type3A_384 = tpu.bitcast %and3A_383 : vector<16xi32> -> vector<16xf32>
        %get3A_385 = arith.index_cast %scan3A_283 : i32 to index
        %get3A_386 = arith.constant 96 : index
        %get3A_387 = tpu.vector_load %arg18[%get3A_385, %get3A_386] {strides = array<i32>} : memref<64x128xf32, #tpu.memory_space<vmem>>, vector<1x16xf32>,
        %get3A_388 = vector.shape_cast %get3A_387 : vector<1x16xf32> to vector<16xf32>
        %mul3A_389 = arith.mulf %get3A_388, %bitcast_convert_type3A_381 : vector<16xf32>
        %swap3A_390 = arith.index_cast %scan3A_283 : i32 to index
        %swap3A_391 = arith.constant 96 : index
        %swap3A_392 = tpu.vector_load %arg18[%swap3A_390, %swap3A_391] {strides = array<i32>} : memref<64x128xf32, #tpu.memory_space<vmem>>, vector<1x16xf32>,
        %swap3A_393 = vector.shape_cast %swap3A_392 : vector<1x16xf32> to vector<16xf32>
        %swap3A_394 = vector.shape_cast %mul3A_389 : vector<16xf32> to vector<1x16xf32>
        tpu.vector_store %arg18[%swap3A_390, %swap3A_391], %swap3A_394 {strides = array<i32>} : memref<64x128xf32, #tpu.memory_space<vmem>>, vector<1x16xf32>,
        %get3A_395 = arith.index_cast %scan3A_283 : i32 to index
        %get3A_396 = arith.constant 112 : index
        %get3A_397 = tpu.vector_load %arg18[%get3A_395, %get3A_396] {strides = array<i32>} : memref<64x128xf32, #tpu.memory_space<vmem>>, vector<1x16xf32>,
        %get3A_398 = vector.shape_cast %get3A_397 : vector<1x16xf32> to vector<16xf32>
        %mul3A_399 = arith.mulf %get3A_398, %bitcast_convert_type3A_384 : vector<16xf32>
        %swap3A_400 = arith.index_cast %scan3A_283 : i32 to index
        %swap3A_401 = arith.constant 112 : index
        %swap3A_402 = tpu.vector_load %arg18[%swap3A_400, %swap3A_401] {strides = array<i32>} : memref<64x128xf32, #tpu.memory_space<vmem>>, vector<1x16xf32>,
        %swap3A_403 = vector.shape_cast %swap3A_402 : vector<1x16xf32> to vector<16xf32>
        %swap3A_404 = vector.shape_cast %mul3A_399 : vector<16xf32> to vector<1x16xf32>
        tpu.vector_store %arg18[%swap3A_400, %swap3A_401], %swap3A_404 {strides = array<i32>} : memref<64x128xf32, #tpu.memory_space<vmem>>, vector<1x16xf32>,
      }
      %scan3A_251 = arith.constant 64 : i32
      %get3A_252 = arith.constant 0 : index
      %get3A_253 = tpu.vector_load %arg12[%get3A_252] {strides = array<i32>} : memref<64xi32, #tpu.memory_space<vmem>>, vector<16xi32>,
      %get3A_254 = vector.shape_cast %get3A_253 : vector<16xi32> to vector<16xi32>
      %swap3A_255 = arith.constant 0 : index
      %swap3A_256 = tpu.vector_load %arg15[%swap3A_255] {strides = array<i32>} : memref<64xi32, #tpu.memory_space<vmem>>, vector<16xi32>,
      %swap3A_257 = vector.shape_cast %swap3A_256 : vector<16xi32> to vector<16xi32>
      %swap3A_258 = vector.shape_cast %get3A_254 : vector<16xi32> to vector<16xi32>
      tpu.vector_store %arg15[%swap3A_255], %swap3A_258 {strides = array<i32>} : memref<64xi32, #tpu.memory_space<vmem>>, vector<16xi32>,
      %get3A_259 = arith.constant 16 : index
      %get3A_260 = tpu.vector_load %arg12[%get3A_259] {strides = array<i32>} : memref<64xi32, #tpu.memory_space<vmem>>, vector<16xi32>,
      %get3A_261 = vector.shape_cast %get3A_260 : vector<16xi32> to vector<16xi32>
      %swap3A_262 = arith.constant 16 : index
      %swap3A_263 = tpu.vector_load %arg15[%swap3A_262] {strides = array<i32>} : memref<64xi32, #tpu.memory_space<vmem>>, vector<16xi32>,
      %swap3A_264 = vector.shape_cast %swap3A_263 : vector<16xi32> to vector<16xi32>
      %swap3A_265 = vector.shape_cast %get3A_261 : vector<16xi32> to vector<16xi32>
      tpu.vector_store %arg15[%swap3A_262], %swap3A_265 {strides = array<i32>} : memref<64xi32, #tpu.memory_space<vmem>>, vector<16xi32>,
      %get3A_266 = arith.constant 32 : index
      %get3A_267 = tpu.vector_load %arg12[%get3A_266] {strides = array<i32>} : memref<64xi32, #tpu.memory_space<vmem>>, vector<16xi32>,
      %get3A_268 = vector.shape_cast %get3A_267 : vector<16xi32> to vector<16xi32>
      %swap3A_269 = arith.constant 32 : index
      %swap3A_270 = tpu.vector_load %arg15[%swap3A_269] {strides = array<i32>} : memref<64xi32, #tpu.memory_space<vmem>>, vector<16xi32>,
      %swap3A_271 = vector.shape_cast %swap3A_270 : vector<16xi32> to vector<16xi32>
      %swap3A_272 = vector.shape_cast %get3A_268 : vector<16xi32> to vector<16xi32>
      tpu.vector_store %arg15[%swap3A_269], %swap3A_272 {strides = array<i32>} : memref<64xi32, #tpu.memory_space<vmem>>, vector<16xi32>,
      %get3A_273 = arith.constant 48 : index
      %get3A_274 = tpu.vector_load %arg12[%get3A_273] {strides = array<i32>} : memref<64xi32, #tpu.memory_space<vmem>>, vector<16xi32>,
      %get3A_275 = vector.shape_cast %get3A_274 : vector<16xi32> to vector<16xi32>
      %swap3A_276 = arith.constant 48 : index
      %swap3A_277 = tpu.vector_load %arg15[%swap3A_276] {strides = array<i32>} : memref<64xi32, #tpu.memory_space<vmem>>, vector<16xi32>,
      %swap3A_278 = vector.shape_cast %swap3A_277 : vector<16xi32> to vector<16xi32>
      %swap3A_279 = vector.shape_cast %get3A_275 : vector<16xi32> to vector<16xi32>
      tpu.vector_store %arg15[%swap3A_276], %swap3A_279 {strides = array<i32>} : memref<64xi32, #tpu.memory_space<vmem>>, vector<16xi32>,
      %dma_start3A_280 = arith.constant 0 : i32
      %dma_start3A_281 = arith.constant 0 : i32
      %dma_start3A_282 = tpu.memref_slice %arg22[%dma_start3A_280, %dma_start3A_281] : memref<10000x128xf32, #tpu.memory_space<vmem_shared>> -> memref<10000x128xf32, #tpu.memory_space<vmem_shared>>
      tpu.enqueue_indirect_dma source(%arg18 : memref<64x128xf32, #tpu.memory_space<vmem>>) target(%dma_start3A_282 : memref<10000x128xf32, #tpu.memory_space<vmem_shared>>) offsets(%arg15 : memref<64xi32, #tpu.memory_space<vmem>>) semaphore(%arg31 : memref<!tpu.dma_semaphore, #tpu.memory_space<semaphore_mem>>) {add = true}
    }
    %scan3A_82 = arith.constant 26 : i32
    %lt3A = arith.constant 4 : i32
    %lt3A_83 = arith.cmpi slt, %add3A, %lt3A : i32
    %convert_element_type3A_84 = arith.extui %lt3A_83 : i1 to i32
    %cond3A_85 = arith.constant 0 : i32
    %cond3A_86 = arith.cmpi ne, %convert_element_type3A_84, %cond3A_85 : i32
    scf.if %cond3A_86 {
      %mul3A_99 = arith.constant 64 : i32
      %mul3A_100 = arith.muli %add3A, %mul3A_99 : i32
      %add3A_101 = arith.constant 159744 : i32
      %add3A_102 = arith.addi %add3A_101, %mul3A_100 : i32
      %dma_start3A_103 = tpu.memref_slice %arg3[%add3A_102] : memref<320000xi32, #tpu.memory_space<hbm>> -> memref<64xi32, #tpu.memory_space<hbm>>
      %dma_start3A_104 = tpu.memref_slice %arg3[%add3A_102] : memref<320000xi32, #tpu.memory_space<hbm>> -> memref<64xi32, #tpu.memory_space<hbm>>
      tpu.enqueue_dma source(%dma_start3A_104 : memref<64xi32, #tpu.memory_space<hbm>>) target(%arg7 : memref<64xi32, #tpu.memory_space<vmem>>) target_semaphore(%arg23 : memref<!tpu.dma_semaphore, #tpu.memory_space<semaphore_mem>>)
      %mul3A_105 = arith.constant 64 : i32
      %mul3A_106 = arith.muli %add3A, %mul3A_105 : i32
      %add3A_107 = arith.constant 159744 : i32
      %add3A_108 = arith.addi %add3A_107, %mul3A_106 : i32
      %dma_start3A_109 = tpu.memref_slice %arg4[%add3A_108] : memref<320000xi32, #tpu.memory_space<hbm>> -> memref<64xi32, #tpu.memory_space<hbm>>
      %dma_start3A_110 = tpu.memref_slice %arg4[%add3A_108] : memref<320000xi32, #tpu.memory_space<hbm>> -> memref<64xi32, #tpu.memory_space<hbm>>
      tpu.enqueue_dma source(%dma_start3A_110 : memref<64xi32, #tpu.memory_space<hbm>>) target(%arg10 : memref<64xi32, #tpu.memory_space<vmem>>) target_semaphore(%arg23 : memref<!tpu.dma_semaphore, #tpu.memory_space<semaphore_mem>>)
      %mul3A_111 = arith.constant 64 : i32
      %mul3A_112 = arith.muli %add3A, %mul3A_111 : i32
      %add3A_113 = arith.constant 159744 : i32
      %add3A_114 = arith.addi %add3A_113, %mul3A_112 : i32
      %dma_start3A_115 = arith.constant 0 : i32
      %dma_start3A_116 = tpu.memref_slice %arg5[%add3A_114, %dma_start3A_115] : memref<160000x64xi32, #tpu.memory_space<hbm>> -> memref<64x64xi32, #tpu.memory_space<hbm>>
      %dma_start3A_117 = arith.constant 0 : i32
      %dma_start3A_118 = tpu.memref_slice %arg5[%add3A_114, %dma_start3A_117] : memref<160000x64xi32, #tpu.memory_space<hbm>> -> memref<64x64xi32, #tpu.memory_space<hbm>>
      tpu.enqueue_dma source(%dma_start3A_118 : memref<64x64xi32, #tpu.memory_space<hbm>>) target(%arg19 : memref<64x64xi32, #tpu.memory_space<vmem>>) target_semaphore(%arg23 : memref<!tpu.dma_semaphore, #tpu.memory_space<semaphore_mem>>)
      %dma_wait3A_119 = arith.constant 0 : i32
      %dma_wait3A_120 = tpu.memref_slice %arg3[%dma_wait3A_119] : memref<320000xi32, #tpu.memory_space<hbm>> -> memref<64xi32, #tpu.memory_space<hbm>>
      %dma_wait3A_121 = arith.constant 0 : i32
      %dma_wait3A_122 = tpu.memref_slice %arg3[%dma_wait3A_121] : memref<320000xi32, #tpu.memory_space<hbm>> -> memref<64xi32, #tpu.memory_space<hbm>>
      tpu.wait_dma2 semaphore(%arg23 : memref<!tpu.dma_semaphore, #tpu.memory_space<semaphore_mem>>) src(%dma_wait3A_122 : memref<64xi32, #tpu.memory_space<hbm>>) dst(%arg7 : memref<64xi32, #tpu.memory_space<vmem>>)
      %dma_wait3A_123 = arith.constant 0 : i32
      %dma_wait3A_124 = tpu.memref_slice %arg4[%dma_wait3A_123] : memref<320000xi32, #tpu.memory_space<hbm>> -> memref<64xi32, #tpu.memory_space<hbm>>
      %dma_wait3A_125 = arith.constant 0 : i32
      %dma_wait3A_126 = tpu.memref_slice %arg4[%dma_wait3A_125] : memref<320000xi32, #tpu.memory_space<hbm>> -> memref<64xi32, #tpu.memory_space<hbm>>
      tpu.wait_dma2 semaphore(%arg23 : memref<!tpu.dma_semaphore, #tpu.memory_space<semaphore_mem>>) src(%dma_wait3A_126 : memref<64xi32, #tpu.memory_space<hbm>>) dst(%arg10 : memref<64xi32, #tpu.memory_space<vmem>>)
      %dma_wait3A_127 = arith.constant 0 : i32
      %dma_wait3A_128 = arith.constant 0 : i32
      %dma_wait3A_129 = tpu.memref_slice %arg5[%dma_wait3A_127, %dma_wait3A_128] : memref<160000x64xi32, #tpu.memory_space<hbm>> -> memref<64x64xi32, #tpu.memory_space<hbm>>
      %dma_wait3A_130 = arith.constant 0 : i32
      %dma_wait3A_131 = arith.constant 0 : i32
      %dma_wait3A_132 = tpu.memref_slice %arg5[%dma_wait3A_130, %dma_wait3A_131] : memref<160000x64xi32, #tpu.memory_space<hbm>> -> memref<64x64xi32, #tpu.memory_space<hbm>>
      tpu.wait_dma2 semaphore(%arg23 : memref<!tpu.dma_semaphore, #tpu.memory_space<semaphore_mem>>) src(%dma_wait3A_132 : memref<64x64xi32, #tpu.memory_space<hbm>>) dst(%arg19 : memref<64x64xi32, #tpu.memory_space<vmem>>)
      %dma_start3A_133 = arith.constant 0 : i32
      %dma_start3A_134 = arith.constant 0 : i32
      %dma_start3A_135 = tpu.memref_slice %arg2[%dma_start3A_133, %dma_start3A_134] : memref<10000x128xf32, #tpu.memory_space<hbm>> -> memref<10000x128xf32, #tpu.memory_space<hbm>>
      tpu.enqueue_indirect_dma source(%dma_start3A_135 : memref<10000x128xf32, #tpu.memory_space<hbm>>) target(%arg16 : memref<64x128xf32, #tpu.memory_space<vmem>>) offsets(%arg7 : memref<64xi32, #tpu.memory_space<vmem>>) semaphore(%arg26 : memref<!tpu.dma_semaphore, #tpu.memory_space<semaphore_mem>>)
      %dma_wait3A_136 = arith.constant 0 : i32
      %dma_wait3A_137 = arith.constant 0 : i32
      %dma_wait3A_138 = tpu.memref_slice %arg2[%dma_wait3A_136, %dma_wait3A_137] : memref<10000x128xf32, #tpu.memory_space<hbm>> -> memref<10000x128xf32, #tpu.memory_space<hbm>>
      tpu.wait_indirect_dma semaphore(%arg26 : memref<!tpu.dma_semaphore, #tpu.memory_space<semaphore_mem>>) src(%dma_wait3A_138 : memref<10000x128xf32, #tpu.memory_space<hbm>>) dst(%arg16 : memref<64x128xf32, #tpu.memory_space<vmem>>)
      %scan3A_139 = arith.constant 0 : i32
      %scan3A_140 = arith.constant -65536 : i32
      %scan3A_141 = arith.constant 0 : i32
      %scan3A_142 = arith.constant 64 : i32
      %scan3A_143 = arith.addi %scan3A_141, %scan3A_142 : i32
      %scan3A_144 = arith.constant 1 : i32
      scf.for %scan3A_178 = %scan3A_141 to %scan3A_143 step %scan3A_144  : i32 {
        %get3A_179 = arith.index_cast %scan3A_178 : i32 to index
        %get3A_180 = arith.constant 0 : index
        %get3A_181 = tpu.vector_load %arg19[%get3A_179, %get3A_180] {strides = array<i32>} : memref<64x64xi32, #tpu.memory_space<vmem>>, vector<1x16xi32>,
        %get3A_182 = vector.shape_cast %get3A_181 : vector<1x16xi32> to vector<16xi32>
        %shift_left3A = arith.constant 16 : i32
        %shift_left3A_183 = vector.broadcast %shift_left3A : i32 to vector<16xi32>
        %shift_left3A_184 = arith.shli %get3A_182, %shift_left3A_183 : vector<16xi32>
        %bitcast_convert_type3A = tpu.bitcast %shift_left3A_184 : vector<16xi32> -> vector<16xf32>
        %and3A = vector.broadcast %scan3A_140 : i32 to vector<16xi32>
        %and3A_185 = arith.andi %get3A_182, %and3A : vector<16xi32>
        %bitcast_convert_type3A_186 = tpu.bitcast %and3A_185 : vector<16xi32> -> vector<16xf32>
        %get3A_187 = arith.index_cast %scan3A_178 : i32 to index
        %get3A_188 = arith.constant 0 : index
        %get3A_189 = tpu.vector_load %arg16[%get3A_187, %get3A_188] {strides = array<i32>} : memref<64x128xf32, #tpu.memory_space<vmem>>, vector<1x16xf32>,
        %get3A_190 = vector.shape_cast %get3A_189 : vector<1x16xf32> to vector<16xf32>
        %mul3A_191 = arith.mulf %get3A_190, %bitcast_convert_type3A : vector<16xf32>
        %swap3A_192 = arith.index_cast %scan3A_178 : i32 to index
        %swap3A_193 = arith.constant 0 : index
        %swap3A_194 = tpu.vector_load %arg16[%swap3A_192, %swap3A_193] {strides = array<i32>} : memref<64x128xf32, #tpu.memory_space<vmem>>, vector<1x16xf32>,
        %swap3A_195 = vector.shape_cast %swap3A_194 : vector<1x16xf32> to vector<16xf32>
        %swap3A_196 = vector.shape_cast %mul3A_191 : vector<16xf32> to vector<1x16xf32>
        tpu.vector_store %arg16[%swap3A_192, %swap3A_193], %swap3A_196 {strides = array<i32>} : memref<64x128xf32, #tpu.memory_space<vmem>>, vector<1x16xf32>,
        %get3A_197 = arith.index_cast %scan3A_178 : i32 to index
        %get3A_198 = arith.constant 16 : index
        %get3A_199 = tpu.vector_load %arg16[%get3A_197, %get3A_198] {strides = array<i32>} : memref<64x128xf32, #tpu.memory_space<vmem>>, vector<1x16xf32>,
        %get3A_200 = vector.shape_cast %get3A_199 : vector<1x16xf32> to vector<16xf32>
        %mul3A_201 = arith.mulf %get3A_200, %bitcast_convert_type3A_186 : vector<16xf32>
        %swap3A_202 = arith.index_cast %scan3A_178 : i32 to index
        %swap3A_203 = arith.constant 16 : index
        %swap3A_204 = tpu.vector_load %arg16[%swap3A_202, %swap3A_203] {strides = array<i32>} : memref<64x128xf32, #tpu.memory_space<vmem>>, vector<1x16xf32>,
        %swap3A_205 = vector.shape_cast %swap3A_204 : vector<1x16xf32> to vector<16xf32>
        %swap3A_206 = vector.shape_cast %mul3A_201 : vector<16xf32> to vector<1x16xf32>
        tpu.vector_store %arg16[%swap3A_202, %swap3A_203], %swap3A_206 {strides = array<i32>} : memref<64x128xf32, #tpu.memory_space<vmem>>, vector<1x16xf32>,
        %get3A_207 = arith.index_cast %scan3A_178 : i32 to index
        %get3A_208 = arith.constant 16 : index
        %get3A_209 = tpu.vector_load %arg19[%get3A_207, %get3A_208] {strides = array<i32>} : memref<64x64xi32, #tpu.memory_space<vmem>>, vector<1x16xi32>,
        %get3A_210 = vector.shape_cast %get3A_209 : vector<1x16xi32> to vector<16xi32>
        %shift_left3A_211 = arith.constant 16 : i32
        %shift_left3A_212 = vector.broadcast %shift_left3A_211 : i32 to vector<16xi32>
        %shift_left3A_213 = arith.shli %get3A_210, %shift_left3A_212 : vector<16xi32>
        %bitcast_convert_type3A_214 = tpu.bitcast %shift_left3A_213 : vector<16xi32> -> vector<16xf32>
        %and3A_215 = vector.broadcast %scan3A_140 : i32 to vector<16xi32>
        %and3A_216 = arith.andi %get3A_210, %and3A_215 : vector<16xi32>
        %bitcast_convert_type3A_217 = tpu.bitcast %and3A_216 : vector<16xi32> -> vector<16xf32>
        %get3A_218 = arith.index_cast %scan3A_178 : i32 to index
        %get3A_219 = arith.constant 32 : index
        %get3A_220 = tpu.vector_load %arg16[%get3A_218, %get3A_219] {strides = array<i32>} : memref<64x128xf32, #tpu.memory_space<vmem>>, vector<1x16xf32>,
        %get3A_221 = vector.shape_cast %get3A_220 : vector<1x16xf32> to vector<16xf32>
        %mul3A_222 = arith.mulf %get3A_221, %bitcast_convert_type3A_214 : vector<16xf32>
        %swap3A_223 = arith.index_cast %scan3A_178 : i32 to index
        %swap3A_224 = arith.constant 32 : index
        %swap3A_225 = tpu.vector_load %arg16[%swap3A_223, %swap3A_224] {strides = array<i32>} : memref<64x128xf32, #tpu.memory_space<vmem>>, vector<1x16xf32>,
        %swap3A_226 = vector.shape_cast %swap3A_225 : vector<1x16xf32> to vector<16xf32>
        %swap3A_227 = vector.shape_cast %mul3A_222 : vector<16xf32> to vector<1x16xf32>
        tpu.vector_store %arg16[%swap3A_223, %swap3A_224], %swap3A_227 {strides = array<i32>} : memref<64x128xf32, #tpu.memory_space<vmem>>, vector<1x16xf32>,
        %get3A_228 = arith.index_cast %scan3A_178 : i32 to index
        %get3A_229 = arith.constant 48 : index
        %get3A_230 = tpu.vector_load %arg16[%get3A_228, %get3A_229] {strides = array<i32>} : memref<64x128xf32, #tpu.memory_space<vmem>>, vector<1x16xf32>,
        %get3A_231 = vector.shape_cast %get3A_230 : vector<1x16xf32> to vector<16xf32>
        %mul3A_232 = arith.mulf %get3A_231, %bitcast_convert_type3A_217 : vector<16xf32>
        %swap3A_233 = arith.index_cast %scan3A_178 : i32 to index
        %swap3A_234 = arith.constant 48 : index
        %swap3A_235 = tpu.vector_load %arg16[%swap3A_233, %swap3A_234] {strides = array<i32>} : memref<64x128xf32, #tpu.memory_space<vmem>>, vector<1x16xf32>,
        %swap3A_236 = vector.shape_cast %swap3A_235 : vector<1x16xf32> to vector<16xf32>
        %swap3A_237 = vector.shape_cast %mul3A_232 : vector<16xf32> to vector<1x16xf32>
        tpu.vector_store %arg16[%swap3A_233, %swap3A_234], %swap3A_237 {strides = array<i32>} : memref<64x128xf32, #tpu.memory_space<vmem>>, vector<1x16xf32>,
        %get3A_238 = arith.index_cast %scan3A_178 : i32 to index
        %get3A_239 = arith.constant 32 : index
        %get3A_240 = tpu.vector_load %arg19[%get3A_238, %get3A_239] {strides = array<i32>} : memref<64x64xi32, #tpu.memory_space<vmem>>, vector<1x16xi32>,
        %get3A_241 = vector.shape_cast %get3A_240 : vector<1x16xi32> to vector<16xi32>
        %shift_left3A_242 = arith.constant 16 : i32
        %shift_left3A_243 = vector.broadcast %shift_left3A_242 : i32 to vector<16xi32>
        %shift_left3A_244 = arith.shli %get3A_241, %shift_left3A_243 : vector<16xi32>
        %bitcast_convert_type3A_245 = tpu.bitcast %shift_left3A_244 : vector<16xi32> -> vector<16xf32>
        %and3A_246 = vector.broadcast %scan3A_140 : i32 to vector<16xi32>
        %and3A_247 = arith.andi %get3A_241, %and3A_246 : vector<16xi32>
        %bitcast_convert_type3A_248 = tpu.bitcast %and3A_247 : vector<16xi32> -> vector<16xf32>
        %get3A_249 = arith.index_cast %scan3A_178 : i32 to index
        %get3A_250 = arith.constant 64 : index
        %get3A_251 = tpu.vector_load %arg16[%get3A_249, %get3A_250] {strides = array<i32>} : memref<64x128xf32, #tpu.memory_space<vmem>>, vector<1x16xf32>,
        %get3A_252 = vector.shape_cast %get3A_251 : vector<1x16xf32> to vector<16xf32>
        %mul3A_253 = arith.mulf %get3A_252, %bitcast_convert_type3A_245 : vector<16xf32>
        %swap3A_254 = arith.index_cast %scan3A_178 : i32 to index
        %swap3A_255 = arith.constant 64 : index
        %swap3A_256 = tpu.vector_load %arg16[%swap3A_254, %swap3A_255] {strides = array<i32>} : memref<64x128xf32, #tpu.memory_space<vmem>>, vector<1x16xf32>,
        %swap3A_257 = vector.shape_cast %swap3A_256 : vector<1x16xf32> to vector<16xf32>
        %swap3A_258 = vector.shape_cast %mul3A_253 : vector<16xf32> to vector<1x16xf32>
        tpu.vector_store %arg16[%swap3A_254, %swap3A_255], %swap3A_258 {strides = array<i32>} : memref<64x128xf32, #tpu.memory_space<vmem>>, vector<1x16xf32>,
        %get3A_259 = arith.index_cast %scan3A_178 : i32 to index
        %get3A_260 = arith.constant 80 : index
        %get3A_261 = tpu.vector_load %arg16[%get3A_259, %get3A_260] {strides = array<i32>} : memref<64x128xf32, #tpu.memory_space<vmem>>, vector<1x16xf32>,
        %get3A_262 = vector.shape_cast %get3A_261 : vector<1x16xf32> to vector<16xf32>
        %mul3A_263 = arith.mulf %get3A_262, %bitcast_convert_type3A_248 : vector<16xf32>
        %swap3A_264 = arith.index_cast %scan3A_178 : i32 to index
        %swap3A_265 = arith.constant 80 : index
        %swap3A_266 = tpu.vector_load %arg16[%swap3A_264, %swap3A_265] {strides = array<i32>} : memref<64x128xf32, #tpu.memory_space<vmem>>, vector<1x16xf32>,
        %swap3A_267 = vector.shape_cast %swap3A_266 : vector<1x16xf32> to vector<16xf32>
        %swap3A_268 = vector.shape_cast %mul3A_263 : vector<16xf32> to vector<1x16xf32>
        tpu.vector_store %arg16[%swap3A_264, %swap3A_265], %swap3A_268 {strides = array<i32>} : memref<64x128xf32, #tpu.memory_space<vmem>>, vector<1x16xf32>,
        %get3A_269 = arith.index_cast %scan3A_178 : i32 to index
        %get3A_270 = arith.constant 48 : index
        %get3A_271 = tpu.vector_load %arg19[%get3A_269, %get3A_270] {strides = array<i32>} : memref<64x64xi32, #tpu.memory_space<vmem>>, vector<1x16xi32>,
        %get3A_272 = vector.shape_cast %get3A_271 : vector<1x16xi32> to vector<16xi32>
        %shift_left3A_273 = arith.constant 16 : i32
        %shift_left3A_274 = vector.broadcast %shift_left3A_273 : i32 to vector<16xi32>
        %shift_left3A_275 = arith.shli %get3A_272, %shift_left3A_274 : vector<16xi32>
        %bitcast_convert_type3A_276 = tpu.bitcast %shift_left3A_275 : vector<16xi32> -> vector<16xf32>
        %and3A_277 = vector.broadcast %scan3A_140 : i32 to vector<16xi32>
        %and3A_278 = arith.andi %get3A_272, %and3A_277 : vector<16xi32>
        %bitcast_convert_type3A_279 = tpu.bitcast %and3A_278 : vector<16xi32> -> vector<16xf32>
        %get3A_280 = arith.index_cast %scan3A_178 : i32 to index
        %get3A_281 = arith.constant 96 : index
        %get3A_282 = tpu.vector_load %arg16[%get3A_280, %get3A_281] {strides = array<i32>} : memref<64x128xf32, #tpu.memory_space<vmem>>, vector<1x16xf32>,
        %get3A_283 = vector.shape_cast %get3A_282 : vector<1x16xf32> to vector<16xf32>
        %mul3A_284 = arith.mulf %get3A_283, %bitcast_convert_type3A_276 : vector<16xf32>
        %swap3A_285 = arith.index_cast %scan3A_178 : i32 to index
        %swap3A_286 = arith.constant 96 : index
        %swap3A_287 = tpu.vector_load %arg16[%swap3A_285, %swap3A_286] {strides = array<i32>} : memref<64x128xf32, #tpu.memory_space<vmem>>, vector<1x16xf32>,
        %swap3A_288 = vector.shape_cast %swap3A_287 : vector<1x16xf32> to vector<16xf32>
        %swap3A_289 = vector.shape_cast %mul3A_284 : vector<16xf32> to vector<1x16xf32>
        tpu.vector_store %arg16[%swap3A_285, %swap3A_286], %swap3A_289 {strides = array<i32>} : memref<64x128xf32, #tpu.memory_space<vmem>>, vector<1x16xf32>,
        %get3A_290 = arith.index_cast %scan3A_178 : i32 to index
        %get3A_291 = arith.constant 112 : index
        %get3A_292 = tpu.vector_load %arg16[%get3A_290, %get3A_291] {strides = array<i32>} : memref<64x128xf32, #tpu.memory_space<vmem>>, vector<1x16xf32>,
        %get3A_293 = vector.shape_cast %get3A_292 : vector<1x16xf32> to vector<16xf32>
        %mul3A_294 = arith.mulf %get3A_293, %bitcast_convert_type3A_279 : vector<16xf32>
        %swap3A_295 = arith.index_cast %scan3A_178 : i32 to index
        %swap3A_296 = arith.constant 112 : index
        %swap3A_297 = tpu.vector_load %arg16[%swap3A_295, %swap3A_296] {strides = array<i32>} : memref<64x128xf32, #tpu.memory_space<vmem>>, vector<1x16xf32>,
        %swap3A_298 = vector.shape_cast %swap3A_297 : vector<1x16xf32> to vector<16xf32>
        %swap3A_299 = vector.shape_cast %mul3A_294 : vector<16xf32> to vector<1x16xf32>
        tpu.vector_store %arg16[%swap3A_295, %swap3A_296], %swap3A_299 {strides = array<i32>} : memref<64x128xf32, #tpu.memory_space<vmem>>, vector<1x16xf32>,
      }
      %scan3A_145 = arith.constant 64 : i32
      %get3A = arith.constant 0 : index
      %get3A_146 = tpu.vector_load %arg10[%get3A] {strides = array<i32>} : memref<64xi32, #tpu.memory_space<vmem>>, vector<16xi32>,
      %get3A_147 = vector.shape_cast %get3A_146 : vector<16xi32> to vector<16xi32>
      %swap3A = arith.constant 0 : index
      %swap3A_148 = tpu.vector_load %arg13[%swap3A] {strides = array<i32>} : memref<64xi32, #tpu.memory_space<vmem>>, vector<16xi32>,
      %swap3A_149 = vector.shape_cast %swap3A_148 : vector<16xi32> to vector<16xi32>
      %swap3A_150 = vector.shape_cast %get3A_147 : vector<16xi32> to vector<16xi32>
      tpu.vector_store %arg13[%swap3A], %swap3A_150 {strides = array<i32>} : memref<64xi32, #tpu.memory_space<vmem>>, vector<16xi32>,
      %get3A_151 = arith.constant 16 : index
      %get3A_152 = tpu.vector_load %arg10[%get3A_151] {strides = array<i32>} : memref<64xi32, #tpu.memory_space<vmem>>, vector<16xi32>,
      %get3A_153 = vector.shape_cast %get3A_152 : vector<16xi32> to vector<16xi32>
      %swap3A_154 = arith.constant 16 : index
      %swap3A_155 = tpu.vector_load %arg13[%swap3A_154] {strides = array<i32>} : memref<64xi32, #tpu.memory_space<vmem>>, vector<16xi32>,
      %swap3A_156 = vector.shape_cast %swap3A_155 : vector<16xi32> to vector<16xi32>
      %swap3A_157 = vector.shape_cast %get3A_153 : vector<16xi32> to vector<16xi32>
      tpu.vector_store %arg13[%swap3A_154], %swap3A_157 {strides = array<i32>} : memref<64xi32, #tpu.memory_space<vmem>>, vector<16xi32>,
      %get3A_158 = arith.constant 32 : index
      %get3A_159 = tpu.vector_load %arg10[%get3A_158] {strides = array<i32>} : memref<64xi32, #tpu.memory_space<vmem>>, vector<16xi32>,
      %get3A_160 = vector.shape_cast %get3A_159 : vector<16xi32> to vector<16xi32>
      %swap3A_161 = arith.constant 32 : index
      %swap3A_162 = tpu.vector_load %arg13[%swap3A_161] {strides = array<i32>} : memref<64xi32, #tpu.memory_space<vmem>>, vector<16xi32>,
      %swap3A_163 = vector.shape_cast %swap3A_162 : vector<16xi32> to vector<16xi32>
      %swap3A_164 = vector.shape_cast %get3A_160 : vector<16xi32> to vector<16xi32>
      tpu.vector_store %arg13[%swap3A_161], %swap3A_164 {strides = array<i32>} : memref<64xi32, #tpu.memory_space<vmem>>, vector<16xi32>,
      %get3A_165 = arith.constant 48 : index
      %get3A_166 = tpu.vector_load %arg10[%get3A_165] {strides = array<i32>} : memref<64xi32, #tpu.memory_space<vmem>>, vector<16xi32>,
      %get3A_167 = vector.shape_cast %get3A_166 : vector<16xi32> to vector<16xi32>
      %swap3A_168 = arith.constant 48 : index
      %swap3A_169 = tpu.vector_load %arg13[%swap3A_168] {strides = array<i32>} : memref<64xi32, #tpu.memory_space<vmem>>, vector<16xi32>,
      %swap3A_170 = vector.shape_cast %swap3A_169 : vector<16xi32> to vector<16xi32>
      %swap3A_171 = vector.shape_cast %get3A_167 : vector<16xi32> to vector<16xi32>
      tpu.vector_store %arg13[%swap3A_168], %swap3A_171 {strides = array<i32>} : memref<64xi32, #tpu.memory_space<vmem>>, vector<16xi32>,
      %dma_start3A_172 = arith.constant 0 : i32
      %dma_start3A_173 = arith.constant 0 : i32
      %dma_start3A_174 = tpu.memref_slice %arg22[%dma_start3A_172, %dma_start3A_173] : memref<10000x128xf32, #tpu.memory_space<vmem_shared>> -> memref<10000x128xf32, #tpu.memory_space<vmem_shared>>
      tpu.enqueue_indirect_dma source(%arg16 : memref<64x128xf32, #tpu.memory_space<vmem>>) target(%dma_start3A_174 : memref<10000x128xf32, #tpu.memory_space<vmem_shared>>) offsets(%arg13 : memref<64xi32, #tpu.memory_space<vmem>>) semaphore(%arg29 : memref<!tpu.dma_semaphore, #tpu.memory_space<semaphore_mem>>) {add = true}
      %dma_wait3A_175 = arith.constant 0 : i32
      %dma_wait3A_176 = arith.constant 0 : i32
      %dma_wait3A_177 = tpu.memref_slice %arg22[%dma_wait3A_175, %dma_wait3A_176] : memref<10000x128xf32, #tpu.memory_space<vmem_shared>> -> memref<10000x128xf32, #tpu.memory_space<vmem_shared>>
      tpu.wait_indirect_dma semaphore(%arg29 : memref<!tpu.dma_semaphore, #tpu.memory_space<semaphore_mem>>) src(%arg16 : memref<64x128xf32, #tpu.memory_space<vmem>>) dst(%dma_wait3A_177 : memref<10000x128xf32, #tpu.memory_space<vmem_shared>>)
    } else {
    }
    %dma_wait3A_87 = arith.constant 0 : i32
    %dma_wait3A_88 = arith.constant 0 : i32
    %dma_wait3A_89 = tpu.memref_slice %arg22[%dma_wait3A_87, %dma_wait3A_88] : memref<10000x128xf32, #tpu.memory_space<vmem_shared>> -> memref<10000x128xf32, #tpu.memory_space<vmem_shared>>
    tpu.wait_indirect_dma semaphore(%arg30 : memref<!tpu.dma_semaphore, #tpu.memory_space<semaphore_mem>>) src(%arg17 : memref<64x128xf32, #tpu.memory_space<vmem>>) dst(%dma_wait3A_89 : memref<10000x128xf32, #tpu.memory_space<vmem_shared>>)
    %dma_wait3A_90 = arith.constant 0 : i32
    %dma_wait3A_91 = arith.constant 0 : i32
    %dma_wait3A_92 = tpu.memref_slice %arg22[%dma_wait3A_90, %dma_wait3A_91] : memref<10000x128xf32, #tpu.memory_space<vmem_shared>> -> memref<10000x128xf32, #tpu.memory_space<vmem_shared>>
    tpu.wait_indirect_dma semaphore(%arg31 : memref<!tpu.dma_semaphore, #tpu.memory_space<semaphore_mem>>) src(%arg18 : memref<64x128xf32, #tpu.memory_space<vmem>>) dst(%dma_wait3A_92 : memref<10000x128xf32, #tpu.memory_space<vmem_shared>>)
    %barrier3A_93 = arith.constant 0 : index
    tpu.barrier barrier_id(%barrier3A_93)
    "tpu.region"() ({
      %run_scoped3A = tpu.sem_alloc : memref<!tpu.dma_semaphore, #tpu.memory_space<semaphore_mem>>
      %dma_start3A_99 = arith.constant 0 : i32
      %dma_start3A_100 = tpu.memref_slice %arg6[%arg0, %mul3A_11, %dma_start3A_99] : memref<2x10000x128xf32, #tpu.memory_space<hbm>> -> memref<1x624x128xf32, #tpu.memory_space<hbm>>
      %dma_start3A_101 = tpu.memref_squeeze %dma_start3A_100 : memref<1x624x128xf32, #tpu.memory_space<hbm>> -> memref<624x128xf32, #tpu.memory_space<hbm>>
      %dma_start3A_102 = arith.constant 0 : i32
      %dma_start3A_103 = tpu.memref_slice %arg22[%mul3A_11, %dma_start3A_102] : memref<10000x128xf32, #tpu.memory_space<vmem_shared>> -> memref<624x128xf32, #tpu.memory_space<vmem_shared>>
      tpu.enqueue_dma source(%dma_start3A_103 : memref<624x128xf32, #tpu.memory_space<vmem_shared>>) target(%dma_start3A_101 : memref<624x128xf32, #tpu.memory_space<hbm>>) target_semaphore(%run_scoped3A : memref<!tpu.dma_semaphore, #tpu.memory_space<semaphore_mem>>)
      %dma_wait3A_104 = arith.constant 0 : i32
      %dma_wait3A_105 = tpu.memref_slice %arg6[%arg0, %mul3A_11, %dma_wait3A_104] : memref<2x10000x128xf32, #tpu.memory_space<hbm>> -> memref<1x624x128xf32, #tpu.memory_space<hbm>>
      %dma_wait3A_106 = tpu.memref_squeeze %dma_wait3A_105 : memref<1x624x128xf32, #tpu.memory_space<hbm>> -> memref<624x128xf32, #tpu.memory_space<hbm>>
      %dma_wait3A_107 = arith.constant 0 : i32
      %dma_wait3A_108 = tpu.memref_slice %arg22[%mul3A_11, %dma_wait3A_107] : memref<10000x128xf32, #tpu.memory_space<vmem_shared>> -> memref<624x128xf32, #tpu.memory_space<vmem_shared>>
      tpu.wait_dma2 semaphore(%run_scoped3A : memref<!tpu.dma_semaphore, #tpu.memory_space<semaphore_mem>>) src(%dma_wait3A_108 : memref<624x128xf32, #tpu.memory_space<vmem_shared>>) dst(%dma_wait3A_106 : memref<624x128xf32, #tpu.memory_space<hbm>>)
      tpu.yield
    }) : () -> ()
    %eq3A_94 = arith.constant 15 : i32
    %eq3A_95 = arith.cmpi eq, %arg1, %eq3A_94 : i32
    %convert_element_type3A_96 = arith.extui %eq3A_95 : i1 to i32
    %cond3A_97 = arith.constant 0 : i32
    %cond3A_98 = arith.cmpi ne, %convert_element_type3A_96, %cond3A_97 : i32
    scf.if %cond3A_98 {
      "tpu.region"() ({
        %run_scoped3A = tpu.sem_alloc : memref<!tpu.dma_semaphore, #tpu.memory_space<semaphore_mem>>
        %dma_start3A_99 = arith.constant 9984 : i32
        %dma_start3A_100 = arith.constant 0 : i32
        %dma_start3A_101 = tpu.memref_slice %arg6[%arg0, %dma_start3A_99, %dma_start3A_100] : memref<2x10000x128xf32, #tpu.memory_space<hbm>> -> memref<1x16x128xf32, #tpu.memory_space<hbm>>
        %dma_start3A_102 = tpu.memref_squeeze %dma_start3A_101 : memref<1x16x128xf32, #tpu.memory_space<hbm>> -> memref<16x128xf32, #tpu.memory_space<hbm>>
        %dma_start3A_103 = arith.constant 9984 : i32
        %dma_start3A_104 = arith.constant 0 : i32
        %dma_start3A_105 = tpu.memref_slice %arg22[%dma_start3A_103, %dma_start3A_104] : memref<10000x128xf32, #tpu.memory_space<vmem_shared>> -> memref<16x128xf32, #tpu.memory_space<vmem_shared>>
        tpu.enqueue_dma source(%dma_start3A_105 : memref<16x128xf32, #tpu.memory_space<vmem_shared>>) target(%dma_start3A_102 : memref<16x128xf32, #tpu.memory_space<hbm>>) target_semaphore(%run_scoped3A : memref<!tpu.dma_semaphore, #tpu.memory_space<semaphore_mem>>)
        %dma_wait3A_106 = arith.constant 9984 : i32
        %dma_wait3A_107 = arith.constant 0 : i32
        %dma_wait3A_108 = tpu.memref_slice %arg6[%arg0, %dma_wait3A_106, %dma_wait3A_107] : memref<2x10000x128xf32, #tpu.memory_space<hbm>> -> memref<1x16x128xf32, #tpu.memory_space<hbm>>
        %dma_wait3A_109 = tpu.memref_squeeze %dma_wait3A_108 : memref<1x16x128xf32, #tpu.memory_space<hbm>> -> memref<16x128xf32, #tpu.memory_space<hbm>>
        %dma_wait3A_110 = arith.constant 9984 : i32
        %dma_wait3A_111 = arith.constant 0 : i32
        %dma_wait3A_112 = tpu.memref_slice %arg22[%dma_wait3A_110, %dma_wait3A_111] : memref<10000x128xf32, #tpu.memory_space<vmem_shared>> -> memref<16x128xf32, #tpu.memory_space<vmem_shared>>
        tpu.wait_dma2 semaphore(%run_scoped3A : memref<!tpu.dma_semaphore, #tpu.memory_space<semaphore_mem>>) src(%dma_wait3A_112 : memref<16x128xf32, #tpu.memory_space<vmem_shared>>) dst(%dma_wait3A_109 : memref<16x128xf32, #tpu.memory_space<hbm>>)
        tpu.yield
      }) : () -> ()
    } else {
    }
    return
  }
}

#map = affine_map<(d0, d1) -> (0, 0)>
#map1 = affine_map<(d0, d1) -> (0)>
#map2 = affine_map<(d0, d1) -> (0, 0, 0)>
module attributes {stable_mosaic.version = 14 : i64} {
  func.func @_sc_body(%arg0: i32, %arg1: i32, %arg2: memref<10000x128xf32, #tpu.memory_space<hbm>>, %arg3: memref<320000xi32, #tpu.memory_space<hbm>>, %arg4: memref<320000xi32, #tpu.memory_space<hbm>>, %arg5: memref<160000x64xi32, #tpu.memory_space<hbm>>, %arg6: memref<2x10000x128xf32, #tpu.memory_space<hbm>>, %arg7: memref<64xi32, #tpu.memory_space<vmem>>, %arg8: memref<64xi32, #tpu.memory_space<vmem>>, %arg9: memref<64xi32, #tpu.memory_space<vmem>>, %arg10: memref<64xi32, #tpu.memory_space<vmem>>, %arg11: memref<64xi32, #tpu.memory_space<vmem>>, %arg12: memref<64xi32, #tpu.memory_space<vmem>>, %arg13: memref<64xi32, #tpu.memory_space<vmem>>, %arg14: memref<64xi32, #tpu.memory_space<vmem>>, %arg15: memref<64xi32, #tpu.memory_space<vmem>>, %arg16: memref<64x128xf32, #tpu.memory_space<vmem>>, %arg17: memref<64x128xf32, #tpu.memory_space<vmem>>, %arg18: memref<64x128xf32, #tpu.memory_space<vmem>>, %arg19: memref<64x64xi32, #tpu.memory_space<vmem>>, %arg20: memref<64x64xi32, #tpu.memory_space<vmem>>, %arg21: memref<64x64xi32, #tpu.memory_space<vmem>>, %arg22: memref<10000x128xf32, #tpu.memory_space<vmem_shared>>, %arg23: memref<!tpu.dma_semaphore, #tpu.memory_space<semaphore_mem>>, %arg24: memref<!tpu.dma_semaphore, #tpu.memory_space<semaphore_mem>>, %arg25: memref<!tpu.dma_semaphore, #tpu.memory_space<semaphore_mem>>, %arg26: memref<!tpu.dma_semaphore, #tpu.memory_space<semaphore_mem>>, %arg27: memref<!tpu.dma_semaphore, #tpu.memory_space<semaphore_mem>>, %arg28: memref<!tpu.dma_semaphore, #tpu.memory_space<semaphore_mem>>, %arg29: memref<!tpu.dma_semaphore, #tpu.memory_space<semaphore_mem>>, %arg30: memref<!tpu.dma_semaphore, #tpu.memory_space<semaphore_mem>>, %arg31: memref<!tpu.dma_semaphore, #tpu.memory_space<semaphore_mem>>) attributes {dimension_semantics = [#tpu.dimension_semantics<core_parallel>, #tpu.dimension_semantics<subcore_parallel>], iteration_bounds = array<i64: 2, 16>, scalar_prefetch = 0 : i64, scratch_operands = 25 : i64, tpu.core_type = #tpu.core_type<sc_vector_subcore>, window_params = [{transform_indices = #map}, {transform_indices = #map1}, {transform_indices = #map1}, {transform_indices = #map}, {transform_indices = #map2}]} {
    %mul3A = arith.constant 2 : i32
    %mul3A_0 = arith.muli %arg1, %mul3A : i32
    %add3A = arith.addi %mul3A_0, %arg0 : i32
    %mul3A_1 = arith.constant 4992 : i32
    %mul3A_2 = arith.muli %add3A, %mul3A_1 : i32
    %add3A_3 = arith.constant 160000 : i32
    %add3A_4 = arith.addi %add3A_3, %mul3A_2 : i32
    %scan3A = arith.constant 0 : i32
    %scan3A_5 = arith.constant 0 : i32
    %scan3A_6 = arith.constant 64 : i32
    %scan3A_7 = arith.addi %scan3A_5, %scan3A_6 : i32
    %scan3A_8 = arith.constant 1 : i32
    scf.for %scan3A_99 = %scan3A_5 to %scan3A_7 step %scan3A_8  : i32 {
      %broadcast_in_dim3A = arith.constant 0.000000e+00 : f32
      %broadcast_in_dim3A_100 = vector.broadcast %broadcast_in_dim3A : f32 to vector<16xf32>
      %swap3A = arith.index_cast %scan3A_99 : i32 to index
      %swap3A_101 = arith.constant 0 : index
      %swap3A_102 = tpu.vector_load %arg16[%swap3A, %swap3A_101] {strides = array<i32>} : memref<64x128xf32, #tpu.memory_space<vmem>>, vector<1x16xf32>,
      %swap3A_103 = vector.shape_cast %swap3A_102 : vector<1x16xf32> to vector<16xf32>
      %swap3A_104 = vector.shape_cast %broadcast_in_dim3A_100 : vector<16xf32> to vector<1x16xf32>
      tpu.vector_store %arg16[%swap3A, %swap3A_101], %swap3A_104 {strides = array<i32>} : memref<64x128xf32, #tpu.memory_space<vmem>>, vector<1x16xf32>,
      %broadcast_in_dim3A_105 = arith.constant 0.000000e+00 : f32
      %broadcast_in_dim3A_106 = vector.broadcast %broadcast_in_dim3A_105 : f32 to vector<16xf32>
      %swap3A_107 = arith.index_cast %scan3A_99 : i32 to index
      %swap3A_108 = arith.constant 16 : index
      %swap3A_109 = tpu.vector_load %arg16[%swap3A_107, %swap3A_108] {strides = array<i32>} : memref<64x128xf32, #tpu.memory_space<vmem>>, vector<1x16xf32>,
      %swap3A_110 = vector.shape_cast %swap3A_109 : vector<1x16xf32> to vector<16xf32>
      %swap3A_111 = vector.shape_cast %broadcast_in_dim3A_106 : vector<16xf32> to vector<1x16xf32>
      tpu.vector_store %arg16[%swap3A_107, %swap3A_108], %swap3A_111 {strides = array<i32>} : memref<64x128xf32, #tpu.memory_space<vmem>>, vector<1x16xf32>,
      %broadcast_in_dim3A_112 = arith.constant 0.000000e+00 : f32
      %broadcast_in_dim3A_113 = vector.broadcast %broadcast_in_dim3A_112 : f32 to vector<16xf32>
      %swap3A_114 = arith.index_cast %scan3A_99 : i32 to index
      %swap3A_115 = arith.constant 32 : index
      %swap3A_116 = tpu.vector_load %arg16[%swap3A_114, %swap3A_115] {strides = array<i32>} : memref<64x128xf32, #tpu.memory_space<vmem>>, vector<1x16xf32>,
      %swap3A_117 = vector.shape_cast %swap3A_116 : vector<1x16xf32> to vector<16xf32>
      %swap3A_118 = vector.shape_cast %broadcast_in_dim3A_113 : vector<16xf32> to vector<1x16xf32>
      tpu.vector_store %arg16[%swap3A_114, %swap3A_115], %swap3A_118 {strides = array<i32>} : memref<64x128xf32, #tpu.memory_space<vmem>>, vector<1x16xf32>,
      %broadcast_in_dim3A_119 = arith.constant 0.000000e+00 : f32
      %broadcast_in_dim3A_120 = vector.broadcast %broadcast_in_dim3A_119 : f32 to vector<16xf32>
      %swap3A_121 = arith.index_cast %scan3A_99 : i32 to index
      %swap3A_122 = arith.constant 48 : index
      %swap3A_123 = tpu.vector_load %arg16[%swap3A_121, %swap3A_122] {strides = array<i32>} : memref<64x128xf32, #tpu.memory_space<vmem>>, vector<1x16xf32>,
      %swap3A_124 = vector.shape_cast %swap3A_123 : vector<1x16xf32> to vector<16xf32>
      %swap3A_125 = vector.shape_cast %broadcast_in_dim3A_120 : vector<16xf32> to vector<1x16xf32>
      tpu.vector_store %arg16[%swap3A_121, %swap3A_122], %swap3A_125 {strides = array<i32>} : memref<64x128xf32, #tpu.memory_space<vmem>>, vector<1x16xf32>,
      %broadcast_in_dim3A_126 = arith.constant 0.000000e+00 : f32
      %broadcast_in_dim3A_127 = vector.broadcast %broadcast_in_dim3A_126 : f32 to vector<16xf32>
      %swap3A_128 = arith.index_cast %scan3A_99 : i32 to index
      %swap3A_129 = arith.constant 64 : index
      %swap3A_130 = tpu.vector_load %arg16[%swap3A_128, %swap3A_129] {strides = array<i32>} : memref<64x128xf32, #tpu.memory_space<vmem>>, vector<1x16xf32>,
      %swap3A_131 = vector.shape_cast %swap3A_130 : vector<1x16xf32> to vector<16xf32>
      %swap3A_132 = vector.shape_cast %broadcast_in_dim3A_127 : vector<16xf32> to vector<1x16xf32>
      tpu.vector_store %arg16[%swap3A_128, %swap3A_129], %swap3A_132 {strides = array<i32>} : memref<64x128xf32, #tpu.memory_space<vmem>>, vector<1x16xf32>,
      %broadcast_in_dim3A_133 = arith.constant 0.000000e+00 : f32
      %broadcast_in_dim3A_134 = vector.broadcast %broadcast_in_dim3A_133 : f32 to vector<16xf32>
      %swap3A_135 = arith.index_cast %scan3A_99 : i32 to index
      %swap3A_136 = arith.constant 80 : index
      %swap3A_137 = tpu.vector_load %arg16[%swap3A_135, %swap3A_136] {strides = array<i32>} : memref<64x128xf32, #tpu.memory_space<vmem>>, vector<1x16xf32>,
      %swap3A_138 = vector.shape_cast %swap3A_137 : vector<1x16xf32> to vector<16xf32>
      %swap3A_139 = vector.shape_cast %broadcast_in_dim3A_134 : vector<16xf32> to vector<1x16xf32>
      tpu.vector_store %arg16[%swap3A_135, %swap3A_136], %swap3A_139 {strides = array<i32>} : memref<64x128xf32, #tpu.memory_space<vmem>>, vector<1x16xf32>,
      %broadcast_in_dim3A_140 = arith.constant 0.000000e+00 : f32
      %broadcast_in_dim3A_141 = vector.broadcast %broadcast_in_dim3A_140 : f32 to vector<16xf32>
      %swap3A_142 = arith.index_cast %scan3A_99 : i32 to index
      %swap3A_143 = arith.constant 96 : index
      %swap3A_144 = tpu.vector_load %arg16[%swap3A_142, %swap3A_143] {strides = array<i32>} : memref<64x128xf32, #tpu.memory_space<vmem>>, vector<1x16xf32>,
      %swap3A_145 = vector.shape_cast %swap3A_144 : vector<1x16xf32> to vector<16xf32>
      %swap3A_146 = vector.shape_cast %broadcast_in_dim3A_141 : vector<16xf32> to vector<1x16xf32>
      tpu.vector_store %arg16[%swap3A_142, %swap3A_143], %swap3A_146 {strides = array<i32>} : memref<64x128xf32, #tpu.memory_space<vmem>>, vector<1x16xf32>,
      %broadcast_in_dim3A_147 = arith.constant 0.000000e+00 : f32
      %broadcast_in_dim3A_148 = vector.broadcast %broadcast_in_dim3A_147 : f32 to vector<16xf32>
      %swap3A_149 = arith.index_cast %scan3A_99 : i32 to index
      %swap3A_150 = arith.constant 112 : index
      %swap3A_151 = tpu.vector_load %arg16[%swap3A_149, %swap3A_150] {strides = array<i32>} : memref<64x128xf32, #tpu.memory_space<vmem>>, vector<1x16xf32>,
      %swap3A_152 = vector.shape_cast %swap3A_151 : vector<1x16xf32> to vector<16xf32>
      %swap3A_153 = vector.shape_cast %broadcast_in_dim3A_148 : vector<16xf32> to vector<1x16xf32>
      tpu.vector_store %arg16[%swap3A_149, %swap3A_150], %swap3A_153 {strides = array<i32>} : memref<64x128xf32, #tpu.memory_space<vmem>>, vector<1x16xf32>,
    }
    %scan3A_9 = arith.constant 64 : i32
    %mul3A_10 = arith.constant 624 : i32
    %mul3A_11 = arith.muli %arg1, %mul3A_10 : i32
    %add3A_12 = arith.constant 0 : i32
    %add3A_13 = arith.addi %mul3A_11, %add3A_12 : i32
    "tpu.region"() ({
      %run_scoped3A = tpu.sem_alloc : memref<!tpu.dma_semaphore, #tpu.memory_space<semaphore_mem>>
      %dma_start3A_99 = arith.constant 0 : i32
      %dma_start3A_100 = arith.constant 0 : i32
      %dma_start3A_101 = tpu.memref_slice %arg16[%dma_start3A_99, %dma_start3A_100] : memref<64x128xf32, #tpu.memory_space<vmem>> -> memref<64x128xf32, #tpu.memory_space<vmem>>
      %dma_start3A_102 = arith.constant 0 : i32
      %dma_start3A_103 = tpu.memref_slice %arg22[%add3A_13, %dma_start3A_102] : memref<10000x128xf32, #tpu.memory_space<vmem_shared>> -> memref<64x128xf32, #tpu.memory_space<vmem_shared>>
      %dma_start3A_104 = arith.constant 0 : i32
      %dma_start3A_105 = tpu.memref_slice %arg22[%add3A_13, %dma_start3A_104] : memref<10000x128xf32, #tpu.memory_space<vmem_shared>> -> memref<64x128xf32, #tpu.memory_space<vmem_shared>>
      %dma_start3A_106 = arith.constant 0 : i32
      %dma_start3A_107 = arith.constant 0 : i32
      %dma_start3A_108 = tpu.memref_slice %arg16[%dma_start3A_106, %dma_start3A_107] : memref<64x128xf32, #tpu.memory_space<vmem>> -> memref<64x128xf32, #tpu.memory_space<vmem>>
      tpu.enqueue_dma source(%dma_start3A_108 : memref<64x128xf32, #tpu.memory_space<vmem>>) target(%dma_start3A_105 : memref<64x128xf32, #tpu.memory_space<vmem_shared>>) target_semaphore(%run_scoped3A : memref<!tpu.dma_semaphore, #tpu.memory_space<semaphore_mem>>)
      %dma_wait3A_109 = arith.constant 0 : i32
      %dma_wait3A_110 = arith.constant 0 : i32
      %dma_wait3A_111 = tpu.memref_slice %arg16[%dma_wait3A_109, %dma_wait3A_110] : memref<64x128xf32, #tpu.memory_space<vmem>> -> memref<64x128xf32, #tpu.memory_space<vmem>>
      %dma_wait3A_112 = arith.constant 0 : i32
      %dma_wait3A_113 = tpu.memref_slice %arg22[%add3A_13, %dma_wait3A_112] : memref<10000x128xf32, #tpu.memory_space<vmem_shared>> -> memref<64x128xf32, #tpu.memory_space<vmem_shared>>
      %dma_wait3A_114 = arith.constant 0 : i32
      %dma_wait3A_115 = tpu.memref_slice %arg22[%add3A_13, %dma_wait3A_114] : memref<10000x128xf32, #tpu.memory_space<vmem_shared>> -> memref<64x128xf32, #tpu.memory_space<vmem_shared>>
      %dma_wait3A_116 = arith.constant 0 : i32
      %dma_wait3A_117 = arith.constant 0 : i32
      %dma_wait3A_118 = tpu.memref_slice %arg16[%dma_wait3A_116, %dma_wait3A_117] : memref<64x128xf32, #tpu.memory_space<vmem>> -> memref<64x128xf32, #tpu.memory_space<vmem>>
      tpu.wait_dma2 semaphore(%run_scoped3A : memref<!tpu.dma_semaphore, #tpu.memory_space<semaphore_mem>>) src(%dma_wait3A_118 : memref<64x128xf32, #tpu.memory_space<vmem>>) dst(%dma_wait3A_115 : memref<64x128xf32, #tpu.memory_space<vmem_shared>>)
      tpu.yield
    }) : () -> ()
    %add3A_14 = arith.constant 64 : i32
    %add3A_15 = arith.addi %mul3A_11, %add3A_14 : i32
    "tpu.region"() ({
      %run_scoped3A = tpu.sem_alloc : memref<!tpu.dma_semaphore, #tpu.memory_space<semaphore_mem>>
      %dma_start3A_99 = arith.constant 0 : i32
      %dma_start3A_100 = arith.constant 0 : i32
      %dma_start3A_101 = tpu.memref_slice %arg16[%dma_start3A_99, %dma_start3A_100] : memref<64x128xf32, #tpu.memory_space<vmem>> -> memref<64x128xf32, #tpu.memory_space<vmem>>
      %dma_start3A_102 = arith.constant 0 : i32
      %dma_start3A_103 = tpu.memref_slice %arg22[%add3A_15, %dma_start3A_102] : memref<10000x128xf32, #tpu.memory_space<vmem_shared>> -> memref<64x128xf32, #tpu.memory_space<vmem_shared>>
      %dma_start3A_104 = arith.constant 0 : i32
      %dma_start3A_105 = tpu.memref_slice %arg22[%add3A_15, %dma_start3A_104] : memref<10000x128xf32, #tpu.memory_space<vmem_shared>> -> memref<64x128xf32, #tpu.memory_space<vmem_shared>>
      %dma_start3A_106 = arith.constant 0 : i32
      %dma_start3A_107 = arith.constant 0 : i32
      %dma_start3A_108 = tpu.memref_slice %arg16[%dma_start3A_106, %dma_start3A_107] : memref<64x128xf32, #tpu.memory_space<vmem>> -> memref<64x128xf32, #tpu.memory_space<vmem>>
      tpu.enqueue_dma source(%dma_start3A_108 : memref<64x128xf32, #tpu.memory_space<vmem>>) target(%dma_start3A_105 : memref<64x128xf32, #tpu.memory_space<vmem_shared>>) target_semaphore(%run_scoped3A : memref<!tpu.dma_semaphore, #tpu.memory_space<semaphore_mem>>)
      %dma_wait3A_109 = arith.constant 0 : i32
      %dma_wait3A_110 = arith.constant 0 : i32
      %dma_wait3A_111 = tpu.memref_slice %arg16[%dma_wait3A_109, %dma_wait3A_110] : memref<64x128xf32, #tpu.memory_space<vmem>> -> memref<64x128xf32, #tpu.memory_space<vmem>>
      %dma_wait3A_112 = arith.constant 0 : i32
      %dma_wait3A_113 = tpu.memref_slice %arg22[%add3A_15, %dma_wait3A_112] : memref<10000x128xf32, #tpu.memory_space<vmem_shared>> -> memref<64x128xf32, #tpu.memory_space<vmem_shared>>
      %dma_wait3A_114 = arith.constant 0 : i32
      %dma_wait3A_115 = tpu.memref_slice %arg22[%add3A_15, %dma_wait3A_114] : memref<10000x128xf32, #tpu.memory_space<vmem_shared>> -> memref<64x128xf32, #tpu.memory_space<vmem_shared>>
      %dma_wait3A_116 = arith.constant 0 : i32
      %dma_wait3A_117 = arith.constant 0 : i32
      %dma_wait3A_118 = tpu.memref_slice %arg16[%dma_wait3A_116, %dma_wait3A_117] : memref<64x128xf32, #tpu.memory_space<vmem>> -> memref<64x128xf32, #tpu.memory_space<vmem>>
      tpu.wait_dma2 semaphore(%run_scoped3A : memref<!tpu.dma_semaphore, #tpu.memory_space<semaphore_mem>>) src(%dma_wait3A_118 : memref<64x128xf32, #tpu.memory_space<vmem>>) dst(%dma_wait3A_115 : memref<64x128xf32, #tpu.memory_space<vmem_shared>>)
      tpu.yield
    }) : () -> ()
    %add3A_16 = arith.constant 128 : i32
    %add3A_17 = arith.addi %mul3A_11, %add3A_16 : i32
    "tpu.region"() ({
      %run_scoped3A = tpu.sem_alloc : memref<!tpu.dma_semaphore, #tpu.memory_space<semaphore_mem>>
      %dma_start3A_99 = arith.constant 0 : i32
      %dma_start3A_100 = arith.constant 0 : i32
      %dma_start3A_101 = tpu.memref_slice %arg16[%dma_start3A_99, %dma_start3A_100] : memref<64x128xf32, #tpu.memory_space<vmem>> -> memref<64x128xf32, #tpu.memory_space<vmem>>
      %dma_start3A_102 = arith.constant 0 : i32
      %dma_start3A_103 = tpu.memref_slice %arg22[%add3A_17, %dma_start3A_102] : memref<10000x128xf32, #tpu.memory_space<vmem_shared>> -> memref<64x128xf32, #tpu.memory_space<vmem_shared>>
      %dma_start3A_104 = arith.constant 0 : i32
      %dma_start3A_105 = tpu.memref_slice %arg22[%add3A_17, %dma_start3A_104] : memref<10000x128xf32, #tpu.memory_space<vmem_shared>> -> memref<64x128xf32, #tpu.memory_space<vmem_shared>>
      %dma_start3A_106 = arith.constant 0 : i32
      %dma_start3A_107 = arith.constant 0 : i32
      %dma_start3A_108 = tpu.memref_slice %arg16[%dma_start3A_106, %dma_start3A_107] : memref<64x128xf32, #tpu.memory_space<vmem>> -> memref<64x128xf32, #tpu.memory_space<vmem>>
      tpu.enqueue_dma source(%dma_start3A_108 : memref<64x128xf32, #tpu.memory_space<vmem>>) target(%dma_start3A_105 : memref<64x128xf32, #tpu.memory_space<vmem_shared>>) target_semaphore(%run_scoped3A : memref<!tpu.dma_semaphore, #tpu.memory_space<semaphore_mem>>)
      %dma_wait3A_109 = arith.constant 0 : i32
      %dma_wait3A_110 = arith.constant 0 : i32
      %dma_wait3A_111 = tpu.memref_slice %arg16[%dma_wait3A_109, %dma_wait3A_110] : memref<64x128xf32, #tpu.memory_space<vmem>> -> memref<64x128xf32, #tpu.memory_space<vmem>>
      %dma_wait3A_112 = arith.constant 0 : i32
      %dma_wait3A_113 = tpu.memref_slice %arg22[%add3A_17, %dma_wait3A_112] : memref<10000x128xf32, #tpu.memory_space<vmem_shared>> -> memref<64x128xf32, #tpu.memory_space<vmem_shared>>
      %dma_wait3A_114 = arith.constant 0 : i32
      %dma_wait3A_115 = tpu.memref_slice %arg22[%add3A_17, %dma_wait3A_114] : memref<10000x128xf32, #tpu.memory_space<vmem_shared>> -> memref<64x128xf32, #tpu.memory_space<vmem_shared>>
      %dma_wait3A_116 = arith.constant 0 : i32
      %dma_wait3A_117 = arith.constant 0 : i32
      %dma_wait3A_118 = tpu.memref_slice %arg16[%dma_wait3A_116, %dma_wait3A_117] : memref<64x128xf32, #tpu.memory_space<vmem>> -> memref<64x128xf32, #tpu.memory_space<vmem>>
      tpu.wait_dma2 semaphore(%run_scoped3A : memref<!tpu.dma_semaphore, #tpu.memory_space<semaphore_mem>>) src(%dma_wait3A_118 : memref<64x128xf32, #tpu.memory_space<vmem>>) dst(%dma_wait3A_115 : memref<64x128xf32, #tpu.memory_space<vmem_shared>>)
      tpu.yield
    }) : () -> ()
    %add3A_18 = arith.constant 192 : i32
    %add3A_19 = arith.addi %mul3A_11, %add3A_18 : i32
    "tpu.region"() ({
      %run_scoped3A = tpu.sem_alloc : memref<!tpu.dma_semaphore, #tpu.memory_space<semaphore_mem>>
      %dma_start3A_99 = arith.constant 0 : i32
      %dma_start3A_100 = arith.constant 0 : i32
      %dma_start3A_101 = tpu.memref_slice %arg16[%dma_start3A_99, %dma_start3A_100] : memref<64x128xf32, #tpu.memory_space<vmem>> -> memref<64x128xf32, #tpu.memory_space<vmem>>
      %dma_start3A_102 = arith.constant 0 : i32
      %dma_start3A_103 = tpu.memref_slice %arg22[%add3A_19, %dma_start3A_102] : memref<10000x128xf32, #tpu.memory_space<vmem_shared>> -> memref<64x128xf32, #tpu.memory_space<vmem_shared>>
      %dma_start3A_104 = arith.constant 0 : i32
      %dma_start3A_105 = tpu.memref_slice %arg22[%add3A_19, %dma_start3A_104] : memref<10000x128xf32, #tpu.memory_space<vmem_shared>> -> memref<64x128xf32, #tpu.memory_space<vmem_shared>>
      %dma_start3A_106 = arith.constant 0 : i32
      %dma_start3A_107 = arith.constant 0 : i32
      %dma_start3A_108 = tpu.memref_slice %arg16[%dma_start3A_106, %dma_start3A_107] : memref<64x128xf32, #tpu.memory_space<vmem>> -> memref<64x128xf32, #tpu.memory_space<vmem>>
      tpu.enqueue_dma source(%dma_start3A_108 : memref<64x128xf32, #tpu.memory_space<vmem>>) target(%dma_start3A_105 : memref<64x128xf32, #tpu.memory_space<vmem_shared>>) target_semaphore(%run_scoped3A : memref<!tpu.dma_semaphore, #tpu.memory_space<semaphore_mem>>)
      %dma_wait3A_109 = arith.constant 0 : i32
      %dma_wait3A_110 = arith.constant 0 : i32
      %dma_wait3A_111 = tpu.memref_slice %arg16[%dma_wait3A_109, %dma_wait3A_110] : memref<64x128xf32, #tpu.memory_space<vmem>> -> memref<64x128xf32, #tpu.memory_space<vmem>>
      %dma_wait3A_112 = arith.constant 0 : i32
      %dma_wait3A_113 = tpu.memref_slice %arg22[%add3A_19, %dma_wait3A_112] : memref<10000x128xf32, #tpu.memory_space<vmem_shared>> -> memref<64x128xf32, #tpu.memory_space<vmem_shared>>
      %dma_wait3A_114 = arith.constant 0 : i32
      %dma_wait3A_115 = tpu.memref_slice %arg22[%add3A_19, %dma_wait3A_114] : memref<10000x128xf32, #tpu.memory_space<vmem_shared>> -> memref<64x128xf32, #tpu.memory_space<vmem_shared>>
      %dma_wait3A_116 = arith.constant 0 : i32
      %dma_wait3A_117 = arith.constant 0 : i32
      %dma_wait3A_118 = tpu.memref_slice %arg16[%dma_wait3A_116, %dma_wait3A_117] : memref<64x128xf32, #tpu.memory_space<vmem>> -> memref<64x128xf32, #tpu.memory_space<vmem>>
      tpu.wait_dma2 semaphore(%run_scoped3A : memref<!tpu.dma_semaphore, #tpu.memory_space<semaphore_mem>>) src(%dma_wait3A_118 : memref<64x128xf32, #tpu.memory_space<vmem>>) dst(%dma_wait3A_115 : memref<64x128xf32, #tpu.memory_space<vmem_shared>>)
      tpu.yield
    }) : () -> ()
    %add3A_20 = arith.constant 256 : i32
    %add3A_21 = arith.addi %mul3A_11, %add3A_20 : i32
    "tpu.region"() ({
      %run_scoped3A = tpu.sem_alloc : memref<!tpu.dma_semaphore, #tpu.memory_space<semaphore_mem>>
      %dma_start3A_99 = arith.constant 0 : i32
      %dma_start3A_100 = arith.constant 0 : i32
      %dma_start3A_101 = tpu.memref_slice %arg16[%dma_start3A_99, %dma_start3A_100] : memref<64x128xf32, #tpu.memory_space<vmem>> -> memref<64x128xf32, #tpu.memory_space<vmem>>
      %dma_start3A_102 = arith.constant 0 : i32
      %dma_start3A_103 = tpu.memref_slice %arg22[%add3A_21, %dma_start3A_102] : memref<10000x128xf32, #tpu.memory_space<vmem_shared>> -> memref<64x128xf32, #tpu.memory_space<vmem_shared>>
      %dma_start3A_104 = arith.constant 0 : i32
      %dma_start3A_105 = tpu.memref_slice %arg22[%add3A_21, %dma_start3A_104] : memref<10000x128xf32, #tpu.memory_space<vmem_shared>> -> memref<64x128xf32, #tpu.memory_space<vmem_shared>>
      %dma_start3A_106 = arith.constant 0 : i32
      %dma_start3A_107 = arith.constant 0 : i32
      %dma_start3A_108 = tpu.memref_slice %arg16[%dma_start3A_106, %dma_start3A_107] : memref<64x128xf32, #tpu.memory_space<vmem>> -> memref<64x128xf32, #tpu.memory_space<vmem>>
      tpu.enqueue_dma source(%dma_start3A_108 : memref<64x128xf32, #tpu.memory_space<vmem>>) target(%dma_start3A_105 : memref<64x128xf32, #tpu.memory_space<vmem_shared>>) target_semaphore(%run_scoped3A : memref<!tpu.dma_semaphore, #tpu.memory_space<semaphore_mem>>)
      %dma_wait3A_109 = arith.constant 0 : i32
      %dma_wait3A_110 = arith.constant 0 : i32
      %dma_wait3A_111 = tpu.memref_slice %arg16[%dma_wait3A_109, %dma_wait3A_110] : memref<64x128xf32, #tpu.memory_space<vmem>> -> memref<64x128xf32, #tpu.memory_space<vmem>>
      %dma_wait3A_112 = arith.constant 0 : i32
      %dma_wait3A_113 = tpu.memref_slice %arg22[%add3A_21, %dma_wait3A_112] : memref<10000x128xf32, #tpu.memory_space<vmem_shared>> -> memref<64x128xf32, #tpu.memory_space<vmem_shared>>
      %dma_wait3A_114 = arith.constant 0 : i32
      %dma_wait3A_115 = tpu.memref_slice %arg22[%add3A_21, %dma_wait3A_114] : memref<10000x128xf32, #tpu.memory_space<vmem_shared>> -> memref<64x128xf32, #tpu.memory_space<vmem_shared>>
      %dma_wait3A_116 = arith.constant 0 : i32
      %dma_wait3A_117 = arith.constant 0 : i32
      %dma_wait3A_118 = tpu.memref_slice %arg16[%dma_wait3A_116, %dma_wait3A_117] : memref<64x128xf32, #tpu.memory_space<vmem>> -> memref<64x128xf32, #tpu.memory_space<vmem>>
      tpu.wait_dma2 semaphore(%run_scoped3A : memref<!tpu.dma_semaphore, #tpu.memory_space<semaphore_mem>>) src(%dma_wait3A_118 : memref<64x128xf32, #tpu.memory_space<vmem>>) dst(%dma_wait3A_115 : memref<64x128xf32, #tpu.memory_space<vmem_shared>>)
      tpu.yield
    }) : () -> ()
    %add3A_22 = arith.constant 320 : i32
    %add3A_23 = arith.addi %mul3A_11, %add3A_22 : i32
    "tpu.region"() ({
      %run_scoped3A = tpu.sem_alloc : memref<!tpu.dma_semaphore, #tpu.memory_space<semaphore_mem>>
      %dma_start3A_99 = arith.constant 0 : i32
      %dma_start3A_100 = arith.constant 0 : i32
      %dma_start3A_101 = tpu.memref_slice %arg16[%dma_start3A_99, %dma_start3A_100] : memref<64x128xf32, #tpu.memory_space<vmem>> -> memref<64x128xf32, #tpu.memory_space<vmem>>
      %dma_start3A_102 = arith.constant 0 : i32
      %dma_start3A_103 = tpu.memref_slice %arg22[%add3A_23, %dma_start3A_102] : memref<10000x128xf32, #tpu.memory_space<vmem_shared>> -> memref<64x128xf32, #tpu.memory_space<vmem_shared>>
      %dma_start3A_104 = arith.constant 0 : i32
      %dma_start3A_105 = tpu.memref_slice %arg22[%add3A_23, %dma_start3A_104] : memref<10000x128xf32, #tpu.memory_space<vmem_shared>> -> memref<64x128xf32, #tpu.memory_space<vmem_shared>>
      %dma_start3A_106 = arith.constant 0 : i32
      %dma_start3A_107 = arith.constant 0 : i32
      %dma_start3A_108 = tpu.memref_slice %arg16[%dma_start3A_106, %dma_start3A_107] : memref<64x128xf32, #tpu.memory_space<vmem>> -> memref<64x128xf32, #tpu.memory_space<vmem>>
      tpu.enqueue_dma source(%dma_start3A_108 : memref<64x128xf32, #tpu.memory_space<vmem>>) target(%dma_start3A_105 : memref<64x128xf32, #tpu.memory_space<vmem_shared>>) target_semaphore(%run_scoped3A : memref<!tpu.dma_semaphore, #tpu.memory_space<semaphore_mem>>)
      %dma_wait3A_109 = arith.constant 0 : i32
      %dma_wait3A_110 = arith.constant 0 : i32
      %dma_wait3A_111 = tpu.memref_slice %arg16[%dma_wait3A_109, %dma_wait3A_110] : memref<64x128xf32, #tpu.memory_space<vmem>> -> memref<64x128xf32, #tpu.memory_space<vmem>>
      %dma_wait3A_112 = arith.constant 0 : i32
      %dma_wait3A_113 = tpu.memref_slice %arg22[%add3A_23, %dma_wait3A_112] : memref<10000x128xf32, #tpu.memory_space<vmem_shared>> -> memref<64x128xf32, #tpu.memory_space<vmem_shared>>
      %dma_wait3A_114 = arith.constant 0 : i32
      %dma_wait3A_115 = tpu.memref_slice %arg22[%add3A_23, %dma_wait3A_114] : memref<10000x128xf32, #tpu.memory_space<vmem_shared>> -> memref<64x128xf32, #tpu.memory_space<vmem_shared>>
      %dma_wait3A_116 = arith.constant 0 : i32
      %dma_wait3A_117 = arith.constant 0 : i32
      %dma_wait3A_118 = tpu.memref_slice %arg16[%dma_wait3A_116, %dma_wait3A_117] : memref<64x128xf32, #tpu.memory_space<vmem>> -> memref<64x128xf32, #tpu.memory_space<vmem>>
      tpu.wait_dma2 semaphore(%run_scoped3A : memref<!tpu.dma_semaphore, #tpu.memory_space<semaphore_mem>>) src(%dma_wait3A_118 : memref<64x128xf32, #tpu.memory_space<vmem>>) dst(%dma_wait3A_115 : memref<64x128xf32, #tpu.memory_space<vmem_shared>>)
      tpu.yield
    }) : () -> ()
    %add3A_24 = arith.constant 384 : i32
    %add3A_25 = arith.addi %mul3A_11, %add3A_24 : i32
    "tpu.region"() ({
      %run_scoped3A = tpu.sem_alloc : memref<!tpu.dma_semaphore, #tpu.memory_space<semaphore_mem>>
      %dma_start3A_99 = arith.constant 0 : i32
      %dma_start3A_100 = arith.constant 0 : i32
      %dma_start3A_101 = tpu.memref_slice %arg16[%dma_start3A_99, %dma_start3A_100] : memref<64x128xf32, #tpu.memory_space<vmem>> -> memref<64x128xf32, #tpu.memory_space<vmem>>
      %dma_start3A_102 = arith.constant 0 : i32
      %dma_start3A_103 = tpu.memref_slice %arg22[%add3A_25, %dma_start3A_102] : memref<10000x128xf32, #tpu.memory_space<vmem_shared>> -> memref<64x128xf32, #tpu.memory_space<vmem_shared>>
      %dma_start3A_104 = arith.constant 0 : i32
      %dma_start3A_105 = tpu.memref_slice %arg22[%add3A_25, %dma_start3A_104] : memref<10000x128xf32, #tpu.memory_space<vmem_shared>> -> memref<64x128xf32, #tpu.memory_space<vmem_shared>>
      %dma_start3A_106 = arith.constant 0 : i32
      %dma_start3A_107 = arith.constant 0 : i32
      %dma_start3A_108 = tpu.memref_slice %arg16[%dma_start3A_106, %dma_start3A_107] : memref<64x128xf32, #tpu.memory_space<vmem>> -> memref<64x128xf32, #tpu.memory_space<vmem>>
      tpu.enqueue_dma source(%dma_start3A_108 : memref<64x128xf32, #tpu.memory_space<vmem>>) target(%dma_start3A_105 : memref<64x128xf32, #tpu.memory_space<vmem_shared>>) target_semaphore(%run_scoped3A : memref<!tpu.dma_semaphore, #tpu.memory_space<semaphore_mem>>)
      %dma_wait3A_109 = arith.constant 0 : i32
      %dma_wait3A_110 = arith.constant 0 : i32
      %dma_wait3A_111 = tpu.memref_slice %arg16[%dma_wait3A_109, %dma_wait3A_110] : memref<64x128xf32, #tpu.memory_space<vmem>> -> memref<64x128xf32, #tpu.memory_space<vmem>>
      %dma_wait3A_112 = arith.constant 0 : i32
      %dma_wait3A_113 = tpu.memref_slice %arg22[%add3A_25, %dma_wait3A_112] : memref<10000x128xf32, #tpu.memory_space<vmem_shared>> -> memref<64x128xf32, #tpu.memory_space<vmem_shared>>
      %dma_wait3A_114 = arith.constant 0 : i32
      %dma_wait3A_115 = tpu.memref_slice %arg22[%add3A_25, %dma_wait3A_114] : memref<10000x128xf32, #tpu.memory_space<vmem_shared>> -> memref<64x128xf32, #tpu.memory_space<vmem_shared>>
      %dma_wait3A_116 = arith.constant 0 : i32
      %dma_wait3A_117 = arith.constant 0 : i32
      %dma_wait3A_118 = tpu.memref_slice %arg16[%dma_wait3A_116, %dma_wait3A_117] : memref<64x128xf32, #tpu.memory_space<vmem>> -> memref<64x128xf32, #tpu.memory_space<vmem>>
      tpu.wait_dma2 semaphore(%run_scoped3A : memref<!tpu.dma_semaphore, #tpu.memory_space<semaphore_mem>>) src(%dma_wait3A_118 : memref<64x128xf32, #tpu.memory_space<vmem>>) dst(%dma_wait3A_115 : memref<64x128xf32, #tpu.memory_space<vmem_shared>>)
      tpu.yield
    }) : () -> ()
    %add3A_26 = arith.constant 448 : i32
    %add3A_27 = arith.addi %mul3A_11, %add3A_26 : i32
    "tpu.region"() ({
      %run_scoped3A = tpu.sem_alloc : memref<!tpu.dma_semaphore, #tpu.memory_space<semaphore_mem>>
      %dma_start3A_99 = arith.constant 0 : i32
      %dma_start3A_100 = arith.constant 0 : i32
      %dma_start3A_101 = tpu.memref_slice %arg16[%dma_start3A_99, %dma_start3A_100] : memref<64x128xf32, #tpu.memory_space<vmem>> -> memref<64x128xf32, #tpu.memory_space<vmem>>
      %dma_start3A_102 = arith.constant 0 : i32
      %dma_start3A_103 = tpu.memref_slice %arg22[%add3A_27, %dma_start3A_102] : memref<10000x128xf32, #tpu.memory_space<vmem_shared>> -> memref<64x128xf32, #tpu.memory_space<vmem_shared>>
      %dma_start3A_104 = arith.constant 0 : i32
      %dma_start3A_105 = tpu.memref_slice %arg22[%add3A_27, %dma_start3A_104] : memref<10000x128xf32, #tpu.memory_space<vmem_shared>> -> memref<64x128xf32, #tpu.memory_space<vmem_shared>>
      %dma_start3A_106 = arith.constant 0 : i32
      %dma_start3A_107 = arith.constant 0 : i32
      %dma_start3A_108 = tpu.memref_slice %arg16[%dma_start3A_106, %dma_start3A_107] : memref<64x128xf32, #tpu.memory_space<vmem>> -> memref<64x128xf32, #tpu.memory_space<vmem>>
      tpu.enqueue_dma source(%dma_start3A_108 : memref<64x128xf32, #tpu.memory_space<vmem>>) target(%dma_start3A_105 : memref<64x128xf32, #tpu.memory_space<vmem_shared>>) target_semaphore(%run_scoped3A : memref<!tpu.dma_semaphore, #tpu.memory_space<semaphore_mem>>)
      %dma_wait3A_109 = arith.constant 0 : i32
      %dma_wait3A_110 = arith.constant 0 : i32
      %dma_wait3A_111 = tpu.memref_slice %arg16[%dma_wait3A_109, %dma_wait3A_110] : memref<64x128xf32, #tpu.memory_space<vmem>> -> memref<64x128xf32, #tpu.memory_space<vmem>>
      %dma_wait3A_112 = arith.constant 0 : i32
      %dma_wait3A_113 = tpu.memref_slice %arg22[%add3A_27, %dma_wait3A_112] : memref<10000x128xf32, #tpu.memory_space<vmem_shared>> -> memref<64x128xf32, #tpu.memory_space<vmem_shared>>
      %dma_wait3A_114 = arith.constant 0 : i32
      %dma_wait3A_115 = tpu.memref_slice %arg22[%add3A_27, %dma_wait3A_114] : memref<10000x128xf32, #tpu.memory_space<vmem_shared>> -> memref<64x128xf32, #tpu.memory_space<vmem_shared>>
      %dma_wait3A_116 = arith.constant 0 : i32
      %dma_wait3A_117 = arith.constant 0 : i32
      %dma_wait3A_118 = tpu.memref_slice %arg16[%dma_wait3A_116, %dma_wait3A_117] : memref<64x128xf32, #tpu.memory_space<vmem>> -> memref<64x128xf32, #tpu.memory_space<vmem>>
      tpu.wait_dma2 semaphore(%run_scoped3A : memref<!tpu.dma_semaphore, #tpu.memory_space<semaphore_mem>>) src(%dma_wait3A_118 : memref<64x128xf32, #tpu.memory_space<vmem>>) dst(%dma_wait3A_115 : memref<64x128xf32, #tpu.memory_space<vmem_shared>>)
      tpu.yield
    }) : () -> ()
    %add3A_28 = arith.constant 512 : i32
    %add3A_29 = arith.addi %mul3A_11, %add3A_28 : i32
    "tpu.region"() ({
      %run_scoped3A = tpu.sem_alloc : memref<!tpu.dma_semaphore, #tpu.memory_space<semaphore_mem>>
      %dma_start3A_99 = arith.constant 0 : i32
      %dma_start3A_100 = arith.constant 0 : i32
      %dma_start3A_101 = tpu.memref_slice %arg16[%dma_start3A_99, %dma_start3A_100] : memref<64x128xf32, #tpu.memory_space<vmem>> -> memref<64x128xf32, #tpu.memory_space<vmem>>
      %dma_start3A_102 = arith.constant 0 : i32
      %dma_start3A_103 = tpu.memref_slice %arg22[%add3A_29, %dma_start3A_102] : memref<10000x128xf32, #tpu.memory_space<vmem_shared>> -> memref<64x128xf32, #tpu.memory_space<vmem_shared>>
      %dma_start3A_104 = arith.constant 0 : i32
      %dma_start3A_105 = tpu.memref_slice %arg22[%add3A_29, %dma_start3A_104] : memref<10000x128xf32, #tpu.memory_space<vmem_shared>> -> memref<64x128xf32, #tpu.memory_space<vmem_shared>>
      %dma_start3A_106 = arith.constant 0 : i32
      %dma_start3A_107 = arith.constant 0 : i32
      %dma_start3A_108 = tpu.memref_slice %arg16[%dma_start3A_106, %dma_start3A_107] : memref<64x128xf32, #tpu.memory_space<vmem>> -> memref<64x128xf32, #tpu.memory_space<vmem>>
      tpu.enqueue_dma source(%dma_start3A_108 : memref<64x128xf32, #tpu.memory_space<vmem>>) target(%dma_start3A_105 : memref<64x128xf32, #tpu.memory_space<vmem_shared>>) target_semaphore(%run_scoped3A : memref<!tpu.dma_semaphore, #tpu.memory_space<semaphore_mem>>)
      %dma_wait3A_109 = arith.constant 0 : i32
      %dma_wait3A_110 = arith.constant 0 : i32
      %dma_wait3A_111 = tpu.memref_slice %arg16[%dma_wait3A_109, %dma_wait3A_110] : memref<64x128xf32, #tpu.memory_space<vmem>> -> memref<64x128xf32, #tpu.memory_space<vmem>>
      %dma_wait3A_112 = arith.constant 0 : i32
      %dma_wait3A_113 = tpu.memref_slice %arg22[%add3A_29, %dma_wait3A_112] : memref<10000x128xf32, #tpu.memory_space<vmem_shared>> -> memref<64x128xf32, #tpu.memory_space<vmem_shared>>
      %dma_wait3A_114 = arith.constant 0 : i32
      %dma_wait3A_115 = tpu.memref_slice %arg22[%add3A_29, %dma_wait3A_114] : memref<10000x128xf32, #tpu.memory_space<vmem_shared>> -> memref<64x128xf32, #tpu.memory_space<vmem_shared>>
      %dma_wait3A_116 = arith.constant 0 : i32
      %dma_wait3A_117 = arith.constant 0 : i32
      %dma_wait3A_118 = tpu.memref_slice %arg16[%dma_wait3A_116, %dma_wait3A_117] : memref<64x128xf32, #tpu.memory_space<vmem>> -> memref<64x128xf32, #tpu.memory_space<vmem>>
      tpu.wait_dma2 semaphore(%run_scoped3A : memref<!tpu.dma_semaphore, #tpu.memory_space<semaphore_mem>>) src(%dma_wait3A_118 : memref<64x128xf32, #tpu.memory_space<vmem>>) dst(%dma_wait3A_115 : memref<64x128xf32, #tpu.memory_space<vmem_shared>>)
      tpu.yield
    }) : () -> ()
    %add3A_30 = arith.constant 576 : i32
    %add3A_31 = arith.addi %mul3A_11, %add3A_30 : i32
    "tpu.region"() ({
      %run_scoped3A = tpu.sem_alloc : memref<!tpu.dma_semaphore, #tpu.memory_space<semaphore_mem>>
      %dma_start3A_99 = arith.constant 0 : i32
      %dma_start3A_100 = arith.constant 0 : i32
      %dma_start3A_101 = tpu.memref_slice %arg16[%dma_start3A_99, %dma_start3A_100] : memref<64x128xf32, #tpu.memory_space<vmem>> -> memref<48x128xf32, #tpu.memory_space<vmem>>
      %dma_start3A_102 = arith.constant 0 : i32
      %dma_start3A_103 = tpu.memref_slice %arg22[%add3A_31, %dma_start3A_102] : memref<10000x128xf32, #tpu.memory_space<vmem_shared>> -> memref<48x128xf32, #tpu.memory_space<vmem_shared>>
      %dma_start3A_104 = arith.constant 0 : i32
      %dma_start3A_105 = tpu.memref_slice %arg22[%add3A_31, %dma_start3A_104] : memref<10000x128xf32, #tpu.memory_space<vmem_shared>> -> memref<48x128xf32, #tpu.memory_space<vmem_shared>>
      %dma_start3A_106 = arith.constant 0 : i32
      %dma_start3A_107 = arith.constant 0 : i32
      %dma_start3A_108 = tpu.memref_slice %arg16[%dma_start3A_106, %dma_start3A_107] : memref<64x128xf32, #tpu.memory_space<vmem>> -> memref<48x128xf32, #tpu.memory_space<vmem>>
      tpu.enqueue_dma source(%dma_start3A_108 : memref<48x128xf32, #tpu.memory_space<vmem>>) target(%dma_start3A_105 : memref<48x128xf32, #tpu.memory_space<vmem_shared>>) target_semaphore(%run_scoped3A : memref<!tpu.dma_semaphore, #tpu.memory_space<semaphore_mem>>)
      %dma_wait3A_109 = arith.constant 0 : i32
      %dma_wait3A_110 = arith.constant 0 : i32
      %dma_wait3A_111 = tpu.memref_slice %arg16[%dma_wait3A_109, %dma_wait3A_110] : memref<64x128xf32, #tpu.memory_space<vmem>> -> memref<48x128xf32, #tpu.memory_space<vmem>>
      %dma_wait3A_112 = arith.constant 0 : i32
      %dma_wait3A_113 = tpu.memref_slice %arg22[%add3A_31, %dma_wait3A_112] : memref<10000x128xf32, #tpu.memory_space<vmem_shared>> -> memref<48x128xf32, #tpu.memory_space<vmem_shared>>
      %dma_wait3A_114 = arith.constant 0 : i32
      %dma_wait3A_115 = tpu.memref_slice %arg22[%add3A_31, %dma_wait3A_114] : memref<10000x128xf32, #tpu.memory_space<vmem_shared>> -> memref<48x128xf32, #tpu.memory_space<vmem_shared>>
      %dma_wait3A_116 = arith.constant 0 : i32
      %dma_wait3A_117 = arith.constant 0 : i32
      %dma_wait3A_118 = tpu.memref_slice %arg16[%dma_wait3A_116, %dma_wait3A_117] : memref<64x128xf32, #tpu.memory_space<vmem>> -> memref<48x128xf32, #tpu.memory_space<vmem>>
      tpu.wait_dma2 semaphore(%run_scoped3A : memref<!tpu.dma_semaphore, #tpu.memory_space<semaphore_mem>>) src(%dma_wait3A_118 : memref<48x128xf32, #tpu.memory_space<vmem>>) dst(%dma_wait3A_115 : memref<48x128xf32, #tpu.memory_space<vmem_shared>>)
      tpu.yield
    }) : () -> ()
    %eq3A = arith.constant 15 : i32
    %eq3A_32 = arith.cmpi eq, %arg1, %eq3A : i32
    %convert_element_type3A = arith.extui %eq3A_32 : i1 to i32
    %cond3A = arith.constant 0 : i32
    %cond3A_33 = arith.cmpi ne, %convert_element_type3A, %cond3A : i32
    scf.if %cond3A_33 {
      "tpu.region"() ({
        %run_scoped3A = tpu.sem_alloc : memref<!tpu.dma_semaphore, #tpu.memory_space<semaphore_mem>>
        %dma_start3A_99 = arith.constant 0 : i32
        %dma_start3A_100 = arith.constant 0 : i32
        %dma_start3A_101 = tpu.memref_slice %arg16[%dma_start3A_99, %dma_start3A_100] : memref<64x128xf32, #tpu.memory_space<vmem>> -> memref<16x128xf32, #tpu.memory_space<vmem>>
        %dma_start3A_102 = arith.constant 9984 : i32
        %dma_start3A_103 = arith.constant 0 : i32
        %dma_start3A_104 = tpu.memref_slice %arg22[%dma_start3A_102, %dma_start3A_103] : memref<10000x128xf32, #tpu.memory_space<vmem_shared>> -> memref<16x128xf32, #tpu.memory_space<vmem_shared>>
        %dma_start3A_105 = arith.constant 9984 : i32
        %dma_start3A_106 = arith.constant 0 : i32
        %dma_start3A_107 = tpu.memref_slice %arg22[%dma_start3A_105, %dma_start3A_106] : memref<10000x128xf32, #tpu.memory_space<vmem_shared>> -> memref<16x128xf32, #tpu.memory_space<vmem_shared>>
        %dma_start3A_108 = arith.constant 0 : i32
        %dma_start3A_109 = arith.constant 0 : i32
        %dma_start3A_110 = tpu.memref_slice %arg16[%dma_start3A_108, %dma_start3A_109] : memref<64x128xf32, #tpu.memory_space<vmem>> -> memref<16x128xf32, #tpu.memory_space<vmem>>
        tpu.enqueue_dma source(%dma_start3A_110 : memref<16x128xf32, #tpu.memory_space<vmem>>) target(%dma_start3A_107 : memref<16x128xf32, #tpu.memory_space<vmem_shared>>) target_semaphore(%run_scoped3A : memref<!tpu.dma_semaphore, #tpu.memory_space<semaphore_mem>>)
        %dma_wait3A_111 = arith.constant 0 : i32
        %dma_wait3A_112 = arith.constant 0 : i32
        %dma_wait3A_113 = tpu.memref_slice %arg16[%dma_wait3A_111, %dma_wait3A_112] : memref<64x128xf32, #tpu.memory_space<vmem>> -> memref<16x128xf32, #tpu.memory_space<vmem>>
        %dma_wait3A_114 = arith.constant 9984 : i32
        %dma_wait3A_115 = arith.constant 0 : i32
        %dma_wait3A_116 = tpu.memref_slice %arg22[%dma_wait3A_114, %dma_wait3A_115] : memref<10000x128xf32, #tpu.memory_space<vmem_shared>> -> memref<16x128xf32, #tpu.memory_space<vmem_shared>>
        %dma_wait3A_117 = arith.constant 9984 : i32
        %dma_wait3A_118 = arith.constant 0 : i32
        %dma_wait3A_119 = tpu.memref_slice %arg22[%dma_wait3A_117, %dma_wait3A_118] : memref<10000x128xf32, #tpu.memory_space<vmem_shared>> -> memref<16x128xf32, #tpu.memory_space<vmem_shared>>
        %dma_wait3A_120 = arith.constant 0 : i32
        %dma_wait3A_121 = arith.constant 0 : i32
        %dma_wait3A_122 = tpu.memref_slice %arg16[%dma_wait3A_120, %dma_wait3A_121] : memref<64x128xf32, #tpu.memory_space<vmem>> -> memref<16x128xf32, #tpu.memory_space<vmem>>
        tpu.wait_dma2 semaphore(%run_scoped3A : memref<!tpu.dma_semaphore, #tpu.memory_space<semaphore_mem>>) src(%dma_wait3A_122 : memref<16x128xf32, #tpu.memory_space<vmem>>) dst(%dma_wait3A_119 : memref<16x128xf32, #tpu.memory_space<vmem_shared>>)
        tpu.yield
      }) : () -> ()
    } else {
    }
    %barrier3A = arith.constant 0 : index
    tpu.barrier barrier_id(%barrier3A)
    %add3A_34 = arith.constant 0 : i32
    %add3A_35 = arith.addi %add3A_4, %add3A_34 : i32
    %dma_start3A = tpu.memref_slice %arg3[%add3A_35] : memref<320000xi32, #tpu.memory_space<hbm>> -> memref<64xi32, #tpu.memory_space<hbm>>
    %dma_start3A_36 = tpu.memref_slice %arg3[%add3A_35] : memref<320000xi32, #tpu.memory_space<hbm>> -> memref<64xi32, #tpu.memory_space<hbm>>
    tpu.enqueue_dma source(%dma_start3A_36 : memref<64xi32, #tpu.memory_space<hbm>>) target(%arg7 : memref<64xi32, #tpu.memory_space<vmem>>) target_semaphore(%arg23 : memref<!tpu.dma_semaphore, #tpu.memory_space<semaphore_mem>>)
    %add3A_37 = arith.constant 0 : i32
    %add3A_38 = arith.addi %add3A_4, %add3A_37 : i32
    %dma_start3A_39 = tpu.memref_slice %arg4[%add3A_38] : memref<320000xi32, #tpu.memory_space<hbm>> -> memref<64xi32, #tpu.memory_space<hbm>>
    %dma_start3A_40 = tpu.memref_slice %arg4[%add3A_38] : memref<320000xi32, #tpu.memory_space<hbm>> -> memref<64xi32, #tpu.memory_space<hbm>>
    tpu.enqueue_dma source(%dma_start3A_40 : memref<64xi32, #tpu.memory_space<hbm>>) target(%arg10 : memref<64xi32, #tpu.memory_space<vmem>>) target_semaphore(%arg23 : memref<!tpu.dma_semaphore, #tpu.memory_space<semaphore_mem>>)
    %add3A_41 = arith.constant 0 : i32
    %add3A_42 = arith.addi %mul3A_2, %add3A_41 : i32
    %dma_start3A_43 = arith.constant 0 : i32
    %dma_start3A_44 = tpu.memref_slice %arg5[%add3A_42, %dma_start3A_43] : memref<160000x64xi32, #tpu.memory_space<hbm>> -> memref<64x64xi32, #tpu.memory_space<hbm>>
    %dma_start3A_45 = arith.constant 0 : i32
    %dma_start3A_46 = tpu.memref_slice %arg5[%add3A_42, %dma_start3A_45] : memref<160000x64xi32, #tpu.memory_space<hbm>> -> memref<64x64xi32, #tpu.memory_space<hbm>>
    tpu.enqueue_dma source(%dma_start3A_46 : memref<64x64xi32, #tpu.memory_space<hbm>>) target(%arg19 : memref<64x64xi32, #tpu.memory_space<vmem>>) target_semaphore(%arg23 : memref<!tpu.dma_semaphore, #tpu.memory_space<semaphore_mem>>)
    %add3A_47 = arith.constant 64 : i32
    %add3A_48 = arith.addi %add3A_4, %add3A_47 : i32
    %dma_start3A_49 = tpu.memref_slice %arg3[%add3A_48] : memref<320000xi32, #tpu.memory_space<hbm>> -> memref<64xi32, #tpu.memory_space<hbm>>
    %dma_start3A_50 = tpu.memref_slice %arg3[%add3A_48] : memref<320000xi32, #tpu.memory_space<hbm>> -> memref<64xi32, #tpu.memory_space<hbm>>
    tpu.enqueue_dma source(%dma_start3A_50 : memref<64xi32, #tpu.memory_space<hbm>>) target(%arg8 : memref<64xi32, #tpu.memory_space<vmem>>) target_semaphore(%arg24 : memref<!tpu.dma_semaphore, #tpu.memory_space<semaphore_mem>>)
    %add3A_51 = arith.constant 64 : i32
    %add3A_52 = arith.addi %add3A_4, %add3A_51 : i32
    %dma_start3A_53 = tpu.memref_slice %arg4[%add3A_52] : memref<320000xi32, #tpu.memory_space<hbm>> -> memref<64xi32, #tpu.memory_space<hbm>>
    %dma_start3A_54 = tpu.memref_slice %arg4[%add3A_52] : memref<320000xi32, #tpu.memory_space<hbm>> -> memref<64xi32, #tpu.memory_space<hbm>>
    tpu.enqueue_dma source(%dma_start3A_54 : memref<64xi32, #tpu.memory_space<hbm>>) target(%arg11 : memref<64xi32, #tpu.memory_space<vmem>>) target_semaphore(%arg24 : memref<!tpu.dma_semaphore, #tpu.memory_space<semaphore_mem>>)
    %add3A_55 = arith.constant 64 : i32
    %add3A_56 = arith.addi %mul3A_2, %add3A_55 : i32
    %dma_start3A_57 = arith.constant 0 : i32
    %dma_start3A_58 = tpu.memref_slice %arg5[%add3A_56, %dma_start3A_57] : memref<160000x64xi32, #tpu.memory_space<hbm>> -> memref<64x64xi32, #tpu.memory_space<hbm>>
    %dma_start3A_59 = arith.constant 0 : i32
    %dma_start3A_60 = tpu.memref_slice %arg5[%add3A_56, %dma_start3A_59] : memref<160000x64xi32, #tpu.memory_space<hbm>> -> memref<64x64xi32, #tpu.memory_space<hbm>>
    tpu.enqueue_dma source(%dma_start3A_60 : memref<64x64xi32, #tpu.memory_space<hbm>>) target(%arg20 : memref<64x64xi32, #tpu.memory_space<vmem>>) target_semaphore(%arg24 : memref<!tpu.dma_semaphore, #tpu.memory_space<semaphore_mem>>)
    %dma_wait3A = arith.constant 0 : i32
    %dma_wait3A_61 = tpu.memref_slice %arg3[%dma_wait3A] : memref<320000xi32, #tpu.memory_space<hbm>> -> memref<64xi32, #tpu.memory_space<hbm>>
    %dma_wait3A_62 = arith.constant 0 : i32
    %dma_wait3A_63 = tpu.memref_slice %arg3[%dma_wait3A_62] : memref<320000xi32, #tpu.memory_space<hbm>> -> memref<64xi32, #tpu.memory_space<hbm>>
    tpu.wait_dma2 semaphore(%arg23 : memref<!tpu.dma_semaphore, #tpu.memory_space<semaphore_mem>>) src(%dma_wait3A_63 : memref<64xi32, #tpu.memory_space<hbm>>) dst(%arg7 : memref<64xi32, #tpu.memory_space<vmem>>)
    %dma_wait3A_64 = arith.constant 0 : i32
    %dma_wait3A_65 = tpu.memref_slice %arg4[%dma_wait3A_64] : memref<320000xi32, #tpu.memory_space<hbm>> -> memref<64xi32, #tpu.memory_space<hbm>>
    %dma_wait3A_66 = arith.constant 0 : i32
    %dma_wait3A_67 = tpu.memref_slice %arg4[%dma_wait3A_66] : memref<320000xi32, #tpu.memory_space<hbm>> -> memref<64xi32, #tpu.memory_space<hbm>>
    tpu.wait_dma2 semaphore(%arg23 : memref<!tpu.dma_semaphore, #tpu.memory_space<semaphore_mem>>) src(%dma_wait3A_67 : memref<64xi32, #tpu.memory_space<hbm>>) dst(%arg10 : memref<64xi32, #tpu.memory_space<vmem>>)
    %dma_wait3A_68 = arith.constant 0 : i32
    %dma_wait3A_69 = arith.constant 0 : i32
    %dma_wait3A_70 = tpu.memref_slice %arg5[%dma_wait3A_68, %dma_wait3A_69] : memref<160000x64xi32, #tpu.memory_space<hbm>> -> memref<64x64xi32, #tpu.memory_space<hbm>>
    %dma_wait3A_71 = arith.constant 0 : i32
    %dma_wait3A_72 = arith.constant 0 : i32
    %dma_wait3A_73 = tpu.memref_slice %arg5[%dma_wait3A_71, %dma_wait3A_72] : memref<160000x64xi32, #tpu.memory_space<hbm>> -> memref<64x64xi32, #tpu.memory_space<hbm>>
    tpu.wait_dma2 semaphore(%arg23 : memref<!tpu.dma_semaphore, #tpu.memory_space<semaphore_mem>>) src(%dma_wait3A_73 : memref<64x64xi32, #tpu.memory_space<hbm>>) dst(%arg19 : memref<64x64xi32, #tpu.memory_space<vmem>>)
    %dma_start3A_74 = arith.constant 0 : i32
    %dma_start3A_75 = arith.constant 0 : i32
    %dma_start3A_76 = tpu.memref_slice %arg2[%dma_start3A_74, %dma_start3A_75] : memref<10000x128xf32, #tpu.memory_space<hbm>> -> memref<10000x128xf32, #tpu.memory_space<hbm>>
    tpu.enqueue_indirect_dma source(%dma_start3A_76 : memref<10000x128xf32, #tpu.memory_space<hbm>>) target(%arg16 : memref<64x128xf32, #tpu.memory_space<vmem>>) offsets(%arg7 : memref<64xi32, #tpu.memory_space<vmem>>) semaphore(%arg26 : memref<!tpu.dma_semaphore, #tpu.memory_space<semaphore_mem>>)
    %scan3A_77 = arith.constant 0 : i32
    %scan3A_78 = arith.constant 0 : i32
    %scan3A_79 = arith.constant 26 : i32
    %scan3A_80 = arith.addi %scan3A_78, %scan3A_79 : i32
    %scan3A_81 = arith.constant 1 : i32
    scf.for %scan3A_99 = %scan3A_78 to %scan3A_80 step %scan3A_81  : i32 {
      %mul3A_100 = arith.constant 3 : i32
      %mul3A_101 = arith.muli %mul3A_100, %scan3A_99 : i32
      %ge3A = arith.constant 2 : i32
      %ge3A_102 = arith.cmpi sge, %mul3A_101, %ge3A : i32
      %convert_element_type3A_103 = arith.extui %ge3A_102 : i1 to i32
      %cond3A_104 = arith.constant 0 : i32
      %cond3A_105 = arith.cmpi ne, %convert_element_type3A_103, %cond3A_104 : i32
      scf.if %cond3A_105 {
        %dma_wait3A_283 = arith.constant 0 : i32
        %dma_wait3A_284 = arith.constant 0 : i32
        %dma_wait3A_285 = tpu.memref_slice %arg22[%dma_wait3A_283, %dma_wait3A_284] : memref<10000x128xf32, #tpu.memory_space<vmem_shared>> -> memref<10000x128xf32, #tpu.memory_space<vmem_shared>>
        tpu.wait_indirect_dma semaphore(%arg30 : memref<!tpu.dma_semaphore, #tpu.memory_space<semaphore_mem>>) src(%arg17 : memref<64x128xf32, #tpu.memory_space<vmem>>) dst(%dma_wait3A_285 : memref<10000x128xf32, #tpu.memory_space<vmem_shared>>)
      } else {
      }
      %add3A_106 = arith.constant 2 : i32
      %add3A_107 = arith.addi %mul3A_101, %add3A_106 : i32
      %lt3A_108 = arith.constant 78 : i32
      %lt3A_109 = arith.cmpi slt, %add3A_107, %lt3A_108 : i32
      %convert_element_type3A_110 = arith.extui %lt3A_109 : i1 to i32
      %cond3A_111 = arith.constant 0 : i32
      %cond3A_112 = arith.cmpi ne, %convert_element_type3A_110, %cond3A_111 : i32
      scf.if %cond3A_112 {
        %add3A_283 = arith.constant 2 : i32
        %add3A_284 = arith.addi %mul3A_101, %add3A_283 : i32
        %mul3A_285 = arith.constant 64 : i32
        %mul3A_286 = arith.muli %add3A_284, %mul3A_285 : i32
        %add3A_287 = arith.addi %add3A_4, %mul3A_286 : i32
        %dma_start3A_288 = tpu.memref_slice %arg3[%add3A_287] : memref<320000xi32, #tpu.memory_space<hbm>> -> memref<64xi32, #tpu.memory_space<hbm>>
        %dma_start3A_289 = tpu.memref_slice %arg3[%add3A_287] : memref<320000xi32, #tpu.memory_space<hbm>> -> memref<64xi32, #tpu.memory_space<hbm>>
        tpu.enqueue_dma source(%dma_start3A_289 : memref<64xi32, #tpu.memory_space<hbm>>) target(%arg9 : memref<64xi32, #tpu.memory_space<vmem>>) target_semaphore(%arg25 : memref<!tpu.dma_semaphore, #tpu.memory_space<semaphore_mem>>)
        %mul3A_290 = arith.constant 64 : i32
        %mul3A_291 = arith.muli %add3A_284, %mul3A_290 : i32
        %add3A_292 = arith.addi %add3A_4, %mul3A_291 : i32
        %dma_start3A_293 = tpu.memref_slice %arg4[%add3A_292] : memref<320000xi32, #tpu.memory_space<hbm>> -> memref<64xi32, #tpu.memory_space<hbm>>
        %dma_start3A_294 = tpu.memref_slice %arg4[%add3A_292] : memref<320000xi32, #tpu.memory_space<hbm>> -> memref<64xi32, #tpu.memory_space<hbm>>
        tpu.enqueue_dma source(%dma_start3A_294 : memref<64xi32, #tpu.memory_space<hbm>>) target(%arg12 : memref<64xi32, #tpu.memory_space<vmem>>) target_semaphore(%arg25 : memref<!tpu.dma_semaphore, #tpu.memory_space<semaphore_mem>>)
        %mul3A_295 = arith.constant 64 : i32
        %mul3A_296 = arith.muli %add3A_284, %mul3A_295 : i32
        %add3A_297 = arith.addi %mul3A_2, %mul3A_296 : i32
        %dma_start3A_298 = arith.constant 0 : i32
        %dma_start3A_299 = tpu.memref_slice %arg5[%add3A_297, %dma_start3A_298] : memref<160000x64xi32, #tpu.memory_space<hbm>> -> memref<64x64xi32, #tpu.memory_space<hbm>>
        %dma_start3A_300 = arith.constant 0 : i32
        %dma_start3A_301 = tpu.memref_slice %arg5[%add3A_297, %dma_start3A_300] : memref<160000x64xi32, #tpu.memory_space<hbm>> -> memref<64x64xi32, #tpu.memory_space<hbm>>
        tpu.enqueue_dma source(%dma_start3A_301 : memref<64x64xi32, #tpu.memory_space<hbm>>) target(%arg21 : memref<64x64xi32, #tpu.memory_space<vmem>>) target_semaphore(%arg25 : memref<!tpu.dma_semaphore, #tpu.memory_space<semaphore_mem>>)
      } else {
      }
      %add3A_113 = arith.constant 1 : i32
      %add3A_114 = arith.addi %mul3A_101, %add3A_113 : i32
      %lt3A_115 = arith.constant 78 : i32
      %lt3A_116 = arith.cmpi slt, %add3A_114, %lt3A_115 : i32
      %convert_element_type3A_117 = arith.extui %lt3A_116 : i1 to i32
      %cond3A_118 = arith.constant 0 : i32
      %cond3A_119 = arith.cmpi ne, %convert_element_type3A_117, %cond3A_118 : i32
      scf.if %cond3A_119 {
        %dma_wait3A_283 = arith.constant 0 : i32
        %dma_wait3A_284 = tpu.memref_slice %arg3[%dma_wait3A_283] : memref<320000xi32, #tpu.memory_space<hbm>> -> memref<64xi32, #tpu.memory_space<hbm>>
        %dma_wait3A_285 = arith.constant 0 : i32
        %dma_wait3A_286 = tpu.memref_slice %arg3[%dma_wait3A_285] : memref<320000xi32, #tpu.memory_space<hbm>> -> memref<64xi32, #tpu.memory_space<hbm>>
        tpu.wait_dma2 semaphore(%arg24 : memref<!tpu.dma_semaphore, #tpu.memory_space<semaphore_mem>>) src(%dma_wait3A_286 : memref<64xi32, #tpu.memory_space<hbm>>) dst(%arg8 : memref<64xi32, #tpu.memory_space<vmem>>)
        %dma_wait3A_287 = arith.constant 0 : i32
        %dma_wait3A_288 = tpu.memref_slice %arg4[%dma_wait3A_287] : memref<320000xi32, #tpu.memory_space<hbm>> -> memref<64xi32, #tpu.memory_space<hbm>>
        %dma_wait3A_289 = arith.constant 0 : i32
        %dma_wait3A_290 = tpu.memref_slice %arg4[%dma_wait3A_289] : memref<320000xi32, #tpu.memory_space<hbm>> -> memref<64xi32, #tpu.memory_space<hbm>>
        tpu.wait_dma2 semaphore(%arg24 : memref<!tpu.dma_semaphore, #tpu.memory_space<semaphore_mem>>) src(%dma_wait3A_290 : memref<64xi32, #tpu.memory_space<hbm>>) dst(%arg11 : memref<64xi32, #tpu.memory_space<vmem>>)
        %dma_wait3A_291 = arith.constant 0 : i32
        %dma_wait3A_292 = arith.constant 0 : i32
        %dma_wait3A_293 = tpu.memref_slice %arg5[%dma_wait3A_291, %dma_wait3A_292] : memref<160000x64xi32, #tpu.memory_space<hbm>> -> memref<64x64xi32, #tpu.memory_space<hbm>>
        %dma_wait3A_294 = arith.constant 0 : i32
        %dma_wait3A_295 = arith.constant 0 : i32
        %dma_wait3A_296 = tpu.memref_slice %arg5[%dma_wait3A_294, %dma_wait3A_295] : memref<160000x64xi32, #tpu.memory_space<hbm>> -> memref<64x64xi32, #tpu.memory_space<hbm>>
        tpu.wait_dma2 semaphore(%arg24 : memref<!tpu.dma_semaphore, #tpu.memory_space<semaphore_mem>>) src(%dma_wait3A_296 : memref<64x64xi32, #tpu.memory_space<hbm>>) dst(%arg20 : memref<64x64xi32, #tpu.memory_space<vmem>>)
        %dma_start3A_297 = arith.constant 0 : i32
        %dma_start3A_298 = arith.constant 0 : i32
        %dma_start3A_299 = tpu.memref_slice %arg2[%dma_start3A_297, %dma_start3A_298] : memref<10000x128xf32, #tpu.memory_space<hbm>> -> memref<10000x128xf32, #tpu.memory_space<hbm>>
        tpu.enqueue_indirect_dma source(%dma_start3A_299 : memref<10000x128xf32, #tpu.memory_space<hbm>>) target(%arg17 : memref<64x128xf32, #tpu.memory_space<vmem>>) offsets(%arg8 : memref<64xi32, #tpu.memory_space<vmem>>) semaphore(%arg27 : memref<!tpu.dma_semaphore, #tpu.memory_space<semaphore_mem>>)
      } else {
      }
      %dma_wait3A_120 = arith.constant 0 : i32
      %dma_wait3A_121 = arith.constant 0 : i32
      %dma_wait3A_122 = tpu.memref_slice %arg2[%dma_wait3A_120, %dma_wait3A_121] : memref<10000x128xf32, #tpu.memory_space<hbm>> -> memref<10000x128xf32, #tpu.memory_space<hbm>>
      tpu.wait_indirect_dma semaphore(%arg26 : memref<!tpu.dma_semaphore, #tpu.memory_space<semaphore_mem>>) src(%dma_wait3A_122 : memref<10000x128xf32, #tpu.memory_space<hbm>>) dst(%arg16 : memref<64x128xf32, #tpu.memory_space<vmem>>)
      %scan3A_123 = arith.constant 0 : i32
      %scan3A_124 = arith.constant -65536 : i32
      %scan3A_125 = arith.constant 0 : i32
      %scan3A_126 = arith.constant 64 : i32
      %scan3A_127 = arith.addi %scan3A_125, %scan3A_126 : i32
      %scan3A_128 = arith.constant 1 : i32
      scf.for %scan3A_283 = %scan3A_125 to %scan3A_127 step %scan3A_128  : i32 {
        %get3A_284 = arith.index_cast %scan3A_283 : i32 to index
        %get3A_285 = arith.constant 0 : index
        %get3A_286 = tpu.vector_load %arg19[%get3A_284, %get3A_285] {strides = array<i32>} : memref<64x64xi32, #tpu.memory_space<vmem>>, vector<1x16xi32>,
        %get3A_287 = vector.shape_cast %get3A_286 : vector<1x16xi32> to vector<16xi32>
        %shift_left3A = arith.constant 16 : i32
        %shift_left3A_288 = vector.broadcast %shift_left3A : i32 to vector<16xi32>
        %shift_left3A_289 = arith.shli %get3A_287, %shift_left3A_288 : vector<16xi32>
        %bitcast_convert_type3A = tpu.bitcast %shift_left3A_289 : vector<16xi32> -> vector<16xf32>
        %and3A = vector.broadcast %scan3A_124 : i32 to vector<16xi32>
        %and3A_290 = arith.andi %get3A_287, %and3A : vector<16xi32>
        %bitcast_convert_type3A_291 = tpu.bitcast %and3A_290 : vector<16xi32> -> vector<16xf32>
        %get3A_292 = arith.index_cast %scan3A_283 : i32 to index
        %get3A_293 = arith.constant 0 : index
        %get3A_294 = tpu.vector_load %arg16[%get3A_292, %get3A_293] {strides = array<i32>} : memref<64x128xf32, #tpu.memory_space<vmem>>, vector<1x16xf32>,
        %get3A_295 = vector.shape_cast %get3A_294 : vector<1x16xf32> to vector<16xf32>
        %mul3A_296 = arith.mulf %get3A_295, %bitcast_convert_type3A : vector<16xf32>
        %swap3A_297 = arith.index_cast %scan3A_283 : i32 to index
        %swap3A_298 = arith.constant 0 : index
        %swap3A_299 = tpu.vector_load %arg16[%swap3A_297, %swap3A_298] {strides = array<i32>} : memref<64x128xf32, #tpu.memory_space<vmem>>, vector<1x16xf32>,
        %swap3A_300 = vector.shape_cast %swap3A_299 : vector<1x16xf32> to vector<16xf32>
        %swap3A_301 = vector.shape_cast %mul3A_296 : vector<16xf32> to vector<1x16xf32>
        tpu.vector_store %arg16[%swap3A_297, %swap3A_298], %swap3A_301 {strides = array<i32>} : memref<64x128xf32, #tpu.memory_space<vmem>>, vector<1x16xf32>,
        %get3A_302 = arith.index_cast %scan3A_283 : i32 to index
        %get3A_303 = arith.constant 16 : index
        %get3A_304 = tpu.vector_load %arg16[%get3A_302, %get3A_303] {strides = array<i32>} : memref<64x128xf32, #tpu.memory_space<vmem>>, vector<1x16xf32>,
        %get3A_305 = vector.shape_cast %get3A_304 : vector<1x16xf32> to vector<16xf32>
        %mul3A_306 = arith.mulf %get3A_305, %bitcast_convert_type3A_291 : vector<16xf32>
        %swap3A_307 = arith.index_cast %scan3A_283 : i32 to index
        %swap3A_308 = arith.constant 16 : index
        %swap3A_309 = tpu.vector_load %arg16[%swap3A_307, %swap3A_308] {strides = array<i32>} : memref<64x128xf32, #tpu.memory_space<vmem>>, vector<1x16xf32>,
        %swap3A_310 = vector.shape_cast %swap3A_309 : vector<1x16xf32> to vector<16xf32>
        %swap3A_311 = vector.shape_cast %mul3A_306 : vector<16xf32> to vector<1x16xf32>
        tpu.vector_store %arg16[%swap3A_307, %swap3A_308], %swap3A_311 {strides = array<i32>} : memref<64x128xf32, #tpu.memory_space<vmem>>, vector<1x16xf32>,
        %get3A_312 = arith.index_cast %scan3A_283 : i32 to index
        %get3A_313 = arith.constant 16 : index
        %get3A_314 = tpu.vector_load %arg19[%get3A_312, %get3A_313] {strides = array<i32>} : memref<64x64xi32, #tpu.memory_space<vmem>>, vector<1x16xi32>,
        %get3A_315 = vector.shape_cast %get3A_314 : vector<1x16xi32> to vector<16xi32>
        %shift_left3A_316 = arith.constant 16 : i32
        %shift_left3A_317 = vector.broadcast %shift_left3A_316 : i32 to vector<16xi32>
        %shift_left3A_318 = arith.shli %get3A_315, %shift_left3A_317 : vector<16xi32>
        %bitcast_convert_type3A_319 = tpu.bitcast %shift_left3A_318 : vector<16xi32> -> vector<16xf32>
        %and3A_320 = vector.broadcast %scan3A_124 : i32 to vector<16xi32>
        %and3A_321 = arith.andi %get3A_315, %and3A_320 : vector<16xi32>
        %bitcast_convert_type3A_322 = tpu.bitcast %and3A_321 : vector<16xi32> -> vector<16xf32>
        %get3A_323 = arith.index_cast %scan3A_283 : i32 to index
        %get3A_324 = arith.constant 32 : index
        %get3A_325 = tpu.vector_load %arg16[%get3A_323, %get3A_324] {strides = array<i32>} : memref<64x128xf32, #tpu.memory_space<vmem>>, vector<1x16xf32>,
        %get3A_326 = vector.shape_cast %get3A_325 : vector<1x16xf32> to vector<16xf32>
        %mul3A_327 = arith.mulf %get3A_326, %bitcast_convert_type3A_319 : vector<16xf32>
        %swap3A_328 = arith.index_cast %scan3A_283 : i32 to index
        %swap3A_329 = arith.constant 32 : index
        %swap3A_330 = tpu.vector_load %arg16[%swap3A_328, %swap3A_329] {strides = array<i32>} : memref<64x128xf32, #tpu.memory_space<vmem>>, vector<1x16xf32>,
        %swap3A_331 = vector.shape_cast %swap3A_330 : vector<1x16xf32> to vector<16xf32>
        %swap3A_332 = vector.shape_cast %mul3A_327 : vector<16xf32> to vector<1x16xf32>
        tpu.vector_store %arg16[%swap3A_328, %swap3A_329], %swap3A_332 {strides = array<i32>} : memref<64x128xf32, #tpu.memory_space<vmem>>, vector<1x16xf32>,
        %get3A_333 = arith.index_cast %scan3A_283 : i32 to index
        %get3A_334 = arith.constant 48 : index
        %get3A_335 = tpu.vector_load %arg16[%get3A_333, %get3A_334] {strides = array<i32>} : memref<64x128xf32, #tpu.memory_space<vmem>>, vector<1x16xf32>,
        %get3A_336 = vector.shape_cast %get3A_335 : vector<1x16xf32> to vector<16xf32>
        %mul3A_337 = arith.mulf %get3A_336, %bitcast_convert_type3A_322 : vector<16xf32>
        %swap3A_338 = arith.index_cast %scan3A_283 : i32 to index
        %swap3A_339 = arith.constant 48 : index
        %swap3A_340 = tpu.vector_load %arg16[%swap3A_338, %swap3A_339] {strides = array<i32>} : memref<64x128xf32, #tpu.memory_space<vmem>>, vector<1x16xf32>,
        %swap3A_341 = vector.shape_cast %swap3A_340 : vector<1x16xf32> to vector<16xf32>
        %swap3A_342 = vector.shape_cast %mul3A_337 : vector<16xf32> to vector<1x16xf32>
        tpu.vector_store %arg16[%swap3A_338, %swap3A_339], %swap3A_342 {strides = array<i32>} : memref<64x128xf32, #tpu.memory_space<vmem>>, vector<1x16xf32>,
        %get3A_343 = arith.index_cast %scan3A_283 : i32 to index
        %get3A_344 = arith.constant 32 : index
        %get3A_345 = tpu.vector_load %arg19[%get3A_343, %get3A_344] {strides = array<i32>} : memref<64x64xi32, #tpu.memory_space<vmem>>, vector<1x16xi32>,
        %get3A_346 = vector.shape_cast %get3A_345 : vector<1x16xi32> to vector<16xi32>
        %shift_left3A_347 = arith.constant 16 : i32
        %shift_left3A_348 = vector.broadcast %shift_left3A_347 : i32 to vector<16xi32>
        %shift_left3A_349 = arith.shli %get3A_346, %shift_left3A_348 : vector<16xi32>
        %bitcast_convert_type3A_350 = tpu.bitcast %shift_left3A_349 : vector<16xi32> -> vector<16xf32>
        %and3A_351 = vector.broadcast %scan3A_124 : i32 to vector<16xi32>
        %and3A_352 = arith.andi %get3A_346, %and3A_351 : vector<16xi32>
        %bitcast_convert_type3A_353 = tpu.bitcast %and3A_352 : vector<16xi32> -> vector<16xf32>
        %get3A_354 = arith.index_cast %scan3A_283 : i32 to index
        %get3A_355 = arith.constant 64 : index
        %get3A_356 = tpu.vector_load %arg16[%get3A_354, %get3A_355] {strides = array<i32>} : memref<64x128xf32, #tpu.memory_space<vmem>>, vector<1x16xf32>,
        %get3A_357 = vector.shape_cast %get3A_356 : vector<1x16xf32> to vector<16xf32>
        %mul3A_358 = arith.mulf %get3A_357, %bitcast_convert_type3A_350 : vector<16xf32>
        %swap3A_359 = arith.index_cast %scan3A_283 : i32 to index
        %swap3A_360 = arith.constant 64 : index
        %swap3A_361 = tpu.vector_load %arg16[%swap3A_359, %swap3A_360] {strides = array<i32>} : memref<64x128xf32, #tpu.memory_space<vmem>>, vector<1x16xf32>,
        %swap3A_362 = vector.shape_cast %swap3A_361 : vector<1x16xf32> to vector<16xf32>
        %swap3A_363 = vector.shape_cast %mul3A_358 : vector<16xf32> to vector<1x16xf32>
        tpu.vector_store %arg16[%swap3A_359, %swap3A_360], %swap3A_363 {strides = array<i32>} : memref<64x128xf32, #tpu.memory_space<vmem>>, vector<1x16xf32>,
        %get3A_364 = arith.index_cast %scan3A_283 : i32 to index
        %get3A_365 = arith.constant 80 : index
        %get3A_366 = tpu.vector_load %arg16[%get3A_364, %get3A_365] {strides = array<i32>} : memref<64x128xf32, #tpu.memory_space<vmem>>, vector<1x16xf32>,
        %get3A_367 = vector.shape_cast %get3A_366 : vector<1x16xf32> to vector<16xf32>
        %mul3A_368 = arith.mulf %get3A_367, %bitcast_convert_type3A_353 : vector<16xf32>
        %swap3A_369 = arith.index_cast %scan3A_283 : i32 to index
        %swap3A_370 = arith.constant 80 : index
        %swap3A_371 = tpu.vector_load %arg16[%swap3A_369, %swap3A_370] {strides = array<i32>} : memref<64x128xf32, #tpu.memory_space<vmem>>, vector<1x16xf32>,
        %swap3A_372 = vector.shape_cast %swap3A_371 : vector<1x16xf32> to vector<16xf32>
        %swap3A_373 = vector.shape_cast %mul3A_368 : vector<16xf32> to vector<1x16xf32>
        tpu.vector_store %arg16[%swap3A_369, %swap3A_370], %swap3A_373 {strides = array<i32>} : memref<64x128xf32, #tpu.memory_space<vmem>>, vector<1x16xf32>,
        %get3A_374 = arith.index_cast %scan3A_283 : i32 to index
        %get3A_375 = arith.constant 48 : index
        %get3A_376 = tpu.vector_load %arg19[%get3A_374, %get3A_375] {strides = array<i32>} : memref<64x64xi32, #tpu.memory_space<vmem>>, vector<1x16xi32>,
        %get3A_377 = vector.shape_cast %get3A_376 : vector<1x16xi32> to vector<16xi32>
        %shift_left3A_378 = arith.constant 16 : i32
        %shift_left3A_379 = vector.broadcast %shift_left3A_378 : i32 to vector<16xi32>
        %shift_left3A_380 = arith.shli %get3A_377, %shift_left3A_379 : vector<16xi32>
        %bitcast_convert_type3A_381 = tpu.bitcast %shift_left3A_380 : vector<16xi32> -> vector<16xf32>
        %and3A_382 = vector.broadcast %scan3A_124 : i32 to vector<16xi32>
        %and3A_383 = arith.andi %get3A_377, %and3A_382 : vector<16xi32>
        %bitcast_convert_type3A_384 = tpu.bitcast %and3A_383 : vector<16xi32> -> vector<16xf32>
        %get3A_385 = arith.index_cast %scan3A_283 : i32 to index
        %get3A_386 = arith.constant 96 : index
        %get3A_387 = tpu.vector_load %arg16[%get3A_385, %get3A_386] {strides = array<i32>} : memref<64x128xf32, #tpu.memory_space<vmem>>, vector<1x16xf32>,
        %get3A_388 = vector.shape_cast %get3A_387 : vector<1x16xf32> to vector<16xf32>
        %mul3A_389 = arith.mulf %get3A_388, %bitcast_convert_type3A_381 : vector<16xf32>
        %swap3A_390 = arith.index_cast %scan3A_283 : i32 to index
        %swap3A_391 = arith.constant 96 : index
        %swap3A_392 = tpu.vector_load %arg16[%swap3A_390, %swap3A_391] {strides = array<i32>} : memref<64x128xf32, #tpu.memory_space<vmem>>, vector<1x16xf32>,
        %swap3A_393 = vector.shape_cast %swap3A_392 : vector<1x16xf32> to vector<16xf32>
        %swap3A_394 = vector.shape_cast %mul3A_389 : vector<16xf32> to vector<1x16xf32>
        tpu.vector_store %arg16[%swap3A_390, %swap3A_391], %swap3A_394 {strides = array<i32>} : memref<64x128xf32, #tpu.memory_space<vmem>>, vector<1x16xf32>,
        %get3A_395 = arith.index_cast %scan3A_283 : i32 to index
        %get3A_396 = arith.constant 112 : index
        %get3A_397 = tpu.vector_load %arg16[%get3A_395, %get3A_396] {strides = array<i32>} : memref<64x128xf32, #tpu.memory_space<vmem>>, vector<1x16xf32>,
        %get3A_398 = vector.shape_cast %get3A_397 : vector<1x16xf32> to vector<16xf32>
        %mul3A_399 = arith.mulf %get3A_398, %bitcast_convert_type3A_384 : vector<16xf32>
        %swap3A_400 = arith.index_cast %scan3A_283 : i32 to index
        %swap3A_401 = arith.constant 112 : index
        %swap3A_402 = tpu.vector_load %arg16[%swap3A_400, %swap3A_401] {strides = array<i32>} : memref<64x128xf32, #tpu.memory_space<vmem>>, vector<1x16xf32>,
        %swap3A_403 = vector.shape_cast %swap3A_402 : vector<1x16xf32> to vector<16xf32>
        %swap3A_404 = vector.shape_cast %mul3A_399 : vector<16xf32> to vector<1x16xf32>
        tpu.vector_store %arg16[%swap3A_400, %swap3A_401], %swap3A_404 {strides = array<i32>} : memref<64x128xf32, #tpu.memory_space<vmem>>, vector<1x16xf32>,
      }
      %scan3A_129 = arith.constant 64 : i32
      %get3A = arith.constant 0 : index
      %get3A_130 = tpu.vector_load %arg10[%get3A] {strides = array<i32>} : memref<64xi32, #tpu.memory_space<vmem>>, vector<16xi32>,
      %get3A_131 = vector.shape_cast %get3A_130 : vector<16xi32> to vector<16xi32>
      %swap3A = arith.constant 0 : index
      %swap3A_132 = tpu.vector_load %arg13[%swap3A] {strides = array<i32>} : memref<64xi32, #tpu.memory_space<vmem>>, vector<16xi32>,
      %swap3A_133 = vector.shape_cast %swap3A_132 : vector<16xi32> to vector<16xi32>
      %swap3A_134 = vector.shape_cast %get3A_131 : vector<16xi32> to vector<16xi32>
      tpu.vector_store %arg13[%swap3A], %swap3A_134 {strides = array<i32>} : memref<64xi32, #tpu.memory_space<vmem>>, vector<16xi32>,
      %get3A_135 = arith.constant 16 : index
      %get3A_136 = tpu.vector_load %arg10[%get3A_135] {strides = array<i32>} : memref<64xi32, #tpu.memory_space<vmem>>, vector<16xi32>,
      %get3A_137 = vector.shape_cast %get3A_136 : vector<16xi32> to vector<16xi32>
      %swap3A_138 = arith.constant 16 : index
      %swap3A_139 = tpu.vector_load %arg13[%swap3A_138] {strides = array<i32>} : memref<64xi32, #tpu.memory_space<vmem>>, vector<16xi32>,
      %swap3A_140 = vector.shape_cast %swap3A_139 : vector<16xi32> to vector<16xi32>
      %swap3A_141 = vector.shape_cast %get3A_137 : vector<16xi32> to vector<16xi32>
      tpu.vector_store %arg13[%swap3A_138], %swap3A_141 {strides = array<i32>} : memref<64xi32, #tpu.memory_space<vmem>>, vector<16xi32>,
      %get3A_142 = arith.constant 32 : index
      %get3A_143 = tpu.vector_load %arg10[%get3A_142] {strides = array<i32>} : memref<64xi32, #tpu.memory_space<vmem>>, vector<16xi32>,
      %get3A_144 = vector.shape_cast %get3A_143 : vector<16xi32> to vector<16xi32>
      %swap3A_145 = arith.constant 32 : index
      %swap3A_146 = tpu.vector_load %arg13[%swap3A_145] {strides = array<i32>} : memref<64xi32, #tpu.memory_space<vmem>>, vector<16xi32>,
      %swap3A_147 = vector.shape_cast %swap3A_146 : vector<16xi32> to vector<16xi32>
      %swap3A_148 = vector.shape_cast %get3A_144 : vector<16xi32> to vector<16xi32>
      tpu.vector_store %arg13[%swap3A_145], %swap3A_148 {strides = array<i32>} : memref<64xi32, #tpu.memory_space<vmem>>, vector<16xi32>,
      %get3A_149 = arith.constant 48 : index
      %get3A_150 = tpu.vector_load %arg10[%get3A_149] {strides = array<i32>} : memref<64xi32, #tpu.memory_space<vmem>>, vector<16xi32>,
      %get3A_151 = vector.shape_cast %get3A_150 : vector<16xi32> to vector<16xi32>
      %swap3A_152 = arith.constant 48 : index
      %swap3A_153 = tpu.vector_load %arg13[%swap3A_152] {strides = array<i32>} : memref<64xi32, #tpu.memory_space<vmem>>, vector<16xi32>,
      %swap3A_154 = vector.shape_cast %swap3A_153 : vector<16xi32> to vector<16xi32>
      %swap3A_155 = vector.shape_cast %get3A_151 : vector<16xi32> to vector<16xi32>
      tpu.vector_store %arg13[%swap3A_152], %swap3A_155 {strides = array<i32>} : memref<64xi32, #tpu.memory_space<vmem>>, vector<16xi32>,
      %dma_start3A_156 = arith.constant 0 : i32
      %dma_start3A_157 = arith.constant 0 : i32
      %dma_start3A_158 = tpu.memref_slice %arg22[%dma_start3A_156, %dma_start3A_157] : memref<10000x128xf32, #tpu.memory_space<vmem_shared>> -> memref<10000x128xf32, #tpu.memory_space<vmem_shared>>
      tpu.enqueue_indirect_dma source(%arg16 : memref<64x128xf32, #tpu.memory_space<vmem>>) target(%dma_start3A_158 : memref<10000x128xf32, #tpu.memory_space<vmem_shared>>) offsets(%arg13 : memref<64xi32, #tpu.memory_space<vmem>>) semaphore(%arg29 : memref<!tpu.dma_semaphore, #tpu.memory_space<semaphore_mem>>) {add = true}
      %add3A_159 = arith.constant 1 : i32
      %add3A_160 = arith.addi %mul3A_101, %add3A_159 : i32
      %ge3A_161 = arith.constant 2 : i32
      %ge3A_162 = arith.cmpi sge, %add3A_160, %ge3A_161 : i32
      %convert_element_type3A_163 = arith.extui %ge3A_162 : i1 to i32
      %cond3A_164 = arith.constant 0 : i32
      %cond3A_165 = arith.cmpi ne, %convert_element_type3A_163, %cond3A_164 : i32
      scf.if %cond3A_165 {
        %dma_wait3A_283 = arith.constant 0 : i32
        %dma_wait3A_284 = arith.constant 0 : i32
        %dma_wait3A_285 = tpu.memref_slice %arg22[%dma_wait3A_283, %dma_wait3A_284] : memref<10000x128xf32, #tpu.memory_space<vmem_shared>> -> memref<10000x128xf32, #tpu.memory_space<vmem_shared>>
        tpu.wait_indirect_dma semaphore(%arg31 : memref<!tpu.dma_semaphore, #tpu.memory_space<semaphore_mem>>) src(%arg18 : memref<64x128xf32, #tpu.memory_space<vmem>>) dst(%dma_wait3A_285 : memref<10000x128xf32, #tpu.memory_space<vmem_shared>>)
      } else {
      }
      %add3A_166 = arith.constant 2 : i32
      %add3A_167 = arith.addi %add3A_160, %add3A_166 : i32
      %lt3A_168 = arith.constant 78 : i32
      %lt3A_169 = arith.cmpi slt, %add3A_167, %lt3A_168 : i32
      %convert_element_type3A_170 = arith.extui %lt3A_169 : i1 to i32
      %cond3A_171 = arith.constant 0 : i32
      %cond3A_172 = arith.cmpi ne, %convert_element_type3A_170, %cond3A_171 : i32
      scf.if %cond3A_172 {
        %add3A_283 = arith.constant 2 : i32
        %add3A_284 = arith.addi %add3A_160, %add3A_283 : i32
        %mul3A_285 = arith.constant 64 : i32
        %mul3A_286 = arith.muli %add3A_284, %mul3A_285 : i32
        %add3A_287 = arith.addi %add3A_4, %mul3A_286 : i32
        %dma_start3A_288 = tpu.memref_slice %arg3[%add3A_287] : memref<320000xi32, #tpu.memory_space<hbm>> -> memref<64xi32, #tpu.memory_space<hbm>>
        %dma_start3A_289 = tpu.memref_slice %arg3[%add3A_287] : memref<320000xi32, #tpu.memory_space<hbm>> -> memref<64xi32, #tpu.memory_space<hbm>>
        tpu.enqueue_dma source(%dma_start3A_289 : memref<64xi32, #tpu.memory_space<hbm>>) target(%arg7 : memref<64xi32, #tpu.memory_space<vmem>>) target_semaphore(%arg23 : memref<!tpu.dma_semaphore, #tpu.memory_space<semaphore_mem>>)
        %mul3A_290 = arith.constant 64 : i32
        %mul3A_291 = arith.muli %add3A_284, %mul3A_290 : i32
        %add3A_292 = arith.addi %add3A_4, %mul3A_291 : i32
        %dma_start3A_293 = tpu.memref_slice %arg4[%add3A_292] : memref<320000xi32, #tpu.memory_space<hbm>> -> memref<64xi32, #tpu.memory_space<hbm>>
        %dma_start3A_294 = tpu.memref_slice %arg4[%add3A_292] : memref<320000xi32, #tpu.memory_space<hbm>> -> memref<64xi32, #tpu.memory_space<hbm>>
        tpu.enqueue_dma source(%dma_start3A_294 : memref<64xi32, #tpu.memory_space<hbm>>) target(%arg10 : memref<64xi32, #tpu.memory_space<vmem>>) target_semaphore(%arg23 : memref<!tpu.dma_semaphore, #tpu.memory_space<semaphore_mem>>)
        %mul3A_295 = arith.constant 64 : i32
        %mul3A_296 = arith.muli %add3A_284, %mul3A_295 : i32
        %add3A_297 = arith.addi %mul3A_2, %mul3A_296 : i32
        %dma_start3A_298 = arith.constant 0 : i32
        %dma_start3A_299 = tpu.memref_slice %arg5[%add3A_297, %dma_start3A_298] : memref<160000x64xi32, #tpu.memory_space<hbm>> -> memref<64x64xi32, #tpu.memory_space<hbm>>
        %dma_start3A_300 = arith.constant 0 : i32
        %dma_start3A_301 = tpu.memref_slice %arg5[%add3A_297, %dma_start3A_300] : memref<160000x64xi32, #tpu.memory_space<hbm>> -> memref<64x64xi32, #tpu.memory_space<hbm>>
        tpu.enqueue_dma source(%dma_start3A_301 : memref<64x64xi32, #tpu.memory_space<hbm>>) target(%arg19 : memref<64x64xi32, #tpu.memory_space<vmem>>) target_semaphore(%arg23 : memref<!tpu.dma_semaphore, #tpu.memory_space<semaphore_mem>>)
      } else {
      }
      %add3A_173 = arith.constant 1 : i32
      %add3A_174 = arith.addi %add3A_160, %add3A_173 : i32
      %lt3A_175 = arith.constant 78 : i32
      %lt3A_176 = arith.cmpi slt, %add3A_174, %lt3A_175 : i32
      %convert_element_type3A_177 = arith.extui %lt3A_176 : i1 to i32
      %cond3A_178 = arith.constant 0 : i32
      %cond3A_179 = arith.cmpi ne, %convert_element_type3A_177, %cond3A_178 : i32
      scf.if %cond3A_179 {
        %dma_wait3A_283 = arith.constant 0 : i32
        %dma_wait3A_284 = tpu.memref_slice %arg3[%dma_wait3A_283] : memref<320000xi32, #tpu.memory_space<hbm>> -> memref<64xi32, #tpu.memory_space<hbm>>
        %dma_wait3A_285 = arith.constant 0 : i32
        %dma_wait3A_286 = tpu.memref_slice %arg3[%dma_wait3A_285] : memref<320000xi32, #tpu.memory_space<hbm>> -> memref<64xi32, #tpu.memory_space<hbm>>
        tpu.wait_dma2 semaphore(%arg25 : memref<!tpu.dma_semaphore, #tpu.memory_space<semaphore_mem>>) src(%dma_wait3A_286 : memref<64xi32, #tpu.memory_space<hbm>>) dst(%arg9 : memref<64xi32, #tpu.memory_space<vmem>>)
        %dma_wait3A_287 = arith.constant 0 : i32
        %dma_wait3A_288 = tpu.memref_slice %arg4[%dma_wait3A_287] : memref<320000xi32, #tpu.memory_space<hbm>> -> memref<64xi32, #tpu.memory_space<hbm>>
        %dma_wait3A_289 = arith.constant 0 : i32
        %dma_wait3A_290 = tpu.memref_slice %arg4[%dma_wait3A_289] : memref<320000xi32, #tpu.memory_space<hbm>> -> memref<64xi32, #tpu.memory_space<hbm>>
        tpu.wait_dma2 semaphore(%arg25 : memref<!tpu.dma_semaphore, #tpu.memory_space<semaphore_mem>>) src(%dma_wait3A_290 : memref<64xi32, #tpu.memory_space<hbm>>) dst(%arg12 : memref<64xi32, #tpu.memory_space<vmem>>)
        %dma_wait3A_291 = arith.constant 0 : i32
        %dma_wait3A_292 = arith.constant 0 : i32
        %dma_wait3A_293 = tpu.memref_slice %arg5[%dma_wait3A_291, %dma_wait3A_292] : memref<160000x64xi32, #tpu.memory_space<hbm>> -> memref<64x64xi32, #tpu.memory_space<hbm>>
        %dma_wait3A_294 = arith.constant 0 : i32
        %dma_wait3A_295 = arith.constant 0 : i32
        %dma_wait3A_296 = tpu.memref_slice %arg5[%dma_wait3A_294, %dma_wait3A_295] : memref<160000x64xi32, #tpu.memory_space<hbm>> -> memref<64x64xi32, #tpu.memory_space<hbm>>
        tpu.wait_dma2 semaphore(%arg25 : memref<!tpu.dma_semaphore, #tpu.memory_space<semaphore_mem>>) src(%dma_wait3A_296 : memref<64x64xi32, #tpu.memory_space<hbm>>) dst(%arg21 : memref<64x64xi32, #tpu.memory_space<vmem>>)
        %dma_start3A_297 = arith.constant 0 : i32
        %dma_start3A_298 = arith.constant 0 : i32
        %dma_start3A_299 = tpu.memref_slice %arg2[%dma_start3A_297, %dma_start3A_298] : memref<10000x128xf32, #tpu.memory_space<hbm>> -> memref<10000x128xf32, #tpu.memory_space<hbm>>
        tpu.enqueue_indirect_dma source(%dma_start3A_299 : memref<10000x128xf32, #tpu.memory_space<hbm>>) target(%arg18 : memref<64x128xf32, #tpu.memory_space<vmem>>) offsets(%arg9 : memref<64xi32, #tpu.memory_space<vmem>>) semaphore(%arg28 : memref<!tpu.dma_semaphore, #tpu.memory_space<semaphore_mem>>)
      } else {
      }
      %dma_wait3A_180 = arith.constant 0 : i32
      %dma_wait3A_181 = arith.constant 0 : i32
      %dma_wait3A_182 = tpu.memref_slice %arg2[%dma_wait3A_180, %dma_wait3A_181] : memref<10000x128xf32, #tpu.memory_space<hbm>> -> memref<10000x128xf32, #tpu.memory_space<hbm>>
      tpu.wait_indirect_dma semaphore(%arg27 : memref<!tpu.dma_semaphore, #tpu.memory_space<semaphore_mem>>) src(%dma_wait3A_182 : memref<10000x128xf32, #tpu.memory_space<hbm>>) dst(%arg17 : memref<64x128xf32, #tpu.memory_space<vmem>>)
      %scan3A_183 = arith.constant 0 : i32
      %scan3A_184 = arith.constant -65536 : i32
      %scan3A_185 = arith.constant 0 : i32
      %scan3A_186 = arith.constant 64 : i32
      %scan3A_187 = arith.addi %scan3A_185, %scan3A_186 : i32
      %scan3A_188 = arith.constant 1 : i32
      scf.for %scan3A_283 = %scan3A_185 to %scan3A_187 step %scan3A_188  : i32 {
        %get3A_284 = arith.index_cast %scan3A_283 : i32 to index
        %get3A_285 = arith.constant 0 : index
        %get3A_286 = tpu.vector_load %arg20[%get3A_284, %get3A_285] {strides = array<i32>} : memref<64x64xi32, #tpu.memory_space<vmem>>, vector<1x16xi32>,
        %get3A_287 = vector.shape_cast %get3A_286 : vector<1x16xi32> to vector<16xi32>
        %shift_left3A = arith.constant 16 : i32
        %shift_left3A_288 = vector.broadcast %shift_left3A : i32 to vector<16xi32>
        %shift_left3A_289 = arith.shli %get3A_287, %shift_left3A_288 : vector<16xi32>
        %bitcast_convert_type3A = tpu.bitcast %shift_left3A_289 : vector<16xi32> -> vector<16xf32>
        %and3A = vector.broadcast %scan3A_184 : i32 to vector<16xi32>
        %and3A_290 = arith.andi %get3A_287, %and3A : vector<16xi32>
        %bitcast_convert_type3A_291 = tpu.bitcast %and3A_290 : vector<16xi32> -> vector<16xf32>
        %get3A_292 = arith.index_cast %scan3A_283 : i32 to index
        %get3A_293 = arith.constant 0 : index
        %get3A_294 = tpu.vector_load %arg17[%get3A_292, %get3A_293] {strides = array<i32>} : memref<64x128xf32, #tpu.memory_space<vmem>>, vector<1x16xf32>,
        %get3A_295 = vector.shape_cast %get3A_294 : vector<1x16xf32> to vector<16xf32>
        %mul3A_296 = arith.mulf %get3A_295, %bitcast_convert_type3A : vector<16xf32>
        %swap3A_297 = arith.index_cast %scan3A_283 : i32 to index
        %swap3A_298 = arith.constant 0 : index
        %swap3A_299 = tpu.vector_load %arg17[%swap3A_297, %swap3A_298] {strides = array<i32>} : memref<64x128xf32, #tpu.memory_space<vmem>>, vector<1x16xf32>,
        %swap3A_300 = vector.shape_cast %swap3A_299 : vector<1x16xf32> to vector<16xf32>
        %swap3A_301 = vector.shape_cast %mul3A_296 : vector<16xf32> to vector<1x16xf32>
        tpu.vector_store %arg17[%swap3A_297, %swap3A_298], %swap3A_301 {strides = array<i32>} : memref<64x128xf32, #tpu.memory_space<vmem>>, vector<1x16xf32>,
        %get3A_302 = arith.index_cast %scan3A_283 : i32 to index
        %get3A_303 = arith.constant 16 : index
        %get3A_304 = tpu.vector_load %arg17[%get3A_302, %get3A_303] {strides = array<i32>} : memref<64x128xf32, #tpu.memory_space<vmem>>, vector<1x16xf32>,
        %get3A_305 = vector.shape_cast %get3A_304 : vector<1x16xf32> to vector<16xf32>
        %mul3A_306 = arith.mulf %get3A_305, %bitcast_convert_type3A_291 : vector<16xf32>
        %swap3A_307 = arith.index_cast %scan3A_283 : i32 to index
        %swap3A_308 = arith.constant 16 : index
        %swap3A_309 = tpu.vector_load %arg17[%swap3A_307, %swap3A_308] {strides = array<i32>} : memref<64x128xf32, #tpu.memory_space<vmem>>, vector<1x16xf32>,
        %swap3A_310 = vector.shape_cast %swap3A_309 : vector<1x16xf32> to vector<16xf32>
        %swap3A_311 = vector.shape_cast %mul3A_306 : vector<16xf32> to vector<1x16xf32>
        tpu.vector_store %arg17[%swap3A_307, %swap3A_308], %swap3A_311 {strides = array<i32>} : memref<64x128xf32, #tpu.memory_space<vmem>>, vector<1x16xf32>,
        %get3A_312 = arith.index_cast %scan3A_283 : i32 to index
        %get3A_313 = arith.constant 16 : index
        %get3A_314 = tpu.vector_load %arg20[%get3A_312, %get3A_313] {strides = array<i32>} : memref<64x64xi32, #tpu.memory_space<vmem>>, vector<1x16xi32>,
        %get3A_315 = vector.shape_cast %get3A_314 : vector<1x16xi32> to vector<16xi32>
        %shift_left3A_316 = arith.constant 16 : i32
        %shift_left3A_317 = vector.broadcast %shift_left3A_316 : i32 to vector<16xi32>
        %shift_left3A_318 = arith.shli %get3A_315, %shift_left3A_317 : vector<16xi32>
        %bitcast_convert_type3A_319 = tpu.bitcast %shift_left3A_318 : vector<16xi32> -> vector<16xf32>
        %and3A_320 = vector.broadcast %scan3A_184 : i32 to vector<16xi32>
        %and3A_321 = arith.andi %get3A_315, %and3A_320 : vector<16xi32>
        %bitcast_convert_type3A_322 = tpu.bitcast %and3A_321 : vector<16xi32> -> vector<16xf32>
        %get3A_323 = arith.index_cast %scan3A_283 : i32 to index
        %get3A_324 = arith.constant 32 : index
        %get3A_325 = tpu.vector_load %arg17[%get3A_323, %get3A_324] {strides = array<i32>} : memref<64x128xf32, #tpu.memory_space<vmem>>, vector<1x16xf32>,
        %get3A_326 = vector.shape_cast %get3A_325 : vector<1x16xf32> to vector<16xf32>
        %mul3A_327 = arith.mulf %get3A_326, %bitcast_convert_type3A_319 : vector<16xf32>
        %swap3A_328 = arith.index_cast %scan3A_283 : i32 to index
        %swap3A_329 = arith.constant 32 : index
        %swap3A_330 = tpu.vector_load %arg17[%swap3A_328, %swap3A_329] {strides = array<i32>} : memref<64x128xf32, #tpu.memory_space<vmem>>, vector<1x16xf32>,
        %swap3A_331 = vector.shape_cast %swap3A_330 : vector<1x16xf32> to vector<16xf32>
        %swap3A_332 = vector.shape_cast %mul3A_327 : vector<16xf32> to vector<1x16xf32>
        tpu.vector_store %arg17[%swap3A_328, %swap3A_329], %swap3A_332 {strides = array<i32>} : memref<64x128xf32, #tpu.memory_space<vmem>>, vector<1x16xf32>,
        %get3A_333 = arith.index_cast %scan3A_283 : i32 to index
        %get3A_334 = arith.constant 48 : index
        %get3A_335 = tpu.vector_load %arg17[%get3A_333, %get3A_334] {strides = array<i32>} : memref<64x128xf32, #tpu.memory_space<vmem>>, vector<1x16xf32>,
        %get3A_336 = vector.shape_cast %get3A_335 : vector<1x16xf32> to vector<16xf32>
        %mul3A_337 = arith.mulf %get3A_336, %bitcast_convert_type3A_322 : vector<16xf32>
        %swap3A_338 = arith.index_cast %scan3A_283 : i32 to index
        %swap3A_339 = arith.constant 48 : index
        %swap3A_340 = tpu.vector_load %arg17[%swap3A_338, %swap3A_339] {strides = array<i32>} : memref<64x128xf32, #tpu.memory_space<vmem>>, vector<1x16xf32>,
        %swap3A_341 = vector.shape_cast %swap3A_340 : vector<1x16xf32> to vector<16xf32>
        %swap3A_342 = vector.shape_cast %mul3A_337 : vector<16xf32> to vector<1x16xf32>
        tpu.vector_store %arg17[%swap3A_338, %swap3A_339], %swap3A_342 {strides = array<i32>} : memref<64x128xf32, #tpu.memory_space<vmem>>, vector<1x16xf32>,
        %get3A_343 = arith.index_cast %scan3A_283 : i32 to index
        %get3A_344 = arith.constant 32 : index
        %get3A_345 = tpu.vector_load %arg20[%get3A_343, %get3A_344] {strides = array<i32>} : memref<64x64xi32, #tpu.memory_space<vmem>>, vector<1x16xi32>,
        %get3A_346 = vector.shape_cast %get3A_345 : vector<1x16xi32> to vector<16xi32>
        %shift_left3A_347 = arith.constant 16 : i32
        %shift_left3A_348 = vector.broadcast %shift_left3A_347 : i32 to vector<16xi32>
        %shift_left3A_349 = arith.shli %get3A_346, %shift_left3A_348 : vector<16xi32>
        %bitcast_convert_type3A_350 = tpu.bitcast %shift_left3A_349 : vector<16xi32> -> vector<16xf32>
        %and3A_351 = vector.broadcast %scan3A_184 : i32 to vector<16xi32>
        %and3A_352 = arith.andi %get3A_346, %and3A_351 : vector<16xi32>
        %bitcast_convert_type3A_353 = tpu.bitcast %and3A_352 : vector<16xi32> -> vector<16xf32>
        %get3A_354 = arith.index_cast %scan3A_283 : i32 to index
        %get3A_355 = arith.constant 64 : index
        %get3A_356 = tpu.vector_load %arg17[%get3A_354, %get3A_355] {strides = array<i32>} : memref<64x128xf32, #tpu.memory_space<vmem>>, vector<1x16xf32>,
        %get3A_357 = vector.shape_cast %get3A_356 : vector<1x16xf32> to vector<16xf32>
        %mul3A_358 = arith.mulf %get3A_357, %bitcast_convert_type3A_350 : vector<16xf32>
        %swap3A_359 = arith.index_cast %scan3A_283 : i32 to index
        %swap3A_360 = arith.constant 64 : index
        %swap3A_361 = tpu.vector_load %arg17[%swap3A_359, %swap3A_360] {strides = array<i32>} : memref<64x128xf32, #tpu.memory_space<vmem>>, vector<1x16xf32>,
        %swap3A_362 = vector.shape_cast %swap3A_361 : vector<1x16xf32> to vector<16xf32>
        %swap3A_363 = vector.shape_cast %mul3A_358 : vector<16xf32> to vector<1x16xf32>
        tpu.vector_store %arg17[%swap3A_359, %swap3A_360], %swap3A_363 {strides = array<i32>} : memref<64x128xf32, #tpu.memory_space<vmem>>, vector<1x16xf32>,
        %get3A_364 = arith.index_cast %scan3A_283 : i32 to index
        %get3A_365 = arith.constant 80 : index
        %get3A_366 = tpu.vector_load %arg17[%get3A_364, %get3A_365] {strides = array<i32>} : memref<64x128xf32, #tpu.memory_space<vmem>>, vector<1x16xf32>,
        %get3A_367 = vector.shape_cast %get3A_366 : vector<1x16xf32> to vector<16xf32>
        %mul3A_368 = arith.mulf %get3A_367, %bitcast_convert_type3A_353 : vector<16xf32>
        %swap3A_369 = arith.index_cast %scan3A_283 : i32 to index
        %swap3A_370 = arith.constant 80 : index
        %swap3A_371 = tpu.vector_load %arg17[%swap3A_369, %swap3A_370] {strides = array<i32>} : memref<64x128xf32, #tpu.memory_space<vmem>>, vector<1x16xf32>,
        %swap3A_372 = vector.shape_cast %swap3A_371 : vector<1x16xf32> to vector<16xf32>
        %swap3A_373 = vector.shape_cast %mul3A_368 : vector<16xf32> to vector<1x16xf32>
        tpu.vector_store %arg17[%swap3A_369, %swap3A_370], %swap3A_373 {strides = array<i32>} : memref<64x128xf32, #tpu.memory_space<vmem>>, vector<1x16xf32>,
        %get3A_374 = arith.index_cast %scan3A_283 : i32 to index
        %get3A_375 = arith.constant 48 : index
        %get3A_376 = tpu.vector_load %arg20[%get3A_374, %get3A_375] {strides = array<i32>} : memref<64x64xi32, #tpu.memory_space<vmem>>, vector<1x16xi32>,
        %get3A_377 = vector.shape_cast %get3A_376 : vector<1x16xi32> to vector<16xi32>
        %shift_left3A_378 = arith.constant 16 : i32
        %shift_left3A_379 = vector.broadcast %shift_left3A_378 : i32 to vector<16xi32>
        %shift_left3A_380 = arith.shli %get3A_377, %shift_left3A_379 : vector<16xi32>
        %bitcast_convert_type3A_381 = tpu.bitcast %shift_left3A_380 : vector<16xi32> -> vector<16xf32>
        %and3A_382 = vector.broadcast %scan3A_184 : i32 to vector<16xi32>
        %and3A_383 = arith.andi %get3A_377, %and3A_382 : vector<16xi32>
        %bitcast_convert_type3A_384 = tpu.bitcast %and3A_383 : vector<16xi32> -> vector<16xf32>
        %get3A_385 = arith.index_cast %scan3A_283 : i32 to index
        %get3A_386 = arith.constant 96 : index
        %get3A_387 = tpu.vector_load %arg17[%get3A_385, %get3A_386] {strides = array<i32>} : memref<64x128xf32, #tpu.memory_space<vmem>>, vector<1x16xf32>,
        %get3A_388 = vector.shape_cast %get3A_387 : vector<1x16xf32> to vector<16xf32>
        %mul3A_389 = arith.mulf %get3A_388, %bitcast_convert_type3A_381 : vector<16xf32>
        %swap3A_390 = arith.index_cast %scan3A_283 : i32 to index
        %swap3A_391 = arith.constant 96 : index
        %swap3A_392 = tpu.vector_load %arg17[%swap3A_390, %swap3A_391] {strides = array<i32>} : memref<64x128xf32, #tpu.memory_space<vmem>>, vector<1x16xf32>,
        %swap3A_393 = vector.shape_cast %swap3A_392 : vector<1x16xf32> to vector<16xf32>
        %swap3A_394 = vector.shape_cast %mul3A_389 : vector<16xf32> to vector<1x16xf32>
        tpu.vector_store %arg17[%swap3A_390, %swap3A_391], %swap3A_394 {strides = array<i32>} : memref<64x128xf32, #tpu.memory_space<vmem>>, vector<1x16xf32>,
        %get3A_395 = arith.index_cast %scan3A_283 : i32 to index
        %get3A_396 = arith.constant 112 : index
        %get3A_397 = tpu.vector_load %arg17[%get3A_395, %get3A_396] {strides = array<i32>} : memref<64x128xf32, #tpu.memory_space<vmem>>, vector<1x16xf32>,
        %get3A_398 = vector.shape_cast %get3A_397 : vector<1x16xf32> to vector<16xf32>
        %mul3A_399 = arith.mulf %get3A_398, %bitcast_convert_type3A_384 : vector<16xf32>
        %swap3A_400 = arith.index_cast %scan3A_283 : i32 to index
        %swap3A_401 = arith.constant 112 : index
        %swap3A_402 = tpu.vector_load %arg17[%swap3A_400, %swap3A_401] {strides = array<i32>} : memref<64x128xf32, #tpu.memory_space<vmem>>, vector<1x16xf32>,
        %swap3A_403 = vector.shape_cast %swap3A_402 : vector<1x16xf32> to vector<16xf32>
        %swap3A_404 = vector.shape_cast %mul3A_399 : vector<16xf32> to vector<1x16xf32>
        tpu.vector_store %arg17[%swap3A_400, %swap3A_401], %swap3A_404 {strides = array<i32>} : memref<64x128xf32, #tpu.memory_space<vmem>>, vector<1x16xf32>,
      }
      %scan3A_189 = arith.constant 64 : i32
      %get3A_190 = arith.constant 0 : index
      %get3A_191 = tpu.vector_load %arg11[%get3A_190] {strides = array<i32>} : memref<64xi32, #tpu.memory_space<vmem>>, vector<16xi32>,
      %get3A_192 = vector.shape_cast %get3A_191 : vector<16xi32> to vector<16xi32>
      %swap3A_193 = arith.constant 0 : index
      %swap3A_194 = tpu.vector_load %arg14[%swap3A_193] {strides = array<i32>} : memref<64xi32, #tpu.memory_space<vmem>>, vector<16xi32>,
      %swap3A_195 = vector.shape_cast %swap3A_194 : vector<16xi32> to vector<16xi32>
      %swap3A_196 = vector.shape_cast %get3A_192 : vector<16xi32> to vector<16xi32>
      tpu.vector_store %arg14[%swap3A_193], %swap3A_196 {strides = array<i32>} : memref<64xi32, #tpu.memory_space<vmem>>, vector<16xi32>,
      %get3A_197 = arith.constant 16 : index
      %get3A_198 = tpu.vector_load %arg11[%get3A_197] {strides = array<i32>} : memref<64xi32, #tpu.memory_space<vmem>>, vector<16xi32>,
      %get3A_199 = vector.shape_cast %get3A_198 : vector<16xi32> to vector<16xi32>
      %swap3A_200 = arith.constant 16 : index
      %swap3A_201 = tpu.vector_load %arg14[%swap3A_200] {strides = array<i32>} : memref<64xi32, #tpu.memory_space<vmem>>, vector<16xi32>,
      %swap3A_202 = vector.shape_cast %swap3A_201 : vector<16xi32> to vector<16xi32>
      %swap3A_203 = vector.shape_cast %get3A_199 : vector<16xi32> to vector<16xi32>
      tpu.vector_store %arg14[%swap3A_200], %swap3A_203 {strides = array<i32>} : memref<64xi32, #tpu.memory_space<vmem>>, vector<16xi32>,
      %get3A_204 = arith.constant 32 : index
      %get3A_205 = tpu.vector_load %arg11[%get3A_204] {strides = array<i32>} : memref<64xi32, #tpu.memory_space<vmem>>, vector<16xi32>,
      %get3A_206 = vector.shape_cast %get3A_205 : vector<16xi32> to vector<16xi32>
      %swap3A_207 = arith.constant 32 : index
      %swap3A_208 = tpu.vector_load %arg14[%swap3A_207] {strides = array<i32>} : memref<64xi32, #tpu.memory_space<vmem>>, vector<16xi32>,
      %swap3A_209 = vector.shape_cast %swap3A_208 : vector<16xi32> to vector<16xi32>
      %swap3A_210 = vector.shape_cast %get3A_206 : vector<16xi32> to vector<16xi32>
      tpu.vector_store %arg14[%swap3A_207], %swap3A_210 {strides = array<i32>} : memref<64xi32, #tpu.memory_space<vmem>>, vector<16xi32>,
      %get3A_211 = arith.constant 48 : index
      %get3A_212 = tpu.vector_load %arg11[%get3A_211] {strides = array<i32>} : memref<64xi32, #tpu.memory_space<vmem>>, vector<16xi32>,
      %get3A_213 = vector.shape_cast %get3A_212 : vector<16xi32> to vector<16xi32>
      %swap3A_214 = arith.constant 48 : index
      %swap3A_215 = tpu.vector_load %arg14[%swap3A_214] {strides = array<i32>} : memref<64xi32, #tpu.memory_space<vmem>>, vector<16xi32>,
      %swap3A_216 = vector.shape_cast %swap3A_215 : vector<16xi32> to vector<16xi32>
      %swap3A_217 = vector.shape_cast %get3A_213 : vector<16xi32> to vector<16xi32>
      tpu.vector_store %arg14[%swap3A_214], %swap3A_217 {strides = array<i32>} : memref<64xi32, #tpu.memory_space<vmem>>, vector<16xi32>,
      %dma_start3A_218 = arith.constant 0 : i32
      %dma_start3A_219 = arith.constant 0 : i32
      %dma_start3A_220 = tpu.memref_slice %arg22[%dma_start3A_218, %dma_start3A_219] : memref<10000x128xf32, #tpu.memory_space<vmem_shared>> -> memref<10000x128xf32, #tpu.memory_space<vmem_shared>>
      tpu.enqueue_indirect_dma source(%arg17 : memref<64x128xf32, #tpu.memory_space<vmem>>) target(%dma_start3A_220 : memref<10000x128xf32, #tpu.memory_space<vmem_shared>>) offsets(%arg14 : memref<64xi32, #tpu.memory_space<vmem>>) semaphore(%arg30 : memref<!tpu.dma_semaphore, #tpu.memory_space<semaphore_mem>>) {add = true}
      %add3A_221 = arith.constant 2 : i32
      %add3A_222 = arith.addi %mul3A_101, %add3A_221 : i32
      %ge3A_223 = arith.constant 2 : i32
      %ge3A_224 = arith.cmpi sge, %add3A_222, %ge3A_223 : i32
      %convert_element_type3A_225 = arith.extui %ge3A_224 : i1 to i32
      %cond3A_226 = arith.constant 0 : i32
      %cond3A_227 = arith.cmpi ne, %convert_element_type3A_225, %cond3A_226 : i32
      scf.if %cond3A_227 {
        %dma_wait3A_283 = arith.constant 0 : i32
        %dma_wait3A_284 = arith.constant 0 : i32
        %dma_wait3A_285 = tpu.memref_slice %arg22[%dma_wait3A_283, %dma_wait3A_284] : memref<10000x128xf32, #tpu.memory_space<vmem_shared>> -> memref<10000x128xf32, #tpu.memory_space<vmem_shared>>
        tpu.wait_indirect_dma semaphore(%arg29 : memref<!tpu.dma_semaphore, #tpu.memory_space<semaphore_mem>>) src(%arg16 : memref<64x128xf32, #tpu.memory_space<vmem>>) dst(%dma_wait3A_285 : memref<10000x128xf32, #tpu.memory_space<vmem_shared>>)
      } else {
      }
      %add3A_228 = arith.constant 2 : i32
      %add3A_229 = arith.addi %add3A_222, %add3A_228 : i32
      %lt3A_230 = arith.constant 78 : i32
      %lt3A_231 = arith.cmpi slt, %add3A_229, %lt3A_230 : i32
      %convert_element_type3A_232 = arith.extui %lt3A_231 : i1 to i32
      %cond3A_233 = arith.constant 0 : i32
      %cond3A_234 = arith.cmpi ne, %convert_element_type3A_232, %cond3A_233 : i32
      scf.if %cond3A_234 {
        %add3A_283 = arith.constant 2 : i32
        %add3A_284 = arith.addi %add3A_222, %add3A_283 : i32
        %mul3A_285 = arith.constant 64 : i32
        %mul3A_286 = arith.muli %add3A_284, %mul3A_285 : i32
        %add3A_287 = arith.addi %add3A_4, %mul3A_286 : i32
        %dma_start3A_288 = tpu.memref_slice %arg3[%add3A_287] : memref<320000xi32, #tpu.memory_space<hbm>> -> memref<64xi32, #tpu.memory_space<hbm>>
        %dma_start3A_289 = tpu.memref_slice %arg3[%add3A_287] : memref<320000xi32, #tpu.memory_space<hbm>> -> memref<64xi32, #tpu.memory_space<hbm>>
        tpu.enqueue_dma source(%dma_start3A_289 : memref<64xi32, #tpu.memory_space<hbm>>) target(%arg8 : memref<64xi32, #tpu.memory_space<vmem>>) target_semaphore(%arg24 : memref<!tpu.dma_semaphore, #tpu.memory_space<semaphore_mem>>)
        %mul3A_290 = arith.constant 64 : i32
        %mul3A_291 = arith.muli %add3A_284, %mul3A_290 : i32
        %add3A_292 = arith.addi %add3A_4, %mul3A_291 : i32
        %dma_start3A_293 = tpu.memref_slice %arg4[%add3A_292] : memref<320000xi32, #tpu.memory_space<hbm>> -> memref<64xi32, #tpu.memory_space<hbm>>
        %dma_start3A_294 = tpu.memref_slice %arg4[%add3A_292] : memref<320000xi32, #tpu.memory_space<hbm>> -> memref<64xi32, #tpu.memory_space<hbm>>
        tpu.enqueue_dma source(%dma_start3A_294 : memref<64xi32, #tpu.memory_space<hbm>>) target(%arg11 : memref<64xi32, #tpu.memory_space<vmem>>) target_semaphore(%arg24 : memref<!tpu.dma_semaphore, #tpu.memory_space<semaphore_mem>>)
        %mul3A_295 = arith.constant 64 : i32
        %mul3A_296 = arith.muli %add3A_284, %mul3A_295 : i32
        %add3A_297 = arith.addi %mul3A_2, %mul3A_296 : i32
        %dma_start3A_298 = arith.constant 0 : i32
        %dma_start3A_299 = tpu.memref_slice %arg5[%add3A_297, %dma_start3A_298] : memref<160000x64xi32, #tpu.memory_space<hbm>> -> memref<64x64xi32, #tpu.memory_space<hbm>>
        %dma_start3A_300 = arith.constant 0 : i32
        %dma_start3A_301 = tpu.memref_slice %arg5[%add3A_297, %dma_start3A_300] : memref<160000x64xi32, #tpu.memory_space<hbm>> -> memref<64x64xi32, #tpu.memory_space<hbm>>
        tpu.enqueue_dma source(%dma_start3A_301 : memref<64x64xi32, #tpu.memory_space<hbm>>) target(%arg20 : memref<64x64xi32, #tpu.memory_space<vmem>>) target_semaphore(%arg24 : memref<!tpu.dma_semaphore, #tpu.memory_space<semaphore_mem>>)
      } else {
      }
      %add3A_235 = arith.constant 1 : i32
      %add3A_236 = arith.addi %add3A_222, %add3A_235 : i32
      %lt3A_237 = arith.constant 78 : i32
      %lt3A_238 = arith.cmpi slt, %add3A_236, %lt3A_237 : i32
      %convert_element_type3A_239 = arith.extui %lt3A_238 : i1 to i32
      %cond3A_240 = arith.constant 0 : i32
      %cond3A_241 = arith.cmpi ne, %convert_element_type3A_239, %cond3A_240 : i32
      scf.if %cond3A_241 {
        %dma_wait3A_283 = arith.constant 0 : i32
        %dma_wait3A_284 = tpu.memref_slice %arg3[%dma_wait3A_283] : memref<320000xi32, #tpu.memory_space<hbm>> -> memref<64xi32, #tpu.memory_space<hbm>>
        %dma_wait3A_285 = arith.constant 0 : i32
        %dma_wait3A_286 = tpu.memref_slice %arg3[%dma_wait3A_285] : memref<320000xi32, #tpu.memory_space<hbm>> -> memref<64xi32, #tpu.memory_space<hbm>>
        tpu.wait_dma2 semaphore(%arg23 : memref<!tpu.dma_semaphore, #tpu.memory_space<semaphore_mem>>) src(%dma_wait3A_286 : memref<64xi32, #tpu.memory_space<hbm>>) dst(%arg7 : memref<64xi32, #tpu.memory_space<vmem>>)
        %dma_wait3A_287 = arith.constant 0 : i32
        %dma_wait3A_288 = tpu.memref_slice %arg4[%dma_wait3A_287] : memref<320000xi32, #tpu.memory_space<hbm>> -> memref<64xi32, #tpu.memory_space<hbm>>
        %dma_wait3A_289 = arith.constant 0 : i32
        %dma_wait3A_290 = tpu.memref_slice %arg4[%dma_wait3A_289] : memref<320000xi32, #tpu.memory_space<hbm>> -> memref<64xi32, #tpu.memory_space<hbm>>
        tpu.wait_dma2 semaphore(%arg23 : memref<!tpu.dma_semaphore, #tpu.memory_space<semaphore_mem>>) src(%dma_wait3A_290 : memref<64xi32, #tpu.memory_space<hbm>>) dst(%arg10 : memref<64xi32, #tpu.memory_space<vmem>>)
        %dma_wait3A_291 = arith.constant 0 : i32
        %dma_wait3A_292 = arith.constant 0 : i32
        %dma_wait3A_293 = tpu.memref_slice %arg5[%dma_wait3A_291, %dma_wait3A_292] : memref<160000x64xi32, #tpu.memory_space<hbm>> -> memref<64x64xi32, #tpu.memory_space<hbm>>
        %dma_wait3A_294 = arith.constant 0 : i32
        %dma_wait3A_295 = arith.constant 0 : i32
        %dma_wait3A_296 = tpu.memref_slice %arg5[%dma_wait3A_294, %dma_wait3A_295] : memref<160000x64xi32, #tpu.memory_space<hbm>> -> memref<64x64xi32, #tpu.memory_space<hbm>>
        tpu.wait_dma2 semaphore(%arg23 : memref<!tpu.dma_semaphore, #tpu.memory_space<semaphore_mem>>) src(%dma_wait3A_296 : memref<64x64xi32, #tpu.memory_space<hbm>>) dst(%arg19 : memref<64x64xi32, #tpu.memory_space<vmem>>)
        %dma_start3A_297 = arith.constant 0 : i32
        %dma_start3A_298 = arith.constant 0 : i32
        %dma_start3A_299 = tpu.memref_slice %arg2[%dma_start3A_297, %dma_start3A_298] : memref<10000x128xf32, #tpu.memory_space<hbm>> -> memref<10000x128xf32, #tpu.memory_space<hbm>>
        tpu.enqueue_indirect_dma source(%dma_start3A_299 : memref<10000x128xf32, #tpu.memory_space<hbm>>) target(%arg16 : memref<64x128xf32, #tpu.memory_space<vmem>>) offsets(%arg7 : memref<64xi32, #tpu.memory_space<vmem>>) semaphore(%arg26 : memref<!tpu.dma_semaphore, #tpu.memory_space<semaphore_mem>>)
      } else {
      }
      %dma_wait3A_242 = arith.constant 0 : i32
      %dma_wait3A_243 = arith.constant 0 : i32
      %dma_wait3A_244 = tpu.memref_slice %arg2[%dma_wait3A_242, %dma_wait3A_243] : memref<10000x128xf32, #tpu.memory_space<hbm>> -> memref<10000x128xf32, #tpu.memory_space<hbm>>
      tpu.wait_indirect_dma semaphore(%arg28 : memref<!tpu.dma_semaphore, #tpu.memory_space<semaphore_mem>>) src(%dma_wait3A_244 : memref<10000x128xf32, #tpu.memory_space<hbm>>) dst(%arg18 : memref<64x128xf32, #tpu.memory_space<vmem>>)
      %scan3A_245 = arith.constant 0 : i32
      %scan3A_246 = arith.constant -65536 : i32
      %scan3A_247 = arith.constant 0 : i32
      %scan3A_248 = arith.constant 64 : i32
      %scan3A_249 = arith.addi %scan3A_247, %scan3A_248 : i32
      %scan3A_250 = arith.constant 1 : i32
      scf.for %scan3A_283 = %scan3A_247 to %scan3A_249 step %scan3A_250  : i32 {
        %get3A_284 = arith.index_cast %scan3A_283 : i32 to index
        %get3A_285 = arith.constant 0 : index
        %get3A_286 = tpu.vector_load %arg21[%get3A_284, %get3A_285] {strides = array<i32>} : memref<64x64xi32, #tpu.memory_space<vmem>>, vector<1x16xi32>,
        %get3A_287 = vector.shape_cast %get3A_286 : vector<1x16xi32> to vector<16xi32>
        %shift_left3A = arith.constant 16 : i32
        %shift_left3A_288 = vector.broadcast %shift_left3A : i32 to vector<16xi32>
        %shift_left3A_289 = arith.shli %get3A_287, %shift_left3A_288 : vector<16xi32>
        %bitcast_convert_type3A = tpu.bitcast %shift_left3A_289 : vector<16xi32> -> vector<16xf32>
        %and3A = vector.broadcast %scan3A_246 : i32 to vector<16xi32>
        %and3A_290 = arith.andi %get3A_287, %and3A : vector<16xi32>
        %bitcast_convert_type3A_291 = tpu.bitcast %and3A_290 : vector<16xi32> -> vector<16xf32>
        %get3A_292 = arith.index_cast %scan3A_283 : i32 to index
        %get3A_293 = arith.constant 0 : index
        %get3A_294 = tpu.vector_load %arg18[%get3A_292, %get3A_293] {strides = array<i32>} : memref<64x128xf32, #tpu.memory_space<vmem>>, vector<1x16xf32>,
        %get3A_295 = vector.shape_cast %get3A_294 : vector<1x16xf32> to vector<16xf32>
        %mul3A_296 = arith.mulf %get3A_295, %bitcast_convert_type3A : vector<16xf32>
        %swap3A_297 = arith.index_cast %scan3A_283 : i32 to index
        %swap3A_298 = arith.constant 0 : index
        %swap3A_299 = tpu.vector_load %arg18[%swap3A_297, %swap3A_298] {strides = array<i32>} : memref<64x128xf32, #tpu.memory_space<vmem>>, vector<1x16xf32>,
        %swap3A_300 = vector.shape_cast %swap3A_299 : vector<1x16xf32> to vector<16xf32>
        %swap3A_301 = vector.shape_cast %mul3A_296 : vector<16xf32> to vector<1x16xf32>
        tpu.vector_store %arg18[%swap3A_297, %swap3A_298], %swap3A_301 {strides = array<i32>} : memref<64x128xf32, #tpu.memory_space<vmem>>, vector<1x16xf32>,
        %get3A_302 = arith.index_cast %scan3A_283 : i32 to index
        %get3A_303 = arith.constant 16 : index
        %get3A_304 = tpu.vector_load %arg18[%get3A_302, %get3A_303] {strides = array<i32>} : memref<64x128xf32, #tpu.memory_space<vmem>>, vector<1x16xf32>,
        %get3A_305 = vector.shape_cast %get3A_304 : vector<1x16xf32> to vector<16xf32>
        %mul3A_306 = arith.mulf %get3A_305, %bitcast_convert_type3A_291 : vector<16xf32>
        %swap3A_307 = arith.index_cast %scan3A_283 : i32 to index
        %swap3A_308 = arith.constant 16 : index
        %swap3A_309 = tpu.vector_load %arg18[%swap3A_307, %swap3A_308] {strides = array<i32>} : memref<64x128xf32, #tpu.memory_space<vmem>>, vector<1x16xf32>,
        %swap3A_310 = vector.shape_cast %swap3A_309 : vector<1x16xf32> to vector<16xf32>
        %swap3A_311 = vector.shape_cast %mul3A_306 : vector<16xf32> to vector<1x16xf32>
        tpu.vector_store %arg18[%swap3A_307, %swap3A_308], %swap3A_311 {strides = array<i32>} : memref<64x128xf32, #tpu.memory_space<vmem>>, vector<1x16xf32>,
        %get3A_312 = arith.index_cast %scan3A_283 : i32 to index
        %get3A_313 = arith.constant 16 : index
        %get3A_314 = tpu.vector_load %arg21[%get3A_312, %get3A_313] {strides = array<i32>} : memref<64x64xi32, #tpu.memory_space<vmem>>, vector<1x16xi32>,
        %get3A_315 = vector.shape_cast %get3A_314 : vector<1x16xi32> to vector<16xi32>
        %shift_left3A_316 = arith.constant 16 : i32
        %shift_left3A_317 = vector.broadcast %shift_left3A_316 : i32 to vector<16xi32>
        %shift_left3A_318 = arith.shli %get3A_315, %shift_left3A_317 : vector<16xi32>
        %bitcast_convert_type3A_319 = tpu.bitcast %shift_left3A_318 : vector<16xi32> -> vector<16xf32>
        %and3A_320 = vector.broadcast %scan3A_246 : i32 to vector<16xi32>
        %and3A_321 = arith.andi %get3A_315, %and3A_320 : vector<16xi32>
        %bitcast_convert_type3A_322 = tpu.bitcast %and3A_321 : vector<16xi32> -> vector<16xf32>
        %get3A_323 = arith.index_cast %scan3A_283 : i32 to index
        %get3A_324 = arith.constant 32 : index
        %get3A_325 = tpu.vector_load %arg18[%get3A_323, %get3A_324] {strides = array<i32>} : memref<64x128xf32, #tpu.memory_space<vmem>>, vector<1x16xf32>,
        %get3A_326 = vector.shape_cast %get3A_325 : vector<1x16xf32> to vector<16xf32>
        %mul3A_327 = arith.mulf %get3A_326, %bitcast_convert_type3A_319 : vector<16xf32>
        %swap3A_328 = arith.index_cast %scan3A_283 : i32 to index
        %swap3A_329 = arith.constant 32 : index
        %swap3A_330 = tpu.vector_load %arg18[%swap3A_328, %swap3A_329] {strides = array<i32>} : memref<64x128xf32, #tpu.memory_space<vmem>>, vector<1x16xf32>,
        %swap3A_331 = vector.shape_cast %swap3A_330 : vector<1x16xf32> to vector<16xf32>
        %swap3A_332 = vector.shape_cast %mul3A_327 : vector<16xf32> to vector<1x16xf32>
        tpu.vector_store %arg18[%swap3A_328, %swap3A_329], %swap3A_332 {strides = array<i32>} : memref<64x128xf32, #tpu.memory_space<vmem>>, vector<1x16xf32>,
        %get3A_333 = arith.index_cast %scan3A_283 : i32 to index
        %get3A_334 = arith.constant 48 : index
        %get3A_335 = tpu.vector_load %arg18[%get3A_333, %get3A_334] {strides = array<i32>} : memref<64x128xf32, #tpu.memory_space<vmem>>, vector<1x16xf32>,
        %get3A_336 = vector.shape_cast %get3A_335 : vector<1x16xf32> to vector<16xf32>
        %mul3A_337 = arith.mulf %get3A_336, %bitcast_convert_type3A_322 : vector<16xf32>
        %swap3A_338 = arith.index_cast %scan3A_283 : i32 to index
        %swap3A_339 = arith.constant 48 : index
        %swap3A_340 = tpu.vector_load %arg18[%swap3A_338, %swap3A_339] {strides = array<i32>} : memref<64x128xf32, #tpu.memory_space<vmem>>, vector<1x16xf32>,
        %swap3A_341 = vector.shape_cast %swap3A_340 : vector<1x16xf32> to vector<16xf32>
        %swap3A_342 = vector.shape_cast %mul3A_337 : vector<16xf32> to vector<1x16xf32>
        tpu.vector_store %arg18[%swap3A_338, %swap3A_339], %swap3A_342 {strides = array<i32>} : memref<64x128xf32, #tpu.memory_space<vmem>>, vector<1x16xf32>,
        %get3A_343 = arith.index_cast %scan3A_283 : i32 to index
        %get3A_344 = arith.constant 32 : index
        %get3A_345 = tpu.vector_load %arg21[%get3A_343, %get3A_344] {strides = array<i32>} : memref<64x64xi32, #tpu.memory_space<vmem>>, vector<1x16xi32>,
        %get3A_346 = vector.shape_cast %get3A_345 : vector<1x16xi32> to vector<16xi32>
        %shift_left3A_347 = arith.constant 16 : i32
        %shift_left3A_348 = vector.broadcast %shift_left3A_347 : i32 to vector<16xi32>
        %shift_left3A_349 = arith.shli %get3A_346, %shift_left3A_348 : vector<16xi32>
        %bitcast_convert_type3A_350 = tpu.bitcast %shift_left3A_349 : vector<16xi32> -> vector<16xf32>
        %and3A_351 = vector.broadcast %scan3A_246 : i32 to vector<16xi32>
        %and3A_352 = arith.andi %get3A_346, %and3A_351 : vector<16xi32>
        %bitcast_convert_type3A_353 = tpu.bitcast %and3A_352 : vector<16xi32> -> vector<16xf32>
        %get3A_354 = arith.index_cast %scan3A_283 : i32 to index
        %get3A_355 = arith.constant 64 : index
        %get3A_356 = tpu.vector_load %arg18[%get3A_354, %get3A_355] {strides = array<i32>} : memref<64x128xf32, #tpu.memory_space<vmem>>, vector<1x16xf32>,
        %get3A_357 = vector.shape_cast %get3A_356 : vector<1x16xf32> to vector<16xf32>
        %mul3A_358 = arith.mulf %get3A_357, %bitcast_convert_type3A_350 : vector<16xf32>
        %swap3A_359 = arith.index_cast %scan3A_283 : i32 to index
        %swap3A_360 = arith.constant 64 : index
        %swap3A_361 = tpu.vector_load %arg18[%swap3A_359, %swap3A_360] {strides = array<i32>} : memref<64x128xf32, #tpu.memory_space<vmem>>, vector<1x16xf32>,
        %swap3A_362 = vector.shape_cast %swap3A_361 : vector<1x16xf32> to vector<16xf32>
        %swap3A_363 = vector.shape_cast %mul3A_358 : vector<16xf32> to vector<1x16xf32>
        tpu.vector_store %arg18[%swap3A_359, %swap3A_360], %swap3A_363 {strides = array<i32>} : memref<64x128xf32, #tpu.memory_space<vmem>>, vector<1x16xf32>,
        %get3A_364 = arith.index_cast %scan3A_283 : i32 to index
        %get3A_365 = arith.constant 80 : index
        %get3A_366 = tpu.vector_load %arg18[%get3A_364, %get3A_365] {strides = array<i32>} : memref<64x128xf32, #tpu.memory_space<vmem>>, vector<1x16xf32>,
        %get3A_367 = vector.shape_cast %get3A_366 : vector<1x16xf32> to vector<16xf32>
        %mul3A_368 = arith.mulf %get3A_367, %bitcast_convert_type3A_353 : vector<16xf32>
        %swap3A_369 = arith.index_cast %scan3A_283 : i32 to index
        %swap3A_370 = arith.constant 80 : index
        %swap3A_371 = tpu.vector_load %arg18[%swap3A_369, %swap3A_370] {strides = array<i32>} : memref<64x128xf32, #tpu.memory_space<vmem>>, vector<1x16xf32>,
        %swap3A_372 = vector.shape_cast %swap3A_371 : vector<1x16xf32> to vector<16xf32>
        %swap3A_373 = vector.shape_cast %mul3A_368 : vector<16xf32> to vector<1x16xf32>
        tpu.vector_store %arg18[%swap3A_369, %swap3A_370], %swap3A_373 {strides = array<i32>} : memref<64x128xf32, #tpu.memory_space<vmem>>, vector<1x16xf32>,
        %get3A_374 = arith.index_cast %scan3A_283 : i32 to index
        %get3A_375 = arith.constant 48 : index
        %get3A_376 = tpu.vector_load %arg21[%get3A_374, %get3A_375] {strides = array<i32>} : memref<64x64xi32, #tpu.memory_space<vmem>>, vector<1x16xi32>,
        %get3A_377 = vector.shape_cast %get3A_376 : vector<1x16xi32> to vector<16xi32>
        %shift_left3A_378 = arith.constant 16 : i32
        %shift_left3A_379 = vector.broadcast %shift_left3A_378 : i32 to vector<16xi32>
        %shift_left3A_380 = arith.shli %get3A_377, %shift_left3A_379 : vector<16xi32>
        %bitcast_convert_type3A_381 = tpu.bitcast %shift_left3A_380 : vector<16xi32> -> vector<16xf32>
        %and3A_382 = vector.broadcast %scan3A_246 : i32 to vector<16xi32>
        %and3A_383 = arith.andi %get3A_377, %and3A_382 : vector<16xi32>
        %bitcast_convert_type3A_384 = tpu.bitcast %and3A_383 : vector<16xi32> -> vector<16xf32>
        %get3A_385 = arith.index_cast %scan3A_283 : i32 to index
        %get3A_386 = arith.constant 96 : index
        %get3A_387 = tpu.vector_load %arg18[%get3A_385, %get3A_386] {strides = array<i32>} : memref<64x128xf32, #tpu.memory_space<vmem>>, vector<1x16xf32>,
        %get3A_388 = vector.shape_cast %get3A_387 : vector<1x16xf32> to vector<16xf32>
        %mul3A_389 = arith.mulf %get3A_388, %bitcast_convert_type3A_381 : vector<16xf32>
        %swap3A_390 = arith.index_cast %scan3A_283 : i32 to index
        %swap3A_391 = arith.constant 96 : index
        %swap3A_392 = tpu.vector_load %arg18[%swap3A_390, %swap3A_391] {strides = array<i32>} : memref<64x128xf32, #tpu.memory_space<vmem>>, vector<1x16xf32>,
        %swap3A_393 = vector.shape_cast %swap3A_392 : vector<1x16xf32> to vector<16xf32>
        %swap3A_394 = vector.shape_cast %mul3A_389 : vector<16xf32> to vector<1x16xf32>
        tpu.vector_store %arg18[%swap3A_390, %swap3A_391], %swap3A_394 {strides = array<i32>} : memref<64x128xf32, #tpu.memory_space<vmem>>, vector<1x16xf32>,
        %get3A_395 = arith.index_cast %scan3A_283 : i32 to index
        %get3A_396 = arith.constant 112 : index
        %get3A_397 = tpu.vector_load %arg18[%get3A_395, %get3A_396] {strides = array<i32>} : memref<64x128xf32, #tpu.memory_space<vmem>>, vector<1x16xf32>,
        %get3A_398 = vector.shape_cast %get3A_397 : vector<1x16xf32> to vector<16xf32>
        %mul3A_399 = arith.mulf %get3A_398, %bitcast_convert_type3A_384 : vector<16xf32>
        %swap3A_400 = arith.index_cast %scan3A_283 : i32 to index
        %swap3A_401 = arith.constant 112 : index
        %swap3A_402 = tpu.vector_load %arg18[%swap3A_400, %swap3A_401] {strides = array<i32>} : memref<64x128xf32, #tpu.memory_space<vmem>>, vector<1x16xf32>,
        %swap3A_403 = vector.shape_cast %swap3A_402 : vector<1x16xf32> to vector<16xf32>
        %swap3A_404 = vector.shape_cast %mul3A_399 : vector<16xf32> to vector<1x16xf32>
        tpu.vector_store %arg18[%swap3A_400, %swap3A_401], %swap3A_404 {strides = array<i32>} : memref<64x128xf32, #tpu.memory_space<vmem>>, vector<1x16xf32>,
      }
      %scan3A_251 = arith.constant 64 : i32
      %get3A_252 = arith.constant 0 : index
      %get3A_253 = tpu.vector_load %arg12[%get3A_252] {strides = array<i32>} : memref<64xi32, #tpu.memory_space<vmem>>, vector<16xi32>,
      %get3A_254 = vector.shape_cast %get3A_253 : vector<16xi32> to vector<16xi32>
      %swap3A_255 = arith.constant 0 : index
      %swap3A_256 = tpu.vector_load %arg15[%swap3A_255] {strides = array<i32>} : memref<64xi32, #tpu.memory_space<vmem>>, vector<16xi32>,
      %swap3A_257 = vector.shape_cast %swap3A_256 : vector<16xi32> to vector<16xi32>
      %swap3A_258 = vector.shape_cast %get3A_254 : vector<16xi32> to vector<16xi32>
      tpu.vector_store %arg15[%swap3A_255], %swap3A_258 {strides = array<i32>} : memref<64xi32, #tpu.memory_space<vmem>>, vector<16xi32>,
      %get3A_259 = arith.constant 16 : index
      %get3A_260 = tpu.vector_load %arg12[%get3A_259] {strides = array<i32>} : memref<64xi32, #tpu.memory_space<vmem>>, vector<16xi32>,
      %get3A_261 = vector.shape_cast %get3A_260 : vector<16xi32> to vector<16xi32>
      %swap3A_262 = arith.constant 16 : index
      %swap3A_263 = tpu.vector_load %arg15[%swap3A_262] {strides = array<i32>} : memref<64xi32, #tpu.memory_space<vmem>>, vector<16xi32>,
      %swap3A_264 = vector.shape_cast %swap3A_263 : vector<16xi32> to vector<16xi32>
      %swap3A_265 = vector.shape_cast %get3A_261 : vector<16xi32> to vector<16xi32>
      tpu.vector_store %arg15[%swap3A_262], %swap3A_265 {strides = array<i32>} : memref<64xi32, #tpu.memory_space<vmem>>, vector<16xi32>,
      %get3A_266 = arith.constant 32 : index
      %get3A_267 = tpu.vector_load %arg12[%get3A_266] {strides = array<i32>} : memref<64xi32, #tpu.memory_space<vmem>>, vector<16xi32>,
      %get3A_268 = vector.shape_cast %get3A_267 : vector<16xi32> to vector<16xi32>
      %swap3A_269 = arith.constant 32 : index
      %swap3A_270 = tpu.vector_load %arg15[%swap3A_269] {strides = array<i32>} : memref<64xi32, #tpu.memory_space<vmem>>, vector<16xi32>,
      %swap3A_271 = vector.shape_cast %swap3A_270 : vector<16xi32> to vector<16xi32>
      %swap3A_272 = vector.shape_cast %get3A_268 : vector<16xi32> to vector<16xi32>
      tpu.vector_store %arg15[%swap3A_269], %swap3A_272 {strides = array<i32>} : memref<64xi32, #tpu.memory_space<vmem>>, vector<16xi32>,
      %get3A_273 = arith.constant 48 : index
      %get3A_274 = tpu.vector_load %arg12[%get3A_273] {strides = array<i32>} : memref<64xi32, #tpu.memory_space<vmem>>, vector<16xi32>,
      %get3A_275 = vector.shape_cast %get3A_274 : vector<16xi32> to vector<16xi32>
      %swap3A_276 = arith.constant 48 : index
      %swap3A_277 = tpu.vector_load %arg15[%swap3A_276] {strides = array<i32>} : memref<64xi32, #tpu.memory_space<vmem>>, vector<16xi32>,
      %swap3A_278 = vector.shape_cast %swap3A_277 : vector<16xi32> to vector<16xi32>
      %swap3A_279 = vector.shape_cast %get3A_275 : vector<16xi32> to vector<16xi32>
      tpu.vector_store %arg15[%swap3A_276], %swap3A_279 {strides = array<i32>} : memref<64xi32, #tpu.memory_space<vmem>>, vector<16xi32>,
      %dma_start3A_280 = arith.constant 0 : i32
      %dma_start3A_281 = arith.constant 0 : i32
      %dma_start3A_282 = tpu.memref_slice %arg22[%dma_start3A_280, %dma_start3A_281] : memref<10000x128xf32, #tpu.memory_space<vmem_shared>> -> memref<10000x128xf32, #tpu.memory_space<vmem_shared>>
      tpu.enqueue_indirect_dma source(%arg18 : memref<64x128xf32, #tpu.memory_space<vmem>>) target(%dma_start3A_282 : memref<10000x128xf32, #tpu.memory_space<vmem_shared>>) offsets(%arg15 : memref<64xi32, #tpu.memory_space<vmem>>) semaphore(%arg31 : memref<!tpu.dma_semaphore, #tpu.memory_space<semaphore_mem>>) {add = true}
    }
    %scan3A_82 = arith.constant 26 : i32
    %lt3A = arith.constant 4 : i32
    %lt3A_83 = arith.cmpi slt, %add3A, %lt3A : i32
    %convert_element_type3A_84 = arith.extui %lt3A_83 : i1 to i32
    %cond3A_85 = arith.constant 0 : i32
    %cond3A_86 = arith.cmpi ne, %convert_element_type3A_84, %cond3A_85 : i32
    scf.if %cond3A_86 {
      %mul3A_99 = arith.constant 64 : i32
      %mul3A_100 = arith.muli %add3A, %mul3A_99 : i32
      %add3A_101 = arith.constant 319744 : i32
      %add3A_102 = arith.addi %add3A_101, %mul3A_100 : i32
      %dma_start3A_103 = tpu.memref_slice %arg3[%add3A_102] : memref<320000xi32, #tpu.memory_space<hbm>> -> memref<64xi32, #tpu.memory_space<hbm>>
      %dma_start3A_104 = tpu.memref_slice %arg3[%add3A_102] : memref<320000xi32, #tpu.memory_space<hbm>> -> memref<64xi32, #tpu.memory_space<hbm>>
      tpu.enqueue_dma source(%dma_start3A_104 : memref<64xi32, #tpu.memory_space<hbm>>) target(%arg7 : memref<64xi32, #tpu.memory_space<vmem>>) target_semaphore(%arg23 : memref<!tpu.dma_semaphore, #tpu.memory_space<semaphore_mem>>)
      %mul3A_105 = arith.constant 64 : i32
      %mul3A_106 = arith.muli %add3A, %mul3A_105 : i32
      %add3A_107 = arith.constant 319744 : i32
      %add3A_108 = arith.addi %add3A_107, %mul3A_106 : i32
      %dma_start3A_109 = tpu.memref_slice %arg4[%add3A_108] : memref<320000xi32, #tpu.memory_space<hbm>> -> memref<64xi32, #tpu.memory_space<hbm>>
      %dma_start3A_110 = tpu.memref_slice %arg4[%add3A_108] : memref<320000xi32, #tpu.memory_space<hbm>> -> memref<64xi32, #tpu.memory_space<hbm>>
      tpu.enqueue_dma source(%dma_start3A_110 : memref<64xi32, #tpu.memory_space<hbm>>) target(%arg10 : memref<64xi32, #tpu.memory_space<vmem>>) target_semaphore(%arg23 : memref<!tpu.dma_semaphore, #tpu.memory_space<semaphore_mem>>)
      %mul3A_111 = arith.constant 64 : i32
      %mul3A_112 = arith.muli %add3A, %mul3A_111 : i32
      %add3A_113 = arith.constant 159744 : i32
      %add3A_114 = arith.addi %add3A_113, %mul3A_112 : i32
      %dma_start3A_115 = arith.constant 0 : i32
      %dma_start3A_116 = tpu.memref_slice %arg5[%add3A_114, %dma_start3A_115] : memref<160000x64xi32, #tpu.memory_space<hbm>> -> memref<64x64xi32, #tpu.memory_space<hbm>>
      %dma_start3A_117 = arith.constant 0 : i32
      %dma_start3A_118 = tpu.memref_slice %arg5[%add3A_114, %dma_start3A_117] : memref<160000x64xi32, #tpu.memory_space<hbm>> -> memref<64x64xi32, #tpu.memory_space<hbm>>
      tpu.enqueue_dma source(%dma_start3A_118 : memref<64x64xi32, #tpu.memory_space<hbm>>) target(%arg19 : memref<64x64xi32, #tpu.memory_space<vmem>>) target_semaphore(%arg23 : memref<!tpu.dma_semaphore, #tpu.memory_space<semaphore_mem>>)
      %dma_wait3A_119 = arith.constant 0 : i32
      %dma_wait3A_120 = tpu.memref_slice %arg3[%dma_wait3A_119] : memref<320000xi32, #tpu.memory_space<hbm>> -> memref<64xi32, #tpu.memory_space<hbm>>
      %dma_wait3A_121 = arith.constant 0 : i32
      %dma_wait3A_122 = tpu.memref_slice %arg3[%dma_wait3A_121] : memref<320000xi32, #tpu.memory_space<hbm>> -> memref<64xi32, #tpu.memory_space<hbm>>
      tpu.wait_dma2 semaphore(%arg23 : memref<!tpu.dma_semaphore, #tpu.memory_space<semaphore_mem>>) src(%dma_wait3A_122 : memref<64xi32, #tpu.memory_space<hbm>>) dst(%arg7 : memref<64xi32, #tpu.memory_space<vmem>>)
      %dma_wait3A_123 = arith.constant 0 : i32
      %dma_wait3A_124 = tpu.memref_slice %arg4[%dma_wait3A_123] : memref<320000xi32, #tpu.memory_space<hbm>> -> memref<64xi32, #tpu.memory_space<hbm>>
      %dma_wait3A_125 = arith.constant 0 : i32
      %dma_wait3A_126 = tpu.memref_slice %arg4[%dma_wait3A_125] : memref<320000xi32, #tpu.memory_space<hbm>> -> memref<64xi32, #tpu.memory_space<hbm>>
      tpu.wait_dma2 semaphore(%arg23 : memref<!tpu.dma_semaphore, #tpu.memory_space<semaphore_mem>>) src(%dma_wait3A_126 : memref<64xi32, #tpu.memory_space<hbm>>) dst(%arg10 : memref<64xi32, #tpu.memory_space<vmem>>)
      %dma_wait3A_127 = arith.constant 0 : i32
      %dma_wait3A_128 = arith.constant 0 : i32
      %dma_wait3A_129 = tpu.memref_slice %arg5[%dma_wait3A_127, %dma_wait3A_128] : memref<160000x64xi32, #tpu.memory_space<hbm>> -> memref<64x64xi32, #tpu.memory_space<hbm>>
      %dma_wait3A_130 = arith.constant 0 : i32
      %dma_wait3A_131 = arith.constant 0 : i32
      %dma_wait3A_132 = tpu.memref_slice %arg5[%dma_wait3A_130, %dma_wait3A_131] : memref<160000x64xi32, #tpu.memory_space<hbm>> -> memref<64x64xi32, #tpu.memory_space<hbm>>
      tpu.wait_dma2 semaphore(%arg23 : memref<!tpu.dma_semaphore, #tpu.memory_space<semaphore_mem>>) src(%dma_wait3A_132 : memref<64x64xi32, #tpu.memory_space<hbm>>) dst(%arg19 : memref<64x64xi32, #tpu.memory_space<vmem>>)
      %dma_start3A_133 = arith.constant 0 : i32
      %dma_start3A_134 = arith.constant 0 : i32
      %dma_start3A_135 = tpu.memref_slice %arg2[%dma_start3A_133, %dma_start3A_134] : memref<10000x128xf32, #tpu.memory_space<hbm>> -> memref<10000x128xf32, #tpu.memory_space<hbm>>
      tpu.enqueue_indirect_dma source(%dma_start3A_135 : memref<10000x128xf32, #tpu.memory_space<hbm>>) target(%arg16 : memref<64x128xf32, #tpu.memory_space<vmem>>) offsets(%arg7 : memref<64xi32, #tpu.memory_space<vmem>>) semaphore(%arg26 : memref<!tpu.dma_semaphore, #tpu.memory_space<semaphore_mem>>)
      %dma_wait3A_136 = arith.constant 0 : i32
      %dma_wait3A_137 = arith.constant 0 : i32
      %dma_wait3A_138 = tpu.memref_slice %arg2[%dma_wait3A_136, %dma_wait3A_137] : memref<10000x128xf32, #tpu.memory_space<hbm>> -> memref<10000x128xf32, #tpu.memory_space<hbm>>
      tpu.wait_indirect_dma semaphore(%arg26 : memref<!tpu.dma_semaphore, #tpu.memory_space<semaphore_mem>>) src(%dma_wait3A_138 : memref<10000x128xf32, #tpu.memory_space<hbm>>) dst(%arg16 : memref<64x128xf32, #tpu.memory_space<vmem>>)
      %scan3A_139 = arith.constant 0 : i32
      %scan3A_140 = arith.constant -65536 : i32
      %scan3A_141 = arith.constant 0 : i32
      %scan3A_142 = arith.constant 64 : i32
      %scan3A_143 = arith.addi %scan3A_141, %scan3A_142 : i32
      %scan3A_144 = arith.constant 1 : i32
      scf.for %scan3A_178 = %scan3A_141 to %scan3A_143 step %scan3A_144  : i32 {
        %get3A_179 = arith.index_cast %scan3A_178 : i32 to index
        %get3A_180 = arith.constant 0 : index
        %get3A_181 = tpu.vector_load %arg19[%get3A_179, %get3A_180] {strides = array<i32>} : memref<64x64xi32, #tpu.memory_space<vmem>>, vector<1x16xi32>,
        %get3A_182 = vector.shape_cast %get3A_181 : vector<1x16xi32> to vector<16xi32>
        %shift_left3A = arith.constant 16 : i32
        %shift_left3A_183 = vector.broadcast %shift_left3A : i32 to vector<16xi32>
        %shift_left3A_184 = arith.shli %get3A_182, %shift_left3A_183 : vector<16xi32>
        %bitcast_convert_type3A = tpu.bitcast %shift_left3A_184 : vector<16xi32> -> vector<16xf32>
        %and3A = vector.broadcast %scan3A_140 : i32 to vector<16xi32>
        %and3A_185 = arith.andi %get3A_182, %and3A : vector<16xi32>
        %bitcast_convert_type3A_186 = tpu.bitcast %and3A_185 : vector<16xi32> -> vector<16xf32>
        %get3A_187 = arith.index_cast %scan3A_178 : i32 to index
        %get3A_188 = arith.constant 0 : index
        %get3A_189 = tpu.vector_load %arg16[%get3A_187, %get3A_188] {strides = array<i32>} : memref<64x128xf32, #tpu.memory_space<vmem>>, vector<1x16xf32>,
        %get3A_190 = vector.shape_cast %get3A_189 : vector<1x16xf32> to vector<16xf32>
        %mul3A_191 = arith.mulf %get3A_190, %bitcast_convert_type3A : vector<16xf32>
        %swap3A_192 = arith.index_cast %scan3A_178 : i32 to index
        %swap3A_193 = arith.constant 0 : index
        %swap3A_194 = tpu.vector_load %arg16[%swap3A_192, %swap3A_193] {strides = array<i32>} : memref<64x128xf32, #tpu.memory_space<vmem>>, vector<1x16xf32>,
        %swap3A_195 = vector.shape_cast %swap3A_194 : vector<1x16xf32> to vector<16xf32>
        %swap3A_196 = vector.shape_cast %mul3A_191 : vector<16xf32> to vector<1x16xf32>
        tpu.vector_store %arg16[%swap3A_192, %swap3A_193], %swap3A_196 {strides = array<i32>} : memref<64x128xf32, #tpu.memory_space<vmem>>, vector<1x16xf32>,
        %get3A_197 = arith.index_cast %scan3A_178 : i32 to index
        %get3A_198 = arith.constant 16 : index
        %get3A_199 = tpu.vector_load %arg16[%get3A_197, %get3A_198] {strides = array<i32>} : memref<64x128xf32, #tpu.memory_space<vmem>>, vector<1x16xf32>,
        %get3A_200 = vector.shape_cast %get3A_199 : vector<1x16xf32> to vector<16xf32>
        %mul3A_201 = arith.mulf %get3A_200, %bitcast_convert_type3A_186 : vector<16xf32>
        %swap3A_202 = arith.index_cast %scan3A_178 : i32 to index
        %swap3A_203 = arith.constant 16 : index
        %swap3A_204 = tpu.vector_load %arg16[%swap3A_202, %swap3A_203] {strides = array<i32>} : memref<64x128xf32, #tpu.memory_space<vmem>>, vector<1x16xf32>,
        %swap3A_205 = vector.shape_cast %swap3A_204 : vector<1x16xf32> to vector<16xf32>
        %swap3A_206 = vector.shape_cast %mul3A_201 : vector<16xf32> to vector<1x16xf32>
        tpu.vector_store %arg16[%swap3A_202, %swap3A_203], %swap3A_206 {strides = array<i32>} : memref<64x128xf32, #tpu.memory_space<vmem>>, vector<1x16xf32>,
        %get3A_207 = arith.index_cast %scan3A_178 : i32 to index
        %get3A_208 = arith.constant 16 : index
        %get3A_209 = tpu.vector_load %arg19[%get3A_207, %get3A_208] {strides = array<i32>} : memref<64x64xi32, #tpu.memory_space<vmem>>, vector<1x16xi32>,
        %get3A_210 = vector.shape_cast %get3A_209 : vector<1x16xi32> to vector<16xi32>
        %shift_left3A_211 = arith.constant 16 : i32
        %shift_left3A_212 = vector.broadcast %shift_left3A_211 : i32 to vector<16xi32>
        %shift_left3A_213 = arith.shli %get3A_210, %shift_left3A_212 : vector<16xi32>
        %bitcast_convert_type3A_214 = tpu.bitcast %shift_left3A_213 : vector<16xi32> -> vector<16xf32>
        %and3A_215 = vector.broadcast %scan3A_140 : i32 to vector<16xi32>
        %and3A_216 = arith.andi %get3A_210, %and3A_215 : vector<16xi32>
        %bitcast_convert_type3A_217 = tpu.bitcast %and3A_216 : vector<16xi32> -> vector<16xf32>
        %get3A_218 = arith.index_cast %scan3A_178 : i32 to index
        %get3A_219 = arith.constant 32 : index
        %get3A_220 = tpu.vector_load %arg16[%get3A_218, %get3A_219] {strides = array<i32>} : memref<64x128xf32, #tpu.memory_space<vmem>>, vector<1x16xf32>,
        %get3A_221 = vector.shape_cast %get3A_220 : vector<1x16xf32> to vector<16xf32>
        %mul3A_222 = arith.mulf %get3A_221, %bitcast_convert_type3A_214 : vector<16xf32>
        %swap3A_223 = arith.index_cast %scan3A_178 : i32 to index
        %swap3A_224 = arith.constant 32 : index
        %swap3A_225 = tpu.vector_load %arg16[%swap3A_223, %swap3A_224] {strides = array<i32>} : memref<64x128xf32, #tpu.memory_space<vmem>>, vector<1x16xf32>,
        %swap3A_226 = vector.shape_cast %swap3A_225 : vector<1x16xf32> to vector<16xf32>
        %swap3A_227 = vector.shape_cast %mul3A_222 : vector<16xf32> to vector<1x16xf32>
        tpu.vector_store %arg16[%swap3A_223, %swap3A_224], %swap3A_227 {strides = array<i32>} : memref<64x128xf32, #tpu.memory_space<vmem>>, vector<1x16xf32>,
        %get3A_228 = arith.index_cast %scan3A_178 : i32 to index
        %get3A_229 = arith.constant 48 : index
        %get3A_230 = tpu.vector_load %arg16[%get3A_228, %get3A_229] {strides = array<i32>} : memref<64x128xf32, #tpu.memory_space<vmem>>, vector<1x16xf32>,
        %get3A_231 = vector.shape_cast %get3A_230 : vector<1x16xf32> to vector<16xf32>
        %mul3A_232 = arith.mulf %get3A_231, %bitcast_convert_type3A_217 : vector<16xf32>
        %swap3A_233 = arith.index_cast %scan3A_178 : i32 to index
        %swap3A_234 = arith.constant 48 : index
        %swap3A_235 = tpu.vector_load %arg16[%swap3A_233, %swap3A_234] {strides = array<i32>} : memref<64x128xf32, #tpu.memory_space<vmem>>, vector<1x16xf32>,
        %swap3A_236 = vector.shape_cast %swap3A_235 : vector<1x16xf32> to vector<16xf32>
        %swap3A_237 = vector.shape_cast %mul3A_232 : vector<16xf32> to vector<1x16xf32>
        tpu.vector_store %arg16[%swap3A_233, %swap3A_234], %swap3A_237 {strides = array<i32>} : memref<64x128xf32, #tpu.memory_space<vmem>>, vector<1x16xf32>,
        %get3A_238 = arith.index_cast %scan3A_178 : i32 to index
        %get3A_239 = arith.constant 32 : index
        %get3A_240 = tpu.vector_load %arg19[%get3A_238, %get3A_239] {strides = array<i32>} : memref<64x64xi32, #tpu.memory_space<vmem>>, vector<1x16xi32>,
        %get3A_241 = vector.shape_cast %get3A_240 : vector<1x16xi32> to vector<16xi32>
        %shift_left3A_242 = arith.constant 16 : i32
        %shift_left3A_243 = vector.broadcast %shift_left3A_242 : i32 to vector<16xi32>
        %shift_left3A_244 = arith.shli %get3A_241, %shift_left3A_243 : vector<16xi32>
        %bitcast_convert_type3A_245 = tpu.bitcast %shift_left3A_244 : vector<16xi32> -> vector<16xf32>
        %and3A_246 = vector.broadcast %scan3A_140 : i32 to vector<16xi32>
        %and3A_247 = arith.andi %get3A_241, %and3A_246 : vector<16xi32>
        %bitcast_convert_type3A_248 = tpu.bitcast %and3A_247 : vector<16xi32> -> vector<16xf32>
        %get3A_249 = arith.index_cast %scan3A_178 : i32 to index
        %get3A_250 = arith.constant 64 : index
        %get3A_251 = tpu.vector_load %arg16[%get3A_249, %get3A_250] {strides = array<i32>} : memref<64x128xf32, #tpu.memory_space<vmem>>, vector<1x16xf32>,
        %get3A_252 = vector.shape_cast %get3A_251 : vector<1x16xf32> to vector<16xf32>
        %mul3A_253 = arith.mulf %get3A_252, %bitcast_convert_type3A_245 : vector<16xf32>
        %swap3A_254 = arith.index_cast %scan3A_178 : i32 to index
        %swap3A_255 = arith.constant 64 : index
        %swap3A_256 = tpu.vector_load %arg16[%swap3A_254, %swap3A_255] {strides = array<i32>} : memref<64x128xf32, #tpu.memory_space<vmem>>, vector<1x16xf32>,
        %swap3A_257 = vector.shape_cast %swap3A_256 : vector<1x16xf32> to vector<16xf32>
        %swap3A_258 = vector.shape_cast %mul3A_253 : vector<16xf32> to vector<1x16xf32>
        tpu.vector_store %arg16[%swap3A_254, %swap3A_255], %swap3A_258 {strides = array<i32>} : memref<64x128xf32, #tpu.memory_space<vmem>>, vector<1x16xf32>,
        %get3A_259 = arith.index_cast %scan3A_178 : i32 to index
        %get3A_260 = arith.constant 80 : index
        %get3A_261 = tpu.vector_load %arg16[%get3A_259, %get3A_260] {strides = array<i32>} : memref<64x128xf32, #tpu.memory_space<vmem>>, vector<1x16xf32>,
        %get3A_262 = vector.shape_cast %get3A_261 : vector<1x16xf32> to vector<16xf32>
        %mul3A_263 = arith.mulf %get3A_262, %bitcast_convert_type3A_248 : vector<16xf32>
        %swap3A_264 = arith.index_cast %scan3A_178 : i32 to index
        %swap3A_265 = arith.constant 80 : index
        %swap3A_266 = tpu.vector_load %arg16[%swap3A_264, %swap3A_265] {strides = array<i32>} : memref<64x128xf32, #tpu.memory_space<vmem>>, vector<1x16xf32>,
        %swap3A_267 = vector.shape_cast %swap3A_266 : vector<1x16xf32> to vector<16xf32>
        %swap3A_268 = vector.shape_cast %mul3A_263 : vector<16xf32> to vector<1x16xf32>
        tpu.vector_store %arg16[%swap3A_264, %swap3A_265], %swap3A_268 {strides = array<i32>} : memref<64x128xf32, #tpu.memory_space<vmem>>, vector<1x16xf32>,
        %get3A_269 = arith.index_cast %scan3A_178 : i32 to index
        %get3A_270 = arith.constant 48 : index
        %get3A_271 = tpu.vector_load %arg19[%get3A_269, %get3A_270] {strides = array<i32>} : memref<64x64xi32, #tpu.memory_space<vmem>>, vector<1x16xi32>,
        %get3A_272 = vector.shape_cast %get3A_271 : vector<1x16xi32> to vector<16xi32>
        %shift_left3A_273 = arith.constant 16 : i32
        %shift_left3A_274 = vector.broadcast %shift_left3A_273 : i32 to vector<16xi32>
        %shift_left3A_275 = arith.shli %get3A_272, %shift_left3A_274 : vector<16xi32>
        %bitcast_convert_type3A_276 = tpu.bitcast %shift_left3A_275 : vector<16xi32> -> vector<16xf32>
        %and3A_277 = vector.broadcast %scan3A_140 : i32 to vector<16xi32>
        %and3A_278 = arith.andi %get3A_272, %and3A_277 : vector<16xi32>
        %bitcast_convert_type3A_279 = tpu.bitcast %and3A_278 : vector<16xi32> -> vector<16xf32>
        %get3A_280 = arith.index_cast %scan3A_178 : i32 to index
        %get3A_281 = arith.constant 96 : index
        %get3A_282 = tpu.vector_load %arg16[%get3A_280, %get3A_281] {strides = array<i32>} : memref<64x128xf32, #tpu.memory_space<vmem>>, vector<1x16xf32>,
        %get3A_283 = vector.shape_cast %get3A_282 : vector<1x16xf32> to vector<16xf32>
        %mul3A_284 = arith.mulf %get3A_283, %bitcast_convert_type3A_276 : vector<16xf32>
        %swap3A_285 = arith.index_cast %scan3A_178 : i32 to index
        %swap3A_286 = arith.constant 96 : index
        %swap3A_287 = tpu.vector_load %arg16[%swap3A_285, %swap3A_286] {strides = array<i32>} : memref<64x128xf32, #tpu.memory_space<vmem>>, vector<1x16xf32>,
        %swap3A_288 = vector.shape_cast %swap3A_287 : vector<1x16xf32> to vector<16xf32>
        %swap3A_289 = vector.shape_cast %mul3A_284 : vector<16xf32> to vector<1x16xf32>
        tpu.vector_store %arg16[%swap3A_285, %swap3A_286], %swap3A_289 {strides = array<i32>} : memref<64x128xf32, #tpu.memory_space<vmem>>, vector<1x16xf32>,
        %get3A_290 = arith.index_cast %scan3A_178 : i32 to index
        %get3A_291 = arith.constant 112 : index
        %get3A_292 = tpu.vector_load %arg16[%get3A_290, %get3A_291] {strides = array<i32>} : memref<64x128xf32, #tpu.memory_space<vmem>>, vector<1x16xf32>,
        %get3A_293 = vector.shape_cast %get3A_292 : vector<1x16xf32> to vector<16xf32>
        %mul3A_294 = arith.mulf %get3A_293, %bitcast_convert_type3A_279 : vector<16xf32>
        %swap3A_295 = arith.index_cast %scan3A_178 : i32 to index
        %swap3A_296 = arith.constant 112 : index
        %swap3A_297 = tpu.vector_load %arg16[%swap3A_295, %swap3A_296] {strides = array<i32>} : memref<64x128xf32, #tpu.memory_space<vmem>>, vector<1x16xf32>,
        %swap3A_298 = vector.shape_cast %swap3A_297 : vector<1x16xf32> to vector<16xf32>
        %swap3A_299 = vector.shape_cast %mul3A_294 : vector<16xf32> to vector<1x16xf32>
        tpu.vector_store %arg16[%swap3A_295, %swap3A_296], %swap3A_299 {strides = array<i32>} : memref<64x128xf32, #tpu.memory_space<vmem>>, vector<1x16xf32>,
      }
      %scan3A_145 = arith.constant 64 : i32
      %get3A = arith.constant 0 : index
      %get3A_146 = tpu.vector_load %arg10[%get3A] {strides = array<i32>} : memref<64xi32, #tpu.memory_space<vmem>>, vector<16xi32>,
      %get3A_147 = vector.shape_cast %get3A_146 : vector<16xi32> to vector<16xi32>
      %swap3A = arith.constant 0 : index
      %swap3A_148 = tpu.vector_load %arg13[%swap3A] {strides = array<i32>} : memref<64xi32, #tpu.memory_space<vmem>>, vector<16xi32>,
      %swap3A_149 = vector.shape_cast %swap3A_148 : vector<16xi32> to vector<16xi32>
      %swap3A_150 = vector.shape_cast %get3A_147 : vector<16xi32> to vector<16xi32>
      tpu.vector_store %arg13[%swap3A], %swap3A_150 {strides = array<i32>} : memref<64xi32, #tpu.memory_space<vmem>>, vector<16xi32>,
      %get3A_151 = arith.constant 16 : index
      %get3A_152 = tpu.vector_load %arg10[%get3A_151] {strides = array<i32>} : memref<64xi32, #tpu.memory_space<vmem>>, vector<16xi32>,
      %get3A_153 = vector.shape_cast %get3A_152 : vector<16xi32> to vector<16xi32>
      %swap3A_154 = arith.constant 16 : index
      %swap3A_155 = tpu.vector_load %arg13[%swap3A_154] {strides = array<i32>} : memref<64xi32, #tpu.memory_space<vmem>>, vector<16xi32>,
      %swap3A_156 = vector.shape_cast %swap3A_155 : vector<16xi32> to vector<16xi32>
      %swap3A_157 = vector.shape_cast %get3A_153 : vector<16xi32> to vector<16xi32>
      tpu.vector_store %arg13[%swap3A_154], %swap3A_157 {strides = array<i32>} : memref<64xi32, #tpu.memory_space<vmem>>, vector<16xi32>,
      %get3A_158 = arith.constant 32 : index
      %get3A_159 = tpu.vector_load %arg10[%get3A_158] {strides = array<i32>} : memref<64xi32, #tpu.memory_space<vmem>>, vector<16xi32>,
      %get3A_160 = vector.shape_cast %get3A_159 : vector<16xi32> to vector<16xi32>
      %swap3A_161 = arith.constant 32 : index
      %swap3A_162 = tpu.vector_load %arg13[%swap3A_161] {strides = array<i32>} : memref<64xi32, #tpu.memory_space<vmem>>, vector<16xi32>,
      %swap3A_163 = vector.shape_cast %swap3A_162 : vector<16xi32> to vector<16xi32>
      %swap3A_164 = vector.shape_cast %get3A_160 : vector<16xi32> to vector<16xi32>
      tpu.vector_store %arg13[%swap3A_161], %swap3A_164 {strides = array<i32>} : memref<64xi32, #tpu.memory_space<vmem>>, vector<16xi32>,
      %get3A_165 = arith.constant 48 : index
      %get3A_166 = tpu.vector_load %arg10[%get3A_165] {strides = array<i32>} : memref<64xi32, #tpu.memory_space<vmem>>, vector<16xi32>,
      %get3A_167 = vector.shape_cast %get3A_166 : vector<16xi32> to vector<16xi32>
      %swap3A_168 = arith.constant 48 : index
      %swap3A_169 = tpu.vector_load %arg13[%swap3A_168] {strides = array<i32>} : memref<64xi32, #tpu.memory_space<vmem>>, vector<16xi32>,
      %swap3A_170 = vector.shape_cast %swap3A_169 : vector<16xi32> to vector<16xi32>
      %swap3A_171 = vector.shape_cast %get3A_167 : vector<16xi32> to vector<16xi32>
      tpu.vector_store %arg13[%swap3A_168], %swap3A_171 {strides = array<i32>} : memref<64xi32, #tpu.memory_space<vmem>>, vector<16xi32>,
      %dma_start3A_172 = arith.constant 0 : i32
      %dma_start3A_173 = arith.constant 0 : i32
      %dma_start3A_174 = tpu.memref_slice %arg22[%dma_start3A_172, %dma_start3A_173] : memref<10000x128xf32, #tpu.memory_space<vmem_shared>> -> memref<10000x128xf32, #tpu.memory_space<vmem_shared>>
      tpu.enqueue_indirect_dma source(%arg16 : memref<64x128xf32, #tpu.memory_space<vmem>>) target(%dma_start3A_174 : memref<10000x128xf32, #tpu.memory_space<vmem_shared>>) offsets(%arg13 : memref<64xi32, #tpu.memory_space<vmem>>) semaphore(%arg29 : memref<!tpu.dma_semaphore, #tpu.memory_space<semaphore_mem>>) {add = true}
      %dma_wait3A_175 = arith.constant 0 : i32
      %dma_wait3A_176 = arith.constant 0 : i32
      %dma_wait3A_177 = tpu.memref_slice %arg22[%dma_wait3A_175, %dma_wait3A_176] : memref<10000x128xf32, #tpu.memory_space<vmem_shared>> -> memref<10000x128xf32, #tpu.memory_space<vmem_shared>>
      tpu.wait_indirect_dma semaphore(%arg29 : memref<!tpu.dma_semaphore, #tpu.memory_space<semaphore_mem>>) src(%arg16 : memref<64x128xf32, #tpu.memory_space<vmem>>) dst(%dma_wait3A_177 : memref<10000x128xf32, #tpu.memory_space<vmem_shared>>)
    } else {
    }
    %dma_wait3A_87 = arith.constant 0 : i32
    %dma_wait3A_88 = arith.constant 0 : i32
    %dma_wait3A_89 = tpu.memref_slice %arg22[%dma_wait3A_87, %dma_wait3A_88] : memref<10000x128xf32, #tpu.memory_space<vmem_shared>> -> memref<10000x128xf32, #tpu.memory_space<vmem_shared>>
    tpu.wait_indirect_dma semaphore(%arg30 : memref<!tpu.dma_semaphore, #tpu.memory_space<semaphore_mem>>) src(%arg17 : memref<64x128xf32, #tpu.memory_space<vmem>>) dst(%dma_wait3A_89 : memref<10000x128xf32, #tpu.memory_space<vmem_shared>>)
    %dma_wait3A_90 = arith.constant 0 : i32
    %dma_wait3A_91 = arith.constant 0 : i32
    %dma_wait3A_92 = tpu.memref_slice %arg22[%dma_wait3A_90, %dma_wait3A_91] : memref<10000x128xf32, #tpu.memory_space<vmem_shared>> -> memref<10000x128xf32, #tpu.memory_space<vmem_shared>>
    tpu.wait_indirect_dma semaphore(%arg31 : memref<!tpu.dma_semaphore, #tpu.memory_space<semaphore_mem>>) src(%arg18 : memref<64x128xf32, #tpu.memory_space<vmem>>) dst(%dma_wait3A_92 : memref<10000x128xf32, #tpu.memory_space<vmem_shared>>)
    %barrier3A_93 = arith.constant 0 : index
    tpu.barrier barrier_id(%barrier3A_93)
    "tpu.region"() ({
      %run_scoped3A = tpu.sem_alloc : memref<!tpu.dma_semaphore, #tpu.memory_space<semaphore_mem>>
      %dma_start3A_99 = arith.constant 0 : i32
      %dma_start3A_100 = tpu.memref_slice %arg6[%arg0, %mul3A_11, %dma_start3A_99] : memref<2x10000x128xf32, #tpu.memory_space<hbm>> -> memref<1x624x128xf32, #tpu.memory_space<hbm>>
      %dma_start3A_101 = tpu.memref_squeeze %dma_start3A_100 : memref<1x624x128xf32, #tpu.memory_space<hbm>> -> memref<624x128xf32, #tpu.memory_space<hbm>>
      %dma_start3A_102 = arith.constant 0 : i32
      %dma_start3A_103 = tpu.memref_slice %arg22[%mul3A_11, %dma_start3A_102] : memref<10000x128xf32, #tpu.memory_space<vmem_shared>> -> memref<624x128xf32, #tpu.memory_space<vmem_shared>>
      tpu.enqueue_dma source(%dma_start3A_103 : memref<624x128xf32, #tpu.memory_space<vmem_shared>>) target(%dma_start3A_101 : memref<624x128xf32, #tpu.memory_space<hbm>>) target_semaphore(%run_scoped3A : memref<!tpu.dma_semaphore, #tpu.memory_space<semaphore_mem>>)
      %dma_wait3A_104 = arith.constant 0 : i32
      %dma_wait3A_105 = tpu.memref_slice %arg6[%arg0, %mul3A_11, %dma_wait3A_104] : memref<2x10000x128xf32, #tpu.memory_space<hbm>> -> memref<1x624x128xf32, #tpu.memory_space<hbm>>
      %dma_wait3A_106 = tpu.memref_squeeze %dma_wait3A_105 : memref<1x624x128xf32, #tpu.memory_space<hbm>> -> memref<624x128xf32, #tpu.memory_space<hbm>>
      %dma_wait3A_107 = arith.constant 0 : i32
      %dma_wait3A_108 = tpu.memref_slice %arg22[%mul3A_11, %dma_wait3A_107] : memref<10000x128xf32, #tpu.memory_space<vmem_shared>> -> memref<624x128xf32, #tpu.memory_space<vmem_shared>>
      tpu.wait_dma2 semaphore(%run_scoped3A : memref<!tpu.dma_semaphore, #tpu.memory_space<semaphore_mem>>) src(%dma_wait3A_108 : memref<624x128xf32, #tpu.memory_space<vmem_shared>>) dst(%dma_wait3A_106 : memref<624x128xf32, #tpu.memory_space<hbm>>)
      tpu.yield
    }) : () -> ()
    %eq3A_94 = arith.constant 15 : i32
    %eq3A_95 = arith.cmpi eq, %arg1, %eq3A_94 : i32
    %convert_element_type3A_96 = arith.extui %eq3A_95 : i1 to i32
    %cond3A_97 = arith.constant 0 : i32
    %cond3A_98 = arith.cmpi ne, %convert_element_type3A_96, %cond3A_97 : i32
    scf.if %cond3A_98 {
      "tpu.region"() ({
        %run_scoped3A = tpu.sem_alloc : memref<!tpu.dma_semaphore, #tpu.memory_space<semaphore_mem>>
        %dma_start3A_99 = arith.constant 9984 : i32
        %dma_start3A_100 = arith.constant 0 : i32
        %dma_start3A_101 = tpu.memref_slice %arg6[%arg0, %dma_start3A_99, %dma_start3A_100] : memref<2x10000x128xf32, #tpu.memory_space<hbm>> -> memref<1x16x128xf32, #tpu.memory_space<hbm>>
        %dma_start3A_102 = tpu.memref_squeeze %dma_start3A_101 : memref<1x16x128xf32, #tpu.memory_space<hbm>> -> memref<16x128xf32, #tpu.memory_space<hbm>>
        %dma_start3A_103 = arith.constant 9984 : i32
        %dma_start3A_104 = arith.constant 0 : i32
        %dma_start3A_105 = tpu.memref_slice %arg22[%dma_start3A_103, %dma_start3A_104] : memref<10000x128xf32, #tpu.memory_space<vmem_shared>> -> memref<16x128xf32, #tpu.memory_space<vmem_shared>>
        tpu.enqueue_dma source(%dma_start3A_105 : memref<16x128xf32, #tpu.memory_space<vmem_shared>>) target(%dma_start3A_102 : memref<16x128xf32, #tpu.memory_space<hbm>>) target_semaphore(%run_scoped3A : memref<!tpu.dma_semaphore, #tpu.memory_space<semaphore_mem>>)
        %dma_wait3A_106 = arith.constant 9984 : i32
        %dma_wait3A_107 = arith.constant 0 : i32
        %dma_wait3A_108 = tpu.memref_slice %arg6[%arg0, %dma_wait3A_106, %dma_wait3A_107] : memref<2x10000x128xf32, #tpu.memory_space<hbm>> -> memref<1x16x128xf32, #tpu.memory_space<hbm>>
        %dma_wait3A_109 = tpu.memref_squeeze %dma_wait3A_108 : memref<1x16x128xf32, #tpu.memory_space<hbm>> -> memref<16x128xf32, #tpu.memory_space<hbm>>
        %dma_wait3A_110 = arith.constant 9984 : i32
        %dma_wait3A_111 = arith.constant 0 : i32
        %dma_wait3A_112 = tpu.memref_slice %arg22[%dma_wait3A_110, %dma_wait3A_111] : memref<10000x128xf32, #tpu.memory_space<vmem_shared>> -> memref<16x128xf32, #tpu.memory_space<vmem_shared>>
        tpu.wait_dma2 semaphore(%run_scoped3A : memref<!tpu.dma_semaphore, #tpu.memory_space<semaphore_mem>>) src(%dma_wait3A_112 : memref<16x128xf32, #tpu.memory_space<vmem_shared>>) dst(%dma_wait3A_109 : memref<16x128xf32, #tpu.memory_space<hbm>>)
        tpu.yield
      }) : () -> ()
    } else {
    }
    return
  }
}

module attributes {stable_mosaic.version = 14 : i64} {
  func.func @_lin1_body(%arg0: i32, %arg1: memref<1000x128xf32, #tpu.memory_space<vmem>>, %arg2: memref<128x128xf32, #tpu.memory_space<vmem>>, %arg3: memref<1000x128xf32, #tpu.memory_space<vmem>>) attributes {dimension_semantics = [#tpu.dimension_semantics<arbitrary>], iteration_bounds = array<i64: 10>, scalar_prefetch = 0 : i64, scratch_operands = 0 : i64, tpu.core_type = #tpu.core_type<tc>, window_params = [{transform_indices = @transform_0, window_bounds = array<i64: 1000, 128>}, {pipeline_mode = #tpu.pipeline_mode<synchronous>, transform_indices = @transform_1, window_bounds = array<i64: 128, 128>}, {transform_indices = @transform_2, window_bounds = array<i64: 1000, 128>}]} {
    %get3A = arith.constant 0 : index
    %get3A_0 = arith.constant 0 : index
    %get3A_1 = vector.load %arg1[%get3A, %get3A_0] : memref<1000x128xf32, #tpu.memory_space<vmem>>, vector<1000x128xf32>
    %get3A_2 = arith.constant 0 : index
    %get3A_3 = arith.constant 0 : index
    %get3A_4 = vector.load %arg2[%get3A_2, %get3A_3] : memref<128x128xf32, #tpu.memory_space<vmem>>, vector<128x128xf32>
    %dot_general3A = arith.constant dense<0.000000e+00> : vector<1000x128xf32>
    %dot_general3A_5 = tpu.matmul %get3A_1, %get3A_4, %dot_general3A {dimension_numbers = #tpu.dot_dimension_numbers<[1], [0], [0], [1], [0, 0, 1, 1], [], []>, transpose_lhs_hint = false} : vector<1000x128xf32>, vector<128x128xf32>, vector<1000x128xf32> -> vector<1000x128xf32>
    %swap3A = arith.constant 0 : index
    %swap3A_6 = arith.constant 0 : index
    %swap3A_7 = vector.load %arg3[%swap3A, %swap3A_6] : memref<1000x128xf32, #tpu.memory_space<vmem>>, vector<1000x128xf32>
    tpu.vector_store %arg3[%swap3A, %swap3A_6], %dot_general3A_5 {strides = array<i32>} : memref<1000x128xf32, #tpu.memory_space<vmem>>, vector<1000x128xf32>,
    return
  }
  func.func @transform_0(%arg0: i32) -> (i32, i32) {
    %c0_i32 = arith.constant 0 : i32
    %c0_i32_0 = arith.constant 0 : i32
    return %arg0, %c0_i32 : i32, i32
  }
  func.func @transform_1(%arg0: i32) -> (i32, i32) {
    %c0_i32 = arith.constant 0 : i32
    %c0_i32_0 = arith.constant 0 : i32
    %c0_i32_1 = arith.constant 0 : i32
    return %c0_i32, %c0_i32_0 : i32, i32
  }
  func.func @transform_2(%arg0: i32) -> (i32, i32) {
    %c0_i32 = arith.constant 0 : i32
    %c0_i32_0 = arith.constant 0 : i32
    return %arg0, %c0_i32 : i32, i32
  }
}

module attributes {stable_mosaic.version = 14 : i64} {
  func.func @_radial_body(%arg0: i32, %arg1: memref<16x3200xf32, #tpu.memory_space<vmem>>, %arg2: memref<16x64xf32, #tpu.memory_space<vmem>>, %arg3: memref<64x128xf32, #tpu.memory_space<vmem>>, %arg4: memref<3200x64xi32, #tpu.memory_space<vmem>>) attributes {dimension_semantics = [#tpu.dimension_semantics<arbitrary>], iteration_bounds = array<i64: 50>, scalar_prefetch = 0 : i64, scratch_operands = 0 : i64, tpu.core_type = #tpu.core_type<tc>, window_params = [{transform_indices = @transform_0, window_bounds = array<i64: 16, 3200>}, {pipeline_mode = #tpu.pipeline_mode<synchronous>, transform_indices = @transform_1, window_bounds = array<i64: 16, 64>}, {pipeline_mode = #tpu.pipeline_mode<synchronous>, transform_indices = @transform_2, window_bounds = array<i64: 64, 128>}, {transform_indices = @transform_3, window_bounds = array<i64: 3200, 64>}]} {
    %get3A = arith.constant 0 : index
    %get3A_0 = arith.constant 0 : index
    %get3A_1 = vector.load %arg1[%get3A, %get3A_0] : memref<16x3200xf32, #tpu.memory_space<vmem>>, vector<16x3200xf32>
    %get3A_2 = arith.constant 0 : index
    %get3A_3 = arith.constant 0 : index
    %get3A_4 = vector.load %arg2[%get3A_2, %get3A_3] : memref<16x64xf32, #tpu.memory_space<vmem>>, vector<16x64xf32>
    %dot_general3A = arith.constant dense<0.000000e+00> : vector<3200x64xf32>
    %dot_general3A_5 = tpu.matmul %get3A_1, %get3A_4, %dot_general3A {dimension_numbers = #tpu.dot_dimension_numbers<[0], [0], [1], [1], [0, 1, 1, 1], [], []>, transpose_lhs_hint = false} : vector<16x3200xf32>, vector<16x64xf32>, vector<3200x64xf32> -> vector<3200x64xf32>
    %custom_jvp_call3A = arith.constant 0.000000e+00 : f32
    %max3A = vector.broadcast %custom_jvp_call3A : f32 to vector<3200x64xf32>
    %max3A_6 = arith.maximumf %dot_general3A_5, %max3A : vector<3200x64xf32>
    %sub3A = vector.broadcast %custom_jvp_call3A : f32 to vector<3200x64xf32>
    %sub3A_7 = arith.subf %dot_general3A_5, %sub3A : vector<3200x64xf32>
    %ne3A = arith.cmpf one, %sub3A_7, %sub3A_7 : vector<3200x64xf32>
    %add3A = vector.broadcast %custom_jvp_call3A : f32 to vector<3200x64xf32>
    %add3A_8 = arith.addf %dot_general3A_5, %add3A : vector<3200x64xf32>
    %abs3A = math.absf %sub3A_7 : vector<3200x64xf32>
    %neg3A = arith.constant 0.000000e+00 : f32
    %neg3A_9 = vector.broadcast %neg3A : f32 to vector<3200x64xf32>
    %neg3A_10 = arith.subf %neg3A_9, %abs3A : vector<3200x64xf32>
    %exp3A = math.exp %neg3A_10 : vector<3200x64xf32>
    %log1p3A = math.log1p %exp3A : vector<3200x64xf32>
    %add3A_11 = arith.addf %max3A_6, %log1p3A : vector<3200x64xf32>
    %select_n3A = arith.select %ne3A, %add3A_8, %add3A_11 : vector<3200x64xi1>, vector<3200x64xf32>
    %sub3A_12 = arith.constant 0.693147182 : f32
    %sub3A_13 = vector.broadcast %sub3A_12 : f32 to vector<3200x64xf32>
    %sub3A_14 = arith.subf %select_n3A, %sub3A_13 : vector<3200x64xf32>
    %get3A_15 = arith.constant 0 : index
    %get3A_16 = arith.constant 0 : index
    %get3A_17 = vector.load %arg3[%get3A_15, %get3A_16] : memref<64x128xf32, #tpu.memory_space<vmem>>, vector<64x128xf32>
    %dot_general3A_18 = arith.constant dense<0.000000e+00> : vector<3200x128xf32>
    %dot_general3A_19 = tpu.matmul %sub3A_14, %get3A_17, %dot_general3A_18 {dimension_numbers = #tpu.dot_dimension_numbers<[1], [0], [0], [1], [0, 0, 1, 1], [], []>, transpose_lhs_hint = false} : vector<3200x64xf32>, vector<64x128xf32>, vector<3200x128xf32> -> vector<3200x128xf32>
    %bitcast_convert_type3A = tpu.bitcast %dot_general3A_19 : vector<3200x128xf32> -> vector<3200x128xi32>
    %slice3A = vector.extract_strided_slice %bitcast_convert_type3A {offsets = [0, 0], sizes = [3200, 64], strides = [1, 1]} : vector<3200x128xi32> to vector<3200x64xi32>
    %slice3A_20 = vector.extract_strided_slice %bitcast_convert_type3A {offsets = [0, 64], sizes = [3200, 64], strides = [1, 1]} : vector<3200x128xi32> to vector<3200x64xi32>
    %add3A_21 = arith.constant 32767 : i32
    %add3A_22 = vector.broadcast %add3A_21 : i32 to vector<3200x64xi32>
    %add3A_23 = arith.addi %slice3A, %add3A_22 : vector<3200x64xi32>
    %shift_right_arithmetic3A = arith.constant 16 : i32
    %shift_right_arithmetic3A_24 = vector.broadcast %shift_right_arithmetic3A : i32 to vector<3200x64xi32>
    %shift_right_arithmetic3A_25 = arith.shrsi %slice3A, %shift_right_arithmetic3A_24 : vector<3200x64xi32>
    %and3A = arith.constant 1 : i32
    %and3A_26 = vector.broadcast %and3A : i32 to vector<3200x64xi32>
    %and3A_27 = arith.andi %shift_right_arithmetic3A_25, %and3A_26 : vector<3200x64xi32>
    %add3A_28 = arith.addi %add3A_23, %and3A_27 : vector<3200x64xi32>
    %shift_right_arithmetic3A_29 = arith.constant 16 : i32
    %shift_right_arithmetic3A_30 = vector.broadcast %shift_right_arithmetic3A_29 : i32 to vector<3200x64xi32>
    %shift_right_arithmetic3A_31 = arith.shrsi %add3A_28, %shift_right_arithmetic3A_30 : vector<3200x64xi32>
    %and3A_32 = arith.constant 65535 : i32
    %and3A_33 = vector.broadcast %and3A_32 : i32 to vector<3200x64xi32>
    %and3A_34 = arith.andi %shift_right_arithmetic3A_31, %and3A_33 : vector<3200x64xi32>
    %add3A_35 = arith.constant 32767 : i32
    %add3A_36 = vector.broadcast %add3A_35 : i32 to vector<3200x64xi32>
    %add3A_37 = arith.addi %slice3A_20, %add3A_36 : vector<3200x64xi32>
    %shift_right_arithmetic3A_38 = arith.constant 16 : i32
    %shift_right_arithmetic3A_39 = vector.broadcast %shift_right_arithmetic3A_38 : i32 to vector<3200x64xi32>
    %shift_right_arithmetic3A_40 = arith.shrsi %slice3A_20, %shift_right_arithmetic3A_39 : vector<3200x64xi32>
    %and3A_41 = arith.constant 1 : i32
    %and3A_42 = vector.broadcast %and3A_41 : i32 to vector<3200x64xi32>
    %and3A_43 = arith.andi %shift_right_arithmetic3A_40, %and3A_42 : vector<3200x64xi32>
    %add3A_44 = arith.addi %add3A_37, %and3A_43 : vector<3200x64xi32>
    %and3A_45 = arith.constant -65536 : i32
    %and3A_46 = vector.broadcast %and3A_45 : i32 to vector<3200x64xi32>
    %and3A_47 = arith.andi %add3A_44, %and3A_46 : vector<3200x64xi32>
    %or3A = arith.ori %and3A_34, %and3A_47 : vector<3200x64xi32>
    %swap3A = arith.constant 0 : index
    %swap3A_48 = arith.constant 0 : index
    %swap3A_49 = vector.load %arg4[%swap3A, %swap3A_48] : memref<3200x64xi32, #tpu.memory_space<vmem>>, vector<3200x64xi32>
    tpu.vector_store %arg4[%swap3A, %swap3A_48], %or3A {strides = array<i32>} : memref<3200x64xi32, #tpu.memory_space<vmem>>, vector<3200x64xi32>,
    return
  }
  func.func @transform_0(%arg0: i32) -> (i32, i32) {
    %add3A = arith.constant 0 : i32
    %add3A_0 = arith.addi %arg0, %add3A : i32
    %c0_i32 = arith.constant 0 : i32
    %c0_i32_1 = arith.constant 0 : i32
    return %c0_i32, %add3A_0 : i32, i32
  }
  func.func @transform_1(%arg0: i32) -> (i32, i32) {
    %c0_i32 = arith.constant 0 : i32
    %c0_i32_0 = arith.constant 0 : i32
    %c0_i32_1 = arith.constant 0 : i32
    return %c0_i32, %c0_i32_0 : i32, i32
  }
  func.func @transform_2(%arg0: i32) -> (i32, i32) {
    %c0_i32 = arith.constant 0 : i32
    %c0_i32_0 = arith.constant 0 : i32
    %c0_i32_1 = arith.constant 0 : i32
    return %c0_i32, %c0_i32_0 : i32, i32
  }
  func.func @transform_3(%arg0: i32) -> (i32, i32) {
    %c0_i32 = arith.constant 0 : i32
    %c0_i32_0 = arith.constant 0 : i32
    return %arg0, %c0_i32 : i32, i32
  }
}

module attributes {stable_mosaic.version = 14 : i64} {
  func.func @_radial_body(%arg0: i32, %arg1: memref<16x3200xf32, #tpu.memory_space<vmem>>, %arg2: memref<16x64xf32, #tpu.memory_space<vmem>>, %arg3: memref<64x128xf32, #tpu.memory_space<vmem>>, %arg4: memref<3200x64xi32, #tpu.memory_space<vmem>>) attributes {dimension_semantics = [#tpu.dimension_semantics<arbitrary>], iteration_bounds = array<i64: 50>, scalar_prefetch = 0 : i64, scratch_operands = 0 : i64, tpu.core_type = #tpu.core_type<tc>, window_params = [{transform_indices = @transform_0, window_bounds = array<i64: 16, 3200>}, {pipeline_mode = #tpu.pipeline_mode<synchronous>, transform_indices = @transform_1, window_bounds = array<i64: 16, 64>}, {pipeline_mode = #tpu.pipeline_mode<synchronous>, transform_indices = @transform_2, window_bounds = array<i64: 64, 128>}, {transform_indices = @transform_3, window_bounds = array<i64: 3200, 64>}]} {
    %get3A = arith.constant 0 : index
    %get3A_0 = arith.constant 0 : index
    %get3A_1 = vector.load %arg1[%get3A, %get3A_0] : memref<16x3200xf32, #tpu.memory_space<vmem>>, vector<16x3200xf32>
    %get3A_2 = arith.constant 0 : index
    %get3A_3 = arith.constant 0 : index
    %get3A_4 = vector.load %arg2[%get3A_2, %get3A_3] : memref<16x64xf32, #tpu.memory_space<vmem>>, vector<16x64xf32>
    %dot_general3A = arith.constant dense<0.000000e+00> : vector<3200x64xf32>
    %dot_general3A_5 = tpu.matmul %get3A_1, %get3A_4, %dot_general3A {dimension_numbers = #tpu.dot_dimension_numbers<[0], [0], [1], [1], [0, 1, 1, 1], [], []>, transpose_lhs_hint = false} : vector<16x3200xf32>, vector<16x64xf32>, vector<3200x64xf32> -> vector<3200x64xf32>
    %custom_jvp_call3A = arith.constant 0.000000e+00 : f32
    %max3A = vector.broadcast %custom_jvp_call3A : f32 to vector<3200x64xf32>
    %max3A_6 = arith.maximumf %dot_general3A_5, %max3A : vector<3200x64xf32>
    %sub3A = vector.broadcast %custom_jvp_call3A : f32 to vector<3200x64xf32>
    %sub3A_7 = arith.subf %dot_general3A_5, %sub3A : vector<3200x64xf32>
    %ne3A = arith.cmpf one, %sub3A_7, %sub3A_7 : vector<3200x64xf32>
    %add3A = vector.broadcast %custom_jvp_call3A : f32 to vector<3200x64xf32>
    %add3A_8 = arith.addf %dot_general3A_5, %add3A : vector<3200x64xf32>
    %abs3A = math.absf %sub3A_7 : vector<3200x64xf32>
    %neg3A = arith.constant 0.000000e+00 : f32
    %neg3A_9 = vector.broadcast %neg3A : f32 to vector<3200x64xf32>
    %neg3A_10 = arith.subf %neg3A_9, %abs3A : vector<3200x64xf32>
    %exp3A = math.exp %neg3A_10 : vector<3200x64xf32>
    %log1p3A = math.log1p %exp3A : vector<3200x64xf32>
    %add3A_11 = arith.addf %max3A_6, %log1p3A : vector<3200x64xf32>
    %select_n3A = arith.select %ne3A, %add3A_8, %add3A_11 : vector<3200x64xi1>, vector<3200x64xf32>
    %sub3A_12 = arith.constant 0.693147182 : f32
    %sub3A_13 = vector.broadcast %sub3A_12 : f32 to vector<3200x64xf32>
    %sub3A_14 = arith.subf %select_n3A, %sub3A_13 : vector<3200x64xf32>
    %get3A_15 = arith.constant 0 : index
    %get3A_16 = arith.constant 0 : index
    %get3A_17 = vector.load %arg3[%get3A_15, %get3A_16] : memref<64x128xf32, #tpu.memory_space<vmem>>, vector<64x128xf32>
    %dot_general3A_18 = arith.constant dense<0.000000e+00> : vector<3200x128xf32>
    %dot_general3A_19 = tpu.matmul %sub3A_14, %get3A_17, %dot_general3A_18 {dimension_numbers = #tpu.dot_dimension_numbers<[1], [0], [0], [1], [0, 0, 1, 1], [], []>, transpose_lhs_hint = false} : vector<3200x64xf32>, vector<64x128xf32>, vector<3200x128xf32> -> vector<3200x128xf32>
    %bitcast_convert_type3A = tpu.bitcast %dot_general3A_19 : vector<3200x128xf32> -> vector<3200x128xi32>
    %slice3A = vector.extract_strided_slice %bitcast_convert_type3A {offsets = [0, 0], sizes = [3200, 64], strides = [1, 1]} : vector<3200x128xi32> to vector<3200x64xi32>
    %slice3A_20 = vector.extract_strided_slice %bitcast_convert_type3A {offsets = [0, 64], sizes = [3200, 64], strides = [1, 1]} : vector<3200x128xi32> to vector<3200x64xi32>
    %add3A_21 = arith.constant 32767 : i32
    %add3A_22 = vector.broadcast %add3A_21 : i32 to vector<3200x64xi32>
    %add3A_23 = arith.addi %slice3A, %add3A_22 : vector<3200x64xi32>
    %shift_right_arithmetic3A = arith.constant 16 : i32
    %shift_right_arithmetic3A_24 = vector.broadcast %shift_right_arithmetic3A : i32 to vector<3200x64xi32>
    %shift_right_arithmetic3A_25 = arith.shrsi %slice3A, %shift_right_arithmetic3A_24 : vector<3200x64xi32>
    %and3A = arith.constant 1 : i32
    %and3A_26 = vector.broadcast %and3A : i32 to vector<3200x64xi32>
    %and3A_27 = arith.andi %shift_right_arithmetic3A_25, %and3A_26 : vector<3200x64xi32>
    %add3A_28 = arith.addi %add3A_23, %and3A_27 : vector<3200x64xi32>
    %shift_right_arithmetic3A_29 = arith.constant 16 : i32
    %shift_right_arithmetic3A_30 = vector.broadcast %shift_right_arithmetic3A_29 : i32 to vector<3200x64xi32>
    %shift_right_arithmetic3A_31 = arith.shrsi %add3A_28, %shift_right_arithmetic3A_30 : vector<3200x64xi32>
    %and3A_32 = arith.constant 65535 : i32
    %and3A_33 = vector.broadcast %and3A_32 : i32 to vector<3200x64xi32>
    %and3A_34 = arith.andi %shift_right_arithmetic3A_31, %and3A_33 : vector<3200x64xi32>
    %add3A_35 = arith.constant 32767 : i32
    %add3A_36 = vector.broadcast %add3A_35 : i32 to vector<3200x64xi32>
    %add3A_37 = arith.addi %slice3A_20, %add3A_36 : vector<3200x64xi32>
    %shift_right_arithmetic3A_38 = arith.constant 16 : i32
    %shift_right_arithmetic3A_39 = vector.broadcast %shift_right_arithmetic3A_38 : i32 to vector<3200x64xi32>
    %shift_right_arithmetic3A_40 = arith.shrsi %slice3A_20, %shift_right_arithmetic3A_39 : vector<3200x64xi32>
    %and3A_41 = arith.constant 1 : i32
    %and3A_42 = vector.broadcast %and3A_41 : i32 to vector<3200x64xi32>
    %and3A_43 = arith.andi %shift_right_arithmetic3A_40, %and3A_42 : vector<3200x64xi32>
    %add3A_44 = arith.addi %add3A_37, %and3A_43 : vector<3200x64xi32>
    %and3A_45 = arith.constant -65536 : i32
    %and3A_46 = vector.broadcast %and3A_45 : i32 to vector<3200x64xi32>
    %and3A_47 = arith.andi %add3A_44, %and3A_46 : vector<3200x64xi32>
    %or3A = arith.ori %and3A_34, %and3A_47 : vector<3200x64xi32>
    %swap3A = arith.constant 0 : index
    %swap3A_48 = arith.constant 0 : index
    %swap3A_49 = vector.load %arg4[%swap3A, %swap3A_48] : memref<3200x64xi32, #tpu.memory_space<vmem>>, vector<3200x64xi32>
    tpu.vector_store %arg4[%swap3A, %swap3A_48], %or3A {strides = array<i32>} : memref<3200x64xi32, #tpu.memory_space<vmem>>, vector<3200x64xi32>,
    return
  }
  func.func @transform_0(%arg0: i32) -> (i32, i32) {
    %add3A = arith.constant 50 : i32
    %add3A_0 = arith.addi %arg0, %add3A : i32
    %c0_i32 = arith.constant 0 : i32
    %c0_i32_1 = arith.constant 0 : i32
    return %c0_i32, %add3A_0 : i32, i32
  }
  func.func @transform_1(%arg0: i32) -> (i32, i32) {
    %c0_i32 = arith.constant 0 : i32
    %c0_i32_0 = arith.constant 0 : i32
    %c0_i32_1 = arith.constant 0 : i32
    return %c0_i32, %c0_i32_0 : i32, i32
  }
  func.func @transform_2(%arg0: i32) -> (i32, i32) {
    %c0_i32 = arith.constant 0 : i32
    %c0_i32_0 = arith.constant 0 : i32
    %c0_i32_1 = arith.constant 0 : i32
    return %c0_i32, %c0_i32_0 : i32, i32
  }
  func.func @transform_3(%arg0: i32) -> (i32, i32) {
    %c0_i32 = arith.constant 0 : i32
    %c0_i32_0 = arith.constant 0 : i32
    return %arg0, %c0_i32 : i32, i32
  }
}

module attributes {stable_mosaic.version = 14 : i64} {
  func.func @_final_body(%arg0: i32, %arg1: memref<2x1000x128xf32, #tpu.memory_space<vmem>>, %arg2: memref<2x1000x128xf32, #tpu.memory_space<vmem>>, %arg3: memref<1000x128xf32, #tpu.memory_space<vmem>>, %arg4: memref<128x128xf32, #tpu.memory_space<vmem>>, %arg5: memref<1000x128xf32, #tpu.memory_space<vmem>>) attributes {dimension_semantics = [#tpu.dimension_semantics<arbitrary>], iteration_bounds = array<i64: 10>, scalar_prefetch = 0 : i64, scratch_operands = 0 : i64, tpu.core_type = #tpu.core_type<tc>, window_params = [{transform_indices = @transform_0, window_bounds = array<i64: 2, 1000, 128>}, {transform_indices = @transform_1, window_bounds = array<i64: 2, 1000, 128>}, {transform_indices = @transform_2, window_bounds = array<i64: 1000, 128>}, {pipeline_mode = #tpu.pipeline_mode<synchronous>, transform_indices = @transform_3, window_bounds = array<i64: 128, 128>}, {transform_indices = @transform_4, window_bounds = array<i64: 1000, 128>}]} {
    %get3A = arith.constant 0 : index
    %get3A_0 = arith.constant 0 : index
    %get3A_1 = arith.constant 0 : index
    %get3A_2 = vector.load %arg1[%get3A, %get3A_0, %get3A_1] : memref<2x1000x128xf32, #tpu.memory_space<vmem>>, vector<2x1000x128xf32>
    %get3A_3 = arith.constant 0 : index
    %get3A_4 = arith.constant 0 : index
    %get3A_5 = arith.constant 0 : index
    %get3A_6 = vector.load %arg2[%get3A_3, %get3A_4, %get3A_5] : memref<2x1000x128xf32, #tpu.memory_space<vmem>>, vector<2x1000x128xf32>
    %slice3A = vector.extract_strided_slice %get3A_2 {offsets = [0, 0, 0], sizes = [1, 1000, 128], strides = [1, 1, 1]} : vector<2x1000x128xf32> to vector<1x1000x128xf32>
    %squeeze3A = vector.shape_cast %slice3A : vector<1x1000x128xf32> to vector<1000x128xf32>
    %slice3A_7 = vector.extract_strided_slice %get3A_2 {offsets = [1, 0, 0], sizes = [1, 1000, 128], strides = [1, 1, 1]} : vector<2x1000x128xf32> to vector<1x1000x128xf32>
    %squeeze3A_8 = vector.shape_cast %slice3A_7 : vector<1x1000x128xf32> to vector<1000x128xf32>
    %add3A = arith.addf %squeeze3A, %squeeze3A_8 : vector<1000x128xf32>
    %slice3A_9 = vector.extract_strided_slice %get3A_6 {offsets = [0, 0, 0], sizes = [1, 1000, 128], strides = [1, 1, 1]} : vector<2x1000x128xf32> to vector<1x1000x128xf32>
    %squeeze3A_10 = vector.shape_cast %slice3A_9 : vector<1x1000x128xf32> to vector<1000x128xf32>
    %add3A_11 = arith.addf %add3A, %squeeze3A_10 : vector<1000x128xf32>
    %slice3A_12 = vector.extract_strided_slice %get3A_6 {offsets = [1, 0, 0], sizes = [1, 1000, 128], strides = [1, 1, 1]} : vector<2x1000x128xf32> to vector<1x1000x128xf32>
    %squeeze3A_13 = vector.shape_cast %slice3A_12 : vector<1x1000x128xf32> to vector<1000x128xf32>
    %add3A_14 = arith.addf %add3A_11, %squeeze3A_13 : vector<1000x128xf32>
    %mul3A = arith.constant 0.176776692 : f32
    %mul3A_15 = vector.broadcast %mul3A : f32 to vector<1000x128xf32>
    %mul3A_16 = arith.mulf %add3A_14, %mul3A_15 : vector<1000x128xf32>
    %get3A_17 = arith.constant 0 : index
    %get3A_18 = arith.constant 0 : index
    %get3A_19 = vector.load %arg4[%get3A_17, %get3A_18] : memref<128x128xf32, #tpu.memory_space<vmem>>, vector<128x128xf32>
    %dot_general3A = arith.constant dense<0.000000e+00> : vector<1000x128xf32>
    %dot_general3A_20 = tpu.matmul %mul3A_16, %get3A_19, %dot_general3A {dimension_numbers = #tpu.dot_dimension_numbers<[1], [0], [0], [1], [0, 0, 1, 1], [], []>, transpose_lhs_hint = false} : vector<1000x128xf32>, vector<128x128xf32>, vector<1000x128xf32> -> vector<1000x128xf32>
    %custom_jvp_call3A = arith.constant 0.000000e+00 : f32
    %max3A = vector.broadcast %custom_jvp_call3A : f32 to vector<1000x128xf32>
    %max3A_21 = arith.maximumf %dot_general3A_20, %max3A : vector<1000x128xf32>
    %sub3A = vector.broadcast %custom_jvp_call3A : f32 to vector<1000x128xf32>
    %sub3A_22 = arith.subf %dot_general3A_20, %sub3A : vector<1000x128xf32>
    %ne3A = arith.cmpf one, %sub3A_22, %sub3A_22 : vector<1000x128xf32>
    %add3A_23 = vector.broadcast %custom_jvp_call3A : f32 to vector<1000x128xf32>
    %add3A_24 = arith.addf %dot_general3A_20, %add3A_23 : vector<1000x128xf32>
    %abs3A = math.absf %sub3A_22 : vector<1000x128xf32>
    %neg3A = arith.constant 0.000000e+00 : f32
    %neg3A_25 = vector.broadcast %neg3A : f32 to vector<1000x128xf32>
    %neg3A_26 = arith.subf %neg3A_25, %abs3A : vector<1000x128xf32>
    %exp3A = math.exp %neg3A_26 : vector<1000x128xf32>
    %log1p3A = math.log1p %exp3A : vector<1000x128xf32>
    %add3A_27 = arith.addf %max3A_21, %log1p3A : vector<1000x128xf32>
    %select_n3A = arith.select %ne3A, %add3A_24, %add3A_27 : vector<1000x128xi1>, vector<1000x128xf32>
    %sub3A_28 = arith.constant 0.693147182 : f32
    %sub3A_29 = vector.broadcast %sub3A_28 : f32 to vector<1000x128xf32>
    %sub3A_30 = arith.subf %select_n3A, %sub3A_29 : vector<1000x128xf32>
    %get3A_31 = arith.constant 0 : index
    %get3A_32 = arith.constant 0 : index
    %get3A_33 = vector.load %arg3[%get3A_31, %get3A_32] : memref<1000x128xf32, #tpu.memory_space<vmem>>, vector<1000x128xf32>
    %add3A_34 = arith.addf %sub3A_30, %get3A_33 : vector<1000x128xf32>
    %swap3A = arith.constant 0 : index
    %swap3A_35 = arith.constant 0 : index
    %swap3A_36 = vector.load %arg5[%swap3A, %swap3A_35] : memref<1000x128xf32, #tpu.memory_space<vmem>>, vector<1000x128xf32>
    tpu.vector_store %arg5[%swap3A, %swap3A_35], %add3A_34 {strides = array<i32>} : memref<1000x128xf32, #tpu.memory_space<vmem>>, vector<1000x128xf32>,
    return
  }
  func.func @transform_0(%arg0: i32) -> (i32, i32, i32) {
    %c0_i32 = arith.constant 0 : i32
    %c0_i32_0 = arith.constant 0 : i32
    %c0_i32_1 = arith.constant 0 : i32
    return %c0_i32, %arg0, %c0_i32_0 : i32, i32, i32
  }
  func.func @transform_1(%arg0: i32) -> (i32, i32, i32) {
    %c0_i32 = arith.constant 0 : i32
    %c0_i32_0 = arith.constant 0 : i32
    %c0_i32_1 = arith.constant 0 : i32
    return %c0_i32, %arg0, %c0_i32_0 : i32, i32, i32
  }
  func.func @transform_2(%arg0: i32) -> (i32, i32) {
    %c0_i32 = arith.constant 0 : i32
    %c0_i32_0 = arith.constant 0 : i32
    return %arg0, %c0_i32 : i32, i32
  }
  func.func @transform_3(%arg0: i32) -> (i32, i32) {
    %c0_i32 = arith.constant 0 : i32
    %c0_i32_0 = arith.constant 0 : i32
    %c0_i32_1 = arith.constant 0 : i32
    return %c0_i32, %c0_i32_0 : i32, i32
  }
  func.func @transform_4(%arg0: i32) -> (i32, i32) {
    %c0_i32 = arith.constant 0 : i32
    %c0_i32_0 = arith.constant 0 : i32
    return %arg0, %c0_i32 : i32, i32
  }
}

</mosaic_0001>

<sc_bundles>
// kernel: kernel.11.cloned.1.call-start
scs
__scs_entry_jumppad:
0x0: {  	(pc) =	sbr.rel $0x88, $3  }
0x1: {  	(tag) =	ssettag $0x0;
	lr =	simm.s32 $0x1  }
0x2: {  	[smem:$0x3F9A] =	sst lr;
	_ =	strace $0xD0000000  }
0x3: {  	_ = 	snop  }
0x4: {  	_ = 	snop  }
0x5: {  	_ = 	snop  }
0x6: {  	_ = 	snop  }
0x7: {  	_ = 	snop  }
__scs_overlays_trampoline_lowered:
0x8: {  	[smem:$0x3FA9] =	sst s0  }
0x9: {  	[smem:$0x3FAA] =	sst s1  }
0xa: {  	[smem:$0x3FAB] =	sst s2  }
0xb: {  	[smem:$0x3FAC] =	sst s3  }
0xc: {  	[smem:$0x3FAD] =	sst s4  }
0xd: {  	[smem:$0x3FAE] =	sst s5  }
0xe: {  	[smem:$0x3FAF] =	sst s6  }
0xf: {  	[smem:$0x3FB0] =	sst s7  }
0x10: {  	[smem:$0x3FB1] =	sst s8  }
0x11: {  	[smem:$0x3FB2] =	sst s9;
	s0 =	simm.s32 @!p0 $0x0  }
0x12: {  	s1 =	sld [smem:$0x3F98];
	s0 =	simm.s32 @p0 $0x1  }
0x13: {  	[smem:$0x3FB3] =	sst s0;
	s0 =	simm.s32 @!p1 $0x0  }
0x14: {  	s2 =	sld [smem:$0x3F97];
	s0 =	simm.s32 @p1 $0x1  }
0x15: {  	[smem:$0x3FB4] =	sst s0;
	s0 =	simm.s32 @!p2 $0x0  }
0x16: {  	s3 =	sld [smem:$0x3FDB];
	s0 =	simm.s32 @p2 $0x1  }
0x17: {  	s4 =	simm.s32 $0x1BF5;
	[smem:$0x3FB6] =	sst s0  }
0x18: {  	s0 =	sld [smem:$0x3F99];
	_ =	swait.ge [sflag:s4], $0x0  }
0x19: {  	s7 =	sld [smem:$0x3F9A]  }
0x1a: {  	s8 =	sadd.s32 $0xFFFFE003, lr  }
0x1b: {  	s9 =	sadd.s32 $0xFFFFFEF7, lr;
	s5 =	simm.s32 $0xFFFFFFFF;
	p2 =	slt.u32 s8, $0xFFFFF086  }
0x1c: {  	p1 =	slt.u32 s9, $0xF7A;
	s5 =	simm.s32 @!p2 $0x0  }
0x1d: {  	s5 =	simm.s32 @p1 $0x1;
	p0 =	seq.s32 s7, s2  }
0x1e: {  	s7 =	smul.u32 @!p0 $0xF7A, s2;
	p2 =	seq.s32 @!p0 s5, $0x0  }
0x1f: {  	s9 =	smul.u32 $0xF7A, s1;
	s8 =	simm.s32 @!p0 $0x1BF5;
	p2 =	por !p2, p0  }
0x20: {  	[sflag:s8] =	ssyncset.s32 @!p0 $0xFFFFF086;
	s6 =	sadd.s32 @!p0 s3, s7;
	s7 =	simm.s32 @!p0 $0x108  }
0x21: {  	s3 =	sadd.s32 s3, s9;
	s6 =	sadd.s32 @!p0 $0x88, s6;
	s7 =	simm.s32 @p2 $0x1082  }
0x22: {  	[simem:s7], [sflag:s8] =	dma.local @!p0 [hbm:s6], $0xF7A  }
0x23: {  	s9 =	sor.u32 $0xD0000000, s2;
	s6 =	simm.s32 $0x108;
	_ =	swait.ge @!p0 [sflag:s8], $0x0  }
0x24: {  	s3 =	sadd.s32 $0x88, s3;
	s6 =	simm.s32 @!p1 $0x1082;
	[sflag:s4] =	ssyncset.s32 $0xFFFFF086  }
0x25: {  	[simem:s6], [sflag:s4] =	dma.local [hbm:s3], $0xF7A  }
0x26: {  	[smem:$0x3F9A] =	sst s1;
	(tag) =	ssettag s2;
	_ =	strace s9  }
0x27: {  	s1 =	sld [smem:$0x3FAA]  }
0x28: {  	s2 =	sld [smem:$0x3FAB]  }
0x29: {  	s4 =	sld [smem:$0x3FAD]  }
0x2a: {  	p0 =	seq.s32 s5, $0x0;
	s5 =	sld [smem:$0x3FAE]  }
0x2b: {  	s6 =	sld [smem:$0x3FAF]  }
0x2c: {  	s7 =	sld [smem:$0x3FB0]  }
0x2d: {  	s3 =	simm.s32 $0x108;
	s8 =	sld [smem:$0x3FB1]  }
0x2e: {  	s3 =	simm.s32 @!p0 $0x1082;
	s9 =	sld [smem:$0x3FB2]  }
0x2f: {  	lr =	sadd.s32 s0, s3;
	s0 =	sld [smem:$0x3FA9]  }
0x30: {  	s3 =	sld [smem:$0x3FAC]  }
0x31: {  	[smem:$0x3FB5] =	sst s10  }
0x32: {  	s10 =	sld [smem:$0x3FB3];
	_ =	sdelay $0x3  }
0x33: {  	p0 =	seq.s32 s10, $0x1;
	s10 =	sld [smem:$0x3FB5];
	_ =	sdelay $0x3  }
0x34: {  	[smem:$0x3FB5] =	sst s10  }
0x35: {  	s10 =	sld [smem:$0x3FB4];
	_ =	sdelay $0x3  }
0x36: {  	p1 =	seq.s32 s10, $0x1;
	s10 =	sld [smem:$0x3FB5];
	_ =	sdelay $0x3  }
0x37: {  	[smem:$0x3FB5] =	sst s10  }
0x38: {  	s10 =	sld [smem:$0x3FB6]  }
0x39: {  	_ = 	snop;
	(pc) =	sbr.ind lr, $3  }
0x3a: {  	_ = 	snop  }
0x3b: {  	_ = 	snop  }
0x3c: {  	p2 =	seq.s32 s10, $0x1;
	s10 =	sld [smem:$0x3FB5]  }
0x3d: {  	_ =	shalt  }
0x3e: {  	_ =	shalt  }
0x3f: {  	_ =	shalt  }
0x40: {  	_ =	shalt  }
0x41: {  	_ =	shalt  }
0x42: {  	_ =	shalt  }
0x43: {  	_ =	shalt  }
0x44: {  	_ =	shalt  }
0x45: {  	_ =	shalt  }
0x46: {  	_ =	shalt  }
0x47: {  	_ =	shalt  }
0x48: {  	_ =	shalt  }
0x49: {  	_ =	shalt  }
0x4a: {  	_ =	shalt  }
0x4b: {  	_ =	shalt  }
0x4c: {  	_ =	shalt  }
0x4d: {  	_ =	shalt  }
0x4e: {  	_ =	shalt  }
0x4f: {  	_ =	shalt  }
0x50: {  	_ =	shalt  }
0x51: {  	_ =	shalt  }
0x52: {  	_ =	shalt  }
0x53: {  	_ =	shalt  }
0x54: {  	_ =	shalt  }
0x55: {  	_ =	shalt  }
0x56: {  	_ =	shalt  }
0x57: {  	_ =	shalt  }
0x58: {  	_ =	shalt  }
0x59: {  	_ =	shalt  }
0x5a: {  	_ =	shalt  }
0x5b: {  	_ =	shalt  }
0x5c: {  	_ =	shalt  }
0x5d: {  	_ =	shalt  }
0x5e: {  	_ =	shalt  }
0x5f: {  	_ =	shalt  }
0x60: {  	_ =	shalt  }
0x61: {  	_ =	shalt  }
0x62: {  	_ =	shalt  }
0x63: {  	_ =	shalt  }
0x64: {  	_ =	shalt  }
0x65: {  	_ =	shalt  }
0x66: {  	_ =	shalt  }
0x67: {  	_ =	shalt  }
0x68: {  	_ =	shalt  }
0x69: {  	_ =	shalt  }
0x6a: {  	_ =	shalt  }
0x6b: {  	_ =	shalt  }
0x6c: {  	_ =	shalt  }
0x6d: {  	_ =	shalt  }
0x6e: {  	_ =	shalt  }
0x6f: {  	_ =	shalt  }
0x70: {  	_ =	shalt  }
0x71: {  	_ =	shalt  }
0x72: {  	_ =	shalt  }
0x73: {  	_ =	shalt  }
0x74: {  	_ =	shalt  }
0x75: {  	_ =	shalt  }
0x76: {  	_ =	shalt  }
0x77: {  	_ =	shalt  }
0x78: {  	_ =	shalt  }
0x79: {  	_ =	shalt  }
0x7a: {  	_ =	shalt  }
0x7b: {  	_ =	shalt  }
0x7c: {  	_ =	shalt  }
0x7d: {  	_ =	shalt  }
0x7e: {  	_ =	shalt  }
0x7f: {  	_ =	shalt  }
0x80: {  	_ =	shalt  }
0x81: {  	_ =	shalt  }
0x82: {  	_ =	shalt  }
0x83: {  	_ =	shalt  }
0x84: {  	_ =	shalt  }
0x85: {  	_ =	shalt  }
0x86: {  	_ =	shalt  }
0x87: {  	_ =	shalt  }
.Lfunc_end0:
.L_simem_size_0:
called_computation.1_lowered:
.L_overlay_start_0:
0x88: {  	s2 =	sld [smem:$0x3FD9]  }
0x89: {  	s3 =	sld [smem:$0x3FFE];
	_ =	sdelay $0x1  }
0x8a: {  	s1 =	srdreg.scid  }
0x8b: {  	s0 =	sand.u32 $0x1, s1  }
0x8c: {  	s17 =	sshll.u32 s0, $0xA;
	s2 =	sadd.s32 s3, s2  }
0x8d: {  	s2 =	sadd.s32 s2, s17  }
0x8e: {  	[smem:$0x3FC1] =	sst s2  }
0x8f: {  	_ = 	snop  }
0x90: {  	s2 =	sld [smem:$0x3FD0];
	(tm) =	ssettm $0x1  }
0x91: {  	s18 =	sld [smem:$0x3FFB];
	_ =	sdelay $0x3  }
0x92: {  	_ =	strace s18  }
0x93: {  	s3 =	sld [smem:$0x3FFC];
	_ =	sdelay $0x3  }
0x94: {  	_ =	strace s3  }
0x95: {  	s3 =	sld [smem:$0x3FFD];
	_ =	sdelay $0x3  }
0x96: {  	_ =	strace s3  }
0x97: {  	_ =	strace $0x8FFFFFFF  }
0x98: {  	s19 =	sld [smem:$0x3FDB];
	_ =	sdelay $0x1  }
0x99: {  	s4 =	simm.s32 $_scs_section_size  }
0x9a: {  	s5 =	simm.s32 $_size__tile_overlayer_lowered;
	s6 =	simm.s32 $_tile_overlayer_lowered  }
0x9b: {  	s22 =	simm.s32 $0x1BFF;
	s21 =	sshll.u32 s6, $0x1;
	s3 =	sadd.s32 s4, s19  }
0x9c: {  	s7 =	simm.s32 $0x0;
	s20 =	sshll.u32 s5, $0x1;
	s5 =	sadd.s32 s21, s3  }
0x9d: {  	[timem:s7], [sflag:s22] =	dma.local [hbm:s5], s20  }
0x9e: {  	_ =	swait.ge [sflag:s22], s20  }
0x9f: {  	s4 =	ssub.s32 $0x0, s20;
	[sflag:s22] =	ssyncset.done $0x0  }
0xa0: {  	[sflag:s22] =	ssyncadd.s32 s4;
	_ =	sdelay $0x1  }
0xa1: {  	s23 =	simm.s32 $0x1B8B  }
0xa2: {  	_ =	swait.ge [sflag:s23], $0x1  }
0xa3: {  	[sflag:s23] =	ssyncset.done $0x0  }
0xa4: {  	s25 =	simm.s32 $0x1B8E;
	s24 =	sld [smem:$0x3FFE];
	[sflag:s23] =	ssyncadd.s32 $0xFFFFFFFF  }
0xa5: {  	s26 =	simm.s32 $execute0_lowered;
	[smem:$0x3FD2] =	sst s25  }
0xa6: {  	s5 =	sshll.u32 s26, $0x1;
	_ =	strace $0x80000049;
	[dreg:$0x1] =	wrdreg $0xFFFFFFFF  }
0xa7: {  	s28 =	simm.s32 $_size_execute0_lowered;
	s3 =	sadd.s32 s3, s5;
	[dreg:$0x0] =	wrdreg $0x0  }
0xa8: {  	s5 =	sshll.u32 s28, $0x1;
	[dreg:$0x2] =	wrdreg s3  }
0xa9: {  	[dreg:$0x3] =	wrdreg s5  }
0xaa: {  	[dreg:$0x4] =	wrdreg $0xC0  }
0xab: {  	_ =	task [dreg:s7], $0x5FFFF  }
0xac: {  	[dreg:$0x1] =	wrdreg $0xFFFFFFFF  }
0xad: {  	[dreg:$0x0] =	wrdreg $0x60  }
0xae: {  	[dreg:$0x2] =	wrdreg s2  }
0xaf: {  	[dreg:$0x3] =	wrdreg s24  }
0xb0: {  	[dreg:$0x4] =	wrdreg $0xC4800  }
0xb1: {  	[dreg:$0x5] =	wrdreg $0x9  }
0xb2: {  	_ =	task.clear_ibuf [dreg:s7], $0x6FFFF;
	_ =	strace $0x90000049  }
0xb3: {  	s29 =	simm.s32 $0x9;
	_ =	strace $0x8000004B  }
0xb4: {  	_ =	swait.ge [sflag:s29], $0x1  }
0xb5: {  	[sflag:s29] =	ssyncadd.s32 $0xFFFFFFFF  }
0xb6: {  	_ =	strace $0x9000004B  }
0xb7: {  	_ =	sfence  }
0xb8: {  	s30 =	sld [smem:$0x0];
	_ =	sdelay $0x2  }
0xb9: {  	s31 =	sshll.u32 s1, $0xD;
	s1 =	sshrl.u32 s1, $0x2  }
0xba: {  	s3 =	sand.u32 $0x4000, s31;
	s1 =	sadd.s32 s1, s30  }
0xbb: {  	s0 =	sor.u32 s3, s0;
	s1 =	sshll.u32 s1, $0x11  }
0xbc: {  	s0 =	sor.u32 s1, s0  }
0xbd: {  	s0 =	sadd.s32 $0x8F2B, s0  }
0xbe: {  	[sflag:s0] =	ssyncadd.remote.s32 $0x1  }
0xbf: {  	_ =	sfence.sel $0xFFFF  }
0xc0: {  	[dreg:$0x0] =	wrdreg $0xFFFFFFFF;
	(pc) =	sbr.abs _section_cstart, $3  }
0xc1: {  	[dreg:$0x1] =	wrdreg $0xFFFFFFFF  }
0xc2: {  	_ =	task.clear_ibuf [dreg:s7], $0x2FFFF;
	_ =	strace $0x9FFFFFFF  }
0xc3: {  	(tm) =	ssettm $0x7FFFFFFF  }
tec
execute0_lowered:
.L_overlay_start_1:
0x0: {  	(tag) =	ssettag $0x1  }
0x1: {  	s1 =	rddreg [dreg:$0x0]  }
0x2: {  	s0 =	rddreg [dreg:$0x1]  }
0x3: {  	s2 =	rddreg [dreg:$0x2]  }
0x4: {  	s3 =	simm.s32 $0x0;
	s4 =	srdreg.scid;
	s16 =	stileid.u32  }
0x5: {  	s28 =	simm.s32 $0x4480;
	s29 =	simm.s32 $0x380;
	s30 =	simm.s32 $0x7  }
0x6: {  	s31 =	simm.s32 $0x6;
	[smem:$0x7FF] =	sst s3;
	s5 =	sadd.s32 $0xB400, s0  }
0x7: {  	s4 =	sand.u32 $0x1, s4;
	s8 =	sshll.u32 s16, $0x1;
	s9 =	smul.u32 $0x4E000, s16  }
0x8: {  	s6 =	sadd.s32 $0x1600, s0;
	s7 =	sadd.s32 $0x2D4400, s0;
	s0 =	sadd.s32 $0x15200, s0  }
0x9: {  	p0 =	sne.s32 s16, $0xF;
	p1 =	sgt.u32 s16, $0x1;
	_ =	strace $0x8000004A  }
0xa: {  	s11 =	sor.u32 s4, s8;
	s10 =	ssub.s32 $0x2, s4;
	s4 =	smul.u32 $0x138800, s4  }
0xb: {  	s8 =	smul.u32 $0x1380, s11;
	s9 =	sshrl.u32 s9, $0x2;
	s12 =	sshrl.u32 s10, $0x1  }
0xc: {  	s18 =	smul.u32 $0x13800, s11;
	s23 =	sshll.u32 s11, $0x3;
	s17 =	sadd.s32 s9, s2  }
0xd: {  	s11 =	sshll.u32 s11, $0xA;
	s13 =	sadd.s32 $0x2000, s17;
	[dreg:$0x4] =	wrdreg s17  }
0xe: {  	s9 =	ssub.s32 s10, s12;
	s14 =	sadd.s32 $0x4000, s17;
	[dreg:$0x5] =	wrdreg s13  }
0xf: {  	s25 =	sadd.s32 $0x9C20, s23;
	s15 =	sadd.s32 $0x6000, s17;
	[dreg:$0x6] =	wrdreg s14  }
0x10: {  	s10 =	sadd.s32 $0x27100, s8;
	s23 =	sadd.s32 $0xE000, s17;
	[dreg:$0x7] =	wrdreg s15  }
0x11: {  	s20 =	sshrl.u32 s8, $0x3;
	s18 =	sadd.s32 s7, s18;
	[dreg:$0x16] =	wrdreg s23  }
0x12: {  	s13 =	sadd.s32 $0x8000, s17;
	s19 =	sshrl.u32 s10, $0x3;
	[dreg:$0xb] =	wrdreg s18  }
0x13: {  	s21 =	sadd.s32 $0x4E28, s20;
	s20 =	smax.u32 s9, $0x1;
	[dreg:$0x8] =	wrdreg s13  }
0x14: {  	s15 =	smul.u32 $0x13800, s16;
	s14 =	sadd.s32 s5, s19;
	[dreg:$0x13] =	wrdreg s20  }
0x15: {  	s23 =	simm.s32 $0xA;
	s13 =	sadd.s32 s6, s19;
	[dreg:$0x9] =	wrdreg s14  }
0x16: {  	s22 =	sadd.s32 s5, s21;
	s12 =	sadd.s32 s6, s21;
	[dreg:$0xa] =	wrdreg s13  }
0x17: {  	s19 =	sadd.s32 s6, s25;
	s21 =	sadd.s32 $0xA000, s17;
	[dreg:$0xc] =	wrdreg s22  }
0x18: {  	s20 =	simm.s32 $0x2480;
	s24 =	sadd.s32 s15, s4;
	[dreg:$0xd] =	wrdreg s12  }
0x19: {  	s4 =	sshrl.u32 s4, $0x3;
	s14 =	sadd.s32 s5, s25;
	[dreg:$0x10] =	wrdreg s19  }
0x1a: {  	s15 =	sadd.s32 s11, s7;
	[dreg:$0x14] =	wrdreg s21;
	s22 =	sadd.s32 $0xC000, s17  }
0x1b: {  	s25 =	sadd.s32 $0x12000, s17;
	s11 =	sadd.s32 $0x138000, s2;
	s12 =	simm.s32 $0x80  }
0x1c: {  	s19 =	simm.s32 $0x2;
	s21 =	simm.s32 $0x400;
	[dreg:$0xf] =	wrdreg s14  }
0x1d: {  	s26 =	sshrl.u32 s24, $0x3;
	[dreg:$0x15] =	wrdreg s22;
	s24 =	sadd.s32 $0x10000, s17  }
0x1e: {  	[dreg:$0x18] =	wrdreg s25;
	s22 =	simm.s32 $0x480;
	s14 =	simm.s32 $0x40  }
0x1f: {  	s25 =	simm.s32 $0x300;
	s17 =	simm.s32 $0x5;
	[dreg:$0x19] =	wrdreg s11  }
.Ltmp0:
0x20: {  	s13 =	sadd.s32 s0, s26;
	[dreg:$0x17] =	wrdreg s24;
	(pc) =	sbr.rel .LBB2_1-.Ltmp0, $4  }
0x21: {  	s0 =	sadd.s32 s0, s4;
	s4 =	sadd.s32 $0x270000, s15;
	[dreg:$0xe] =	wrdreg s13  }
0x22: {  	s26 =	sadd.s32 $0x400, s18;
	s15 =	simm.s32 $0x100;
	[dreg:$0x11] =	wrdreg s4  }
0x23: {  	s24 =	simm.s32 $0x4;
	s0 =	sadd.s32 $0x27000, s0;
	[dreg:$0x1a] =	wrdreg s26  }
0x24: {  	v0 =	vimm.f32 $0.0e+00;
	s26 =	simm.s32 $0x3;
	s13 =	simm.s32 $0x0;
	[dreg:$0x12] =	wrdreg s0  }
.LBB2_15:
0x25: {  	s0 =	simm.s32 $0x8  }
0x26: {  	_ =	swait.ge [sflag:s0], $0x2000  }
0x27: {  	[sflag:s0] =	ssyncset.done $0x0  }
0x28: {  	s9 =	simm.s32 $0x9;
	[sflag:s0] =	ssyncadd.s32 $0xFFFFE000  }
0x29: {  	_ =	swait.ge [sflag:s9], $0x2000  }
0x2a: {  	[sflag:s9] =	ssyncset.done $0x0  }
0x2b: {  	[sflag:s9] =	ssyncadd.s32 $0xFFFFE000  }
0x2c: {  	s16 =	stileid.u32;
	[bflag:$0x0] =	sbarrier.arrive $0xFFFF  }
0x2d: {  	s0 =	sshll.u32 s16, $0x6;
	s4 =	rddreg [dreg:$0x4]  }
0x2e: {  	s0 =	sor.u32 $0x1C0A, s0;
	s9 =	rddreg [dreg:$0xe];
	s4 =	sshrl.u32 s4, $0x3  }
0x2f: {  	[hbm:s9], [sflag:s0] =	dma.local [spmem:s4], $0x2700  }
0x30: {  	_ =	swait.ge [sflag:s23], $0x2700  }
0x31: {  	[sflag:s23] =	ssyncset.done $0x0  }
0x32: {  	s4 =	sshrl.u32 @!p0 s11, $0x3;
	s9 =	rddreg [dreg:$0x12];
	[sflag:s23] =	ssyncadd.s32 $0xFFFFD900  }
0x33: {  	[hbm:s9], [sflag:s0] =	dma.local @!p0 [spmem:s4], $0x100  }
0x34: {  	s0 =	simm.s32 @!p0 $0xA  }
0x35: {  	_ =	swait.ge @!p0 [sflag:s0], $0x100  }
0x36: {  	s13 =	sadd.s32 $0x1, s13;
	s18 =	rddreg [dreg:$0x13]  }
0x37: {  	p2 =	sne.s32 s13, s18  }
.Ltmp1:
0x38: {  	_ = 	snop;
	(pc) =	sbr.rel @!p2 .LBB2_16-.Ltmp1, $3  }
0x39: {  	_ =	sdelay $0x1  }
0x3a: {  	[sflag:s0] =	ssyncset.done @!p0 $0x0  }
0x3b: {  	[sflag:s0] =	ssyncadd.s32 @!p0 $0xFFFFFF00  }
.LBB2_1:
0x3c: {  	[dreg:$0x1b] =	wrdreg s13;
	s0 =	simm.s32 $0x0;
	s4 =	simm.s32 $0x200  }
.LBB2_2:
0x3d: {  	p2 =	sne.s32 s4, $0x7E00;
	[tilespmem:s0+$0x4F0] =	vst v0  }
0x3e: {  	[tilespmem:s0+$0x480] =	vst v0  }
0x3f: {  	[tilespmem:s0+$0x490] =	vst v0  }
.Ltmp2:
0x40: {  	[tilespmem:s0+$0x4A0] =	vst v0;
	(pc) =	sbr.rel @p2 .LBB2_2-.Ltmp2, $4  }
0x41: {  	[tilespmem:s0+$0x4B0] =	vst v0  }
0x42: {  	[tilespmem:s0+$0x4C0] =	vst v0  }
0x43: {  	[tilespmem:s0+$0x4D0] =	vst v0  }
0x44: {  	[tilespmem:s0+$0x4E0] =	vst v0;
	s0 =	sshra.s32 s4, $0x2;
	s4 =	sadd.s32 $0x200, s4  }
0x45: {  	[tilespmem:s0+$0x4F0] =	vst v0  }
0x46: {  	[tilespmem:s0+$0x480] =	vst v0  }
0x47: {  	[tilespmem:s0+$0x490] =	vst v0  }
0x48: {  	[tilespmem:s0+$0x4A0] =	vst v0  }
0x49: {  	[tilespmem:s0+$0x4B0] =	vst v0  }
0x4a: {  	[tilespmem:s0+$0x4C0] =	vst v0  }
0x4b: {  	[tilespmem:s0+$0x4D0] =	vst v0  }
0x4c: {  	[tilespmem:s0+$0x4E0] =	vst v0;
	s4 =	rddreg [dreg:$0x4]  }
0x4d: {  	[spmem:s4] =	stream.linear.scatter [tilespmem:s22], [sflag:$0xA], $0x2000, $0x38;
	[tilespmem:$0x1FD00] =	vst v63  }
0x4e: {  	_ =	swait.ge [sflag:s23], $0x2000  }
0x4f: {  	[sflag:s23] =	ssyncset.done $0x0  }
0x50: {  	s9 =	rddreg [dreg:$0x5];
	[sflag:s23] =	ssyncadd.s32 $0xFFFFE000  }
0x51: {  	[spmem:s9] =	stream.linear.scatter [tilespmem:s22], [sflag:$0xA], $0x2000, $0x38;
	[tilespmem:$0x1FD00] =	vst v63  }
0x52: {  	_ =	swait.ge [sflag:s23], $0x2000  }
0x53: {  	[sflag:s23] =	ssyncset.done $0x0  }
0x54: {  	s13 =	rddreg [dreg:$0x6];
	[sflag:s23] =	ssyncadd.s32 $0xFFFFE000  }
0x55: {  	[spmem:s13] =	stream.linear.scatter [tilespmem:s22], [sflag:$0xA], $0x2000, $0x38;
	[tilespmem:$0x1FD00] =	vst v63  }
0x56: {  	_ =	swait.ge [sflag:s23], $0x2000  }
0x57: {  	[sflag:s23] =	ssyncset.done $0x0  }
0x58: {  	s16 =	rddreg [dreg:$0x7];
	[sflag:s23] =	ssyncadd.s32 $0xFFFFE000  }
0x59: {  	[spmem:s16] =	stream.linear.scatter [tilespmem:s22], [sflag:$0xA], $0x2000, $0x38;
	[tilespmem:$0x1FD00] =	vst v63  }
0x5a: {  	_ =	swait.ge [sflag:s23], $0x2000  }
0x5b: {  	[sflag:s23] =	ssyncset.done $0x0  }
0x5c: {  	s18 =	rddreg [dreg:$0x8];
	[sflag:s23] =	ssyncadd.s32 $0xFFFFE000  }
0x5d: {  	[spmem:s18] =	stream.linear.scatter [tilespmem:s22], [sflag:$0xA], $0x2000, $0x38;
	[tilespmem:$0x1FD00] =	vst v63  }
0x5e: {  	_ =	swait.ge [sflag:s23], $0x2000  }
0x5f: {  	[sflag:s23] =	ssyncset.done $0x0  }
0x60: {  	s4 =	rddreg [dreg:$0x14];
	[sflag:s23] =	ssyncadd.s32 $0xFFFFE000  }
0x61: {  	[spmem:s4] =	stream.linear.scatter [tilespmem:s22], [sflag:$0xA], $0x2000, $0x38;
	[tilespmem:$0x1FD00] =	vst v63  }
0x62: {  	_ =	swait.ge [sflag:s23], $0x2000  }
0x63: {  	[sflag:s23] =	ssyncset.done $0x0  }
0x64: {  	s9 =	rddreg [dreg:$0x15];
	[sflag:s23] =	ssyncadd.s32 $0xFFFFE000  }
0x65: {  	[spmem:s9] =	stream.linear.scatter [tilespmem:s22], [sflag:$0xA], $0x2000, $0x38;
	[tilespmem:$0x1FD00] =	vst v63  }
0x66: {  	_ =	swait.ge [sflag:s23], $0x2000  }
0x67: {  	[sflag:s23] =	ssyncset.done $0x0  }
0x68: {  	s13 =	rddreg [dreg:$0x16];
	[sflag:s23] =	ssyncadd.s32 $0xFFFFE000  }
0x69: {  	[spmem:s13] =	stream.linear.scatter [tilespmem:s22], [sflag:$0xA], $0x2000, $0x38;
	[tilespmem:$0x1FD00] =	vst v63  }
0x6a: {  	_ =	swait.ge [sflag:s23], $0x2000  }
0x6b: {  	[sflag:s23] =	ssyncset.done $0x0  }
0x6c: {  	s16 =	rddreg [dreg:$0x17];
	[sflag:s23] =	ssyncadd.s32 $0xFFFFE000  }
0x6d: {  	[spmem:s16] =	stream.linear.scatter [tilespmem:s22], [sflag:$0xA], $0x2000, $0x38;
	[tilespmem:$0x1FD00] =	vst v63  }
0x6e: {  	_ =	swait.ge [sflag:s23], $0x2000  }
0x6f: {  	[sflag:s23] =	ssyncset.done $0x0  }
0x70: {  	s18 =	rddreg [dreg:$0x18];
	[sflag:s23] =	ssyncadd.s32 $0xFFFFE000  }
0x71: {  	[spmem:s18] =	stream.linear.scatter [tilespmem:s22], [sflag:$0xA], $0x1800, $0x38;
	[tilespmem:$0x1FD00] =	vst v63  }
0x72: {  	_ =	swait.ge [sflag:s23], $0x1800  }
0x73: {  	[sflag:s23] =	ssyncset.done $0x0  }
0x74: {  	s0 =	simm.s32 @!p0 $0x480;
	[sflag:s23] =	ssyncadd.s32 $0xFFFFE800  }
0x75: {  	[spmem:s11] =	stream.linear.scatter @!p0 [tilespmem:s0], [sflag:$0xA], $0x800, $0x38;
	[tilespmem:$0x1FD00] =	vst v63  }
0x76: {  	s0 =	simm.s32 @!p0 $0xA  }
0x77: {  	_ =	swait.ge @!p0 [sflag:s0], $0x800  }
0x78: {  	[sflag:s0] =	ssyncset.done @!p0 $0x0  }
0x79: {  	[sflag:s0] =	ssyncadd.s32 @!p0 $0xFFFFF800  }
0x7a: {  	[bflag:$0x0] =	sbarrier.arrive $0xFFFF  }
0x7b: {  	s9 =	simm.s32 $0x0;
	s4 =	rddreg [dreg:$0x9]  }
0x7c: {  	[tilespmem:s9], [sflag:$0x1] =	stream.linear.gather [hbm4b:s4+s9], $0x40, $0x38;
	[tilespmem:$0x1FD00] =	vst v63  }
0x7d: {  	s11 =	rddreg [dreg:$0xa];
	s4 =	simm.s32 $0x180  }
0x7e: {  	[tilespmem:s4], [sflag:$0x1] =	stream.linear.gather [hbm4b:s11+s9], $0x40, $0x38;
	[tilespmem:$0x1FD00] =	vst v63  }
0x7f: {  	s16 =	simm.s32 $0x6480;
	s13 =	rddreg [dreg:$0xb]  }
0x80: {  	[tilespmem:s16], [sflag:$0x1] =	stream.linear.gather [hbm4b:s13+s9], $0x2000, $0x38;
	[tilespmem:$0x1FD00] =	vst v63  }
0x81: {  	s18 =	rddreg [dreg:$0xc]  }
0x82: {  	[tilespmem:s12], [sflag:$0x2] =	stream.linear.gather [hbm4b:s18+s9], $0x40, $0x38;
	[tilespmem:$0x1FD00] =	vst v63  }
0x83: {  	s4 =	rddreg [dreg:$0xd];
	s11 =	simm.s32 $0x200  }
0x84: {  	[tilespmem:s11], [sflag:$0x2] =	stream.linear.gather [hbm4b:s4+s9], $0x40, $0x38;
	[tilespmem:$0x1FD00] =	vst v63  }
0x85: {  	s13 =	rddreg [dreg:$0x1a];
	s16 =	simm.s32 $0x8480;
	s18 =	simm.s32 $0x1  }
0x86: {  	[tilespmem:s16], [sflag:$0x2] =	stream.linear.gather [hbm4b:s13+s9], $0x2000, $0x38;
	[tilespmem:$0x1FD00] =	vst v63  }
0x87: {  	_ =	swait.ge [sflag:s18], $0x40  }
0x88: {  	[sflag:s18] =	ssyncset.done $0x0  }
0x89: {  	[sflag:s18] =	ssyncadd.s32 $0xFFFFFFC0  }
0x8a: {  	_ =	swait.ge [sflag:s18], $0x40  }
0x8b: {  	[sflag:s18] =	ssyncset.done $0x0  }
0x8c: {  	[sflag:s18] =	ssyncadd.s32 $0xFFFFFFC0  }
0x8d: {  	_ =	swait.ge [sflag:s18], $0x2000  }
0x8e: {  	[sflag:s18] =	ssyncset.done $0x0  }
0x8f: {  	s13 =	simm.s32 $0x0;
	[sflag:s18] =	ssyncadd.s32 $0xFFFFE000  }
0x90: {  	[tilespmem:s22], [sflag:$0x4] =	stream.indirect.gather [hbm4b:s1+s14], $0x80, s9, s14, $0xb8;
	[tilespmem:$0x1FD00] =	vst v63  }
.LBB2_4:
0x91: {  	s0 =	smul.u32 $0xC0, s13  }
0x92: {  	p2 =	seq.s32 s13, $0x0  }
0x93: {  	s4 =	simm.s32 @!p2 $0x8;
	s11 =	sadd.s32 $0x80, s0  }
0x94: {  	_ =	swait.ge @!p2 [sflag:s4], $0x2000;
	s16 =	sadd.s32 s10, s11  }
0x95: {  	[sflag:s4] =	ssyncset.done @!p2 $0x0;
	s16 =	sshrl.u32 s16, $0x3  }
0x96: {  	[sflag:s4] =	ssyncadd.s32 @!p2 $0xFFFFE000;
	s18 =	sadd.s32 s5, s16  }
0x97: {  	[tilespmem:s15], [sflag:$0x3] =	stream.linear.gather [hbm4b:s18+s9], $0x40, $0x38;
	[tilespmem:$0x1FD00] =	vst v63  }
0x98: {  	s16 =	sadd.s32 s6, s16;
	s18 =	simm.s32 $0x280  }
0x99: {  	[tilespmem:s18], [sflag:$0x3] =	stream.linear.gather [hbm4b:s16+s9], $0x40, $0x38;
	[tilespmem:$0x1FD00] =	vst v63  }
0x9a: {  	s16 =	sadd.s32 s8, s11  }
0x9b: {  	s4 =	sshll.u32 s16, $0x4  }
0x9c: {  	s18 =	simm.s32 $0xA480;
	s4 =	sadd.s32 s7, s4  }
0x9d: {  	[tilespmem:s18], [sflag:$0x3] =	stream.linear.gather [hbm4b:s4+s9], $0x2000, $0x38;
	[tilespmem:$0x1FD00] =	vst v63  }
0x9e: {  	_ =	swait.ge [sflag:s19], $0x40  }
0x9f: {  	[sflag:s19] =	ssyncset.done $0x0  }
0xa0: {  	[sflag:s19] =	ssyncadd.s32 $0xFFFFFFC0  }
0xa1: {  	_ =	swait.ge [sflag:s19], $0x40  }
0xa2: {  	[sflag:s19] =	ssyncset.done $0x0  }
0xa3: {  	[sflag:s19] =	ssyncadd.s32 $0xFFFFFFC0  }
0xa4: {  	_ =	swait.ge [sflag:s19], $0x2000  }
0xa5: {  	[sflag:s19] =	ssyncset.done $0x0  }
0xa6: {  	[sflag:s19] =	ssyncadd.s32 $0xFFFFE000  }
0xa7: {  	[tilespmem:s20], [sflag:$0x5] =	stream.indirect.gather [hbm4b:s1+s14], $0x80, s12, s14, $0xb8;
	[tilespmem:$0x1FD00] =	vst v63  }
0xa8: {  	_ =	swait.ge [sflag:s24], $0x2000  }
0xa9: {  	[sflag:s24] =	ssyncset.done $0x0  }
0xaa: {  	s4 =	simm.s32 $0x0;
	[sflag:s24] =	ssyncadd.s32 $0xFFFFE000  }
0xab: {  	v5 =	vld [tilespmem:s4+$0x6480]  }
0xac: {  	v3 =	vld [tilespmem:s4+$0x6490]  }
0xad: {  	v2 =	vld [tilespmem:s4+$0x64A0]  }
0xae: {  	v1 =	vld [tilespmem:s4+$0x64B0]  }
0xaf: {  	v9 =	vld [tilespmem:s4+$0x480]  }
0xb0: {  	v8 =	vld [tilespmem:s4+$0x490]  }
0xb1: {  	v7 =	vld [tilespmem:s4+$0x4A0]  }
0xb2: {  	v6 =	vld [tilespmem:s4+$0x4B0]  }
0xb3: {  	v4 =	vld [tilespmem:s4+$0x4C0];
	v11 =	vshll.u32 v5, $0x10  }
0xb4: {  	s11 =	simm.s32 $0x200;
	v10 =	vand.u32 $0xFFFF0000, v5;
	v5 =	vld [tilespmem:s4+$0x4D0];
	v9 =	vmul.f32 v11, v9  }
.LBB2_5:
0xb5: {  	p3 =	sne.s32 s11, $0x7E00;
	v8 =	vmul.f32 v10, v8;
	v10 =	vshll.u32 v3, $0x10;
	v11 =	vld [tilespmem:s4+$0x4E0]  }
0xb6: {  	s16 =	sshra.s32 s11, $0x2;
	v3 =	vand.u32 $0xFFFF0000, v3;
	[tilespmem:s4+$0x480] =	vst v9;
	v7 =	vmul.f32 v10, v7;
	v9 =	vld [tilespmem:s4+$0x4F0]  }
0xb7: {  	v10 =	vld [tilespmem:s16+$0x6480];
	[tilespmem:s4+$0x490] =	vst v8;
	v6 =	vmul.f32 v3, v6;
	v8 =	vshll.u32 v2, $0x10  }
0xb8: {  	v3 =	vld [tilespmem:s16+$0x6490];
	[tilespmem:s4+$0x4A0] =	vst v7;
	v7 =	vand.u32 $0xFFFF0000, v2;
	v4 =	vmul.f32 v8, v4  }
0xb9: {  	v2 =	vld [tilespmem:s16+$0x64A0];
	[tilespmem:s4+$0x4B0] =	vst v6;
	v5 =	vmul.f32 v7, v5;
	v6 =	vshll.u32 v1, $0x10  }
0xba: {  	[tilespmem:s4+$0x4C0] =	vst v4;
	v4 =	vand.u32 $0xFFFF0000, v1;
	v1 =	vld [tilespmem:s16+$0x64B0];
	v6 =	vmul.f32 v6, v11  }
0xbb: {  	v11 =	vld [tilespmem:s16+$0x480];
	[tilespmem:s4+$0x4D0] =	vst v5;
	v4 =	vmul.f32 v4, v9  }
.Ltmp3:
0xbc: {  	v8 =	vld [tilespmem:s16+$0x490];
	[tilespmem:s4+$0x4E0] =	vst v6;
	(pc) =	sbr.rel @p3 .LBB2_5-.Ltmp3, $4  }
0xbd: {  	v7 =	vld [tilespmem:s16+$0x4A0];
	[tilespmem:s4+$0x4F0] =	vst v4;
	s4 =	smov.u32 s16  }
0xbe: {  	v6 =	vld [tilespmem:s4+$0x4B0]  }
0xbf: {  	v5 =	vshll.u32 v10, $0x10;
	v4 =	vld [tilespmem:s4+$0x4C0]  }
0xc0: {  	s11 =	sadd.s32 $0x200, s11;
	v10 =	vand.u32 $0xFFFF0000, v10;
	v9 =	vmul.f32 v5, v11;
	v5 =	vld [tilespmem:s4+$0x4D0]  }
0xc1: {  	v11 =	vld [tilespmem:s4+$0x4E0];
	v8 =	vmul.f32 v10, v8;
	v10 =	vshll.u32 v3, $0x10  }
0xc2: {  	v3 =	vand.u32 $0xFFFF0000, v3;
	[tilespmem:s4+$0x480] =	vst v9;
	v7 =	vmul.f32 v10, v7;
	v9 =	vld [tilespmem:s4+$0x4F0]  }
0xc3: {  	[tilespmem:s4+$0x490] =	vst v8;
	v3 =	vmul.f32 v3, v6;
	v6 =	vshll.u32 v2, $0x10  }
0xc4: {  	v2 =	vand.u32 $0xFFFF0000, v2;
	[tilespmem:s4+$0x4A0] =	vst v7;
	v4 =	vmul.f32 v6, v4  }
0xc5: {  	[tilespmem:s4+$0x4B0] =	vst v3;
	v2 =	vmul.f32 v2, v5;
	v3 =	vshll.u32 v1, $0x10  }
0xc6: {  	v1 =	vand.u32 $0xFFFF0000, v1;
	[tilespmem:s4+$0x4C0] =	vst v4;
	v3 =	vmul.f32 v3, v11  }
0xc7: {  	[tilespmem:s4+$0x4D0] =	vst v2;
	v1 =	vmul.f32 v1, v9  }
0xc8: {  	[tilespmem:s4+$0x4E0] =	vst v3  }
0xc9: {  	[tilespmem:s4+$0x4F0] =	vst v1  }
0xca: {  	v1 =	vld [tilespmem:$0x180]  }
0xcb: {  	v2 =	vld [tilespmem:$0x190]  }
0xcc: {  	v3 =	vld [tilespmem:$0x1A0]  }
0xcd: {  	v4 =	vld [tilespmem:$0x1B0];
	_ =	sdelay $0x1  }
0xce: {  	[tilespmem:$0x300] =	vst v1  }
0xcf: {  	[tilespmem:$0x310] =	vst v2  }
0xd0: {  	[tilespmem:$0x320] =	vst v3  }
0xd1: {  	s4 =	simm.s32 @!p2 $0x9;
	[tilespmem:$0x330] =	vst v4  }
0xd2: {  	[spmem:s2] =	stream.indirect.scatter.add.f32 [tilespmem:s22], [sflag:$0x7], $0x80, s25, s14, $0xb8;
	[tilespmem:$0x1FD00] =	vst v63  }
0xd3: {  	p3 =	seq.s32 @!p2 s13, $0x19;
	_ =	swait.ge @!p2 [sflag:s4], $0x2000  }
0xd4: {  	p3 =	por p2, !p3;
	[sflag:s4] =	ssyncset.done @!p2 $0x0  }
0xd5: {  	[sflag:s4] =	ssyncadd.s32 @!p2 $0xFFFFE000;
	s4 =	sadd.s32 @p3 $0xC0, s0  }
0xd6: {  	s11 =	sadd.s32 @p3 s10, s4  }
0xd7: {  	s11 =	sshrl.u32 @p3 s11, $0x3  }
0xd8: {  	s4 =	sadd.s32 @p3 s8, s4;
	s16 =	sadd.s32 @p3 s5, s11  }
0xd9: {  	[tilespmem:s3], [sflag:$0x1] =	stream.linear.gather @p3 [hbm4b:s16+s3], $0x40, $0x38;
	[tilespmem:$0x1FD00] =	vst v63  }
0xda: {  	s4 =	sshll.u32 @p3 s4, $0x4;
	s11 =	sadd.s32 @p3 s6, s11;
	s16 =	simm.s32 @p3 $0x180  }
0xdb: {  	[tilespmem:s16], [sflag:$0x1] =	stream.linear.gather @p3 [hbm4b:s11+s3], $0x40, $0x38;
	[tilespmem:$0x1FD00] =	vst v63  }
0xdc: {  	s4 =	sadd.s32 @p3 s7, s4;
	s11 =	simm.s32 @p3 $0x6480  }
0xdd: {  	[tilespmem:s11], [sflag:$0x1] =	stream.linear.gather @p3 [hbm4b:s4+s3], $0x2000, $0x38;
	[tilespmem:$0x1FD00] =	vst v63  }
0xde: {  	_ =	swait.ge [sflag:s26], $0x40  }
0xdf: {  	[sflag:s26] =	ssyncset.done $0x0  }
0xe0: {  	[sflag:s26] =	ssyncadd.s32 $0xFFFFFFC0  }
0xe1: {  	_ =	swait.ge [sflag:s26], $0x40  }
0xe2: {  	[sflag:s26] =	ssyncset.done $0x0  }
0xe3: {  	[sflag:s26] =	ssyncadd.s32 $0xFFFFFFC0  }
0xe4: {  	_ =	swait.ge [sflag:s26], $0x2000  }
0xe5: {  	[sflag:s26] =	ssyncset.done $0x0  }
0xe6: {  	[sflag:s26] =	ssyncadd.s32 $0xFFFFE000  }
0xe7: {  	[tilespmem:s28], [sflag:$0x6] =	stream.indirect.gather [hbm4b:s1+s14], $0x80, s15, s14, $0xb8;
	[tilespmem:$0x1FD00] =	vst v63  }
0xe8: {  	_ =	swait.ge [sflag:s17], $0x2000  }
0xe9: {  	[sflag:s17] =	ssyncset.done $0x0  }
0xea: {  	s4 =	simm.s32 $0x0;
	[sflag:s17] =	ssyncadd.s32 $0xFFFFE000  }
0xeb: {  	v5 =	vld [tilespmem:s4+$0x8480]  }
0xec: {  	v3 =	vld [tilespmem:s4+$0x8490]  }
0xed: {  	v2 =	vld [tilespmem:s4+$0x84A0]  }
0xee: {  	v1 =	vld [tilespmem:s4+$0x84B0]  }
0xef: {  	v9 =	vld [tilespmem:s4+$0x2480]  }
0xf0: {  	v8 =	vld [tilespmem:s4+$0x2490]  }
0xf1: {  	v7 =	vld [tilespmem:s4+$0x24A0]  }
0xf2: {  	v6 =	vld [tilespmem:s4+$0x24B0]  }
0xf3: {  	p2 =	por @!p2 $0x1, $0x1;
	v4 =	vld [tilespmem:s4+$0x24C0];
	v11 =	vshll.u32 v5, $0x10  }
0xf4: {  	p2 =	por @p3 $0x0, $0x0;
	s11 =	simm.s32 $0x200;
	v10 =	vand.u32 $0xFFFF0000, v5;
	v5 =	vld [tilespmem:s4+$0x24D0];
	v9 =	vmul.f32 v11, v9  }
.LBB2_7:
0xf5: {  	p3 =	sne.s32 s11, $0x7E00;
	v8 =	vmul.f32 v10, v8;
	v10 =	vshll.u32 v3, $0x10;
	v11 =	vld [tilespmem:s4+$0x24E0]  }
0xf6: {  	s16 =	sshra.s32 s11, $0x2;
	v3 =	vand.u32 $0xFFFF0000, v3;
	[tilespmem:s4+$0x2480] =	vst v9;
	v7 =	vmul.f32 v10, v7;
	v9 =	vld [tilespmem:s4+$0x24F0]  }
0xf7: {  	v10 =	vld [tilespmem:s16+$0x8480];
	[tilespmem:s4+$0x2490] =	vst v8;
	v6 =	vmul.f32 v3, v6;
	v8 =	vshll.u32 v2, $0x10  }
0xf8: {  	v3 =	vld [tilespmem:s16+$0x8490];
	[tilespmem:s4+$0x24A0] =	vst v7;
	v7 =	vand.u32 $0xFFFF0000, v2;
	v4 =	vmul.f32 v8, v4  }
0xf9: {  	v2 =	vld [tilespmem:s16+$0x84A0];
	[tilespmem:s4+$0x24B0] =	vst v6;
	v5 =	vmul.f32 v7, v5;
	v6 =	vshll.u32 v1, $0x10  }
0xfa: {  	[tilespmem:s4+$0x24C0] =	vst v4;
	v4 =	vand.u32 $0xFFFF0000, v1;
	v1 =	vld [tilespmem:s16+$0x84B0];
	v6 =	vmul.f32 v6, v11  }
0xfb: {  	v11 =	vld [tilespmem:s16+$0x2480];
	[tilespmem:s4+$0x24D0] =	vst v5;
	v4 =	vmul.f32 v4, v9  }
.Ltmp4:
0xfc: {  	v8 =	vld [tilespmem:s16+$0x2490];
	[tilespmem:s4+$0x24E0] =	vst v6;
	(pc) =	sbr.rel @p3 .LBB2_7-.Ltmp4, $4  }
0xfd: {  	v7 =	vld [tilespmem:s16+$0x24A0];
	[tilespmem:s4+$0x24F0] =	vst v4;
	s4 =	smov.u32 s16  }
0xfe: {  	v6 =	vld [tilespmem:s4+$0x24B0]  }
0xff: {  	v5 =	vshll.u32 v10, $0x10;
	v4 =	vld [tilespmem:s4+$0x24C0]  }
0x100: {  	s11 =	sadd.s32 $0x200, s11;
	v10 =	vand.u32 $0xFFFF0000, v10;
	v9 =	vmul.f32 v5, v11;
	v5 =	vld [tilespmem:s4+$0x24D0]  }
0x101: {  	v11 =	vld [tilespmem:s4+$0x24E0];
	v8 =	vmul.f32 v10, v8;
	v10 =	vshll.u32 v3, $0x10  }
0x102: {  	v3 =	vand.u32 $0xFFFF0000, v3;
	[tilespmem:s4+$0x2480] =	vst v9;
	v7 =	vmul.f32 v10, v7;
	v9 =	vld [tilespmem:s4+$0x24F0]  }
0x103: {  	[tilespmem:s4+$0x2490] =	vst v8;
	v3 =	vmul.f32 v3, v6;
	v6 =	vshll.u32 v2, $0x10  }
0x104: {  	v2 =	vand.u32 $0xFFFF0000, v2;
	[tilespmem:s4+$0x24A0] =	vst v7;
	v4 =	vmul.f32 v6, v4  }
0x105: {  	[tilespmem:s4+$0x24B0] =	vst v3;
	v2 =	vmul.f32 v2, v5;
	v3 =	vshll.u32 v1, $0x10  }
0x106: {  	v1 =	vand.u32 $0xFFFF0000, v1;
	[tilespmem:s4+$0x24C0] =	vst v4;
	v3 =	vmul.f32 v3, v11  }
0x107: {  	[tilespmem:s4+$0x24D0] =	vst v2;
	v1 =	vmul.f32 v1, v9  }
0x108: {  	[tilespmem:s4+$0x24E0] =	vst v3  }
0x109: {  	[tilespmem:s4+$0x24F0] =	vst v1  }
0x10a: {  	v1 =	vld [tilespmem:$0x200]  }
0x10b: {  	v2 =	vld [tilespmem:$0x210]  }
0x10c: {  	v3 =	vld [tilespmem:$0x220]  }
0x10d: {  	v4 =	vld [tilespmem:$0x230];
	_ =	sdelay $0x1  }
0x10e: {  	[tilespmem:$0x380] =	vst v1  }
0x10f: {  	[tilespmem:$0x390] =	vst v2  }
0x110: {  	[tilespmem:$0x3A0] =	vst v3  }
0x111: {  	s0 =	sadd.s32 @!p2 $0x100, s0;
	[tilespmem:$0x3B0] =	vst v4  }
0x112: {  	[spmem:s2] =	stream.indirect.scatter.add.f32 [tilespmem:s20], [sflag:$0x8], $0x80, s29, s14, $0xb8;
	[tilespmem:$0x1FD00] =	vst v63  }
0x113: {  	s16 =	simm.s32 @!p2 $0x0;
	s4 =	sadd.s32 @!p2 s10, s0;
	_ =	swait.ge [sflag:s30], $0x2000  }
0x114: {  	s18 =	simm.s32 @!p2 $0x80;
	s4 =	sshrl.u32 @!p2 s4, $0x3;
	[sflag:s30] =	ssyncset.done $0x0  }
0x115: {  	s0 =	sadd.s32 @!p2 s8, s0;
	s11 =	sadd.s32 @!p2 s5, s4;
	[sflag:s30] =	ssyncadd.s32 $0xFFFFE000  }
0x116: {  	[tilespmem:s18], [sflag:$0x2] =	stream.linear.gather @!p2 [hbm4b:s11+s16], $0x40, $0x38;
	[tilespmem:$0x1FD00] =	vst v63  }
0x117: {  	s0 =	sshll.u32 @!p2 s0, $0x4;
	s4 =	sadd.s32 @!p2 s6, s4;
	s11 =	simm.s32 @!p2 $0x200  }
0x118: {  	[tilespmem:s11], [sflag:$0x2] =	stream.linear.gather @!p2 [hbm4b:s4+s16], $0x40, $0x38;
	[tilespmem:$0x1FD00] =	vst v63  }
0x119: {  	s0 =	sadd.s32 @!p2 s7, s0;
	s4 =	simm.s32 @!p2 $0x8480  }
0x11a: {  	[tilespmem:s4], [sflag:$0x2] =	stream.linear.gather @!p2 [hbm4b:s0+s16], $0x2000, $0x38;
	[tilespmem:$0x1FD00] =	vst v63  }
0x11b: {  	s0 =	simm.s32 @!p2 $0x1  }
0x11c: {  	_ =	swait.ge @!p2 [sflag:s0], $0x40  }
0x11d: {  	[sflag:s0] =	ssyncset.done @!p2 $0x0  }
0x11e: {  	[sflag:s0] =	ssyncadd.s32 @!p2 $0xFFFFFFC0  }
0x11f: {  	_ =	swait.ge @!p2 [sflag:s0], $0x40  }
0x120: {  	[sflag:s0] =	ssyncset.done @!p2 $0x0  }
0x121: {  	[sflag:s0] =	ssyncadd.s32 @!p2 $0xFFFFFFC0  }
0x122: {  	_ =	swait.ge @!p2 [sflag:s0], $0x2000  }
0x123: {  	[sflag:s0] =	ssyncset.done @!p2 $0x0  }
0x124: {  	s4 =	simm.s32 @!p2 $0x480;
	[sflag:s0] =	ssyncadd.s32 @!p2 $0xFFFFE000;
	s0 =	simm.s32 @!p2 $0x40  }
0x125: {  	[tilespmem:s4], [sflag:$0x4] =	stream.indirect.gather @!p2 [hbm4b:s1+s0], $0x80, s16, s0, $0xb8;
	[tilespmem:$0x1FD00] =	vst v63  }
0x126: {  	_ =	swait.ge [sflag:s31], $0x2000  }
0x127: {  	[sflag:s31] =	ssyncset.done $0x0  }
0x128: {  	s0 =	simm.s32 $0x0;
	[sflag:s31] =	ssyncadd.s32 $0xFFFFE000  }
0x129: {  	v5 =	vld [tilespmem:s0+$0xA480]  }
0x12a: {  	v3 =	vld [tilespmem:s0+$0xA490]  }
0x12b: {  	v2 =	vld [tilespmem:s0+$0xA4A0]  }
0x12c: {  	v1 =	vld [tilespmem:s0+$0xA4B0]  }
0x12d: {  	v9 =	vld [tilespmem:s0+$0x4480]  }
0x12e: {  	v8 =	vld [tilespmem:s0+$0x4490]  }
0x12f: {  	v7 =	vld [tilespmem:s0+$0x44A0]  }
0x130: {  	v6 =	vld [tilespmem:s0+$0x44B0]  }
0x131: {  	v4 =	vld [tilespmem:s0+$0x44C0];
	v11 =	vshll.u32 v5, $0x10  }
0x132: {  	s4 =	simm.s32 $0x200;
	v10 =	vand.u32 $0xFFFF0000, v5;
	v5 =	vld [tilespmem:s0+$0x44D0];
	v9 =	vmul.f32 v11, v9  }
.LBB2_9:
0x133: {  	p2 =	sne.s32 s4, $0x7E00;
	v8 =	vmul.f32 v10, v8;
	v10 =	vshll.u32 v3, $0x10;
	v11 =	vld [tilespmem:s0+$0x44E0]  }
0x134: {  	s11 =	sshra.s32 s4, $0x2;
	v3 =	vand.u32 $0xFFFF0000, v3;
	[tilespmem:s0+$0x4480] =	vst v9;
	v7 =	vmul.f32 v10, v7;
	v9 =	vld [tilespmem:s0+$0x44F0]  }
0x135: {  	v10 =	vld [tilespmem:s11+$0xA480];
	[tilespmem:s0+$0x4490] =	vst v8;
	v6 =	vmul.f32 v3, v6;
	v8 =	vshll.u32 v2, $0x10  }
0x136: {  	v3 =	vld [tilespmem:s11+$0xA490];
	[tilespmem:s0+$0x44A0] =	vst v7;
	v7 =	vand.u32 $0xFFFF0000, v2;
	v4 =	vmul.f32 v8, v4  }
0x137: {  	v2 =	vld [tilespmem:s11+$0xA4A0];
	[tilespmem:s0+$0x44B0] =	vst v6;
	v5 =	vmul.f32 v7, v5;
	v6 =	vshll.u32 v1, $0x10  }
0x138: {  	[tilespmem:s0+$0x44C0] =	vst v4;
	v4 =	vand.u32 $0xFFFF0000, v1;
	v1 =	vld [tilespmem:s11+$0xA4B0];
	v6 =	vmul.f32 v6, v11  }
0x139: {  	v11 =	vld [tilespmem:s11+$0x4480];
	[tilespmem:s0+$0x44D0] =	vst v5;
	v4 =	vmul.f32 v4, v9  }
.Ltmp5:
0x13a: {  	v8 =	vld [tilespmem:s11+$0x4490];
	[tilespmem:s0+$0x44E0] =	vst v6;
	(pc) =	sbr.rel @p2 .LBB2_9-.Ltmp5, $4  }
0x13b: {  	v7 =	vld [tilespmem:s11+$0x44A0];
	[tilespmem:s0+$0x44F0] =	vst v4;
	s0 =	smov.u32 s11  }
0x13c: {  	v6 =	vld [tilespmem:s0+$0x44B0]  }
0x13d: {  	v5 =	vshll.u32 v10, $0x10;
	v4 =	vld [tilespmem:s0+$0x44C0]  }
0x13e: {  	s4 =	sadd.s32 $0x200, s4;
	v10 =	vand.u32 $0xFFFF0000, v10;
	v9 =	vmul.f32 v5, v11;
	v5 =	vld [tilespmem:s0+$0x44D0]  }
0x13f: {  	v11 =	vld [tilespmem:s0+$0x44E0];
	v8 =	vmul.f32 v10, v8;
	v61 =	vshll.u32 v3, $0x10  }
0x140: {  	v3 =	vand.u32 $0xFFFF0000, v3;
	v62 =	vld [tilespmem:s0+$0x44F0];
	[tilespmem:s0+$0x4480] =	vst v9;
	v7 =	vmul.f32 v61, v7  }
0x141: {  	v63 =	vshll.u32 v2, $0x10;
	[tilespmem:s0+$0x4490] =	vst v8;
	v3 =	vmul.f32 v3, v6  }
0x142: {  	v2 =	vand.u32 $0xFFFF0000, v2;
	[tilespmem:s0+$0x44A0] =	vst v7;
	v4 =	vmul.f32 v63, v4  }
0x143: {  	[tilespmem:s0+$0x44B0] =	vst v3;
	v2 =	vmul.f32 v2, v5;
	v3 =	vshll.u32 v1, $0x10  }
0x144: {  	v1 =	vand.u32 $0xFFFF0000, v1;
	[tilespmem:s0+$0x44C0] =	vst v4;
	v3 =	vmul.f32 v3, v11  }
0x145: {  	v1 =	vmul.f32 v1, v62;
	[tilespmem:s0+$0x44D0] =	vst v2  }
0x146: {  	[tilespmem:s0+$0x44E0] =	vst v3  }
0x147: {  	[tilespmem:s0+$0x44F0] =	vst v1  }
0x148: {  	v1 =	vld [tilespmem:$0x280]  }
0x149: {  	v2 =	vld [tilespmem:$0x290]  }
0x14a: {  	v3 =	vld [tilespmem:$0x2A0]  }
0x14b: {  	s13 =	sadd.s32 $0x1, s13;
	v4 =	vld [tilespmem:$0x2B0]  }
0x14c: {  	p2 =	sne.s32 s13, $0x1A  }
.Ltmp6:
0x14d: {  	[tilespmem:$0x400] =	vst v1;
	(pc) =	sbr.rel @p2 .LBB2_4-.Ltmp6, $4  }
0x14e: {  	[tilespmem:$0x410] =	vst v2  }
0x14f: {  	[tilespmem:$0x420] =	vst v3  }
0x150: {  	[tilespmem:$0x430] =	vst v4  }
0x151: {  	[spmem:s2] =	stream.indirect.scatter.add.f32 [tilespmem:s28], [sflag:$0x9], $0x80, s21, s14, $0xb8;
	[tilespmem:$0x1FD00] =	vst v63  }
.Ltmp7:
0x152: {  	(pc) =	sbr.rel @p1 .LBB2_15-.Ltmp7, $3  }
0x153: {  	_ =	sdelay $0x1  }
0x154: {  	s11 =	rddreg [dreg:$0x19]  }
0x155: {  	s13 =	rddreg [dreg:$0x1b]  }
0x156: {  	s0 =	simm.s32 $0x0;
	s4 =	rddreg [dreg:$0xf]  }
0x157: {  	[tilespmem:s0], [sflag:$0x1] =	stream.linear.gather [hbm4b:s4+s0], $0x40, $0x38;
	[tilespmem:$0x1FD00] =	vst v63  }
0x158: {  	s18 =	rddreg [dreg:$0x10];
	s9 =	simm.s32 $0x180  }
0x159: {  	[tilespmem:s9], [sflag:$0x1] =	stream.linear.gather [hbm4b:s18+s0], $0x40, $0x38;
	[tilespmem:$0x1FD00] =	vst v63  }
0x15a: {  	s13 =	rddreg [dreg:$0x11];
	s16 =	simm.s32 $0x6480;
	s18 =	simm.s32 $0x1  }
0x15b: {  	[tilespmem:s16], [sflag:$0x1] =	stream.linear.gather [hbm4b:s13+s0], $0x2000, $0x38;
	[tilespmem:$0x1FD00] =	vst v63  }
0x15c: {  	_ =	swait.ge [sflag:s18], $0x40  }
0x15d: {  	[sflag:s18] =	ssyncset.done $0x0  }
0x15e: {  	[sflag:s18] =	ssyncadd.s32 $0xFFFFFFC0  }
0x15f: {  	_ =	swait.ge [sflag:s18], $0x40  }
0x160: {  	[sflag:s18] =	ssyncset.done $0x0  }
0x161: {  	[sflag:s18] =	ssyncadd.s32 $0xFFFFFFC0  }
0x162: {  	_ =	swait.ge [sflag:s18], $0x2000  }
0x163: {  	[sflag:s18] =	ssyncset.done $0x0  }
0x164: {  	[sflag:s18] =	ssyncadd.s32 $0xFFFFE000  }
0x165: {  	[tilespmem:s22], [sflag:$0x4] =	stream.indirect.gather [hbm4b:s1+s14], $0x80, s0, s14, $0xb8;
	[tilespmem:$0x1FD00] =	vst v63  }
0x166: {  	_ =	swait.ge [sflag:s24], $0x2000  }
0x167: {  	[sflag:s24] =	ssyncset.done $0x0  }
0x168: {  	s0 =	simm.s32 $0x0;
	[sflag:s24] =	ssyncadd.s32 $0xFFFFE000  }
0x169: {  	v5 =	vld [tilespmem:s0+$0x6480]  }
0x16a: {  	v3 =	vld [tilespmem:s0+$0x6490]  }
0x16b: {  	v2 =	vld [tilespmem:s0+$0x64A0]  }
0x16c: {  	v1 =	vld [tilespmem:s0+$0x64B0]  }
0x16d: {  	v9 =	vld [tilespmem:s0+$0x480]  }
0x16e: {  	v8 =	vld [tilespmem:s0+$0x490]  }
0x16f: {  	v7 =	vld [tilespmem:s0+$0x4A0]  }
0x170: {  	v6 =	vld [tilespmem:s0+$0x4B0]  }
0x171: {  	v4 =	vld [tilespmem:s0+$0x4C0];
	v11 =	vshll.u32 v5, $0x10  }
0x172: {  	s4 =	simm.s32 $0x200;
	v10 =	vand.u32 $0xFFFF0000, v5;
	v5 =	vld [tilespmem:s0+$0x4D0];
	v9 =	vmul.f32 v11, v9  }
.LBB2_13:
0x173: {  	p2 =	sne.s32 s4, $0x7E00;
	v8 =	vmul.f32 v10, v8;
	v10 =	vshll.u32 v3, $0x10;
	v11 =	vld [tilespmem:s0+$0x4E0]  }
0x174: {  	s9 =	sshra.s32 s4, $0x2;
	v3 =	vand.u32 $0xFFFF0000, v3;
	[tilespmem:s0+$0x480] =	vst v9;
	v7 =	vmul.f32 v10, v7;
	v9 =	vld [tilespmem:s0+$0x4F0]  }
0x175: {  	v10 =	vld [tilespmem:s9+$0x6480];
	[tilespmem:s0+$0x490] =	vst v8;
	v6 =	vmul.f32 v3, v6;
	v8 =	vshll.u32 v2, $0x10  }
0x176: {  	v3 =	vld [tilespmem:s9+$0x6490];
	[tilespmem:s0+$0x4A0] =	vst v7;
	v7 =	vand.u32 $0xFFFF0000, v2;
	v4 =	vmul.f32 v8, v4  }
0x177: {  	v2 =	vld [tilespmem:s9+$0x64A0];
	[tilespmem:s0+$0x4B0] =	vst v6;
	v5 =	vmul.f32 v7, v5;
	v6 =	vshll.u32 v1, $0x10  }
0x178: {  	[tilespmem:s0+$0x4C0] =	vst v4;
	v4 =	vand.u32 $0xFFFF0000, v1;
	v1 =	vld [tilespmem:s9+$0x64B0];
	v6 =	vmul.f32 v6, v11  }
0x179: {  	v11 =	vld [tilespmem:s9+$0x480];
	[tilespmem:s0+$0x4D0] =	vst v5;
	v4 =	vmul.f32 v4, v9  }
.Ltmp8:
0x17a: {  	v8 =	vld [tilespmem:s9+$0x490];
	[tilespmem:s0+$0x4E0] =	vst v6;
	(pc) =	sbr.rel @p2 .LBB2_13-.Ltmp8, $4  }
0x17b: {  	v7 =	vld [tilespmem:s9+$0x4A0];
	[tilespmem:s0+$0x4F0] =	vst v4;
	s0 =	smov.u32 s9  }
0x17c: {  	v6 =	vld [tilespmem:s0+$0x4B0]  }
0x17d: {  	v5 =	vshll.u32 v10, $0x10;
	v4 =	vld [tilespmem:s0+$0x4C0]  }
0x17e: {  	s4 =	sadd.s32 $0x200, s4;
	v10 =	vand.u32 $0xFFFF0000, v10;
	v9 =	vmul.f32 v5, v11;
	v5 =	vld [tilespmem:s0+$0x4D0]  }
0x17f: {  	v11 =	vld [tilespmem:s0+$0x4E0];
	v8 =	vmul.f32 v10, v8;
	v61 =	vshll.u32 v3, $0x10  }
0x180: {  	v3 =	vand.u32 $0xFFFF0000, v3;
	v62 =	vld [tilespmem:s0+$0x4F0];
	[tilespmem:s0+$0x480] =	vst v9;
	v7 =	vmul.f32 v61, v7  }
0x181: {  	v63 =	vshll.u32 v2, $0x10;
	[tilespmem:s0+$0x490] =	vst v8;
	v3 =	vmul.f32 v3, v6  }
0x182: {  	v2 =	vand.u32 $0xFFFF0000, v2;
	[tilespmem:s0+$0x4A0] =	vst v7;
	v4 =	vmul.f32 v63, v4  }
0x183: {  	[tilespmem:s0+$0x4B0] =	vst v3;
	v2 =	vmul.f32 v2, v5;
	v3 =	vshll.u32 v1, $0x10  }
0x184: {  	v1 =	vand.u32 $0xFFFF0000, v1;
	[tilespmem:s0+$0x4C0] =	vst v4;
	v3 =	vmul.f32 v3, v11  }
0x185: {  	v1 =	vmul.f32 v1, v62;
	[tilespmem:s0+$0x4D0] =	vst v2  }
0x186: {  	[tilespmem:s0+$0x4E0] =	vst v3  }
0x187: {  	[tilespmem:s0+$0x4F0] =	vst v1  }
0x188: {  	v1 =	vld [tilespmem:$0x180]  }
0x189: {  	v2 =	vld [tilespmem:$0x190]  }
0x18a: {  	v3 =	vld [tilespmem:$0x1A0]  }
0x18b: {  	v4 =	vld [tilespmem:$0x1B0];
	_ =	sdelay $0x1  }
0x18c: {  	[tilespmem:$0x300] =	vst v1  }
0x18d: {  	[tilespmem:$0x310] =	vst v2  }
0x18e: {  	[tilespmem:$0x320] =	vst v3  }
.Ltmp9:
0x18f: {  	[tilespmem:$0x330] =	vst v4;
	(pc) =	sbr.rel .LBB2_15-.Ltmp9, $4  }
0x190: {  	[spmem:s2] =	stream.indirect.scatter.add.f32 [tilespmem:s22], [sflag:$0x7], $0x80, s25, s14, $0xb8;
	[tilespmem:$0x1FD00] =	vst v63  }
0x191: {  	_ =	swait.ge [sflag:s30], $0x2000  }
0x192: {  	[sflag:s30] =	ssyncset.done $0x0  }
0x193: {  	s13 =	rddreg [dreg:$0x1b];
	[sflag:s30] =	ssyncadd.s32 $0xFFFFE000  }
.LBB2_16:
0x194: {  	_ =	sfence.sel $0x180000  }
0x195: {  	[bflag:$0x0] =	sbarrier.arrive $0xFFFF  }
0x196: {  	_ =	strace $0x9000004A  }
0x197: {  	s0 =	stileid.u32;
	[bflag:$0x2] =	sbarrier.arrive $0xFFFF  }
0x198: {  	p0 =	sne.s32 s0, $0x0;
	s0 =	rddreg [dreg:$0x3]  }
0x199: {  	s0 =	sadd.s32 @!p0 $0x100000, s0  }
0x19a: {  	[sflag:s0] =	ssyncadd.tile.s32 @!p0 $0x1;
	_ =	shalt  }
.Lfunc_end2:
_tile_overlayer_lowered:
.L_overlay_start_2:
0x19b: {  	(tag) =	ssettag $0x2  }
0x19c: {  	s0 =	rddreg [dreg:$0x0];
	s2 =	stileid.u32  }
0x19d: {  	s1 =	rddreg [dreg:$0x1];
	p0 =	sne.s32 s2, $0x0  }
0x19e: {  	s3 =	rddreg [dreg:$0x2];
	[bflag:$0x3] =	sbarrier.arrive $0xFFFF;
	s2 =	simm.s32 @!p0 $0x1C0A  }
0x19f: {  	[timem:s3], [sflag:s2] =	dma.local @!p0 [hbm:s0], s1  }
0x1a0: {  	s0 =	simm.s32 @!p0 $0xA  }
0x1a1: {  	_ =	swait.ge @!p0 [sflag:s0], s1  }
0x1a2: {  	s1 =	ssub.s32 @!p0 $0x0, s1;
	[sflag:s0] =	ssyncset.done @!p0 $0x0  }
0x1a3: {  	[sflag:s0] =	ssyncadd.s32 @!p0 s1  }
0x1a4: {  	[bflag:$0x3] =	sbarrier.arrive $0xFFFF  }
0x1a5: {  	_ =	shalt  }

// kernel: kernel.8.cloned.1.call-start
scs
__scs_entry_jumppad:
0x0: {  	(pc) =	sbr.rel $0x88, $3  }
0x1: {  	(tag) =	ssettag $0x0;
	lr =	simm.s32 $0x1  }
0x2: {  	[smem:$0x3F9A] =	sst lr;
	_ =	strace $0xD0000000  }
0x3: {  	_ = 	snop  }
0x4: {  	_ = 	snop  }
0x5: {  	_ = 	snop  }
0x6: {  	_ = 	snop  }
0x7: {  	_ = 	snop  }
__scs_overlays_trampoline_lowered:
0x8: {  	[smem:$0x3FA9] =	sst s0  }
0x9: {  	[smem:$0x3FAA] =	sst s1  }
0xa: {  	[smem:$0x3FAB] =	sst s2  }
0xb: {  	[smem:$0x3FAC] =	sst s3  }
0xc: {  	[smem:$0x3FAD] =	sst s4  }
0xd: {  	[smem:$0x3FAE] =	sst s5  }
0xe: {  	[smem:$0x3FAF] =	sst s6  }
0xf: {  	[smem:$0x3FB0] =	sst s7  }
0x10: {  	[smem:$0x3FB1] =	sst s8  }
0x11: {  	[smem:$0x3FB2] =	sst s9;
	s0 =	simm.s32 @!p0 $0x0  }
0x12: {  	s1 =	sld [smem:$0x3F98];
	s0 =	simm.s32 @p0 $0x1  }
0x13: {  	[smem:$0x3FB3] =	sst s0;
	s0 =	simm.s32 @!p1 $0x0  }
0x14: {  	s2 =	sld [smem:$0x3F97];
	s0 =	simm.s32 @p1 $0x1  }
0x15: {  	[smem:$0x3FB4] =	sst s0;
	s0 =	simm.s32 @!p2 $0x0  }
0x16: {  	s3 =	sld [smem:$0x3FDB];
	s0 =	simm.s32 @p2 $0x1  }
0x17: {  	s4 =	simm.s32 $0x1BF5;
	[smem:$0x3FB6] =	sst s0  }
0x18: {  	s0 =	sld [smem:$0x3F99];
	_ =	swait.ge [sflag:s4], $0x0  }
0x19: {  	s7 =	sld [smem:$0x3F9A]  }
0x1a: {  	s8 =	sadd.s32 $0xFFFFE003, lr  }
0x1b: {  	s9 =	sadd.s32 $0xFFFFFEF7, lr;
	s5 =	simm.s32 $0xFFFFFFFF;
	p2 =	slt.u32 s8, $0xFFFFF086  }
0x1c: {  	p1 =	slt.u32 s9, $0xF7A;
	s5 =	simm.s32 @!p2 $0x0  }
0x1d: {  	s5 =	simm.s32 @p1 $0x1;
	p0 =	seq.s32 s7, s2  }
0x1e: {  	s7 =	smul.u32 @!p0 $0xF7A, s2;
	p2 =	seq.s32 @!p0 s5, $0x0  }
0x1f: {  	s9 =	smul.u32 $0xF7A, s1;
	s8 =	simm.s32 @!p0 $0x1BF5;
	p2 =	por !p2, p0  }
0x20: {  	[sflag:s8] =	ssyncset.s32 @!p0 $0xFFFFF086;
	s6 =	sadd.s32 @!p0 s3, s7;
	s7 =	simm.s32 @!p0 $0x108  }
0x21: {  	s3 =	sadd.s32 s3, s9;
	s6 =	sadd.s32 @!p0 $0x88, s6;
	s7 =	simm.s32 @p2 $0x1082  }
0x22: {  	[simem:s7], [sflag:s8] =	dma.local @!p0 [hbm:s6], $0xF7A  }
0x23: {  	s9 =	sor.u32 $0xD0000000, s2;
	s6 =	simm.s32 $0x108;
	_ =	swait.ge @!p0 [sflag:s8], $0x0  }
0x24: {  	s3 =	sadd.s32 $0x88, s3;
	s6 =	simm.s32 @!p1 $0x1082;
	[sflag:s4] =	ssyncset.s32 $0xFFFFF086  }
0x25: {  	[simem:s6], [sflag:s4] =	dma.local [hbm:s3], $0xF7A  }
0x26: {  	[smem:$0x3F9A] =	sst s1;
	(tag) =	ssettag s2;
	_ =	strace s9  }
0x27: {  	s1 =	sld [smem:$0x3FAA]  }
0x28: {  	s2 =	sld [smem:$0x3FAB]  }
0x29: {  	s4 =	sld [smem:$0x3FAD]  }
0x2a: {  	p0 =	seq.s32 s5, $0x0;
	s5 =	sld [smem:$0x3FAE]  }
0x2b: {  	s6 =	sld [smem:$0x3FAF]  }
0x2c: {  	s7 =	sld [smem:$0x3FB0]  }
0x2d: {  	s3 =	simm.s32 $0x108;
	s8 =	sld [smem:$0x3FB1]  }
0x2e: {  	s3 =	simm.s32 @!p0 $0x1082;
	s9 =	sld [smem:$0x3FB2]  }
0x2f: {  	lr =	sadd.s32 s0, s3;
	s0 =	sld [smem:$0x3FA9]  }
0x30: {  	s3 =	sld [smem:$0x3FAC]  }
0x31: {  	[smem:$0x3FB5] =	sst s10  }
0x32: {  	s10 =	sld [smem:$0x3FB3];
	_ =	sdelay $0x3  }
0x33: {  	p0 =	seq.s32 s10, $0x1;
	s10 =	sld [smem:$0x3FB5];
	_ =	sdelay $0x3  }
0x34: {  	[smem:$0x3FB5] =	sst s10  }
0x35: {  	s10 =	sld [smem:$0x3FB4];
	_ =	sdelay $0x3  }
0x36: {  	p1 =	seq.s32 s10, $0x1;
	s10 =	sld [smem:$0x3FB5];
	_ =	sdelay $0x3  }
0x37: {  	[smem:$0x3FB5] =	sst s10  }
0x38: {  	s10 =	sld [smem:$0x3FB6]  }
0x39: {  	_ = 	snop;
	(pc) =	sbr.ind lr, $3  }
0x3a: {  	_ = 	snop  }
0x3b: {  	_ = 	snop  }
0x3c: {  	p2 =	seq.s32 s10, $0x1;
	s10 =	sld [smem:$0x3FB5]  }
0x3d: {  	_ =	shalt  }
0x3e: {  	_ =	shalt  }
0x3f: {  	_ =	shalt  }
0x40: {  	_ =	shalt  }
0x41: {  	_ =	shalt  }
0x42: {  	_ =	shalt  }
0x43: {  	_ =	shalt  }
0x44: {  	_ =	shalt  }
0x45: {  	_ =	shalt  }
0x46: {  	_ =	shalt  }
0x47: {  	_ =	shalt  }
0x48: {  	_ =	shalt  }
0x49: {  	_ =	shalt  }
0x4a: {  	_ =	shalt  }
0x4b: {  	_ =	shalt  }
0x4c: {  	_ =	shalt  }
0x4d: {  	_ =	shalt  }
0x4e: {  	_ =	shalt  }
0x4f: {  	_ =	shalt  }
0x50: {  	_ =	shalt  }
0x51: {  	_ =	shalt  }
0x52: {  	_ =	shalt  }
0x53: {  	_ =	shalt  }
0x54: {  	_ =	shalt  }
0x55: {  	_ =	shalt  }
0x56: {  	_ =	shalt  }
0x57: {  	_ =	shalt  }
0x58: {  	_ =	shalt  }
0x59: {  	_ =	shalt  }
0x5a: {  	_ =	shalt  }
0x5b: {  	_ =	shalt  }
0x5c: {  	_ =	shalt  }
0x5d: {  	_ =	shalt  }
0x5e: {  	_ =	shalt  }
0x5f: {  	_ =	shalt  }
0x60: {  	_ =	shalt  }
0x61: {  	_ =	shalt  }
0x62: {  	_ =	shalt  }
0x63: {  	_ =	shalt  }
0x64: {  	_ =	shalt  }
0x65: {  	_ =	shalt  }
0x66: {  	_ =	shalt  }
0x67: {  	_ =	shalt  }
0x68: {  	_ =	shalt  }
0x69: {  	_ =	shalt  }
0x6a: {  	_ =	shalt  }
0x6b: {  	_ =	shalt  }
0x6c: {  	_ =	shalt  }
0x6d: {  	_ =	shalt  }
0x6e: {  	_ =	shalt  }
0x6f: {  	_ =	shalt  }
0x70: {  	_ =	shalt  }
0x71: {  	_ =	shalt  }
0x72: {  	_ =	shalt  }
0x73: {  	_ =	shalt  }
0x74: {  	_ =	shalt  }
0x75: {  	_ =	shalt  }
0x76: {  	_ =	shalt  }
0x77: {  	_ =	shalt  }
0x78: {  	_ =	shalt  }
0x79: {  	_ =	shalt  }
0x7a: {  	_ =	shalt  }
0x7b: {  	_ =	shalt  }
0x7c: {  	_ =	shalt  }
0x7d: {  	_ =	shalt  }
0x7e: {  	_ =	shalt  }
0x7f: {  	_ =	shalt  }
0x80: {  	_ =	shalt  }
0x81: {  	_ =	shalt  }
0x82: {  	_ =	shalt  }
0x83: {  	_ =	shalt  }
0x84: {  	_ =	shalt  }
0x85: {  	_ =	shalt  }
0x86: {  	_ =	shalt  }
0x87: {  	_ =	shalt  }
.Lfunc_end0:
.L_simem_size_0:
called_computation_lowered:
.L_overlay_start_0:
0x88: {  	s2 =	sld [smem:$0x3FD9]  }
0x89: {  	s3 =	sld [smem:$0x3FFE];
	_ =	sdelay $0x1  }
0x8a: {  	s1 =	srdreg.scid  }
0x8b: {  	s0 =	sand.u32 $0x1, s1  }
0x8c: {  	s17 =	sshll.u32 s0, $0xA;
	s2 =	sadd.s32 s3, s2  }
0x8d: {  	s2 =	sadd.s32 s2, s17  }
0x8e: {  	[smem:$0x3FC1] =	sst s2  }
0x8f: {  	_ = 	snop  }
0x90: {  	s2 =	sld [smem:$0x3FD0];
	(tm) =	ssettm $0x1  }
0x91: {  	s18 =	sld [smem:$0x3FFB];
	_ =	sdelay $0x3  }
0x92: {  	_ =	strace s18  }
0x93: {  	s3 =	sld [smem:$0x3FFC];
	_ =	sdelay $0x3  }
0x94: {  	_ =	strace s3  }
0x95: {  	s3 =	sld [smem:$0x3FFD];
	_ =	sdelay $0x3  }
0x96: {  	_ =	strace s3  }
0x97: {  	_ =	strace $0x8FFFFFFF  }
0x98: {  	s19 =	sld [smem:$0x3FDB];
	_ =	sdelay $0x1  }
0x99: {  	s4 =	simm.s32 $_scs_section_size  }
0x9a: {  	s5 =	simm.s32 $_size__tile_overlayer_lowered;
	s6 =	simm.s32 $_tile_overlayer_lowered  }
0x9b: {  	s22 =	simm.s32 $0x1BFF;
	s21 =	sshll.u32 s6, $0x1;
	s3 =	sadd.s32 s4, s19  }
0x9c: {  	s7 =	simm.s32 $0x0;
	s20 =	sshll.u32 s5, $0x1;
	s5 =	sadd.s32 s21, s3  }
0x9d: {  	[timem:s7], [sflag:s22] =	dma.local [hbm:s5], s20  }
0x9e: {  	_ =	swait.ge [sflag:s22], s20  }
0x9f: {  	s4 =	ssub.s32 $0x0, s20;
	[sflag:s22] =	ssyncset.done $0x0  }
0xa0: {  	[sflag:s22] =	ssyncadd.s32 s4;
	_ =	sdelay $0x1  }
0xa1: {  	s23 =	simm.s32 $0x1B8B  }
0xa2: {  	_ =	swait.ge [sflag:s23], $0x1  }
0xa3: {  	[sflag:s23] =	ssyncset.done $0x0  }
0xa4: {  	s25 =	simm.s32 $0x1B8E;
	s24 =	sld [smem:$0x3FFE];
	[sflag:s23] =	ssyncadd.s32 $0xFFFFFFFF  }
0xa5: {  	s26 =	simm.s32 $execute0_lowered;
	[smem:$0x3FD2] =	sst s25  }
0xa6: {  	s5 =	sshll.u32 s26, $0x1;
	_ =	strace $0x80000046;
	[dreg:$0x1] =	wrdreg $0xFFFFFFFF  }
0xa7: {  	s28 =	simm.s32 $_size_execute0_lowered;
	s3 =	sadd.s32 s3, s5;
	[dreg:$0x0] =	wrdreg $0x0  }
0xa8: {  	s5 =	sshll.u32 s28, $0x1;
	[dreg:$0x2] =	wrdreg s3  }
0xa9: {  	[dreg:$0x3] =	wrdreg s5  }
0xaa: {  	[dreg:$0x4] =	wrdreg $0xC0  }
0xab: {  	_ =	task [dreg:s7], $0x5FFFF  }
0xac: {  	[dreg:$0x1] =	wrdreg $0xFFFFFFFF  }
0xad: {  	[dreg:$0x0] =	wrdreg $0x60  }
0xae: {  	[dreg:$0x2] =	wrdreg s2  }
0xaf: {  	[dreg:$0x3] =	wrdreg s24  }
0xb0: {  	[dreg:$0x4] =	wrdreg $0xC4800  }
0xb1: {  	[dreg:$0x5] =	wrdreg $0x9  }
0xb2: {  	_ =	task.clear_ibuf [dreg:s7], $0x6FFFF;
	_ =	strace $0x90000046  }
0xb3: {  	s29 =	simm.s32 $0x9;
	_ =	strace $0x80000048  }
0xb4: {  	_ =	swait.ge [sflag:s29], $0x1  }
0xb5: {  	[sflag:s29] =	ssyncadd.s32 $0xFFFFFFFF  }
0xb6: {  	_ =	strace $0x90000048  }
0xb7: {  	_ =	sfence  }
0xb8: {  	s30 =	sld [smem:$0x0];
	_ =	sdelay $0x2  }
0xb9: {  	s31 =	sshll.u32 s1, $0xD;
	s1 =	sshrl.u32 s1, $0x2  }
0xba: {  	s3 =	sand.u32 $0x4000, s31;
	s1 =	sadd.s32 s1, s30  }
0xbb: {  	s0 =	sor.u32 s3, s0;
	s1 =	sshll.u32 s1, $0x11  }
0xbc: {  	s0 =	sor.u32 s1, s0  }
0xbd: {  	s0 =	sadd.s32 $0x8F2B, s0  }
0xbe: {  	[sflag:s0] =	ssyncadd.remote.s32 $0x1  }
0xbf: {  	_ =	sfence.sel $0xFFFF  }
0xc0: {  	[dreg:$0x0] =	wrdreg $0xFFFFFFFF;
	(pc) =	sbr.abs _section_cstart, $3  }
0xc1: {  	[dreg:$0x1] =	wrdreg $0xFFFFFFFF  }
0xc2: {  	_ =	task.clear_ibuf [dreg:s7], $0x2FFFF;
	_ =	strace $0x9FFFFFFF  }
0xc3: {  	(tm) =	ssettm $0x7FFFFFFF  }
tec
execute0_lowered:
.L_overlay_start_1:
0x0: {  	(tag) =	ssettag $0x1  }
0x1: {  	s1 =	rddreg [dreg:$0x0]  }
0x2: {  	s0 =	rddreg [dreg:$0x1]  }
0x3: {  	s2 =	rddreg [dreg:$0x2];
	s3 =	simm.s32 $0x0  }
0x4: {  	s14 =	stileid.u32;
	s4 =	srdreg.scid;
	s28 =	simm.s32 $0x3  }
0x5: {  	s29 =	simm.s32 $0x4480;
	s30 =	simm.s32 $0x5;
	s31 =	simm.s32 $0x380  }
0x6: {  	[smem:$0x7FF] =	sst s3;
	s5 =	sadd.s32 $0xB400, s0;
	s6 =	sadd.s32 $0x1600, s0  }
0x7: {  	s7 =	sadd.s32 $0x15200, s0;
	s8 =	smul.u32 $0x4E000, s14;
	s0 =	sadd.s32 $0x286200, s0  }
0x8: {  	s4 =	sand.u32 $0x1, s4;
	s9 =	sshll.u32 s14, $0x1;
	s23 =	smul.u32 $0x13800, s14  }
0x9: {  	s10 =	ssub.s32 $0x2, s4;
	s9 =	sor.u32 s4, s9;
	s4 =	smul.u32 $0x138800, s4  }
0xa: {  	p0 =	sne.s32 s14, $0xF;
	_ =	strace $0x80000047;
	s12 =	smul.u32 $0x1380, s9  }
0xb: {  	s8 =	sshrl.u32 s8, $0x2;
	s11 =	sshrl.u32 s10, $0x1;
	s19 =	smul.u32 $0x13800, s9  }
0xc: {  	s9 =	sshll.u32 s9, $0x6;
	s15 =	sadd.s32 s8, s2;
	s8 =	ssub.s32 s10, s11  }
0xd: {  	s25 =	sadd.s32 s23, s4;
	s16 =	sadd.s32 $0x2000, s15;
	[dreg:$0x4] =	wrdreg s15  }
0xe: {  	s9 =	sor.u32 $0x27000, s9;
	s17 =	sadd.s32 $0x4000, s15;
	[dreg:$0x5] =	wrdreg s16  }
0xf: {  	s18 =	sshrl.u32 s12, $0x3;
	s11 =	sadd.s32 s7, s19;
	[dreg:$0x6] =	wrdreg s17  }
0x10: {  	s13 =	sor.u32 $0x40, s12;
	s24 =	sadd.s32 $0xC0, s12;
	[dreg:$0x9] =	wrdreg s11  }
0x11: {  	s19 =	sadd.s32 $0x100, s12;
	s23 =	sadd.s32 $0xC000, s15;
	[dreg:$0xd] =	wrdreg s24  }
0x12: {  	s26 =	sshrl.u32 s9, $0x3;
	s16 =	sadd.s32 s5, s18;
	[dreg:$0x17] =	wrdreg s23  }
0x13: {  	s10 =	sadd.s32 s6, s18;
	s20 =	sshrl.u32 s13, $0x3;
	[dreg:$0x7] =	wrdreg s16  }
0x14: {  	s17 =	sadd.s32 $0x80, s12;
	s12 =	sadd.s32 s5, s26;
	[dreg:$0x8] =	wrdreg s10  }
0x15: {  	s22 =	sshll.u32 s13, $0x4;
	s13 =	sadd.s32 s6, s26;
	[dreg:$0xf] =	wrdreg s12  }
0x16: {  	p1 =	sgt.u32 s14, $0x1;
	s18 =	smax.u32 s8, $0x1;
	[dreg:$0x10] =	wrdreg s13  }
0x17: {  	s14 =	simm.s32 $0x100;
	s24 =	sadd.s32 $0xE000, s15;
	[dreg:$0x13] =	wrdreg s18  }
0x18: {  	s4 =	sshrl.u32 s4, $0x3;
	s26 =	sadd.s32 $0x12000, s15;
	[dreg:$0x18] =	wrdreg s24  }
0x19: {  	s23 =	simm.s32 $0x480;
	s21 =	sadd.s32 s5, s20;
	[dreg:$0x1a] =	wrdreg s26  }
0x1a: {  	s11 =	simm.s32 $0x80;
	s10 =	sadd.s32 s6, s20;
	[dreg:$0xa] =	wrdreg s21  }
0x1b: {  	s16 =	sshll.u32 s9, $0x4;
	s20 =	sadd.s32 $0x6000, s15;
	[dreg:$0xb] =	wrdreg s10  }
0x1c: {  	s12 =	sadd.s32 $0x138000, s2;
	s13 =	simm.s32 $0x40;
	[dreg:$0x14] =	wrdreg s20  }
0x1d: {  	s24 =	simm.s32 $0x2480;
	s10 =	sadd.s32 s7, s22;
	[dreg:$0x1b] =	wrdreg s12  }
0x1e: {  	s26 =	simm.s32 $0x300;
	s21 =	sadd.s32 $0x8000, s15;
	[dreg:$0xc] =	wrdreg s10  }
0x1f: {  	s22 =	sadd.s32 $0xA000, s15;
	s20 =	simm.s32 $0x2;
	[dreg:$0x15] =	wrdreg s21  }
0x20: {  	s10 =	sshrl.u32 s25, $0x3;
	[dreg:$0x16] =	wrdreg s22;
	s25 =	sadd.s32 $0x10000, s15  }
.Ltmp0:
0x21: {  	s21 =	simm.s32 $0x6;
	s22 =	simm.s32 $0x400;
	(pc) =	sbr.rel .LBB2_1-.Ltmp0, $4  }
0x22: {  	s10 =	sadd.s32 s0, s10;
	s0 =	sadd.s32 s0, s4;
	[dreg:$0x19] =	wrdreg s25  }
0x23: {  	s4 =	sadd.s32 s7, s16;
	s25 =	simm.s32 $0x4;
	[dreg:$0xe] =	wrdreg s10  }
0x24: {  	s16 =	simm.s32 $0x0;
	[dreg:$0x11] =	wrdreg s4;
	s0 =	sadd.s32 $0x27000, s0  }
0x25: {  	v0 =	vimm.f32 $0.0e+00;
	s4 =	simm.s32 $0xA;
	[dreg:$0x12] =	wrdreg s0;
	s0 =	simm.s32 $0x7  }
.LBB2_15:
0x26: {  	s8 =	simm.s32 $0x8  }
0x27: {  	_ =	swait.ge [sflag:s8], $0x2000  }
0x28: {  	[sflag:s8] =	ssyncset.done $0x0  }
0x29: {  	s9 =	simm.s32 $0x9;
	[sflag:s8] =	ssyncadd.s32 $0xFFFFE000  }
0x2a: {  	_ =	swait.ge [sflag:s9], $0x2000  }
0x2b: {  	[sflag:s9] =	ssyncset.done $0x0  }
0x2c: {  	s10 =	stileid.u32;
	[sflag:s9] =	ssyncadd.s32 $0xFFFFE000  }
0x2d: {  	s8 =	sshll.u32 s10, $0x6;
	[bflag:$0x0] =	sbarrier.arrive $0xFFFF  }
0x2e: {  	s8 =	sor.u32 $0x1C0A, s8;
	s9 =	sshrl.u32 s15, $0x3;
	s10 =	rddreg [dreg:$0xe]  }
0x2f: {  	[hbm:s10], [sflag:s8] =	dma.local [spmem:s9], $0x2700  }
0x30: {  	_ =	swait.ge [sflag:s4], $0x2700  }
0x31: {  	[sflag:s4] =	ssyncset.done $0x0  }
0x32: {  	s9 =	sshrl.u32 @!p0 s12, $0x3;
	s10 =	rddreg [dreg:$0x12];
	[sflag:s4] =	ssyncadd.s32 $0xFFFFD900  }
0x33: {  	[hbm:s10], [sflag:s8] =	dma.local @!p0 [spmem:s9], $0x100  }
0x34: {  	s8 =	simm.s32 @!p0 $0xA  }
0x35: {  	_ =	swait.ge @!p0 [sflag:s8], $0x100  }
0x36: {  	s16 =	sadd.s32 $0x1, s16;
	s18 =	rddreg [dreg:$0x13]  }
0x37: {  	p2 =	sne.s32 s16, s18  }
.Ltmp1:
0x38: {  	_ = 	snop;
	(pc) =	sbr.rel @!p2 .LBB2_16-.Ltmp1, $3  }
0x39: {  	_ =	sdelay $0x1  }
0x3a: {  	[sflag:s8] =	ssyncset.done @!p0 $0x0  }
0x3b: {  	[sflag:s8] =	ssyncadd.s32 @!p0 $0xFFFFFF00  }
.LBB2_1:
0x3c: {  	[dreg:$0x1c] =	wrdreg s16;
	s8 =	simm.s32 $0x0;
	s9 =	simm.s32 $0x200  }
.LBB2_2:
0x3d: {  	p2 =	sne.s32 s9, $0x7E00;
	[tilespmem:s8+$0x4F0] =	vst v0  }
0x3e: {  	[tilespmem:s8+$0x480] =	vst v0  }
0x3f: {  	[tilespmem:s8+$0x490] =	vst v0  }
.Ltmp2:
0x40: {  	[tilespmem:s8+$0x4A0] =	vst v0;
	(pc) =	sbr.rel @p2 .LBB2_2-.Ltmp2, $4  }
0x41: {  	[tilespmem:s8+$0x4B0] =	vst v0  }
0x42: {  	[tilespmem:s8+$0x4C0] =	vst v0  }
0x43: {  	[tilespmem:s8+$0x4D0] =	vst v0  }
0x44: {  	[tilespmem:s8+$0x4E0] =	vst v0;
	s8 =	sshra.s32 s9, $0x2;
	s9 =	sadd.s32 $0x200, s9  }
0x45: {  	[tilespmem:s8+$0x4F0] =	vst v0  }
0x46: {  	[tilespmem:s8+$0x480] =	vst v0  }
0x47: {  	[tilespmem:s8+$0x490] =	vst v0  }
0x48: {  	[tilespmem:s8+$0x4A0] =	vst v0  }
0x49: {  	[tilespmem:s8+$0x4B0] =	vst v0  }
0x4a: {  	[tilespmem:s8+$0x4C0] =	vst v0  }
0x4b: {  	[tilespmem:s8+$0x4D0] =	vst v0  }
0x4c: {  	[tilespmem:s8+$0x4E0] =	vst v0  }
0x4d: {  	[spmem:s15] =	stream.linear.scatter [tilespmem:s23], [sflag:$0xA], $0x2000, $0x38;
	[tilespmem:$0x1FD00] =	vst v63  }
0x4e: {  	_ =	swait.ge [sflag:s4], $0x2000  }
0x4f: {  	[sflag:s4] =	ssyncset.done $0x0  }
0x50: {  	s10 =	rddreg [dreg:$0x5];
	[sflag:s4] =	ssyncadd.s32 $0xFFFFE000  }
0x51: {  	[spmem:s10] =	stream.linear.scatter [tilespmem:s23], [sflag:$0xA], $0x2000, $0x38;
	[tilespmem:$0x1FD00] =	vst v63  }
0x52: {  	_ =	swait.ge [sflag:s4], $0x2000  }
0x53: {  	[sflag:s4] =	ssyncset.done $0x0  }
0x54: {  	s15 =	rddreg [dreg:$0x6];
	[sflag:s4] =	ssyncadd.s32 $0xFFFFE000  }
0x55: {  	[spmem:s15] =	stream.linear.scatter [tilespmem:s23], [sflag:$0xA], $0x2000, $0x38;
	[tilespmem:$0x1FD00] =	vst v63  }
0x56: {  	_ =	swait.ge [sflag:s4], $0x2000  }
0x57: {  	[sflag:s4] =	ssyncset.done $0x0  }
0x58: {  	s16 =	rddreg [dreg:$0x14];
	[sflag:s4] =	ssyncadd.s32 $0xFFFFE000  }
0x59: {  	[spmem:s16] =	stream.linear.scatter [tilespmem:s23], [sflag:$0xA], $0x2000, $0x38;
	[tilespmem:$0x1FD00] =	vst v63  }
0x5a: {  	_ =	swait.ge [sflag:s4], $0x2000  }
0x5b: {  	[sflag:s4] =	ssyncset.done $0x0  }
0x5c: {  	s18 =	rddreg [dreg:$0x15];
	[sflag:s4] =	ssyncadd.s32 $0xFFFFE000  }
0x5d: {  	[spmem:s18] =	stream.linear.scatter [tilespmem:s23], [sflag:$0xA], $0x2000, $0x38;
	[tilespmem:$0x1FD00] =	vst v63  }
0x5e: {  	_ =	swait.ge [sflag:s4], $0x2000  }
0x5f: {  	[sflag:s4] =	ssyncset.done $0x0  }
0x60: {  	s9 =	rddreg [dreg:$0x16];
	[sflag:s4] =	ssyncadd.s32 $0xFFFFE000  }
0x61: {  	[spmem:s9] =	stream.linear.scatter [tilespmem:s23], [sflag:$0xA], $0x2000, $0x38;
	[tilespmem:$0x1FD00] =	vst v63  }
0x62: {  	_ =	swait.ge [sflag:s4], $0x2000  }
0x63: {  	[sflag:s4] =	ssyncset.done $0x0  }
0x64: {  	s10 =	rddreg [dreg:$0x17];
	[sflag:s4] =	ssyncadd.s32 $0xFFFFE000  }
0x65: {  	[spmem:s10] =	stream.linear.scatter [tilespmem:s23], [sflag:$0xA], $0x2000, $0x38;
	[tilespmem:$0x1FD00] =	vst v63  }
0x66: {  	_ =	swait.ge [sflag:s4], $0x2000  }
0x67: {  	[sflag:s4] =	ssyncset.done $0x0  }
0x68: {  	s15 =	rddreg [dreg:$0x18];
	[sflag:s4] =	ssyncadd.s32 $0xFFFFE000  }
0x69: {  	[spmem:s15] =	stream.linear.scatter [tilespmem:s23], [sflag:$0xA], $0x2000, $0x38;
	[tilespmem:$0x1FD00] =	vst v63  }
0x6a: {  	_ =	swait.ge [sflag:s4], $0x2000  }
0x6b: {  	[sflag:s4] =	ssyncset.done $0x0  }
0x6c: {  	s16 =	rddreg [dreg:$0x19];
	[sflag:s4] =	ssyncadd.s32 $0xFFFFE000  }
0x6d: {  	[spmem:s16] =	stream.linear.scatter [tilespmem:s23], [sflag:$0xA], $0x2000, $0x38;
	[tilespmem:$0x1FD00] =	vst v63  }
0x6e: {  	_ =	swait.ge [sflag:s4], $0x2000  }
0x6f: {  	[sflag:s4] =	ssyncset.done $0x0  }
0x70: {  	s18 =	rddreg [dreg:$0x1a];
	[sflag:s4] =	ssyncadd.s32 $0xFFFFE000  }
0x71: {  	[spmem:s18] =	stream.linear.scatter [tilespmem:s23], [sflag:$0xA], $0x1800, $0x38;
	[tilespmem:$0x1FD00] =	vst v63  }
0x72: {  	_ =	swait.ge [sflag:s4], $0x1800  }
0x73: {  	[sflag:s4] =	ssyncset.done $0x0  }
0x74: {  	s8 =	simm.s32 @!p0 $0x480;
	[sflag:s4] =	ssyncadd.s32 $0xFFFFE800  }
0x75: {  	[spmem:s12] =	stream.linear.scatter @!p0 [tilespmem:s8], [sflag:$0xA], $0x800, $0x38;
	[tilespmem:$0x1FD00] =	vst v63  }
0x76: {  	s8 =	simm.s32 @!p0 $0xA  }
0x77: {  	_ =	swait.ge @!p0 [sflag:s8], $0x800  }
0x78: {  	[sflag:s8] =	ssyncset.done @!p0 $0x0  }
0x79: {  	[sflag:s8] =	ssyncadd.s32 @!p0 $0xFFFFF800  }
0x7a: {  	[bflag:$0x0] =	sbarrier.arrive $0xFFFF  }
0x7b: {  	s12 =	simm.s32 $0x0;
	s9 =	rddreg [dreg:$0x7]  }
0x7c: {  	[tilespmem:s12], [sflag:$0x1] =	stream.linear.gather [hbm4b:s9+s12], $0x40, $0x38;
	[tilespmem:$0x1FD00] =	vst v63  }
0x7d: {  	s10 =	rddreg [dreg:$0x8];
	s9 =	simm.s32 $0x180  }
0x7e: {  	[tilespmem:s9], [sflag:$0x1] =	stream.linear.gather [hbm4b:s10+s12], $0x40, $0x38;
	[tilespmem:$0x1FD00] =	vst v63  }
0x7f: {  	s16 =	simm.s32 $0x6480;
	s15 =	rddreg [dreg:$0x9]  }
0x80: {  	[tilespmem:s16], [sflag:$0x1] =	stream.linear.gather [hbm4b:s15+s12], $0x2000, $0x38;
	[tilespmem:$0x1FD00] =	vst v63  }
0x81: {  	s18 =	rddreg [dreg:$0xa]  }
0x82: {  	[tilespmem:s11], [sflag:$0x2] =	stream.linear.gather [hbm4b:s18+s12], $0x40, $0x38;
	[tilespmem:$0x1FD00] =	vst v63  }
0x83: {  	s9 =	rddreg [dreg:$0xb];
	s10 =	simm.s32 $0x200  }
0x84: {  	[tilespmem:s10], [sflag:$0x2] =	stream.linear.gather [hbm4b:s9+s12], $0x40, $0x38;
	[tilespmem:$0x1FD00] =	vst v63  }
0x85: {  	s15 =	rddreg [dreg:$0xc];
	s16 =	simm.s32 $0x8480;
	s18 =	simm.s32 $0x1  }
0x86: {  	[tilespmem:s16], [sflag:$0x2] =	stream.linear.gather [hbm4b:s15+s12], $0x2000, $0x38;
	[tilespmem:$0x1FD00] =	vst v63  }
0x87: {  	_ =	swait.ge [sflag:s18], $0x40  }
0x88: {  	[sflag:s18] =	ssyncset.done $0x0  }
0x89: {  	[sflag:s18] =	ssyncadd.s32 $0xFFFFFFC0  }
0x8a: {  	_ =	swait.ge [sflag:s18], $0x40  }
0x8b: {  	[sflag:s18] =	ssyncset.done $0x0  }
0x8c: {  	[sflag:s18] =	ssyncadd.s32 $0xFFFFFFC0  }
0x8d: {  	_ =	swait.ge [sflag:s18], $0x2000  }
0x8e: {  	[sflag:s18] =	ssyncset.done $0x0  }
0x8f: {  	s8 =	simm.s32 $0x0;
	[sflag:s18] =	ssyncadd.s32 $0xFFFFE000  }
0x90: {  	[tilespmem:s23], [sflag:$0x4] =	stream.indirect.gather [hbm4b:s1+s13], $0x80, s12, s13, $0xb8;
	[tilespmem:$0x1FD00] =	vst v63  }
.LBB2_4:
0x91: {  	p2 =	seq.s32 s8, $0x0;
	s9 =	smul.u32 $0xC0, s8  }
0x92: {  	s10 =	simm.s32 @!p2 $0x8  }
0x93: {  	_ =	swait.ge @!p2 [sflag:s10], $0x2000;
	s18 =	sadd.s32 s9, s17  }
0x94: {  	[sflag:s10] =	ssyncset.done @!p2 $0x0;
	s15 =	sshrl.u32 s18, $0x3  }
0x95: {  	[sflag:s10] =	ssyncadd.s32 @!p2 $0xFFFFE000;
	s16 =	sadd.s32 s5, s15  }
0x96: {  	[tilespmem:s14], [sflag:$0x3] =	stream.linear.gather [hbm4b:s16+s12], $0x40, $0x38;
	[tilespmem:$0x1FD00] =	vst v63  }
0x97: {  	s15 =	sadd.s32 s6, s15;
	s16 =	simm.s32 $0x280  }
0x98: {  	[tilespmem:s16], [sflag:$0x3] =	stream.linear.gather [hbm4b:s15+s12], $0x40, $0x38;
	[tilespmem:$0x1FD00] =	vst v63  }
0x99: {  	s16 =	sshll.u32 s18, $0x4  }
0x9a: {  	s18 =	simm.s32 $0xA480;
	s10 =	sadd.s32 s7, s16  }
0x9b: {  	[tilespmem:s18], [sflag:$0x3] =	stream.linear.gather [hbm4b:s10+s12], $0x2000, $0x38;
	[tilespmem:$0x1FD00] =	vst v63  }
0x9c: {  	_ =	swait.ge [sflag:s20], $0x40  }
0x9d: {  	[sflag:s20] =	ssyncset.done $0x0  }
0x9e: {  	[sflag:s20] =	ssyncadd.s32 $0xFFFFFFC0  }
0x9f: {  	_ =	swait.ge [sflag:s20], $0x40  }
0xa0: {  	[sflag:s20] =	ssyncset.done $0x0  }
0xa1: {  	[sflag:s20] =	ssyncadd.s32 $0xFFFFFFC0  }
0xa2: {  	_ =	swait.ge [sflag:s20], $0x2000  }
0xa3: {  	[sflag:s20] =	ssyncset.done $0x0  }
0xa4: {  	[sflag:s20] =	ssyncadd.s32 $0xFFFFE000  }
0xa5: {  	[tilespmem:s24], [sflag:$0x5] =	stream.indirect.gather [hbm4b:s1+s13], $0x80, s11, s13, $0xb8;
	[tilespmem:$0x1FD00] =	vst v63  }
0xa6: {  	_ =	swait.ge [sflag:s25], $0x2000  }
0xa7: {  	[sflag:s25] =	ssyncset.done $0x0  }
0xa8: {  	s10 =	simm.s32 $0x0;
	[sflag:s25] =	ssyncadd.s32 $0xFFFFE000  }
0xa9: {  	v5 =	vld [tilespmem:s10+$0x6480]  }
0xaa: {  	v3 =	vld [tilespmem:s10+$0x6490]  }
0xab: {  	v2 =	vld [tilespmem:s10+$0x64A0]  }
0xac: {  	v1 =	vld [tilespmem:s10+$0x64B0]  }
0xad: {  	v9 =	vld [tilespmem:s10+$0x480]  }
0xae: {  	v8 =	vld [tilespmem:s10+$0x490]  }
0xaf: {  	v7 =	vld [tilespmem:s10+$0x4A0]  }
0xb0: {  	v6 =	vld [tilespmem:s10+$0x4B0]  }
0xb1: {  	v4 =	vld [tilespmem:s10+$0x4C0];
	v11 =	vshll.u32 v5, $0x10  }
0xb2: {  	s18 =	simm.s32 $0x200;
	v10 =	vand.u32 $0xFFFF0000, v5;
	v5 =	vld [tilespmem:s10+$0x4D0];
	v9 =	vmul.f32 v11, v9  }
.LBB2_5:
0xb3: {  	p3 =	sne.s32 s18, $0x7E00;
	v8 =	vmul.f32 v10, v8;
	v10 =	vshll.u32 v3, $0x10;
	v11 =	vld [tilespmem:s10+$0x4E0]  }
0xb4: {  	s15 =	sshra.s32 s18, $0x2;
	v3 =	vand.u32 $0xFFFF0000, v3;
	[tilespmem:s10+$0x480] =	vst v9;
	v7 =	vmul.f32 v10, v7;
	v9 =	vld [tilespmem:s10+$0x4F0]  }
0xb5: {  	v10 =	vld [tilespmem:s15+$0x6480];
	[tilespmem:s10+$0x490] =	vst v8;
	v6 =	vmul.f32 v3, v6;
	v8 =	vshll.u32 v2, $0x10  }
0xb6: {  	v3 =	vld [tilespmem:s15+$0x6490];
	[tilespmem:s10+$0x4A0] =	vst v7;
	v7 =	vand.u32 $0xFFFF0000, v2;
	v4 =	vmul.f32 v8, v4  }
0xb7: {  	v2 =	vld [tilespmem:s15+$0x64A0];
	[tilespmem:s10+$0x4B0] =	vst v6;
	v5 =	vmul.f32 v7, v5;
	v6 =	vshll.u32 v1, $0x10  }
0xb8: {  	[tilespmem:s10+$0x4C0] =	vst v4;
	v4 =	vand.u32 $0xFFFF0000, v1;
	v1 =	vld [tilespmem:s15+$0x64B0];
	v6 =	vmul.f32 v6, v11  }
0xb9: {  	v11 =	vld [tilespmem:s15+$0x480];
	[tilespmem:s10+$0x4D0] =	vst v5;
	v4 =	vmul.f32 v4, v9  }
.Ltmp3:
0xba: {  	v8 =	vld [tilespmem:s15+$0x490];
	[tilespmem:s10+$0x4E0] =	vst v6;
	(pc) =	sbr.rel @p3 .LBB2_5-.Ltmp3, $4  }
0xbb: {  	v7 =	vld [tilespmem:s15+$0x4A0];
	[tilespmem:s10+$0x4F0] =	vst v4;
	s10 =	smov.u32 s15  }
0xbc: {  	v6 =	vld [tilespmem:s10+$0x4B0]  }
0xbd: {  	v5 =	vshll.u32 v10, $0x10;
	v4 =	vld [tilespmem:s10+$0x4C0]  }
0xbe: {  	s18 =	sadd.s32 $0x200, s18;
	v10 =	vand.u32 $0xFFFF0000, v10;
	v9 =	vmul.f32 v5, v11;
	v5 =	vld [tilespmem:s10+$0x4D0]  }
0xbf: {  	v11 =	vld [tilespmem:s10+$0x4E0];
	v8 =	vmul.f32 v10, v8;
	v10 =	vshll.u32 v3, $0x10  }
0xc0: {  	v3 =	vand.u32 $0xFFFF0000, v3;
	[tilespmem:s10+$0x480] =	vst v9;
	v7 =	vmul.f32 v10, v7;
	v9 =	vld [tilespmem:s10+$0x4F0]  }
0xc1: {  	[tilespmem:s10+$0x490] =	vst v8;
	v3 =	vmul.f32 v3, v6;
	v6 =	vshll.u32 v2, $0x10  }
0xc2: {  	v2 =	vand.u32 $0xFFFF0000, v2;
	[tilespmem:s10+$0x4A0] =	vst v7;
	v4 =	vmul.f32 v6, v4  }
0xc3: {  	[tilespmem:s10+$0x4B0] =	vst v3;
	v2 =	vmul.f32 v2, v5;
	v3 =	vshll.u32 v1, $0x10  }
0xc4: {  	v1 =	vand.u32 $0xFFFF0000, v1;
	[tilespmem:s10+$0x4C0] =	vst v4;
	v3 =	vmul.f32 v3, v11  }
0xc5: {  	[tilespmem:s10+$0x4D0] =	vst v2;
	v1 =	vmul.f32 v1, v9  }
0xc6: {  	[tilespmem:s10+$0x4E0] =	vst v3  }
0xc7: {  	[tilespmem:s10+$0x4F0] =	vst v1  }
0xc8: {  	v1 =	vld [tilespmem:$0x180]  }
0xc9: {  	v2 =	vld [tilespmem:$0x190]  }
0xca: {  	v3 =	vld [tilespmem:$0x1A0]  }
0xcb: {  	v4 =	vld [tilespmem:$0x1B0];
	_ =	sdelay $0x1  }
0xcc: {  	[tilespmem:$0x300] =	vst v1  }
0xcd: {  	[tilespmem:$0x310] =	vst v2  }
0xce: {  	[tilespmem:$0x320] =	vst v3  }
0xcf: {  	s10 =	simm.s32 @!p2 $0x9;
	[tilespmem:$0x330] =	vst v4  }
0xd0: {  	[spmem:s2] =	stream.indirect.scatter.add.f32 [tilespmem:s23], [sflag:$0x7], $0x80, s26, s13, $0xb8;
	[tilespmem:$0x1FD00] =	vst v63  }
0xd1: {  	p3 =	seq.s32 @!p2 s8, $0x19;
	_ =	swait.ge @!p2 [sflag:s10], $0x2000  }
0xd2: {  	p3 =	por p2, !p3;
	[sflag:s10] =	ssyncset.done @!p2 $0x0  }
0xd3: {  	[sflag:s10] =	ssyncadd.s32 @!p2 $0xFFFFE000;
	s10 =	rddreg @p3 [dreg:$0xd]  }
0xd4: {  	s10 =	sadd.s32 @p3 s9, s10  }
0xd5: {  	s15 =	sshrl.u32 @p3 s10, $0x3  }
0xd6: {  	s18 =	sadd.s32 @p3 s5, s15  }
0xd7: {  	[tilespmem:s3], [sflag:$0x1] =	stream.linear.gather @p3 [hbm4b:s18+s3], $0x40, $0x38;
	[tilespmem:$0x1FD00] =	vst v63  }
0xd8: {  	s16 =	simm.s32 @p3 $0x180;
	s10 =	sshll.u32 @p3 s10, $0x4;
	s15 =	sadd.s32 @p3 s6, s15  }
0xd9: {  	[tilespmem:s16], [sflag:$0x1] =	stream.linear.gather @p3 [hbm4b:s15+s3], $0x40, $0x38;
	[tilespmem:$0x1FD00] =	vst v63  }
0xda: {  	s10 =	sadd.s32 @p3 s7, s10;
	s15 =	simm.s32 @p3 $0x6480  }
0xdb: {  	[tilespmem:s15], [sflag:$0x1] =	stream.linear.gather @p3 [hbm4b:s10+s3], $0x2000, $0x38;
	[tilespmem:$0x1FD00] =	vst v63  }
0xdc: {  	_ =	swait.ge [sflag:s28], $0x40  }
0xdd: {  	[sflag:s28] =	ssyncset.done $0x0  }
0xde: {  	[sflag:s28] =	ssyncadd.s32 $0xFFFFFFC0  }
0xdf: {  	_ =	swait.ge [sflag:s28], $0x40  }
0xe0: {  	[sflag:s28] =	ssyncset.done $0x0  }
0xe1: {  	[sflag:s28] =	ssyncadd.s32 $0xFFFFFFC0  }
0xe2: {  	_ =	swait.ge [sflag:s28], $0x2000  }
0xe3: {  	[sflag:s28] =	ssyncset.done $0x0  }
0xe4: {  	[sflag:s28] =	ssyncadd.s32 $0xFFFFE000  }
0xe5: {  	[tilespmem:s29], [sflag:$0x6] =	stream.indirect.gather [hbm4b:s1+s13], $0x80, s14, s13, $0xb8;
	[tilespmem:$0x1FD00] =	vst v63  }
0xe6: {  	_ =	swait.ge [sflag:s30], $0x2000  }
0xe7: {  	[sflag:s30] =	ssyncset.done $0x0  }
0xe8: {  	s10 =	simm.s32 $0x0;
	[sflag:s30] =	ssyncadd.s32 $0xFFFFE000  }
0xe9: {  	v5 =	vld [tilespmem:s10+$0x8480]  }
0xea: {  	v3 =	vld [tilespmem:s10+$0x8490]  }
0xeb: {  	v2 =	vld [tilespmem:s10+$0x84A0]  }
0xec: {  	v1 =	vld [tilespmem:s10+$0x84B0]  }
0xed: {  	v9 =	vld [tilespmem:s10+$0x2480]  }
0xee: {  	v8 =	vld [tilespmem:s10+$0x2490]  }
0xef: {  	v7 =	vld [tilespmem:s10+$0x24A0]  }
0xf0: {  	v6 =	vld [tilespmem:s10+$0x24B0]  }
0xf1: {  	p2 =	por @!p2 $0x1, $0x1;
	v4 =	vld [tilespmem:s10+$0x24C0];
	v11 =	vshll.u32 v5, $0x10  }
0xf2: {  	p2 =	por @p3 $0x0, $0x0;
	s18 =	simm.s32 $0x200;
	v10 =	vand.u32 $0xFFFF0000, v5;
	v5 =	vld [tilespmem:s10+$0x24D0];
	v9 =	vmul.f32 v11, v9  }
.LBB2_7:
0xf3: {  	p3 =	sne.s32 s18, $0x7E00;
	v8 =	vmul.f32 v10, v8;
	v10 =	vshll.u32 v3, $0x10;
	v11 =	vld [tilespmem:s10+$0x24E0]  }
0xf4: {  	s15 =	sshra.s32 s18, $0x2;
	v3 =	vand.u32 $0xFFFF0000, v3;
	[tilespmem:s10+$0x2480] =	vst v9;
	v7 =	vmul.f32 v10, v7;
	v9 =	vld [tilespmem:s10+$0x24F0]  }
0xf5: {  	v10 =	vld [tilespmem:s15+$0x8480];
	[tilespmem:s10+$0x2490] =	vst v8;
	v6 =	vmul.f32 v3, v6;
	v8 =	vshll.u32 v2, $0x10  }
0xf6: {  	v3 =	vld [tilespmem:s15+$0x8490];
	[tilespmem:s10+$0x24A0] =	vst v7;
	v7 =	vand.u32 $0xFFFF0000, v2;
	v4 =	vmul.f32 v8, v4  }
0xf7: {  	v2 =	vld [tilespmem:s15+$0x84A0];
	[tilespmem:s10+$0x24B0] =	vst v6;
	v5 =	vmul.f32 v7, v5;
	v6 =	vshll.u32 v1, $0x10  }
0xf8: {  	[tilespmem:s10+$0x24C0] =	vst v4;
	v4 =	vand.u32 $0xFFFF0000, v1;
	v1 =	vld [tilespmem:s15+$0x84B0];
	v6 =	vmul.f32 v6, v11  }
0xf9: {  	v11 =	vld [tilespmem:s15+$0x2480];
	[tilespmem:s10+$0x24D0] =	vst v5;
	v4 =	vmul.f32 v4, v9  }
.Ltmp4:
0xfa: {  	v8 =	vld [tilespmem:s15+$0x2490];
	[tilespmem:s10+$0x24E0] =	vst v6;
	(pc) =	sbr.rel @p3 .LBB2_7-.Ltmp4, $4  }
0xfb: {  	v7 =	vld [tilespmem:s15+$0x24A0];
	[tilespmem:s10+$0x24F0] =	vst v4;
	s10 =	smov.u32 s15  }
0xfc: {  	v6 =	vld [tilespmem:s10+$0x24B0]  }
0xfd: {  	v5 =	vshll.u32 v10, $0x10;
	v4 =	vld [tilespmem:s10+$0x24C0]  }
0xfe: {  	s18 =	sadd.s32 $0x200, s18;
	v10 =	vand.u32 $0xFFFF0000, v10;
	v9 =	vmul.f32 v5, v11;
	v5 =	vld [tilespmem:s10+$0x24D0]  }
0xff: {  	v11 =	vld [tilespmem:s10+$0x24E0];
	v8 =	vmul.f32 v10, v8;
	v10 =	vshll.u32 v3, $0x10  }
0x100: {  	v3 =	vand.u32 $0xFFFF0000, v3;
	[tilespmem:s10+$0x2480] =	vst v9;
	v7 =	vmul.f32 v10, v7;
	v9 =	vld [tilespmem:s10+$0x24F0]  }
0x101: {  	[tilespmem:s10+$0x2490] =	vst v8;
	v3 =	vmul.f32 v3, v6;
	v6 =	vshll.u32 v2, $0x10  }
0x102: {  	v2 =	vand.u32 $0xFFFF0000, v2;
	[tilespmem:s10+$0x24A0] =	vst v7;
	v4 =	vmul.f32 v6, v4  }
0x103: {  	[tilespmem:s10+$0x24B0] =	vst v3;
	v2 =	vmul.f32 v2, v5;
	v3 =	vshll.u32 v1, $0x10  }
0x104: {  	v1 =	vand.u32 $0xFFFF0000, v1;
	[tilespmem:s10+$0x24C0] =	vst v4;
	v3 =	vmul.f32 v3, v11  }
0x105: {  	[tilespmem:s10+$0x24D0] =	vst v2;
	v1 =	vmul.f32 v1, v9  }
0x106: {  	[tilespmem:s10+$0x24E0] =	vst v3  }
0x107: {  	[tilespmem:s10+$0x24F0] =	vst v1  }
0x108: {  	v1 =	vld [tilespmem:$0x200]  }
0x109: {  	v2 =	vld [tilespmem:$0x210]  }
0x10a: {  	v3 =	vld [tilespmem:$0x220]  }
0x10b: {  	v4 =	vld [tilespmem:$0x230];
	_ =	sdelay $0x1  }
0x10c: {  	[tilespmem:$0x380] =	vst v1  }
0x10d: {  	[tilespmem:$0x390] =	vst v2  }
0x10e: {  	[tilespmem:$0x3A0] =	vst v3  }
0x10f: {  	[tilespmem:$0x3B0] =	vst v4  }
0x110: {  	[spmem:s2] =	stream.indirect.scatter.add.f32 [tilespmem:s24], [sflag:$0x8], $0x80, s31, s13, $0xb8;
	[tilespmem:$0x1FD00] =	vst v63  }
0x111: {  	s9 =	sadd.s32 @!p2 s9, s19;
	_ =	swait.ge [sflag:s0], $0x2000  }
0x112: {  	s18 =	simm.s32 @!p2 $0x0;
	s10 =	sshrl.u32 @!p2 s9, $0x3;
	[sflag:s0] =	ssyncset.done $0x0  }
0x113: {  	s16 =	simm.s32 @!p2 $0x80;
	s15 =	sadd.s32 @!p2 s5, s10;
	[sflag:s0] =	ssyncadd.s32 $0xFFFFE000  }
0x114: {  	[tilespmem:s16], [sflag:$0x2] =	stream.linear.gather @!p2 [hbm4b:s15+s18], $0x40, $0x38;
	[tilespmem:$0x1FD00] =	vst v63  }
0x115: {  	s9 =	sshll.u32 @!p2 s9, $0x4;
	s10 =	sadd.s32 @!p2 s6, s10;
	s15 =	simm.s32 @!p2 $0x200  }
0x116: {  	[tilespmem:s15], [sflag:$0x2] =	stream.linear.gather @!p2 [hbm4b:s10+s18], $0x40, $0x38;
	[tilespmem:$0x1FD00] =	vst v63  }
0x117: {  	s9 =	sadd.s32 @!p2 s7, s9;
	s10 =	simm.s32 @!p2 $0x8480  }
0x118: {  	[tilespmem:s10], [sflag:$0x2] =	stream.linear.gather @!p2 [hbm4b:s9+s18], $0x2000, $0x38;
	[tilespmem:$0x1FD00] =	vst v63  }
0x119: {  	s9 =	simm.s32 @!p2 $0x1  }
0x11a: {  	_ =	swait.ge @!p2 [sflag:s9], $0x40  }
0x11b: {  	[sflag:s9] =	ssyncset.done @!p2 $0x0  }
0x11c: {  	[sflag:s9] =	ssyncadd.s32 @!p2 $0xFFFFFFC0  }
0x11d: {  	_ =	swait.ge @!p2 [sflag:s9], $0x40  }
0x11e: {  	[sflag:s9] =	ssyncset.done @!p2 $0x0  }
0x11f: {  	[sflag:s9] =	ssyncadd.s32 @!p2 $0xFFFFFFC0  }
0x120: {  	_ =	swait.ge @!p2 [sflag:s9], $0x2000  }
0x121: {  	[sflag:s9] =	ssyncset.done @!p2 $0x0  }
0x122: {  	s10 =	simm.s32 @!p2 $0x480;
	[sflag:s9] =	ssyncadd.s32 @!p2 $0xFFFFE000;
	s9 =	simm.s32 @!p2 $0x40  }
0x123: {  	[tilespmem:s10], [sflag:$0x4] =	stream.indirect.gather @!p2 [hbm4b:s1+s9], $0x80, s18, s9, $0xb8;
	[tilespmem:$0x1FD00] =	vst v63  }
0x124: {  	_ =	swait.ge [sflag:s21], $0x2000  }
0x125: {  	[sflag:s21] =	ssyncset.done $0x0  }
0x126: {  	s9 =	simm.s32 $0x0;
	[sflag:s21] =	ssyncadd.s32 $0xFFFFE000  }
0x127: {  	v5 =	vld [tilespmem:s9+$0xA480]  }
0x128: {  	v3 =	vld [tilespmem:s9+$0xA490]  }
0x129: {  	v2 =	vld [tilespmem:s9+$0xA4A0]  }
0x12a: {  	v1 =	vld [tilespmem:s9+$0xA4B0]  }
0x12b: {  	v9 =	vld [tilespmem:s9+$0x4480]  }
0x12c: {  	v8 =	vld [tilespmem:s9+$0x4490]  }
0x12d: {  	v7 =	vld [tilespmem:s9+$0x44A0]  }
0x12e: {  	v6 =	vld [tilespmem:s9+$0x44B0]  }
0x12f: {  	v4 =	vld [tilespmem:s9+$0x44C0];
	v11 =	vshll.u32 v5, $0x10  }
0x130: {  	s10 =	simm.s32 $0x200;
	v10 =	vand.u32 $0xFFFF0000, v5;
	v5 =	vld [tilespmem:s9+$0x44D0];
	v9 =	vmul.f32 v11, v9  }
.LBB2_9:
0x131: {  	p2 =	sne.s32 s10, $0x7E00;
	v8 =	vmul.f32 v10, v8;
	v10 =	vshll.u32 v3, $0x10;
	v11 =	vld [tilespmem:s9+$0x44E0]  }
0x132: {  	s15 =	sshra.s32 s10, $0x2;
	v3 =	vand.u32 $0xFFFF0000, v3;
	[tilespmem:s9+$0x4480] =	vst v9;
	v7 =	vmul.f32 v10, v7;
	v9 =	vld [tilespmem:s9+$0x44F0]  }
0x133: {  	v10 =	vld [tilespmem:s15+$0xA480];
	[tilespmem:s9+$0x4490] =	vst v8;
	v6 =	vmul.f32 v3, v6;
	v8 =	vshll.u32 v2, $0x10  }
0x134: {  	v3 =	vld [tilespmem:s15+$0xA490];
	[tilespmem:s9+$0x44A0] =	vst v7;
	v7 =	vand.u32 $0xFFFF0000, v2;
	v4 =	vmul.f32 v8, v4  }
0x135: {  	v2 =	vld [tilespmem:s15+$0xA4A0];
	[tilespmem:s9+$0x44B0] =	vst v6;
	v5 =	vmul.f32 v7, v5;
	v6 =	vshll.u32 v1, $0x10  }
0x136: {  	[tilespmem:s9+$0x44C0] =	vst v4;
	v4 =	vand.u32 $0xFFFF0000, v1;
	v1 =	vld [tilespmem:s15+$0xA4B0];
	v6 =	vmul.f32 v6, v11  }
0x137: {  	v11 =	vld [tilespmem:s15+$0x4480];
	[tilespmem:s9+$0x44D0] =	vst v5;
	v4 =	vmul.f32 v4, v9  }
.Ltmp5:
0x138: {  	v8 =	vld [tilespmem:s15+$0x4490];
	[tilespmem:s9+$0x44E0] =	vst v6;
	(pc) =	sbr.rel @p2 .LBB2_9-.Ltmp5, $4  }
0x139: {  	v7 =	vld [tilespmem:s15+$0x44A0];
	[tilespmem:s9+$0x44F0] =	vst v4;
	s9 =	smov.u32 s15  }
0x13a: {  	v6 =	vld [tilespmem:s9+$0x44B0]  }
0x13b: {  	v5 =	vshll.u32 v10, $0x10;
	v4 =	vld [tilespmem:s9+$0x44C0]  }
0x13c: {  	s10 =	sadd.s32 $0x200, s10;
	v10 =	vand.u32 $0xFFFF0000, v10;
	v9 =	vmul.f32 v5, v11;
	v5 =	vld [tilespmem:s9+$0x44D0]  }
0x13d: {  	v11 =	vld [tilespmem:s9+$0x44E0];
	v8 =	vmul.f32 v10, v8;
	v61 =	vshll.u32 v3, $0x10  }
0x13e: {  	v3 =	vand.u32 $0xFFFF0000, v3;
	v62 =	vld [tilespmem:s9+$0x44F0];
	[tilespmem:s9+$0x4480] =	vst v9;
	v7 =	vmul.f32 v61, v7  }
0x13f: {  	v63 =	vshll.u32 v2, $0x10;
	[tilespmem:s9+$0x4490] =	vst v8;
	v3 =	vmul.f32 v3, v6  }
0x140: {  	v2 =	vand.u32 $0xFFFF0000, v2;
	[tilespmem:s9+$0x44A0] =	vst v7;
	v4 =	vmul.f32 v63, v4  }
0x141: {  	[tilespmem:s9+$0x44B0] =	vst v3;
	v2 =	vmul.f32 v2, v5;
	v3 =	vshll.u32 v1, $0x10  }
0x142: {  	v1 =	vand.u32 $0xFFFF0000, v1;
	[tilespmem:s9+$0x44C0] =	vst v4;
	v3 =	vmul.f32 v3, v11  }
0x143: {  	v1 =	vmul.f32 v1, v62;
	[tilespmem:s9+$0x44D0] =	vst v2  }
0x144: {  	[tilespmem:s9+$0x44E0] =	vst v3  }
0x145: {  	[tilespmem:s9+$0x44F0] =	vst v1  }
0x146: {  	v1 =	vld [tilespmem:$0x280]  }
0x147: {  	v2 =	vld [tilespmem:$0x290]  }
0x148: {  	v3 =	vld [tilespmem:$0x2A0]  }
0x149: {  	s8 =	sadd.s32 $0x1, s8;
	v4 =	vld [tilespmem:$0x2B0]  }
0x14a: {  	p2 =	sne.s32 s8, $0x1A  }
.Ltmp6:
0x14b: {  	[tilespmem:$0x400] =	vst v1;
	(pc) =	sbr.rel @p2 .LBB2_4-.Ltmp6, $4  }
0x14c: {  	[tilespmem:$0x410] =	vst v2  }
0x14d: {  	[tilespmem:$0x420] =	vst v3  }
0x14e: {  	[tilespmem:$0x430] =	vst v4  }
0x14f: {  	[spmem:s2] =	stream.indirect.scatter.add.f32 [tilespmem:s29], [sflag:$0x9], $0x80, s22, s13, $0xb8;
	[tilespmem:$0x1FD00] =	vst v63  }
.Ltmp7:
0x150: {  	(pc) =	sbr.rel @p1 .LBB2_15-.Ltmp7, $4  }
0x151: {  	_ = 	snop  }
0x152: {  	s15 =	rddreg [dreg:$0x4]  }
0x153: {  	s12 =	rddreg [dreg:$0x1b]  }
0x154: {  	s16 =	rddreg [dreg:$0x1c]  }
0x155: {  	s8 =	simm.s32 $0x0;
	s9 =	rddreg [dreg:$0xf]  }
0x156: {  	[tilespmem:s8], [sflag:$0x1] =	stream.linear.gather [hbm4b:s9+s8], $0x40, $0x38;
	[tilespmem:$0x1FD00] =	vst v63  }
0x157: {  	s18 =	rddreg [dreg:$0x10];
	s10 =	simm.s32 $0x180  }
0x158: {  	[tilespmem:s10], [sflag:$0x1] =	stream.linear.gather [hbm4b:s18+s8], $0x40, $0x38;
	[tilespmem:$0x1FD00] =	vst v63  }
0x159: {  	s16 =	simm.s32 $0x6480;
	s10 =	rddreg [dreg:$0x11];
	s18 =	simm.s32 $0x1  }
0x15a: {  	[tilespmem:s16], [sflag:$0x1] =	stream.linear.gather [hbm4b:s10+s8], $0x2000, $0x38;
	[tilespmem:$0x1FD00] =	vst v63  }
0x15b: {  	_ =	swait.ge [sflag:s18], $0x40  }
0x15c: {  	[sflag:s18] =	ssyncset.done $0x0  }
0x15d: {  	[sflag:s18] =	ssyncadd.s32 $0xFFFFFFC0  }
0x15e: {  	_ =	swait.ge [sflag:s18], $0x40  }
0x15f: {  	[sflag:s18] =	ssyncset.done $0x0  }
0x160: {  	[sflag:s18] =	ssyncadd.s32 $0xFFFFFFC0  }
0x161: {  	_ =	swait.ge [sflag:s18], $0x2000  }
0x162: {  	[sflag:s18] =	ssyncset.done $0x0  }
0x163: {  	[sflag:s18] =	ssyncadd.s32 $0xFFFFE000  }
0x164: {  	[tilespmem:s23], [sflag:$0x4] =	stream.indirect.gather [hbm4b:s1+s13], $0x80, s8, s13, $0xb8;
	[tilespmem:$0x1FD00] =	vst v63  }
0x165: {  	_ =	swait.ge [sflag:s25], $0x2000  }
0x166: {  	[sflag:s25] =	ssyncset.done $0x0  }
0x167: {  	s8 =	simm.s32 $0x0;
	[sflag:s25] =	ssyncadd.s32 $0xFFFFE000  }
0x168: {  	v5 =	vld [tilespmem:s8+$0x6480]  }
0x169: {  	v3 =	vld [tilespmem:s8+$0x6490]  }
0x16a: {  	v2 =	vld [tilespmem:s8+$0x64A0]  }
0x16b: {  	v1 =	vld [tilespmem:s8+$0x64B0]  }
0x16c: {  	v9 =	vld [tilespmem:s8+$0x480]  }
0x16d: {  	v8 =	vld [tilespmem:s8+$0x490]  }
0x16e: {  	v7 =	vld [tilespmem:s8+$0x4A0]  }
0x16f: {  	v6 =	vld [tilespmem:s8+$0x4B0]  }
0x170: {  	v4 =	vld [tilespmem:s8+$0x4C0];
	v11 =	vshll.u32 v5, $0x10  }
0x171: {  	s9 =	simm.s32 $0x200;
	v10 =	vand.u32 $0xFFFF0000, v5;
	v5 =	vld [tilespmem:s8+$0x4D0];
	v9 =	vmul.f32 v11, v9  }
.LBB2_13:
0x172: {  	p2 =	sne.s32 s9, $0x7E00;
	v8 =	vmul.f32 v10, v8;
	v10 =	vshll.u32 v3, $0x10;
	v11 =	vld [tilespmem:s8+$0x4E0]  }
0x173: {  	s10 =	sshra.s32 s9, $0x2;
	v3 =	vand.u32 $0xFFFF0000, v3;
	[tilespmem:s8+$0x480] =	vst v9;
	v7 =	vmul.f32 v10, v7;
	v9 =	vld [tilespmem:s8+$0x4F0]  }
0x174: {  	v10 =	vld [tilespmem:s10+$0x6480];
	[tilespmem:s8+$0x490] =	vst v8;
	v6 =	vmul.f32 v3, v6;
	v8 =	vshll.u32 v2, $0x10  }
0x175: {  	v3 =	vld [tilespmem:s10+$0x6490];
	[tilespmem:s8+$0x4A0] =	vst v7;
	v7 =	vand.u32 $0xFFFF0000, v2;
	v4 =	vmul.f32 v8, v4  }
0x176: {  	v2 =	vld [tilespmem:s10+$0x64A0];
	[tilespmem:s8+$0x4B0] =	vst v6;
	v5 =	vmul.f32 v7, v5;
	v6 =	vshll.u32 v1, $0x10  }
0x177: {  	[tilespmem:s8+$0x4C0] =	vst v4;
	v4 =	vand.u32 $0xFFFF0000, v1;
	v1 =	vld [tilespmem:s10+$0x64B0];
	v6 =	vmul.f32 v6, v11  }
0x178: {  	v11 =	vld [tilespmem:s10+$0x480];
	[tilespmem:s8+$0x4D0] =	vst v5;
	v4 =	vmul.f32 v4, v9  }
.Ltmp8:
0x179: {  	v8 =	vld [tilespmem:s10+$0x490];
	[tilespmem:s8+$0x4E0] =	vst v6;
	(pc) =	sbr.rel @p2 .LBB2_13-.Ltmp8, $4  }
0x17a: {  	v7 =	vld [tilespmem:s10+$0x4A0];
	[tilespmem:s8+$0x4F0] =	vst v4;
	s8 =	smov.u32 s10  }
0x17b: {  	v6 =	vld [tilespmem:s8+$0x4B0]  }
0x17c: {  	v5 =	vshll.u32 v10, $0x10;
	v4 =	vld [tilespmem:s8+$0x4C0]  }
0x17d: {  	s9 =	sadd.s32 $0x200, s9;
	v10 =	vand.u32 $0xFFFF0000, v10;
	v9 =	vmul.f32 v5, v11;
	v5 =	vld [tilespmem:s8+$0x4D0]  }
0x17e: {  	v11 =	vld [tilespmem:s8+$0x4E0];
	v8 =	vmul.f32 v10, v8;
	v61 =	vshll.u32 v3, $0x10  }
0x17f: {  	v3 =	vand.u32 $0xFFFF0000, v3;
	v62 =	vld [tilespmem:s8+$0x4F0];
	[tilespmem:s8+$0x480] =	vst v9;
	v7 =	vmul.f32 v61, v7  }
0x180: {  	v63 =	vshll.u32 v2, $0x10;
	[tilespmem:s8+$0x490] =	vst v8;
	v3 =	vmul.f32 v3, v6  }
0x181: {  	v2 =	vand.u32 $0xFFFF0000, v2;
	[tilespmem:s8+$0x4A0] =	vst v7;
	v4 =	vmul.f32 v63, v4  }
0x182: {  	[tilespmem:s8+$0x4B0] =	vst v3;
	v2 =	vmul.f32 v2, v5;
	v3 =	vshll.u32 v1, $0x10  }
0x183: {  	v1 =	vand.u32 $0xFFFF0000, v1;
	[tilespmem:s8+$0x4C0] =	vst v4;
	v3 =	vmul.f32 v3, v11  }
0x184: {  	v1 =	vmul.f32 v1, v62;
	[tilespmem:s8+$0x4D0] =	vst v2  }
0x185: {  	[tilespmem:s8+$0x4E0] =	vst v3  }
0x186: {  	[tilespmem:s8+$0x4F0] =	vst v1  }
0x187: {  	v1 =	vld [tilespmem:$0x180]  }
0x188: {  	v2 =	vld [tilespmem:$0x190]  }
0x189: {  	v3 =	vld [tilespmem:$0x1A0]  }
0x18a: {  	v4 =	vld [tilespmem:$0x1B0];
	_ =	sdelay $0x1  }
0x18b: {  	[tilespmem:$0x300] =	vst v1  }
0x18c: {  	[tilespmem:$0x310] =	vst v2  }
0x18d: {  	[tilespmem:$0x320] =	vst v3  }
.Ltmp9:
0x18e: {  	[tilespmem:$0x330] =	vst v4;
	(pc) =	sbr.rel .LBB2_15-.Ltmp9, $4  }
0x18f: {  	[spmem:s2] =	stream.indirect.scatter.add.f32 [tilespmem:s23], [sflag:$0x7], $0x80, s26, s13, $0xb8;
	[tilespmem:$0x1FD00] =	vst v63  }
0x190: {  	_ =	swait.ge [sflag:s0], $0x2000  }
0x191: {  	[sflag:s0] =	ssyncset.done $0x0  }
0x192: {  	s16 =	rddreg [dreg:$0x1c];
	[sflag:s0] =	ssyncadd.s32 $0xFFFFE000  }
.LBB2_16:
0x193: {  	_ =	sfence.sel $0x180000  }
0x194: {  	[bflag:$0x0] =	sbarrier.arrive $0xFFFF  }
0x195: {  	_ =	strace $0x90000047  }
0x196: {  	s0 =	stileid.u32;
	[bflag:$0x2] =	sbarrier.arrive $0xFFFF  }
0x197: {  	p0 =	sne.s32 s0, $0x0;
	s0 =	rddreg [dreg:$0x3]  }
0x198: {  	s0 =	sadd.s32 @!p0 $0x100000, s0  }
0x199: {  	[sflag:s0] =	ssyncadd.tile.s32 @!p0 $0x1;
	_ =	shalt  }
.Lfunc_end2:
_tile_overlayer_lowered:
.L_overlay_start_2:
0x19a: {  	(tag) =	ssettag $0x2  }
0x19b: {  	s0 =	rddreg [dreg:$0x0];
	s2 =	stileid.u32  }
0x19c: {  	s1 =	rddreg [dreg:$0x1];
	p0 =	sne.s32 s2, $0x0  }
0x19d: {  	s3 =	rddreg [dreg:$0x2];
	[bflag:$0x3] =	sbarrier.arrive $0xFFFF;
	s2 =	simm.s32 @!p0 $0x1C0A  }
0x19e: {  	[timem:s3], [sflag:s2] =	dma.local @!p0 [hbm:s0], s1  }
0x19f: {  	s0 =	simm.s32 @!p0 $0xA  }
0x1a0: {  	_ =	swait.ge @!p0 [sflag:s0], s1  }
0x1a1: {  	s1 =	ssub.s32 @!p0 $0x0, s1;
	[sflag:s0] =	ssyncset.done @!p0 $0x0  }
0x1a2: {  	[sflag:s0] =	ssyncadd.s32 @!p0 s1  }
0x1a3: {  	[bflag:$0x3] =	sbarrier.arrive $0xFFFF  }
0x1a4: {  	_ =	shalt  }

</sc_bundles>
